<compile_context>
chip_gen: v7x
topology: tpu7x:2x2x1
jax: 0.10.2.dev20260603
libtpu: 0.0.44.dev20260713+nightly
codegen_flags: <defaults>
</compile_context>

<pallas_src>
import functools

import jax
import jax.numpy as jnp
from jax import lax
from jax.experimental import pallas as pl
from jax.experimental.pallas import tpu as pltpu
from jax.experimental.pallas import tpu_sc as plsc

VOCAB_SIZE = 100000
EMB_DIM = 128
BATCH_SIZE = 16384


def _make_sc_kernel(batch, dim):
    info = plsc.get_sparse_core_info()
    nc, ns, lanes = info.num_cores, info.num_subcores, info.num_lanes
    nw = nc * ns
    b_per_w = batch // nw
    chunk = 128
    n_chunks = b_per_w // chunk
    groups = chunk // lanes
    nbuf = 3

    mesh = plsc.VectorSubcoreMesh(core_axis_name="c", subcore_axis_name="s")

    @functools.partial(
        pl.kernel,
        mesh=mesh,
        compiler_params=pltpu.CompilerParams(needs_layout_passes=False),
        out_type=jax.ShapeDtypeStruct((batch,), jnp.float32),
        scratch_types=[
            pltpu.VMEM((b_per_w,), jnp.int32),
            pltpu.VMEM((b_per_w,), jnp.int32),
            pltpu.VMEM((nbuf, chunk, dim), jnp.float32),
            pltpu.VMEM((nbuf, chunk, dim), jnp.float32),
            pltpu.VMEM((b_per_w,), jnp.float32),
        ] + [pltpu.SemaphoreType.DMA] * (nbuf + 1),
    )
    def kern(iw_hbm, tw_hbm, ie_hbm, oe_hbm, out_hbm,
             idx_i, idx_t, rows_i, rows_t, scores_v, *sems):
        wid = lax.axis_index("s") * nc + lax.axis_index("c")
        base = wid * b_per_w
        row_iota = lax.iota(jnp.int32, lanes)

        out_sem = sems[nbuf]
        cp_ii = pltpu.async_copy(iw_hbm.at[pl.ds(base, b_per_w)], idx_i,
                                 out_sem)
        cp_tt = pltpu.async_copy(tw_hbm.at[pl.ds(base, b_per_w)], idx_t,
                                 out_sem)
        cp_ii.wait()
        cp_tt.wait()

        def issue(ci):
            slot = ci % nbuf
            sem = sems[slot]
            cp_i = pltpu.async_copy(
                ie_hbm.at[idx_i.at[pl.ds(ci * chunk, chunk)]],
                rows_i.at[slot], sem)
            cp_t = pltpu.async_copy(
                oe_hbm.at[idx_t.at[pl.ds(ci * chunk, chunk)]],
                rows_t.at[slot], sem)
            return (cp_i, cp_t)

        cps = {}
        out_cps = []
        for ci in range(min(nbuf - 1, n_chunks)):
            cps[ci] = issue(ci)
        for ci in range(n_chunks):
            if ci + nbuf - 1 < n_chunks:
                cps[ci + nbuf - 1] = issue(ci + nbuf - 1)
            for cp in cps.pop(ci):
                cp.wait()
            slot = ci % nbuf
            ri = rows_i.at[slot]
            rt = rows_t.at[slot]

            @plsc.parallel_loop(0, groups)
            def group_body(g, ri=ri, rt=rt):
                def row_body(r2, vec):
                    r = g * lanes + r2
                    prods = []
                    for k in range(dim // lanes):
                        iv = ri[r, pl.ds(k * lanes, lanes)]
                        ov = rt[r, pl.ds(k * lanes, lanes)]
                        prods.append(iv * ov)
                    while len(prods) > 1:
                        prods = [a + b for a, b in
                                 zip(prods[::2], prods[1::2])]
                    s = jnp.sum(prods[0])
                    return jnp.where(row_iota == r2, s, vec)

                vec = lax.fori_loop(0, lanes, row_body,
                                    jnp.zeros((lanes,), jnp.float32),
                                    unroll=4)
                scores_v[pl.ds(ci * chunk + g * lanes, lanes)] = vec
            out_cps.append(pltpu.async_copy(
                scores_v.at[pl.ds(ci * chunk, chunk)],
                out_hbm.at[pl.ds(base + ci * chunk, chunk)], out_sem))

        for cp in out_cps:
            cp.wait()

    return kern


def kernel(input_words, target_words, in_embed, out_embed):
    batch = input_words.shape[0]
    dim = in_embed.shape[1]
    kern = _make_sc_kernel(batch, dim)
    return kern(input_words.astype(jnp.int32), target_words.astype(jnp.int32),
                in_embed, out_embed)

# --- scband reference (transcript-rebuilt; emitter-appended) ---
"""Pipeline reference for scband-word2-vec-81372450390687 (READ-ONLY COPY).

The authoritative reference and input builder live on the scoring server;
editing this copy changes nothing except your own understanding.
"""

import jax, jax.numpy as jnp
import numpy as np

VOCAB = 100000
DIM = 128
BATCH = 16384

def setup_inputs(seed: int = 0) -> dict:
    key = jax.random.key(seed)
    k1, k2, k3, k4 = jax.random.split(key, 4)
    input_words = jax.random.randint(k1, (BATCH,), 0, VOCAB, dtype=jnp.int64 if jax.config.jax_enable_x64 else jnp.int32)
    target_words = jax.random.randint(k2, (BATCH,), 0, VOCAB, dtype=jnp.int64 if jax.config.jax_enable_x64 else jnp.int32)
    bound = 0.5 / DIM
    in_embed = jax.random.uniform(k3, (VOCAB, DIM), minval=-bound, maxval=bound, dtype=jnp.float32)
    out_embed = jax.random.uniform(k4, (VOCAB, DIM), minval=-bound, maxval=bound, dtype=jnp.float32)
    return {"input_words": input_words, "target_words": target_words, "in_embed": in_embed, "out_embed": out_embed}

def reference(input_words, target_words, in_embed, out_embed):
    in_vectors = jnp.take(in_embed, input_words, axis=0)
    out_vectors = jnp.take(out_embed, target_words, axis=0)
    scores = jnp.sum(in_vectors * out_vectors, axis=1)
    return scores

if __name__ == "__main__":
    import jax
    _d = setup_inputs()
    print(jax.jit(kernel)(*tuple(_d.values())))

</pallas_src>

<mosaic_0001>
#map = affine_map<(d0, d1) -> (0)>
#map1 = affine_map<(d0, d1) -> (0, 0)>
module attributes {stable_mosaic.version = 14 : i64} {
  func.func @kern(%arg0: i32, %arg1: i32, %arg2: memref<16384xi32, #tpu.memory_space<hbm>>, %arg3: memref<16384xi32, #tpu.memory_space<hbm>>, %arg4: memref<100000x128xf32, #tpu.memory_space<hbm>>, %arg5: memref<100000x128xf32, #tpu.memory_space<hbm>>, %arg6: memref<16384xf32, #tpu.memory_space<hbm>>, %arg7: memref<512xi32, #tpu.memory_space<vmem>>, %arg8: memref<512xi32, #tpu.memory_space<vmem>>, %arg9: memref<3x128x128xf32, #tpu.memory_space<vmem>>, %arg10: memref<3x128x128xf32, #tpu.memory_space<vmem>>, %arg11: memref<512xf32, #tpu.memory_space<vmem>>, %arg12: memref<!tpu.dma_semaphore, #tpu.memory_space<semaphore_mem>>, %arg13: memref<!tpu.dma_semaphore, #tpu.memory_space<semaphore_mem>>, %arg14: memref<!tpu.dma_semaphore, #tpu.memory_space<semaphore_mem>>, %arg15: memref<!tpu.dma_semaphore, #tpu.memory_space<semaphore_mem>>) attributes {dimension_semantics = [#tpu.dimension_semantics<core_parallel>, #tpu.dimension_semantics<subcore_parallel>], iteration_bounds = array<i64: 2, 16>, scalar_prefetch = 0 : i64, scratch_operands = 9 : i64, tpu.core_type = #tpu.core_type<sc_vector_subcore>, window_params = [{transform_indices = #map}, {transform_indices = #map}, {transform_indices = #map1}, {transform_indices = #map1}, {transform_indices = #map}]} {
    %mul3A = arith.constant 2 : i32
    %mul3A_0 = arith.muli %arg1, %mul3A : i32
    %add3A = arith.addi %mul3A_0, %arg0 : i32
    %mul3A_1 = arith.constant 512 : i32
    %mul3A_2 = arith.muli %add3A, %mul3A_1 : i32
    %iota3A = tpu.iota {dimensions = array<i32: 0>} : vector<16xi32>
    %dma_start3A = tpu.memref_slice %arg2[%mul3A_2] : memref<16384xi32, #tpu.memory_space<hbm>> -> memref<512xi32, #tpu.memory_space<hbm>>
    %dma_start3A_3 = tpu.memref_slice %arg2[%mul3A_2] : memref<16384xi32, #tpu.memory_space<hbm>> -> memref<512xi32, #tpu.memory_space<hbm>>
    tpu.enqueue_dma source(%dma_start3A_3 : memref<512xi32, #tpu.memory_space<hbm>>) target(%arg7 : memref<512xi32, #tpu.memory_space<vmem>>) target_semaphore(%arg15 : memref<!tpu.dma_semaphore, #tpu.memory_space<semaphore_mem>>)
    %dma_start3A_4 = tpu.memref_slice %arg3[%mul3A_2] : memref<16384xi32, #tpu.memory_space<hbm>> -> memref<512xi32, #tpu.memory_space<hbm>>
    %dma_start3A_5 = tpu.memref_slice %arg3[%mul3A_2] : memref<16384xi32, #tpu.memory_space<hbm>> -> memref<512xi32, #tpu.memory_space<hbm>>
    tpu.enqueue_dma source(%dma_start3A_5 : memref<512xi32, #tpu.memory_space<hbm>>) target(%arg8 : memref<512xi32, #tpu.memory_space<vmem>>) target_semaphore(%arg15 : memref<!tpu.dma_semaphore, #tpu.memory_space<semaphore_mem>>)
    %dma_wait3A = tpu.memref_slice %arg2[%mul3A_2] : memref<16384xi32, #tpu.memory_space<hbm>> -> memref<512xi32, #tpu.memory_space<hbm>>
    %dma_wait3A_6 = tpu.memref_slice %arg2[%mul3A_2] : memref<16384xi32, #tpu.memory_space<hbm>> -> memref<512xi32, #tpu.memory_space<hbm>>
    tpu.wait_dma2 semaphore(%arg15 : memref<!tpu.dma_semaphore, #tpu.memory_space<semaphore_mem>>) src(%dma_wait3A_6 : memref<512xi32, #tpu.memory_space<hbm>>) dst(%arg7 : memref<512xi32, #tpu.memory_space<vmem>>)
    %dma_wait3A_7 = tpu.memref_slice %arg3[%mul3A_2] : memref<16384xi32, #tpu.memory_space<hbm>> -> memref<512xi32, #tpu.memory_space<hbm>>
    %dma_wait3A_8 = tpu.memref_slice %arg3[%mul3A_2] : memref<16384xi32, #tpu.memory_space<hbm>> -> memref<512xi32, #tpu.memory_space<hbm>>
    tpu.wait_dma2 semaphore(%arg15 : memref<!tpu.dma_semaphore, #tpu.memory_space<semaphore_mem>>) src(%dma_wait3A_8 : memref<512xi32, #tpu.memory_space<hbm>>) dst(%arg8 : memref<512xi32, #tpu.memory_space<vmem>>)
    %dma_start3A_9 = arith.constant 0 : i32
    %dma_start3A_10 = arith.constant 0 : i32
    %dma_start3A_11 = arith.constant 0 : i32
    %dma_start3A_12 = tpu.memref_slice %arg9[%dma_start3A_9, %dma_start3A_10, %dma_start3A_11] : memref<3x128x128xf32, #tpu.memory_space<vmem>> -> memref<1x128x128xf32, #tpu.memory_space<vmem>>
    %dma_start3A_13 = tpu.memref_squeeze %dma_start3A_12 : memref<1x128x128xf32, #tpu.memory_space<vmem>> -> memref<128x128xf32, #tpu.memory_space<vmem>>
    %dma_start3A_14 = arith.constant 0 : i32
    %dma_start3A_15 = tpu.memref_slice %arg7[%dma_start3A_14] : memref<512xi32, #tpu.memory_space<vmem>> -> memref<128xi32, #tpu.memory_space<vmem>>
    %dma_start3A_16 = arith.constant 0 : i32
    %dma_start3A_17 = arith.constant 0 : i32
    %dma_start3A_18 = tpu.memref_slice %arg4[%dma_start3A_16, %dma_start3A_17] : memref<100000x128xf32, #tpu.memory_space<hbm>> -> memref<100000x128xf32, #tpu.memory_space<hbm>>
    tpu.enqueue_indirect_dma source(%dma_start3A_18 : memref<100000x128xf32, #tpu.memory_space<hbm>>) target(%dma_start3A_13 : memref<128x128xf32, #tpu.memory_space<vmem>>) offsets(%dma_start3A_15 : memref<128xi32, #tpu.memory_space<vmem>>) semaphore(%arg12 : memref<!tpu.dma_semaphore, #tpu.memory_space<semaphore_mem>>)
    %dma_start3A_19 = arith.constant 0 : i32
    %dma_start3A_20 = arith.constant 0 : i32
    %dma_start3A_21 = arith.constant 0 : i32
    %dma_start3A_22 = tpu.memref_slice %arg10[%dma_start3A_19, %dma_start3A_20, %dma_start3A_21] : memref<3x128x128xf32, #tpu.memory_space<vmem>> -> memref<1x128x128xf32, #tpu.memory_space<vmem>>
    %dma_start3A_23 = tpu.memref_squeeze %dma_start3A_22 : memref<1x128x128xf32, #tpu.memory_space<vmem>> -> memref<128x128xf32, #tpu.memory_space<vmem>>
    %dma_start3A_24 = arith.constant 0 : i32
    %dma_start3A_25 = tpu.memref_slice %arg8[%dma_start3A_24] : memref<512xi32, #tpu.memory_space<vmem>> -> memref<128xi32, #tpu.memory_space<vmem>>
    %dma_start3A_26 = arith.constant 0 : i32
    %dma_start3A_27 = arith.constant 0 : i32
    %dma_start3A_28 = tpu.memref_slice %arg5[%dma_start3A_26, %dma_start3A_27] : memref<100000x128xf32, #tpu.memory_space<hbm>> -> memref<100000x128xf32, #tpu.memory_space<hbm>>
    tpu.enqueue_indirect_dma source(%dma_start3A_28 : memref<100000x128xf32, #tpu.memory_space<hbm>>) target(%dma_start3A_23 : memref<128x128xf32, #tpu.memory_space<vmem>>) offsets(%dma_start3A_25 : memref<128xi32, #tpu.memory_space<vmem>>) semaphore(%arg12 : memref<!tpu.dma_semaphore, #tpu.memory_space<semaphore_mem>>)
    %dma_start3A_29 = arith.constant 1 : i32
    %dma_start3A_30 = arith.constant 0 : i32
    %dma_start3A_31 = arith.constant 0 : i32
    %dma_start3A_32 = tpu.memref_slice %arg9[%dma_start3A_29, %dma_start3A_30, %dma_start3A_31] : memref<3x128x128xf32, #tpu.memory_space<vmem>> -> memref<1x128x128xf32, #tpu.memory_space<vmem>>
    %dma_start3A_33 = tpu.memref_squeeze %dma_start3A_32 : memref<1x128x128xf32, #tpu.memory_space<vmem>> -> memref<128x128xf32, #tpu.memory_space<vmem>>
    %dma_start3A_34 = arith.constant 128 : i32
    %dma_start3A_35 = tpu.memref_slice %arg7[%dma_start3A_34] : memref<512xi32, #tpu.memory_space<vmem>> -> memref<128xi32, #tpu.memory_space<vmem>>
    %dma_start3A_36 = arith.constant 0 : i32
    %dma_start3A_37 = arith.constant 0 : i32
    %dma_start3A_38 = tpu.memref_slice %arg4[%dma_start3A_36, %dma_start3A_37] : memref<100000x128xf32, #tpu.memory_space<hbm>> -> memref<100000x128xf32, #tpu.memory_space<hbm>>
    tpu.enqueue_indirect_dma source(%dma_start3A_38 : memref<100000x128xf32, #tpu.memory_space<hbm>>) target(%dma_start3A_33 : memref<128x128xf32, #tpu.memory_space<vmem>>) offsets(%dma_start3A_35 : memref<128xi32, #tpu.memory_space<vmem>>) semaphore(%arg13 : memref<!tpu.dma_semaphore, #tpu.memory_space<semaphore_mem>>)
    %dma_start3A_39 = arith.constant 1 : i32
    %dma_start3A_40 = arith.constant 0 : i32
    %dma_start3A_41 = arith.constant 0 : i32
    %dma_start3A_42 = tpu.memref_slice %arg10[%dma_start3A_39, %dma_start3A_40, %dma_start3A_41] : memref<3x128x128xf32, #tpu.memory_space<vmem>> -> memref<1x128x128xf32, #tpu.memory_space<vmem>>
    %dma_start3A_43 = tpu.memref_squeeze %dma_start3A_42 : memref<1x128x128xf32, #tpu.memory_space<vmem>> -> memref<128x128xf32, #tpu.memory_space<vmem>>
    %dma_start3A_44 = arith.constant 128 : i32
    %dma_start3A_45 = tpu.memref_slice %arg8[%dma_start3A_44] : memref<512xi32, #tpu.memory_space<vmem>> -> memref<128xi32, #tpu.memory_space<vmem>>
    %dma_start3A_46 = arith.constant 0 : i32
    %dma_start3A_47 = arith.constant 0 : i32
    %dma_start3A_48 = tpu.memref_slice %arg5[%dma_start3A_46, %dma_start3A_47] : memref<100000x128xf32, #tpu.memory_space<hbm>> -> memref<100000x128xf32, #tpu.memory_space<hbm>>
    tpu.enqueue_indirect_dma source(%dma_start3A_48 : memref<100000x128xf32, #tpu.memory_space<hbm>>) target(%dma_start3A_43 : memref<128x128xf32, #tpu.memory_space<vmem>>) offsets(%dma_start3A_45 : memref<128xi32, #tpu.memory_space<vmem>>) semaphore(%arg13 : memref<!tpu.dma_semaphore, #tpu.memory_space<semaphore_mem>>)
    %dma_start3A_49 = arith.constant 2 : i32
    %dma_start3A_50 = arith.constant 0 : i32
    %dma_start3A_51 = arith.constant 0 : i32
    %dma_start3A_52 = tpu.memref_slice %arg9[%dma_start3A_49, %dma_start3A_50, %dma_start3A_51] : memref<3x128x128xf32, #tpu.memory_space<vmem>> -> memref<1x128x128xf32, #tpu.memory_space<vmem>>
    %dma_start3A_53 = tpu.memref_squeeze %dma_start3A_52 : memref<1x128x128xf32, #tpu.memory_space<vmem>> -> memref<128x128xf32, #tpu.memory_space<vmem>>
    %dma_start3A_54 = arith.constant 256 : i32
    %dma_start3A_55 = tpu.memref_slice %arg7[%dma_start3A_54] : memref<512xi32, #tpu.memory_space<vmem>> -> memref<128xi32, #tpu.memory_space<vmem>>
    %dma_start3A_56 = arith.constant 0 : i32
    %dma_start3A_57 = arith.constant 0 : i32
    %dma_start3A_58 = tpu.memref_slice %arg4[%dma_start3A_56, %dma_start3A_57] : memref<100000x128xf32, #tpu.memory_space<hbm>> -> memref<100000x128xf32, #tpu.memory_space<hbm>>
    tpu.enqueue_indirect_dma source(%dma_start3A_58 : memref<100000x128xf32, #tpu.memory_space<hbm>>) target(%dma_start3A_53 : memref<128x128xf32, #tpu.memory_space<vmem>>) offsets(%dma_start3A_55 : memref<128xi32, #tpu.memory_space<vmem>>) semaphore(%arg14 : memref<!tpu.dma_semaphore, #tpu.memory_space<semaphore_mem>>)
    %dma_start3A_59 = arith.constant 2 : i32
    %dma_start3A_60 = arith.constant 0 : i32
    %dma_start3A_61 = arith.constant 0 : i32
    %dma_start3A_62 = tpu.memref_slice %arg10[%dma_start3A_59, %dma_start3A_60, %dma_start3A_61] : memref<3x128x128xf32, #tpu.memory_space<vmem>> -> memref<1x128x128xf32, #tpu.memory_space<vmem>>
    %dma_start3A_63 = tpu.memref_squeeze %dma_start3A_62 : memref<1x128x128xf32, #tpu.memory_space<vmem>> -> memref<128x128xf32, #tpu.memory_space<vmem>>
    %dma_start3A_64 = arith.constant 256 : i32
    %dma_start3A_65 = tpu.memref_slice %arg8[%dma_start3A_64] : memref<512xi32, #tpu.memory_space<vmem>> -> memref<128xi32, #tpu.memory_space<vmem>>
    %dma_start3A_66 = arith.constant 0 : i32
    %dma_start3A_67 = arith.constant 0 : i32
    %dma_start3A_68 = tpu.memref_slice %arg5[%dma_start3A_66, %dma_start3A_67] : memref<100000x128xf32, #tpu.memory_space<hbm>> -> memref<100000x128xf32, #tpu.memory_space<hbm>>
    tpu.enqueue_indirect_dma source(%dma_start3A_68 : memref<100000x128xf32, #tpu.memory_space<hbm>>) target(%dma_start3A_63 : memref<128x128xf32, #tpu.memory_space<vmem>>) offsets(%dma_start3A_65 : memref<128xi32, #tpu.memory_space<vmem>>) semaphore(%arg14 : memref<!tpu.dma_semaphore, #tpu.memory_space<semaphore_mem>>)
    %dma_wait3A_69 = arith.constant 0 : i32
    %dma_wait3A_70 = arith.constant 0 : i32
    %dma_wait3A_71 = arith.constant 0 : i32
    %dma_wait3A_72 = tpu.memref_slice %arg9[%dma_wait3A_69, %dma_wait3A_70, %dma_wait3A_71] : memref<3x128x128xf32, #tpu.memory_space<vmem>> -> memref<1x128x128xf32, #tpu.memory_space<vmem>>
    %dma_wait3A_73 = tpu.memref_squeeze %dma_wait3A_72 : memref<1x128x128xf32, #tpu.memory_space<vmem>> -> memref<128x128xf32, #tpu.memory_space<vmem>>
    %dma_wait3A_74 = arith.constant 0 : i32
    %dma_wait3A_75 = tpu.memref_slice %arg7[%dma_wait3A_74] : memref<512xi32, #tpu.memory_space<vmem>> -> memref<128xi32, #tpu.memory_space<vmem>>
    %dma_wait3A_76 = arith.constant 0 : i32
    %dma_wait3A_77 = arith.constant 0 : i32
    %dma_wait3A_78 = tpu.memref_slice %arg4[%dma_wait3A_76, %dma_wait3A_77] : memref<100000x128xf32, #tpu.memory_space<hbm>> -> memref<100000x128xf32, #tpu.memory_space<hbm>>
    tpu.wait_indirect_dma semaphore(%arg12 : memref<!tpu.dma_semaphore, #tpu.memory_space<semaphore_mem>>) src(%dma_wait3A_78 : memref<100000x128xf32, #tpu.memory_space<hbm>>) dst(%dma_wait3A_73 : memref<128x128xf32, #tpu.memory_space<vmem>>)
    %dma_wait3A_79 = arith.constant 0 : i32
    %dma_wait3A_80 = arith.constant 0 : i32
    %dma_wait3A_81 = arith.constant 0 : i32
    %dma_wait3A_82 = tpu.memref_slice %arg10[%dma_wait3A_79, %dma_wait3A_80, %dma_wait3A_81] : memref<3x128x128xf32, #tpu.memory_space<vmem>> -> memref<1x128x128xf32, #tpu.memory_space<vmem>>
    %dma_wait3A_83 = tpu.memref_squeeze %dma_wait3A_82 : memref<1x128x128xf32, #tpu.memory_space<vmem>> -> memref<128x128xf32, #tpu.memory_space<vmem>>
    %dma_wait3A_84 = arith.constant 0 : i32
    %dma_wait3A_85 = tpu.memref_slice %arg8[%dma_wait3A_84] : memref<512xi32, #tpu.memory_space<vmem>> -> memref<128xi32, #tpu.memory_space<vmem>>
    %dma_wait3A_86 = arith.constant 0 : i32
    %dma_wait3A_87 = arith.constant 0 : i32
    %dma_wait3A_88 = tpu.memref_slice %arg5[%dma_wait3A_86, %dma_wait3A_87] : memref<100000x128xf32, #tpu.memory_space<hbm>> -> memref<100000x128xf32, #tpu.memory_space<hbm>>
    tpu.wait_indirect_dma semaphore(%arg12 : memref<!tpu.dma_semaphore, #tpu.memory_space<semaphore_mem>>) src(%dma_wait3A_88 : memref<100000x128xf32, #tpu.memory_space<hbm>>) dst(%dma_wait3A_83 : memref<128x128xf32, #tpu.memory_space<vmem>>)
    %parallel_loop3A = arith.constant 0 : i32
    %parallel_loop3A_89 = arith.constant 8 : i32
    %parallel_loop3A_90 = arith.constant 1 : i32
    %parallel_loop3A_91 = arith.constant 0 : i32
    %parallel_loop3A_92 = arith.constant 0 : i32
    scf.for %parallel_loop3A_244 = %parallel_loop3A to %parallel_loop3A_89 step %parallel_loop3A_90  : i32 {
      %parallel_loop3A_245 = arith.constant 0.000000e+00 : f32
      %parallel_loop3A_246 = vector.broadcast %parallel_loop3A_245 : f32 to vector<16xf32>
      %parallel_loop3A_247 = arith.constant 0 : i32
      %parallel_loop3A_248 = arith.constant 16 : i32
      %parallel_loop3A_249 = arith.addi %parallel_loop3A_247, %parallel_loop3A_248 : i32
      %parallel_loop3A_250 = arith.constant 4 : i32
      %parallel_loop3A_251 = scf.for %scan3A = %parallel_loop3A_247 to %parallel_loop3A_249 step %parallel_loop3A_250 iter_args(%scan3A_259 = %parallel_loop3A_246) -> (vector<16xf32>)  : i32 {
        %parallel_loop3A_260 = arith.constant 16 : i32
        %parallel_loop3A_261 = arith.muli %parallel_loop3A_244, %parallel_loop3A_260 : i32
        %parallel_loop3A_262 = arith.addi %parallel_loop3A_261, %scan3A : i32
        %parallel_loop3A_263 = arith.constant 0 : i32
        %parallel_loop3A_264 = arith.constant 0 : i32
        %parallel_loop3A_265 = tpu.memref_slice %arg9[%parallel_loop3A_91, %parallel_loop3A_263, %parallel_loop3A_264] : memref<3x128x128xf32, #tpu.memory_space<vmem>> -> memref<1x128x128xf32, #tpu.memory_space<vmem>>
        %parallel_loop3A_266 = tpu.memref_squeeze %parallel_loop3A_265 : memref<1x128x128xf32, #tpu.memory_space<vmem>> -> memref<128x128xf32, #tpu.memory_space<vmem>>
        %parallel_loop3A_267 = arith.index_cast %parallel_loop3A_262 : i32 to index
        %parallel_loop3A_268 = arith.constant 0 : index
        %parallel_loop3A_269 = tpu.vector_load %parallel_loop3A_266[%parallel_loop3A_267, %parallel_loop3A_268] {strides = array<i32>} : memref<128x128xf32, #tpu.memory_space<vmem>>, vector<16xf32>,
        %parallel_loop3A_270 = arith.constant 0 : i32
        %parallel_loop3A_271 = arith.constant 0 : i32
        %parallel_loop3A_272 = tpu.memref_slice %arg10[%parallel_loop3A_92, %parallel_loop3A_270, %parallel_loop3A_271] : memref<3x128x128xf32, #tpu.memory_space<vmem>> -> memref<1x128x128xf32, #tpu.memory_space<vmem>>
        %parallel_loop3A_273 = tpu.memref_squeeze %parallel_loop3A_272 : memref<1x128x128xf32, #tpu.memory_space<vmem>> -> memref<128x128xf32, #tpu.memory_space<vmem>>
        %parallel_loop3A_274 = arith.index_cast %parallel_loop3A_262 : i32 to index
        %parallel_loop3A_275 = arith.constant 0 : index
        %parallel_loop3A_276 = tpu.vector_load %parallel_loop3A_273[%parallel_loop3A_274, %parallel_loop3A_275] {strides = array<i32>} : memref<128x128xf32, #tpu.memory_space<vmem>>, vector<16xf32>,
        %parallel_loop3A_277 = arith.mulf %parallel_loop3A_269, %parallel_loop3A_276 : vector<16xf32>
        %parallel_loop3A_278 = arith.constant 0 : i32
        %parallel_loop3A_279 = arith.constant 0 : i32
        %parallel_loop3A_280 = tpu.memref_slice %arg9[%parallel_loop3A_91, %parallel_loop3A_278, %parallel_loop3A_279] : memref<3x128x128xf32, #tpu.memory_space<vmem>> -> memref<1x128x128xf32, #tpu.memory_space<vmem>>
        %parallel_loop3A_281 = tpu.memref_squeeze %parallel_loop3A_280 : memref<1x128x128xf32, #tpu.memory_space<vmem>> -> memref<128x128xf32, #tpu.memory_space<vmem>>
        %parallel_loop3A_282 = arith.index_cast %parallel_loop3A_262 : i32 to index
        %parallel_loop3A_283 = arith.constant 16 : index
        %parallel_loop3A_284 = tpu.vector_load %parallel_loop3A_281[%parallel_loop3A_282, %parallel_loop3A_283] {strides = array<i32>} : memref<128x128xf32, #tpu.memory_space<vmem>>, vector<16xf32>,
        %parallel_loop3A_285 = arith.constant 0 : i32
        %parallel_loop3A_286 = arith.constant 0 : i32
        %parallel_loop3A_287 = tpu.memref_slice %arg10[%parallel_loop3A_92, %parallel_loop3A_285, %parallel_loop3A_286] : memref<3x128x128xf32, #tpu.memory_space<vmem>> -> memref<1x128x128xf32, #tpu.memory_space<vmem>>
        %parallel_loop3A_288 = tpu.memref_squeeze %parallel_loop3A_287 : memref<1x128x128xf32, #tpu.memory_space<vmem>> -> memref<128x128xf32, #tpu.memory_space<vmem>>
        %parallel_loop3A_289 = arith.index_cast %parallel_loop3A_262 : i32 to index
        %parallel_loop3A_290 = arith.constant 16 : index
        %parallel_loop3A_291 = tpu.vector_load %parallel_loop3A_288[%parallel_loop3A_289, %parallel_loop3A_290] {strides = array<i32>} : memref<128x128xf32, #tpu.memory_space<vmem>>, vector<16xf32>,
        %parallel_loop3A_292 = arith.mulf %parallel_loop3A_284, %parallel_loop3A_291 : vector<16xf32>
        %parallel_loop3A_293 = arith.constant 0 : i32
        %parallel_loop3A_294 = arith.constant 0 : i32
        %parallel_loop3A_295 = tpu.memref_slice %arg9[%parallel_loop3A_91, %parallel_loop3A_293, %parallel_loop3A_294] : memref<3x128x128xf32, #tpu.memory_space<vmem>> -> memref<1x128x128xf32, #tpu.memory_space<vmem>>
        %parallel_loop3A_296 = tpu.memref_squeeze %parallel_loop3A_295 : memref<1x128x128xf32, #tpu.memory_space<vmem>> -> memref<128x128xf32, #tpu.memory_space<vmem>>
        %parallel_loop3A_297 = arith.index_cast %parallel_loop3A_262 : i32 to index
        %parallel_loop3A_298 = arith.constant 32 : index
        %parallel_loop3A_299 = tpu.vector_load %parallel_loop3A_296[%parallel_loop3A_297, %parallel_loop3A_298] {strides = array<i32>} : memref<128x128xf32, #tpu.memory_space<vmem>>, vector<16xf32>,
        %parallel_loop3A_300 = arith.constant 0 : i32
        %parallel_loop3A_301 = arith.constant 0 : i32
        %parallel_loop3A_302 = tpu.memref_slice %arg10[%parallel_loop3A_92, %parallel_loop3A_300, %parallel_loop3A_301] : memref<3x128x128xf32, #tpu.memory_space<vmem>> -> memref<1x128x128xf32, #tpu.memory_space<vmem>>
        %parallel_loop3A_303 = tpu.memref_squeeze %parallel_loop3A_302 : memref<1x128x128xf32, #tpu.memory_space<vmem>> -> memref<128x128xf32, #tpu.memory_space<vmem>>
        %parallel_loop3A_304 = arith.index_cast %parallel_loop3A_262 : i32 to index
        %parallel_loop3A_305 = arith.constant 32 : index
        %parallel_loop3A_306 = tpu.vector_load %parallel_loop3A_303[%parallel_loop3A_304, %parallel_loop3A_305] {strides = array<i32>} : memref<128x128xf32, #tpu.memory_space<vmem>>, vector<16xf32>,
        %parallel_loop3A_307 = arith.mulf %parallel_loop3A_299, %parallel_loop3A_306 : vector<16xf32>
        %parallel_loop3A_308 = arith.constant 0 : i32
        %parallel_loop3A_309 = arith.constant 0 : i32
        %parallel_loop3A_310 = tpu.memref_slice %arg9[%parallel_loop3A_91, %parallel_loop3A_308, %parallel_loop3A_309] : memref<3x128x128xf32, #tpu.memory_space<vmem>> -> memref<1x128x128xf32, #tpu.memory_space<vmem>>
        %parallel_loop3A_311 = tpu.memref_squeeze %parallel_loop3A_310 : memref<1x128x128xf32, #tpu.memory_space<vmem>> -> memref<128x128xf32, #tpu.memory_space<vmem>>
        %parallel_loop3A_312 = arith.index_cast %parallel_loop3A_262 : i32 to index
        %parallel_loop3A_313 = arith.constant 48 : index
        %parallel_loop3A_314 = tpu.vector_load %parallel_loop3A_311[%parallel_loop3A_312, %parallel_loop3A_313] {strides = array<i32>} : memref<128x128xf32, #tpu.memory_space<vmem>>, vector<16xf32>,
        %parallel_loop3A_315 = arith.constant 0 : i32
        %parallel_loop3A_316 = arith.constant 0 : i32
        %parallel_loop3A_317 = tpu.memref_slice %arg10[%parallel_loop3A_92, %parallel_loop3A_315, %parallel_loop3A_316] : memref<3x128x128xf32, #tpu.memory_space<vmem>> -> memref<1x128x128xf32, #tpu.memory_space<vmem>>
        %parallel_loop3A_318 = tpu.memref_squeeze %parallel_loop3A_317 : memref<1x128x128xf32, #tpu.memory_space<vmem>> -> memref<128x128xf32, #tpu.memory_space<vmem>>
        %parallel_loop3A_319 = arith.index_cast %parallel_loop3A_262 : i32 to index
        %parallel_loop3A_320 = arith.constant 48 : index
        %parallel_loop3A_321 = tpu.vector_load %parallel_loop3A_318[%parallel_loop3A_319, %parallel_loop3A_320] {strides = array<i32>} : memref<128x128xf32, #tpu.memory_space<vmem>>, vector<16xf32>,
        %parallel_loop3A_322 = arith.mulf %parallel_loop3A_314, %parallel_loop3A_321 : vector<16xf32>
        %parallel_loop3A_323 = arith.constant 0 : i32
        %parallel_loop3A_324 = arith.constant 0 : i32
        %parallel_loop3A_325 = tpu.memref_slice %arg9[%parallel_loop3A_91, %parallel_loop3A_323, %parallel_loop3A_324] : memref<3x128x128xf32, #tpu.memory_space<vmem>> -> memref<1x128x128xf32, #tpu.memory_space<vmem>>
        %parallel_loop3A_326 = tpu.memref_squeeze %parallel_loop3A_325 : memref<1x128x128xf32, #tpu.memory_space<vmem>> -> memref<128x128xf32, #tpu.memory_space<vmem>>
        %parallel_loop3A_327 = arith.index_cast %parallel_loop3A_262 : i32 to index
        %parallel_loop3A_328 = arith.constant 64 : index
        %parallel_loop3A_329 = tpu.vector_load %parallel_loop3A_326[%parallel_loop3A_327, %parallel_loop3A_328] {strides = array<i32>} : memref<128x128xf32, #tpu.memory_space<vmem>>, vector<16xf32>,
        %parallel_loop3A_330 = arith.constant 0 : i32
        %parallel_loop3A_331 = arith.constant 0 : i32
        %parallel_loop3A_332 = tpu.memref_slice %arg10[%parallel_loop3A_92, %parallel_loop3A_330, %parallel_loop3A_331] : memref<3x128x128xf32, #tpu.memory_space<vmem>> -> memref<1x128x128xf32, #tpu.memory_space<vmem>>
        %parallel_loop3A_333 = tpu.memref_squeeze %parallel_loop3A_332 : memref<1x128x128xf32, #tpu.memory_space<vmem>> -> memref<128x128xf32, #tpu.memory_space<vmem>>
        %parallel_loop3A_334 = arith.index_cast %parallel_loop3A_262 : i32 to index
        %parallel_loop3A_335 = arith.constant 64 : index
        %parallel_loop3A_336 = tpu.vector_load %parallel_loop3A_333[%parallel_loop3A_334, %parallel_loop3A_335] {strides = array<i32>} : memref<128x128xf32, #tpu.memory_space<vmem>>, vector<16xf32>,
        %parallel_loop3A_337 = arith.mulf %parallel_loop3A_329, %parallel_loop3A_336 : vector<16xf32>
        %parallel_loop3A_338 = arith.constant 0 : i32
        %parallel_loop3A_339 = arith.constant 0 : i32
        %parallel_loop3A_340 = tpu.memref_slice %arg9[%parallel_loop3A_91, %parallel_loop3A_338, %parallel_loop3A_339] : memref<3x128x128xf32, #tpu.memory_space<vmem>> -> memref<1x128x128xf32, #tpu.memory_space<vmem>>
        %parallel_loop3A_341 = tpu.memref_squeeze %parallel_loop3A_340 : memref<1x128x128xf32, #tpu.memory_space<vmem>> -> memref<128x128xf32, #tpu.memory_space<vmem>>
        %parallel_loop3A_342 = arith.index_cast %parallel_loop3A_262 : i32 to index
        %parallel_loop3A_343 = arith.constant 80 : index
        %parallel_loop3A_344 = tpu.vector_load %parallel_loop3A_341[%parallel_loop3A_342, %parallel_loop3A_343] {strides = array<i32>} : memref<128x128xf32, #tpu.memory_space<vmem>>, vector<16xf32>,
        %parallel_loop3A_345 = arith.constant 0 : i32
        %parallel_loop3A_346 = arith.constant 0 : i32
        %parallel_loop3A_347 = tpu.memref_slice %arg10[%parallel_loop3A_92, %parallel_loop3A_345, %parallel_loop3A_346] : memref<3x128x128xf32, #tpu.memory_space<vmem>> -> memref<1x128x128xf32, #tpu.memory_space<vmem>>
        %parallel_loop3A_348 = tpu.memref_squeeze %parallel_loop3A_347 : memref<1x128x128xf32, #tpu.memory_space<vmem>> -> memref<128x128xf32, #tpu.memory_space<vmem>>
        %parallel_loop3A_349 = arith.index_cast %parallel_loop3A_262 : i32 to index
        %parallel_loop3A_350 = arith.constant 80 : index
        %parallel_loop3A_351 = tpu.vector_load %parallel_loop3A_348[%parallel_loop3A_349, %parallel_loop3A_350] {strides = array<i32>} : memref<128x128xf32, #tpu.memory_space<vmem>>, vector<16xf32>,
        %parallel_loop3A_352 = arith.mulf %parallel_loop3A_344, %parallel_loop3A_351 : vector<16xf32>
        %parallel_loop3A_353 = arith.constant 0 : i32
        %parallel_loop3A_354 = arith.constant 0 : i32
        %parallel_loop3A_355 = tpu.memref_slice %arg9[%parallel_loop3A_91, %parallel_loop3A_353, %parallel_loop3A_354] : memref<3x128x128xf32, #tpu.memory_space<vmem>> -> memref<1x128x128xf32, #tpu.memory_space<vmem>>
        %parallel_loop3A_356 = tpu.memref_squeeze %parallel_loop3A_355 : memref<1x128x128xf32, #tpu.memory_space<vmem>> -> memref<128x128xf32, #tpu.memory_space<vmem>>
        %parallel_loop3A_357 = arith.index_cast %parallel_loop3A_262 : i32 to index
        %parallel_loop3A_358 = arith.constant 96 : index
        %parallel_loop3A_359 = tpu.vector_load %parallel_loop3A_356[%parallel_loop3A_357, %parallel_loop3A_358] {strides = array<i32>} : memref<128x128xf32, #tpu.memory_space<vmem>>, vector<16xf32>,
        %parallel_loop3A_360 = arith.constant 0 : i32
        %parallel_loop3A_361 = arith.constant 0 : i32
        %parallel_loop3A_362 = tpu.memref_slice %arg10[%parallel_loop3A_92, %parallel_loop3A_360, %parallel_loop3A_361] : memref<3x128x128xf32, #tpu.memory_space<vmem>> -> memref<1x128x128xf32, #tpu.memory_space<vmem>>
        %parallel_loop3A_363 = tpu.memref_squeeze %parallel_loop3A_362 : memref<1x128x128xf32, #tpu.memory_space<vmem>> -> memref<128x128xf32, #tpu.memory_space<vmem>>
        %parallel_loop3A_364 = arith.index_cast %parallel_loop3A_262 : i32 to index
        %parallel_loop3A_365 = arith.constant 96 : index
        %parallel_loop3A_366 = tpu.vector_load %parallel_loop3A_363[%parallel_loop3A_364, %parallel_loop3A_365] {strides = array<i32>} : memref<128x128xf32, #tpu.memory_space<vmem>>, vector<16xf32>,
        %parallel_loop3A_367 = arith.mulf %parallel_loop3A_359, %parallel_loop3A_366 : vector<16xf32>
        %parallel_loop3A_368 = arith.constant 0 : i32
        %parallel_loop3A_369 = arith.constant 0 : i32
        %parallel_loop3A_370 = tpu.memref_slice %arg9[%parallel_loop3A_91, %parallel_loop3A_368, %parallel_loop3A_369] : memref<3x128x128xf32, #tpu.memory_space<vmem>> -> memref<1x128x128xf32, #tpu.memory_space<vmem>>
        %parallel_loop3A_371 = tpu.memref_squeeze %parallel_loop3A_370 : memref<1x128x128xf32, #tpu.memory_space<vmem>> -> memref<128x128xf32, #tpu.memory_space<vmem>>
        %parallel_loop3A_372 = arith.index_cast %parallel_loop3A_262 : i32 to index
        %parallel_loop3A_373 = arith.constant 112 : index
        %parallel_loop3A_374 = tpu.vector_load %parallel_loop3A_371[%parallel_loop3A_372, %parallel_loop3A_373] {strides = array<i32>} : memref<128x128xf32, #tpu.memory_space<vmem>>, vector<16xf32>,
        %parallel_loop3A_375 = arith.constant 0 : i32
        %parallel_loop3A_376 = arith.constant 0 : i32
        %parallel_loop3A_377 = tpu.memref_slice %arg10[%parallel_loop3A_92, %parallel_loop3A_375, %parallel_loop3A_376] : memref<3x128x128xf32, #tpu.memory_space<vmem>> -> memref<1x128x128xf32, #tpu.memory_space<vmem>>
        %parallel_loop3A_378 = tpu.memref_squeeze %parallel_loop3A_377 : memref<1x128x128xf32, #tpu.memory_space<vmem>> -> memref<128x128xf32, #tpu.memory_space<vmem>>
        %parallel_loop3A_379 = arith.index_cast %parallel_loop3A_262 : i32 to index
        %parallel_loop3A_380 = arith.constant 112 : index
        %parallel_loop3A_381 = tpu.vector_load %parallel_loop3A_378[%parallel_loop3A_379, %parallel_loop3A_380] {strides = array<i32>} : memref<128x128xf32, #tpu.memory_space<vmem>>, vector<16xf32>,
        %parallel_loop3A_382 = arith.mulf %parallel_loop3A_374, %parallel_loop3A_381 : vector<16xf32>
        %parallel_loop3A_383 = arith.addf %parallel_loop3A_277, %parallel_loop3A_292 : vector<16xf32>
        %parallel_loop3A_384 = arith.addf %parallel_loop3A_307, %parallel_loop3A_322 : vector<16xf32>
        %parallel_loop3A_385 = arith.addf %parallel_loop3A_337, %parallel_loop3A_352 : vector<16xf32>
        %parallel_loop3A_386 = arith.addf %parallel_loop3A_367, %parallel_loop3A_382 : vector<16xf32>
        %parallel_loop3A_387 = arith.addf %parallel_loop3A_383, %parallel_loop3A_384 : vector<16xf32>
        %parallel_loop3A_388 = arith.addf %parallel_loop3A_385, %parallel_loop3A_386 : vector<16xf32>
        %parallel_loop3A_389 = arith.addf %parallel_loop3A_387, %parallel_loop3A_388 : vector<16xf32>
        %parallel_loop3A_390 = arith.constant true
        %parallel_loop3A_391 = vector.broadcast %parallel_loop3A_390 : i1 to vector<16xi1>
        %parallel_loop3A_392 = tpu.scan <sum>, %parallel_loop3A_389 masked %parallel_loop3A_391 : vector<16xf32>, vector<16xi1> -> vector<16xf32>
        %parallel_loop3A_393 = vector.extract %parallel_loop3A_392[15] : f32 from vector<16xf32>
        %parallel_loop3A_394 = vector.broadcast %scan3A : i32 to vector<16xi32>
        %parallel_loop3A_395 = arith.cmpi eq, %iota3A, %parallel_loop3A_394 : vector<16xi32>
        %parallel_loop3A_396 = vector.broadcast %parallel_loop3A_393 : f32 to vector<16xf32>
        %parallel_loop3A_397 = arith.select %parallel_loop3A_395, %parallel_loop3A_396, %scan3A_259 : vector<16xi1>, vector<16xf32>
        %parallel_loop3A_398 = arith.constant 1 : i32
        %parallel_loop3A_399 = arith.addi %scan3A, %parallel_loop3A_398 : i32
        %parallel_loop3A_400 = arith.constant 16 : i32
        %parallel_loop3A_401 = arith.muli %parallel_loop3A_244, %parallel_loop3A_400 : i32
        %parallel_loop3A_402 = arith.addi %parallel_loop3A_401, %parallel_loop3A_399 : i32
        %parallel_loop3A_403 = arith.constant 0 : i32
        %parallel_loop3A_404 = arith.constant 0 : i32
        %parallel_loop3A_405 = tpu.memref_slice %arg9[%parallel_loop3A_91, %parallel_loop3A_403, %parallel_loop3A_404] : memref<3x128x128xf32, #tpu.memory_space<vmem>> -> memref<1x128x128xf32, #tpu.memory_space<vmem>>
        %parallel_loop3A_406 = tpu.memref_squeeze %parallel_loop3A_405 : memref<1x128x128xf32, #tpu.memory_space<vmem>> -> memref<128x128xf32, #tpu.memory_space<vmem>>
        %parallel_loop3A_407 = arith.index_cast %parallel_loop3A_402 : i32 to index
        %parallel_loop3A_408 = arith.constant 0 : index
        %parallel_loop3A_409 = tpu.vector_load %parallel_loop3A_406[%parallel_loop3A_407, %parallel_loop3A_408] {strides = array<i32>} : memref<128x128xf32, #tpu.memory_space<vmem>>, vector<16xf32>,
        %parallel_loop3A_410 = arith.constant 0 : i32
        %parallel_loop3A_411 = arith.constant 0 : i32
        %parallel_loop3A_412 = tpu.memref_slice %arg10[%parallel_loop3A_92, %parallel_loop3A_410, %parallel_loop3A_411] : memref<3x128x128xf32, #tpu.memory_space<vmem>> -> memref<1x128x128xf32, #tpu.memory_space<vmem>>
        %parallel_loop3A_413 = tpu.memref_squeeze %parallel_loop3A_412 : memref<1x128x128xf32, #tpu.memory_space<vmem>> -> memref<128x128xf32, #tpu.memory_space<vmem>>
        %parallel_loop3A_414 = arith.index_cast %parallel_loop3A_402 : i32 to index
        %parallel_loop3A_415 = arith.constant 0 : index
        %parallel_loop3A_416 = tpu.vector_load %parallel_loop3A_413[%parallel_loop3A_414, %parallel_loop3A_415] {strides = array<i32>} : memref<128x128xf32, #tpu.memory_space<vmem>>, vector<16xf32>,
        %parallel_loop3A_417 = arith.mulf %parallel_loop3A_409, %parallel_loop3A_416 : vector<16xf32>
        %parallel_loop3A_418 = arith.constant 0 : i32
        %parallel_loop3A_419 = arith.constant 0 : i32
        %parallel_loop3A_420 = tpu.memref_slice %arg9[%parallel_loop3A_91, %parallel_loop3A_418, %parallel_loop3A_419] : memref<3x128x128xf32, #tpu.memory_space<vmem>> -> memref<1x128x128xf32, #tpu.memory_space<vmem>>
        %parallel_loop3A_421 = tpu.memref_squeeze %parallel_loop3A_420 : memref<1x128x128xf32, #tpu.memory_space<vmem>> -> memref<128x128xf32, #tpu.memory_space<vmem>>
        %parallel_loop3A_422 = arith.index_cast %parallel_loop3A_402 : i32 to index
        %parallel_loop3A_423 = arith.constant 16 : index
        %parallel_loop3A_424 = tpu.vector_load %parallel_loop3A_421[%parallel_loop3A_422, %parallel_loop3A_423] {strides = array<i32>} : memref<128x128xf32, #tpu.memory_space<vmem>>, vector<16xf32>,
        %parallel_loop3A_425 = arith.constant 0 : i32
        %parallel_loop3A_426 = arith.constant 0 : i32
        %parallel_loop3A_427 = tpu.memref_slice %arg10[%parallel_loop3A_92, %parallel_loop3A_425, %parallel_loop3A_426] : memref<3x128x128xf32, #tpu.memory_space<vmem>> -> memref<1x128x128xf32, #tpu.memory_space<vmem>>
        %parallel_loop3A_428 = tpu.memref_squeeze %parallel_loop3A_427 : memref<1x128x128xf32, #tpu.memory_space<vmem>> -> memref<128x128xf32, #tpu.memory_space<vmem>>
        %parallel_loop3A_429 = arith.index_cast %parallel_loop3A_402 : i32 to index
        %parallel_loop3A_430 = arith.constant 16 : index
        %parallel_loop3A_431 = tpu.vector_load %parallel_loop3A_428[%parallel_loop3A_429, %parallel_loop3A_430] {strides = array<i32>} : memref<128x128xf32, #tpu.memory_space<vmem>>, vector<16xf32>,
        %parallel_loop3A_432 = arith.mulf %parallel_loop3A_424, %parallel_loop3A_431 : vector<16xf32>
        %parallel_loop3A_433 = arith.constant 0 : i32
        %parallel_loop3A_434 = arith.constant 0 : i32
        %parallel_loop3A_435 = tpu.memref_slice %arg9[%parallel_loop3A_91, %parallel_loop3A_433, %parallel_loop3A_434] : memref<3x128x128xf32, #tpu.memory_space<vmem>> -> memref<1x128x128xf32, #tpu.memory_space<vmem>>
        %parallel_loop3A_436 = tpu.memref_squeeze %parallel_loop3A_435 : memref<1x128x128xf32, #tpu.memory_space<vmem>> -> memref<128x128xf32, #tpu.memory_space<vmem>>
        %parallel_loop3A_437 = arith.index_cast %parallel_loop3A_402 : i32 to index
        %parallel_loop3A_438 = arith.constant 32 : index
        %parallel_loop3A_439 = tpu.vector_load %parallel_loop3A_436[%parallel_loop3A_437, %parallel_loop3A_438] {strides = array<i32>} : memref<128x128xf32, #tpu.memory_space<vmem>>, vector<16xf32>,
        %parallel_loop3A_440 = arith.constant 0 : i32
        %parallel_loop3A_441 = arith.constant 0 : i32
        %parallel_loop3A_442 = tpu.memref_slice %arg10[%parallel_loop3A_92, %parallel_loop3A_440, %parallel_loop3A_441] : memref<3x128x128xf32, #tpu.memory_space<vmem>> -> memref<1x128x128xf32, #tpu.memory_space<vmem>>
        %parallel_loop3A_443 = tpu.memref_squeeze %parallel_loop3A_442 : memref<1x128x128xf32, #tpu.memory_space<vmem>> -> memref<128x128xf32, #tpu.memory_space<vmem>>
        %parallel_loop3A_444 = arith.index_cast %parallel_loop3A_402 : i32 to index
        %parallel_loop3A_445 = arith.constant 32 : index
        %parallel_loop3A_446 = tpu.vector_load %parallel_loop3A_443[%parallel_loop3A_444, %parallel_loop3A_445] {strides = array<i32>} : memref<128x128xf32, #tpu.memory_space<vmem>>, vector<16xf32>,
        %parallel_loop3A_447 = arith.mulf %parallel_loop3A_439, %parallel_loop3A_446 : vector<16xf32>
        %parallel_loop3A_448 = arith.constant 0 : i32
        %parallel_loop3A_449 = arith.constant 0 : i32
        %parallel_loop3A_450 = tpu.memref_slice %arg9[%parallel_loop3A_91, %parallel_loop3A_448, %parallel_loop3A_449] : memref<3x128x128xf32, #tpu.memory_space<vmem>> -> memref<1x128x128xf32, #tpu.memory_space<vmem>>
        %parallel_loop3A_451 = tpu.memref_squeeze %parallel_loop3A_450 : memref<1x128x128xf32, #tpu.memory_space<vmem>> -> memref<128x128xf32, #tpu.memory_space<vmem>>
        %parallel_loop3A_452 = arith.index_cast %parallel_loop3A_402 : i32 to index
        %parallel_loop3A_453 = arith.constant 48 : index
        %parallel_loop3A_454 = tpu.vector_load %parallel_loop3A_451[%parallel_loop3A_452, %parallel_loop3A_453] {strides = array<i32>} : memref<128x128xf32, #tpu.memory_space<vmem>>, vector<16xf32>,
        %parallel_loop3A_455 = arith.constant 0 : i32
        %parallel_loop3A_456 = arith.constant 0 : i32
        %parallel_loop3A_457 = tpu.memref_slice %arg10[%parallel_loop3A_92, %parallel_loop3A_455, %parallel_loop3A_456] : memref<3x128x128xf32, #tpu.memory_space<vmem>> -> memref<1x128x128xf32, #tpu.memory_space<vmem>>
        %parallel_loop3A_458 = tpu.memref_squeeze %parallel_loop3A_457 : memref<1x128x128xf32, #tpu.memory_space<vmem>> -> memref<128x128xf32, #tpu.memory_space<vmem>>
        %parallel_loop3A_459 = arith.index_cast %parallel_loop3A_402 : i32 to index
        %parallel_loop3A_460 = arith.constant 48 : index
        %parallel_loop3A_461 = tpu.vector_load %parallel_loop3A_458[%parallel_loop3A_459, %parallel_loop3A_460] {strides = array<i32>} : memref<128x128xf32, #tpu.memory_space<vmem>>, vector<16xf32>,
        %parallel_loop3A_462 = arith.mulf %parallel_loop3A_454, %parallel_loop3A_461 : vector<16xf32>
        %parallel_loop3A_463 = arith.constant 0 : i32
        %parallel_loop3A_464 = arith.constant 0 : i32
        %parallel_loop3A_465 = tpu.memref_slice %arg9[%parallel_loop3A_91, %parallel_loop3A_463, %parallel_loop3A_464] : memref<3x128x128xf32, #tpu.memory_space<vmem>> -> memref<1x128x128xf32, #tpu.memory_space<vmem>>
        %parallel_loop3A_466 = tpu.memref_squeeze %parallel_loop3A_465 : memref<1x128x128xf32, #tpu.memory_space<vmem>> -> memref<128x128xf32, #tpu.memory_space<vmem>>
        %parallel_loop3A_467 = arith.index_cast %parallel_loop3A_402 : i32 to index
        %parallel_loop3A_468 = arith.constant 64 : index
        %parallel_loop3A_469 = tpu.vector_load %parallel_loop3A_466[%parallel_loop3A_467, %parallel_loop3A_468] {strides = array<i32>} : memref<128x128xf32, #tpu.memory_space<vmem>>, vector<16xf32>,
        %parallel_loop3A_470 = arith.constant 0 : i32
        %parallel_loop3A_471 = arith.constant 0 : i32
        %parallel_loop3A_472 = tpu.memref_slice %arg10[%parallel_loop3A_92, %parallel_loop3A_470, %parallel_loop3A_471] : memref<3x128x128xf32, #tpu.memory_space<vmem>> -> memref<1x128x128xf32, #tpu.memory_space<vmem>>
        %parallel_loop3A_473 = tpu.memref_squeeze %parallel_loop3A_472 : memref<1x128x128xf32, #tpu.memory_space<vmem>> -> memref<128x128xf32, #tpu.memory_space<vmem>>
        %parallel_loop3A_474 = arith.index_cast %parallel_loop3A_402 : i32 to index
        %parallel_loop3A_475 = arith.constant 64 : index
        %parallel_loop3A_476 = tpu.vector_load %parallel_loop3A_473[%parallel_loop3A_474, %parallel_loop3A_475] {strides = array<i32>} : memref<128x128xf32, #tpu.memory_space<vmem>>, vector<16xf32>,
        %parallel_loop3A_477 = arith.mulf %parallel_loop3A_469, %parallel_loop3A_476 : vector<16xf32>
        %parallel_loop3A_478 = arith.constant 0 : i32
        %parallel_loop3A_479 = arith.constant 0 : i32
        %parallel_loop3A_480 = tpu.memref_slice %arg9[%parallel_loop3A_91, %parallel_loop3A_478, %parallel_loop3A_479] : memref<3x128x128xf32, #tpu.memory_space<vmem>> -> memref<1x128x128xf32, #tpu.memory_space<vmem>>
        %parallel_loop3A_481 = tpu.memref_squeeze %parallel_loop3A_480 : memref<1x128x128xf32, #tpu.memory_space<vmem>> -> memref<128x128xf32, #tpu.memory_space<vmem>>
        %parallel_loop3A_482 = arith.index_cast %parallel_loop3A_402 : i32 to index
        %parallel_loop3A_483 = arith.constant 80 : index
        %parallel_loop3A_484 = tpu.vector_load %parallel_loop3A_481[%parallel_loop3A_482, %parallel_loop3A_483] {strides = array<i32>} : memref<128x128xf32, #tpu.memory_space<vmem>>, vector<16xf32>,
        %parallel_loop3A_485 = arith.constant 0 : i32
        %parallel_loop3A_486 = arith.constant 0 : i32
        %parallel_loop3A_487 = tpu.memref_slice %arg10[%parallel_loop3A_92, %parallel_loop3A_485, %parallel_loop3A_486] : memref<3x128x128xf32, #tpu.memory_space<vmem>> -> memref<1x128x128xf32, #tpu.memory_space<vmem>>
        %parallel_loop3A_488 = tpu.memref_squeeze %parallel_loop3A_487 : memref<1x128x128xf32, #tpu.memory_space<vmem>> -> memref<128x128xf32, #tpu.memory_space<vmem>>
        %parallel_loop3A_489 = arith.index_cast %parallel_loop3A_402 : i32 to index
        %parallel_loop3A_490 = arith.constant 80 : index
        %parallel_loop3A_491 = tpu.vector_load %parallel_loop3A_488[%parallel_loop3A_489, %parallel_loop3A_490] {strides = array<i32>} : memref<128x128xf32, #tpu.memory_space<vmem>>, vector<16xf32>,
        %parallel_loop3A_492 = arith.mulf %parallel_loop3A_484, %parallel_loop3A_491 : vector<16xf32>
        %parallel_loop3A_493 = arith.constant 0 : i32
        %parallel_loop3A_494 = arith.constant 0 : i32
        %parallel_loop3A_495 = tpu.memref_slice %arg9[%parallel_loop3A_91, %parallel_loop3A_493, %parallel_loop3A_494] : memref<3x128x128xf32, #tpu.memory_space<vmem>> -> memref<1x128x128xf32, #tpu.memory_space<vmem>>
        %parallel_loop3A_496 = tpu.memref_squeeze %parallel_loop3A_495 : memref<1x128x128xf32, #tpu.memory_space<vmem>> -> memref<128x128xf32, #tpu.memory_space<vmem>>
        %parallel_loop3A_497 = arith.index_cast %parallel_loop3A_402 : i32 to index
        %parallel_loop3A_498 = arith.constant 96 : index
        %parallel_loop3A_499 = tpu.vector_load %parallel_loop3A_496[%parallel_loop3A_497, %parallel_loop3A_498] {strides = array<i32>} : memref<128x128xf32, #tpu.memory_space<vmem>>, vector<16xf32>,
        %parallel_loop3A_500 = arith.constant 0 : i32
        %parallel_loop3A_501 = arith.constant 0 : i32
        %parallel_loop3A_502 = tpu.memref_slice %arg10[%parallel_loop3A_92, %parallel_loop3A_500, %parallel_loop3A_501] : memref<3x128x128xf32, #tpu.memory_space<vmem>> -> memref<1x128x128xf32, #tpu.memory_space<vmem>>
        %parallel_loop3A_503 = tpu.memref_squeeze %parallel_loop3A_502 : memref<1x128x128xf32, #tpu.memory_space<vmem>> -> memref<128x128xf32, #tpu.memory_space<vmem>>
        %parallel_loop3A_504 = arith.index_cast %parallel_loop3A_402 : i32 to index
        %parallel_loop3A_505 = arith.constant 96 : index
        %parallel_loop3A_506 = tpu.vector_load %parallel_loop3A_503[%parallel_loop3A_504, %parallel_loop3A_505] {strides = array<i32>} : memref<128x128xf32, #tpu.memory_space<vmem>>, vector<16xf32>,
        %parallel_loop3A_507 = arith.mulf %parallel_loop3A_499, %parallel_loop3A_506 : vector<16xf32>
        %parallel_loop3A_508 = arith.constant 0 : i32
        %parallel_loop3A_509 = arith.constant 0 : i32
        %parallel_loop3A_510 = tpu.memref_slice %arg9[%parallel_loop3A_91, %parallel_loop3A_508, %parallel_loop3A_509] : memref<3x128x128xf32, #tpu.memory_space<vmem>> -> memref<1x128x128xf32, #tpu.memory_space<vmem>>
        %parallel_loop3A_511 = tpu.memref_squeeze %parallel_loop3A_510 : memref<1x128x128xf32, #tpu.memory_space<vmem>> -> memref<128x128xf32, #tpu.memory_space<vmem>>
        %parallel_loop3A_512 = arith.index_cast %parallel_loop3A_402 : i32 to index
        %parallel_loop3A_513 = arith.constant 112 : index
        %parallel_loop3A_514 = tpu.vector_load %parallel_loop3A_511[%parallel_loop3A_512, %parallel_loop3A_513] {strides = array<i32>} : memref<128x128xf32, #tpu.memory_space<vmem>>, vector<16xf32>,
        %parallel_loop3A_515 = arith.constant 0 : i32
        %parallel_loop3A_516 = arith.constant 0 : i32
        %parallel_loop3A_517 = tpu.memref_slice %arg10[%parallel_loop3A_92, %parallel_loop3A_515, %parallel_loop3A_516] : memref<3x128x128xf32, #tpu.memory_space<vmem>> -> memref<1x128x128xf32, #tpu.memory_space<vmem>>
        %parallel_loop3A_518 = tpu.memref_squeeze %parallel_loop3A_517 : memref<1x128x128xf32, #tpu.memory_space<vmem>> -> memref<128x128xf32, #tpu.memory_space<vmem>>
        %parallel_loop3A_519 = arith.index_cast %parallel_loop3A_402 : i32 to index
        %parallel_loop3A_520 = arith.constant 112 : index
        %parallel_loop3A_521 = tpu.vector_load %parallel_loop3A_518[%parallel_loop3A_519, %parallel_loop3A_520] {strides = array<i32>} : memref<128x128xf32, #tpu.memory_space<vmem>>, vector<16xf32>,
        %parallel_loop3A_522 = arith.mulf %parallel_loop3A_514, %parallel_loop3A_521 : vector<16xf32>
        %parallel_loop3A_523 = arith.addf %parallel_loop3A_417, %parallel_loop3A_432 : vector<16xf32>
        %parallel_loop3A_524 = arith.addf %parallel_loop3A_447, %parallel_loop3A_462 : vector<16xf32>
        %parallel_loop3A_525 = arith.addf %parallel_loop3A_477, %parallel_loop3A_492 : vector<16xf32>
        %parallel_loop3A_526 = arith.addf %parallel_loop3A_507, %parallel_loop3A_522 : vector<16xf32>
        %parallel_loop3A_527 = arith.addf %parallel_loop3A_523, %parallel_loop3A_524 : vector<16xf32>
        %parallel_loop3A_528 = arith.addf %parallel_loop3A_525, %parallel_loop3A_526 : vector<16xf32>
        %parallel_loop3A_529 = arith.addf %parallel_loop3A_527, %parallel_loop3A_528 : vector<16xf32>
        %parallel_loop3A_530 = arith.constant true
        %parallel_loop3A_531 = vector.broadcast %parallel_loop3A_530 : i1 to vector<16xi1>
        %parallel_loop3A_532 = tpu.scan <sum>, %parallel_loop3A_529 masked %parallel_loop3A_531 : vector<16xf32>, vector<16xi1> -> vector<16xf32>
        %parallel_loop3A_533 = vector.extract %parallel_loop3A_532[15] : f32 from vector<16xf32>
        %parallel_loop3A_534 = vector.broadcast %parallel_loop3A_399 : i32 to vector<16xi32>
        %parallel_loop3A_535 = arith.cmpi eq, %iota3A, %parallel_loop3A_534 : vector<16xi32>
        %parallel_loop3A_536 = vector.broadcast %parallel_loop3A_533 : f32 to vector<16xf32>
        %parallel_loop3A_537 = arith.select %parallel_loop3A_535, %parallel_loop3A_536, %parallel_loop3A_397 : vector<16xi1>, vector<16xf32>
        %parallel_loop3A_538 = arith.constant 2 : i32
        %parallel_loop3A_539 = arith.addi %scan3A, %parallel_loop3A_538 : i32
        %parallel_loop3A_540 = arith.constant 16 : i32
        %parallel_loop3A_541 = arith.muli %parallel_loop3A_244, %parallel_loop3A_540 : i32
        %parallel_loop3A_542 = arith.addi %parallel_loop3A_541, %parallel_loop3A_539 : i32
        %parallel_loop3A_543 = arith.constant 0 : i32
        %parallel_loop3A_544 = arith.constant 0 : i32
        %parallel_loop3A_545 = tpu.memref_slice %arg9[%parallel_loop3A_91, %parallel_loop3A_543, %parallel_loop3A_544] : memref<3x128x128xf32, #tpu.memory_space<vmem>> -> memref<1x128x128xf32, #tpu.memory_space<vmem>>
        %parallel_loop3A_546 = tpu.memref_squeeze %parallel_loop3A_545 : memref<1x128x128xf32, #tpu.memory_space<vmem>> -> memref<128x128xf32, #tpu.memory_space<vmem>>
        %parallel_loop3A_547 = arith.index_cast %parallel_loop3A_542 : i32 to index
        %parallel_loop3A_548 = arith.constant 0 : index
        %parallel_loop3A_549 = tpu.vector_load %parallel_loop3A_546[%parallel_loop3A_547, %parallel_loop3A_548] {strides = array<i32>} : memref<128x128xf32, #tpu.memory_space<vmem>>, vector<16xf32>,
        %parallel_loop3A_550 = arith.constant 0 : i32
        %parallel_loop3A_551 = arith.constant 0 : i32
        %parallel_loop3A_552 = tpu.memref_slice %arg10[%parallel_loop3A_92, %parallel_loop3A_550, %parallel_loop3A_551] : memref<3x128x128xf32, #tpu.memory_space<vmem>> -> memref<1x128x128xf32, #tpu.memory_space<vmem>>
        %parallel_loop3A_553 = tpu.memref_squeeze %parallel_loop3A_552 : memref<1x128x128xf32, #tpu.memory_space<vmem>> -> memref<128x128xf32, #tpu.memory_space<vmem>>
        %parallel_loop3A_554 = arith.index_cast %parallel_loop3A_542 : i32 to index
        %parallel_loop3A_555 = arith.constant 0 : index
        %parallel_loop3A_556 = tpu.vector_load %parallel_loop3A_553[%parallel_loop3A_554, %parallel_loop3A_555] {strides = array<i32>} : memref<128x128xf32, #tpu.memory_space<vmem>>, vector<16xf32>,
        %parallel_loop3A_557 = arith.mulf %parallel_loop3A_549, %parallel_loop3A_556 : vector<16xf32>
        %parallel_loop3A_558 = arith.constant 0 : i32
        %parallel_loop3A_559 = arith.constant 0 : i32
        %parallel_loop3A_560 = tpu.memref_slice %arg9[%parallel_loop3A_91, %parallel_loop3A_558, %parallel_loop3A_559] : memref<3x128x128xf32, #tpu.memory_space<vmem>> -> memref<1x128x128xf32, #tpu.memory_space<vmem>>
        %parallel_loop3A_561 = tpu.memref_squeeze %parallel_loop3A_560 : memref<1x128x128xf32, #tpu.memory_space<vmem>> -> memref<128x128xf32, #tpu.memory_space<vmem>>
        %parallel_loop3A_562 = arith.index_cast %parallel_loop3A_542 : i32 to index
        %parallel_loop3A_563 = arith.constant 16 : index
        %parallel_loop3A_564 = tpu.vector_load %parallel_loop3A_561[%parallel_loop3A_562, %parallel_loop3A_563] {strides = array<i32>} : memref<128x128xf32, #tpu.memory_space<vmem>>, vector<16xf32>,
        %parallel_loop3A_565 = arith.constant 0 : i32
        %parallel_loop3A_566 = arith.constant 0 : i32
        %parallel_loop3A_567 = tpu.memref_slice %arg10[%parallel_loop3A_92, %parallel_loop3A_565, %parallel_loop3A_566] : memref<3x128x128xf32, #tpu.memory_space<vmem>> -> memref<1x128x128xf32, #tpu.memory_space<vmem>>
        %parallel_loop3A_568 = tpu.memref_squeeze %parallel_loop3A_567 : memref<1x128x128xf32, #tpu.memory_space<vmem>> -> memref<128x128xf32, #tpu.memory_space<vmem>>
        %parallel_loop3A_569 = arith.index_cast %parallel_loop3A_542 : i32 to index
        %parallel_loop3A_570 = arith.constant 16 : index
        %parallel_loop3A_571 = tpu.vector_load %parallel_loop3A_568[%parallel_loop3A_569, %parallel_loop3A_570] {strides = array<i32>} : memref<128x128xf32, #tpu.memory_space<vmem>>, vector<16xf32>,
        %parallel_loop3A_572 = arith.mulf %parallel_loop3A_564, %parallel_loop3A_571 : vector<16xf32>
        %parallel_loop3A_573 = arith.constant 0 : i32
        %parallel_loop3A_574 = arith.constant 0 : i32
        %parallel_loop3A_575 = tpu.memref_slice %arg9[%parallel_loop3A_91, %parallel_loop3A_573, %parallel_loop3A_574] : memref<3x128x128xf32, #tpu.memory_space<vmem>> -> memref<1x128x128xf32, #tpu.memory_space<vmem>>
        %parallel_loop3A_576 = tpu.memref_squeeze %parallel_loop3A_575 : memref<1x128x128xf32, #tpu.memory_space<vmem>> -> memref<128x128xf32, #tpu.memory_space<vmem>>
        %parallel_loop3A_577 = arith.index_cast %parallel_loop3A_542 : i32 to index
        %parallel_loop3A_578 = arith.constant 32 : index
        %parallel_loop3A_579 = tpu.vector_load %parallel_loop3A_576[%parallel_loop3A_577, %parallel_loop3A_578] {strides = array<i32>} : memref<128x128xf32, #tpu.memory_space<vmem>>, vector<16xf32>,
        %parallel_loop3A_580 = arith.constant 0 : i32
        %parallel_loop3A_581 = arith.constant 0 : i32
        %parallel_loop3A_582 = tpu.memref_slice %arg10[%parallel_loop3A_92, %parallel_loop3A_580, %parallel_loop3A_581] : memref<3x128x128xf32, #tpu.memory_space<vmem>> -> memref<1x128x128xf32, #tpu.memory_space<vmem>>
        %parallel_loop3A_583 = tpu.memref_squeeze %parallel_loop3A_582 : memref<1x128x128xf32, #tpu.memory_space<vmem>> -> memref<128x128xf32, #tpu.memory_space<vmem>>
        %parallel_loop3A_584 = arith.index_cast %parallel_loop3A_542 : i32 to index
        %parallel_loop3A_585 = arith.constant 32 : index
        %parallel_loop3A_586 = tpu.vector_load %parallel_loop3A_583[%parallel_loop3A_584, %parallel_loop3A_585] {strides = array<i32>} : memref<128x128xf32, #tpu.memory_space<vmem>>, vector<16xf32>,
        %parallel_loop3A_587 = arith.mulf %parallel_loop3A_579, %parallel_loop3A_586 : vector<16xf32>
        %parallel_loop3A_588 = arith.constant 0 : i32
        %parallel_loop3A_589 = arith.constant 0 : i32
        %parallel_loop3A_590 = tpu.memref_slice %arg9[%parallel_loop3A_91, %parallel_loop3A_588, %parallel_loop3A_589] : memref<3x128x128xf32, #tpu.memory_space<vmem>> -> memref<1x128x128xf32, #tpu.memory_space<vmem>>
        %parallel_loop3A_591 = tpu.memref_squeeze %parallel_loop3A_590 : memref<1x128x128xf32, #tpu.memory_space<vmem>> -> memref<128x128xf32, #tpu.memory_space<vmem>>
        %parallel_loop3A_592 = arith.index_cast %parallel_loop3A_542 : i32 to index
        %parallel_loop3A_593 = arith.constant 48 : index
        %parallel_loop3A_594 = tpu.vector_load %parallel_loop3A_591[%parallel_loop3A_592, %parallel_loop3A_593] {strides = array<i32>} : memref<128x128xf32, #tpu.memory_space<vmem>>, vector<16xf32>,
        %parallel_loop3A_595 = arith.constant 0 : i32
        %parallel_loop3A_596 = arith.constant 0 : i32
        %parallel_loop3A_597 = tpu.memref_slice %arg10[%parallel_loop3A_92, %parallel_loop3A_595, %parallel_loop3A_596] : memref<3x128x128xf32, #tpu.memory_space<vmem>> -> memref<1x128x128xf32, #tpu.memory_space<vmem>>
        %parallel_loop3A_598 = tpu.memref_squeeze %parallel_loop3A_597 : memref<1x128x128xf32, #tpu.memory_space<vmem>> -> memref<128x128xf32, #tpu.memory_space<vmem>>
        %parallel_loop3A_599 = arith.index_cast %parallel_loop3A_542 : i32 to index
        %parallel_loop3A_600 = arith.constant 48 : index
        %parallel_loop3A_601 = tpu.vector_load %parallel_loop3A_598[%parallel_loop3A_599, %parallel_loop3A_600] {strides = array<i32>} : memref<128x128xf32, #tpu.memory_space<vmem>>, vector<16xf32>,
        %parallel_loop3A_602 = arith.mulf %parallel_loop3A_594, %parallel_loop3A_601 : vector<16xf32>
        %parallel_loop3A_603 = arith.constant 0 : i32
        %parallel_loop3A_604 = arith.constant 0 : i32
        %parallel_loop3A_605 = tpu.memref_slice %arg9[%parallel_loop3A_91, %parallel_loop3A_603, %parallel_loop3A_604] : memref<3x128x128xf32, #tpu.memory_space<vmem>> -> memref<1x128x128xf32, #tpu.memory_space<vmem>>
        %parallel_loop3A_606 = tpu.memref_squeeze %parallel_loop3A_605 : memref<1x128x128xf32, #tpu.memory_space<vmem>> -> memref<128x128xf32, #tpu.memory_space<vmem>>
        %parallel_loop3A_607 = arith.index_cast %parallel_loop3A_542 : i32 to index
        %parallel_loop3A_608 = arith.constant 64 : index
        %parallel_loop3A_609 = tpu.vector_load %parallel_loop3A_606[%parallel_loop3A_607, %parallel_loop3A_608] {strides = array<i32>} : memref<128x128xf32, #tpu.memory_space<vmem>>, vector<16xf32>,
        %parallel_loop3A_610 = arith.constant 0 : i32
        %parallel_loop3A_611 = arith.constant 0 : i32
        %parallel_loop3A_612 = tpu.memref_slice %arg10[%parallel_loop3A_92, %parallel_loop3A_610, %parallel_loop3A_611] : memref<3x128x128xf32, #tpu.memory_space<vmem>> -> memref<1x128x128xf32, #tpu.memory_space<vmem>>
        %parallel_loop3A_613 = tpu.memref_squeeze %parallel_loop3A_612 : memref<1x128x128xf32, #tpu.memory_space<vmem>> -> memref<128x128xf32, #tpu.memory_space<vmem>>
        %parallel_loop3A_614 = arith.index_cast %parallel_loop3A_542 : i32 to index
        %parallel_loop3A_615 = arith.constant 64 : index
        %parallel_loop3A_616 = tpu.vector_load %parallel_loop3A_613[%parallel_loop3A_614, %parallel_loop3A_615] {strides = array<i32>} : memref<128x128xf32, #tpu.memory_space<vmem>>, vector<16xf32>,
        %parallel_loop3A_617 = arith.mulf %parallel_loop3A_609, %parallel_loop3A_616 : vector<16xf32>
        %parallel_loop3A_618 = arith.constant 0 : i32
        %parallel_loop3A_619 = arith.constant 0 : i32
        %parallel_loop3A_620 = tpu.memref_slice %arg9[%parallel_loop3A_91, %parallel_loop3A_618, %parallel_loop3A_619] : memref<3x128x128xf32, #tpu.memory_space<vmem>> -> memref<1x128x128xf32, #tpu.memory_space<vmem>>
        %parallel_loop3A_621 = tpu.memref_squeeze %parallel_loop3A_620 : memref<1x128x128xf32, #tpu.memory_space<vmem>> -> memref<128x128xf32, #tpu.memory_space<vmem>>
        %parallel_loop3A_622 = arith.index_cast %parallel_loop3A_542 : i32 to index
        %parallel_loop3A_623 = arith.constant 80 : index
        %parallel_loop3A_624 = tpu.vector_load %parallel_loop3A_621[%parallel_loop3A_622, %parallel_loop3A_623] {strides = array<i32>} : memref<128x128xf32, #tpu.memory_space<vmem>>, vector<16xf32>,
        %parallel_loop3A_625 = arith.constant 0 : i32
        %parallel_loop3A_626 = arith.constant 0 : i32
        %parallel_loop3A_627 = tpu.memref_slice %arg10[%parallel_loop3A_92, %parallel_loop3A_625, %parallel_loop3A_626] : memref<3x128x128xf32, #tpu.memory_space<vmem>> -> memref<1x128x128xf32, #tpu.memory_space<vmem>>
        %parallel_loop3A_628 = tpu.memref_squeeze %parallel_loop3A_627 : memref<1x128x128xf32, #tpu.memory_space<vmem>> -> memref<128x128xf32, #tpu.memory_space<vmem>>
        %parallel_loop3A_629 = arith.index_cast %parallel_loop3A_542 : i32 to index
        %parallel_loop3A_630 = arith.constant 80 : index
        %parallel_loop3A_631 = tpu.vector_load %parallel_loop3A_628[%parallel_loop3A_629, %parallel_loop3A_630] {strides = array<i32>} : memref<128x128xf32, #tpu.memory_space<vmem>>, vector<16xf32>,
        %parallel_loop3A_632 = arith.mulf %parallel_loop3A_624, %parallel_loop3A_631 : vector<16xf32>
        %parallel_loop3A_633 = arith.constant 0 : i32
        %parallel_loop3A_634 = arith.constant 0 : i32
        %parallel_loop3A_635 = tpu.memref_slice %arg9[%parallel_loop3A_91, %parallel_loop3A_633, %parallel_loop3A_634] : memref<3x128x128xf32, #tpu.memory_space<vmem>> -> memref<1x128x128xf32, #tpu.memory_space<vmem>>
        %parallel_loop3A_636 = tpu.memref_squeeze %parallel_loop3A_635 : memref<1x128x128xf32, #tpu.memory_space<vmem>> -> memref<128x128xf32, #tpu.memory_space<vmem>>
        %parallel_loop3A_637 = arith.index_cast %parallel_loop3A_542 : i32 to index
        %parallel_loop3A_638 = arith.constant 96 : index
        %parallel_loop3A_639 = tpu.vector_load %parallel_loop3A_636[%parallel_loop3A_637, %parallel_loop3A_638] {strides = array<i32>} : memref<128x128xf32, #tpu.memory_space<vmem>>, vector<16xf32>,
        %parallel_loop3A_640 = arith.constant 0 : i32
        %parallel_loop3A_641 = arith.constant 0 : i32
        %parallel_loop3A_642 = tpu.memref_slice %arg10[%parallel_loop3A_92, %parallel_loop3A_640, %parallel_loop3A_641] : memref<3x128x128xf32, #tpu.memory_space<vmem>> -> memref<1x128x128xf32, #tpu.memory_space<vmem>>
        %parallel_loop3A_643 = tpu.memref_squeeze %parallel_loop3A_642 : memref<1x128x128xf32, #tpu.memory_space<vmem>> -> memref<128x128xf32, #tpu.memory_space<vmem>>
        %parallel_loop3A_644 = arith.index_cast %parallel_loop3A_542 : i32 to index
        %parallel_loop3A_645 = arith.constant 96 : index
        %parallel_loop3A_646 = tpu.vector_load %parallel_loop3A_643[%parallel_loop3A_644, %parallel_loop3A_645] {strides = array<i32>} : memref<128x128xf32, #tpu.memory_space<vmem>>, vector<16xf32>,
        %parallel_loop3A_647 = arith.mulf %parallel_loop3A_639, %parallel_loop3A_646 : vector<16xf32>
        %parallel_loop3A_648 = arith.constant 0 : i32
        %parallel_loop3A_649 = arith.constant 0 : i32
        %parallel_loop3A_650 = tpu.memref_slice %arg9[%parallel_loop3A_91, %parallel_loop3A_648, %parallel_loop3A_649] : memref<3x128x128xf32, #tpu.memory_space<vmem>> -> memref<1x128x128xf32, #tpu.memory_space<vmem>>
        %parallel_loop3A_651 = tpu.memref_squeeze %parallel_loop3A_650 : memref<1x128x128xf32, #tpu.memory_space<vmem>> -> memref<128x128xf32, #tpu.memory_space<vmem>>
        %parallel_loop3A_652 = arith.index_cast %parallel_loop3A_542 : i32 to index
        %parallel_loop3A_653 = arith.constant 112 : index
        %parallel_loop3A_654 = tpu.vector_load %parallel_loop3A_651[%parallel_loop3A_652, %parallel_loop3A_653] {strides = array<i32>} : memref<128x128xf32, #tpu.memory_space<vmem>>, vector<16xf32>,
        %parallel_loop3A_655 = arith.constant 0 : i32
        %parallel_loop3A_656 = arith.constant 0 : i32
        %parallel_loop3A_657 = tpu.memref_slice %arg10[%parallel_loop3A_92, %parallel_loop3A_655, %parallel_loop3A_656] : memref<3x128x128xf32, #tpu.memory_space<vmem>> -> memref<1x128x128xf32, #tpu.memory_space<vmem>>
        %parallel_loop3A_658 = tpu.memref_squeeze %parallel_loop3A_657 : memref<1x128x128xf32, #tpu.memory_space<vmem>> -> memref<128x128xf32, #tpu.memory_space<vmem>>
        %parallel_loop3A_659 = arith.index_cast %parallel_loop3A_542 : i32 to index
        %parallel_loop3A_660 = arith.constant 112 : index
        %parallel_loop3A_661 = tpu.vector_load %parallel_loop3A_658[%parallel_loop3A_659, %parallel_loop3A_660] {strides = array<i32>} : memref<128x128xf32, #tpu.memory_space<vmem>>, vector<16xf32>,
        %parallel_loop3A_662 = arith.mulf %parallel_loop3A_654, %parallel_loop3A_661 : vector<16xf32>
        %parallel_loop3A_663 = arith.addf %parallel_loop3A_557, %parallel_loop3A_572 : vector<16xf32>
        %parallel_loop3A_664 = arith.addf %parallel_loop3A_587, %parallel_loop3A_602 : vector<16xf32>
        %parallel_loop3A_665 = arith.addf %parallel_loop3A_617, %parallel_loop3A_632 : vector<16xf32>
        %parallel_loop3A_666 = arith.addf %parallel_loop3A_647, %parallel_loop3A_662 : vector<16xf32>
        %parallel_loop3A_667 = arith.addf %parallel_loop3A_663, %parallel_loop3A_664 : vector<16xf32>
        %parallel_loop3A_668 = arith.addf %parallel_loop3A_665, %parallel_loop3A_666 : vector<16xf32>
        %parallel_loop3A_669 = arith.addf %parallel_loop3A_667, %parallel_loop3A_668 : vector<16xf32>
        %parallel_loop3A_670 = arith.constant true
        %parallel_loop3A_671 = vector.broadcast %parallel_loop3A_670 : i1 to vector<16xi1>
        %parallel_loop3A_672 = tpu.scan <sum>, %parallel_loop3A_669 masked %parallel_loop3A_671 : vector<16xf32>, vector<16xi1> -> vector<16xf32>
        %parallel_loop3A_673 = vector.extract %parallel_loop3A_672[15] : f32 from vector<16xf32>
        %parallel_loop3A_674 = vector.broadcast %parallel_loop3A_539 : i32 to vector<16xi32>
        %parallel_loop3A_675 = arith.cmpi eq, %iota3A, %parallel_loop3A_674 : vector<16xi32>
        %parallel_loop3A_676 = vector.broadcast %parallel_loop3A_673 : f32 to vector<16xf32>
        %parallel_loop3A_677 = arith.select %parallel_loop3A_675, %parallel_loop3A_676, %parallel_loop3A_537 : vector<16xi1>, vector<16xf32>
        %parallel_loop3A_678 = arith.constant 3 : i32
        %parallel_loop3A_679 = arith.addi %scan3A, %parallel_loop3A_678 : i32
        %parallel_loop3A_680 = arith.constant 16 : i32
        %parallel_loop3A_681 = arith.muli %parallel_loop3A_244, %parallel_loop3A_680 : i32
        %parallel_loop3A_682 = arith.addi %parallel_loop3A_681, %parallel_loop3A_679 : i32
        %parallel_loop3A_683 = arith.constant 0 : i32
        %parallel_loop3A_684 = arith.constant 0 : i32
        %parallel_loop3A_685 = tpu.memref_slice %arg9[%parallel_loop3A_91, %parallel_loop3A_683, %parallel_loop3A_684] : memref<3x128x128xf32, #tpu.memory_space<vmem>> -> memref<1x128x128xf32, #tpu.memory_space<vmem>>
        %parallel_loop3A_686 = tpu.memref_squeeze %parallel_loop3A_685 : memref<1x128x128xf32, #tpu.memory_space<vmem>> -> memref<128x128xf32, #tpu.memory_space<vmem>>
        %parallel_loop3A_687 = arith.index_cast %parallel_loop3A_682 : i32 to index
        %parallel_loop3A_688 = arith.constant 0 : index
        %parallel_loop3A_689 = tpu.vector_load %parallel_loop3A_686[%parallel_loop3A_687, %parallel_loop3A_688] {strides = array<i32>} : memref<128x128xf32, #tpu.memory_space<vmem>>, vector<16xf32>,
        %parallel_loop3A_690 = arith.constant 0 : i32
        %parallel_loop3A_691 = arith.constant 0 : i32
        %parallel_loop3A_692 = tpu.memref_slice %arg10[%parallel_loop3A_92, %parallel_loop3A_690, %parallel_loop3A_691] : memref<3x128x128xf32, #tpu.memory_space<vmem>> -> memref<1x128x128xf32, #tpu.memory_space<vmem>>
        %parallel_loop3A_693 = tpu.memref_squeeze %parallel_loop3A_692 : memref<1x128x128xf32, #tpu.memory_space<vmem>> -> memref<128x128xf32, #tpu.memory_space<vmem>>
        %parallel_loop3A_694 = arith.index_cast %parallel_loop3A_682 : i32 to index
        %parallel_loop3A_695 = arith.constant 0 : index
        %parallel_loop3A_696 = tpu.vector_load %parallel_loop3A_693[%parallel_loop3A_694, %parallel_loop3A_695] {strides = array<i32>} : memref<128x128xf32, #tpu.memory_space<vmem>>, vector<16xf32>,
        %parallel_loop3A_697 = arith.mulf %parallel_loop3A_689, %parallel_loop3A_696 : vector<16xf32>
        %parallel_loop3A_698 = arith.constant 0 : i32
        %parallel_loop3A_699 = arith.constant 0 : i32
        %parallel_loop3A_700 = tpu.memref_slice %arg9[%parallel_loop3A_91, %parallel_loop3A_698, %parallel_loop3A_699] : memref<3x128x128xf32, #tpu.memory_space<vmem>> -> memref<1x128x128xf32, #tpu.memory_space<vmem>>
        %parallel_loop3A_701 = tpu.memref_squeeze %parallel_loop3A_700 : memref<1x128x128xf32, #tpu.memory_space<vmem>> -> memref<128x128xf32, #tpu.memory_space<vmem>>
        %parallel_loop3A_702 = arith.index_cast %parallel_loop3A_682 : i32 to index
        %parallel_loop3A_703 = arith.constant 16 : index
        %parallel_loop3A_704 = tpu.vector_load %parallel_loop3A_701[%parallel_loop3A_702, %parallel_loop3A_703] {strides = array<i32>} : memref<128x128xf32, #tpu.memory_space<vmem>>, vector<16xf32>,
        %parallel_loop3A_705 = arith.constant 0 : i32
        %parallel_loop3A_706 = arith.constant 0 : i32
        %parallel_loop3A_707 = tpu.memref_slice %arg10[%parallel_loop3A_92, %parallel_loop3A_705, %parallel_loop3A_706] : memref<3x128x128xf32, #tpu.memory_space<vmem>> -> memref<1x128x128xf32, #tpu.memory_space<vmem>>
        %parallel_loop3A_708 = tpu.memref_squeeze %parallel_loop3A_707 : memref<1x128x128xf32, #tpu.memory_space<vmem>> -> memref<128x128xf32, #tpu.memory_space<vmem>>
        %parallel_loop3A_709 = arith.index_cast %parallel_loop3A_682 : i32 to index
        %parallel_loop3A_710 = arith.constant 16 : index
        %parallel_loop3A_711 = tpu.vector_load %parallel_loop3A_708[%parallel_loop3A_709, %parallel_loop3A_710] {strides = array<i32>} : memref<128x128xf32, #tpu.memory_space<vmem>>, vector<16xf32>,
        %parallel_loop3A_712 = arith.mulf %parallel_loop3A_704, %parallel_loop3A_711 : vector<16xf32>
        %parallel_loop3A_713 = arith.constant 0 : i32
        %parallel_loop3A_714 = arith.constant 0 : i32
        %parallel_loop3A_715 = tpu.memref_slice %arg9[%parallel_loop3A_91, %parallel_loop3A_713, %parallel_loop3A_714] : memref<3x128x128xf32, #tpu.memory_space<vmem>> -> memref<1x128x128xf32, #tpu.memory_space<vmem>>
        %parallel_loop3A_716 = tpu.memref_squeeze %parallel_loop3A_715 : memref<1x128x128xf32, #tpu.memory_space<vmem>> -> memref<128x128xf32, #tpu.memory_space<vmem>>
        %parallel_loop3A_717 = arith.index_cast %parallel_loop3A_682 : i32 to index
        %parallel_loop3A_718 = arith.constant 32 : index
        %parallel_loop3A_719 = tpu.vector_load %parallel_loop3A_716[%parallel_loop3A_717, %parallel_loop3A_718] {strides = array<i32>} : memref<128x128xf32, #tpu.memory_space<vmem>>, vector<16xf32>,
        %parallel_loop3A_720 = arith.constant 0 : i32
        %parallel_loop3A_721 = arith.constant 0 : i32
        %parallel_loop3A_722 = tpu.memref_slice %arg10[%parallel_loop3A_92, %parallel_loop3A_720, %parallel_loop3A_721] : memref<3x128x128xf32, #tpu.memory_space<vmem>> -> memref<1x128x128xf32, #tpu.memory_space<vmem>>
        %parallel_loop3A_723 = tpu.memref_squeeze %parallel_loop3A_722 : memref<1x128x128xf32, #tpu.memory_space<vmem>> -> memref<128x128xf32, #tpu.memory_space<vmem>>
        %parallel_loop3A_724 = arith.index_cast %parallel_loop3A_682 : i32 to index
        %parallel_loop3A_725 = arith.constant 32 : index
        %parallel_loop3A_726 = tpu.vector_load %parallel_loop3A_723[%parallel_loop3A_724, %parallel_loop3A_725] {strides = array<i32>} : memref<128x128xf32, #tpu.memory_space<vmem>>, vector<16xf32>,
        %parallel_loop3A_727 = arith.mulf %parallel_loop3A_719, %parallel_loop3A_726 : vector<16xf32>
        %parallel_loop3A_728 = arith.constant 0 : i32
        %parallel_loop3A_729 = arith.constant 0 : i32
        %parallel_loop3A_730 = tpu.memref_slice %arg9[%parallel_loop3A_91, %parallel_loop3A_728, %parallel_loop3A_729] : memref<3x128x128xf32, #tpu.memory_space<vmem>> -> memref<1x128x128xf32, #tpu.memory_space<vmem>>
        %parallel_loop3A_731 = tpu.memref_squeeze %parallel_loop3A_730 : memref<1x128x128xf32, #tpu.memory_space<vmem>> -> memref<128x128xf32, #tpu.memory_space<vmem>>
        %parallel_loop3A_732 = arith.index_cast %parallel_loop3A_682 : i32 to index
        %parallel_loop3A_733 = arith.constant 48 : index
        %parallel_loop3A_734 = tpu.vector_load %parallel_loop3A_731[%parallel_loop3A_732, %parallel_loop3A_733] {strides = array<i32>} : memref<128x128xf32, #tpu.memory_space<vmem>>, vector<16xf32>,
        %parallel_loop3A_735 = arith.constant 0 : i32
        %parallel_loop3A_736 = arith.constant 0 : i32
        %parallel_loop3A_737 = tpu.memref_slice %arg10[%parallel_loop3A_92, %parallel_loop3A_735, %parallel_loop3A_736] : memref<3x128x128xf32, #tpu.memory_space<vmem>> -> memref<1x128x128xf32, #tpu.memory_space<vmem>>
        %parallel_loop3A_738 = tpu.memref_squeeze %parallel_loop3A_737 : memref<1x128x128xf32, #tpu.memory_space<vmem>> -> memref<128x128xf32, #tpu.memory_space<vmem>>
        %parallel_loop3A_739 = arith.index_cast %parallel_loop3A_682 : i32 to index
        %parallel_loop3A_740 = arith.constant 48 : index
        %parallel_loop3A_741 = tpu.vector_load %parallel_loop3A_738[%parallel_loop3A_739, %parallel_loop3A_740] {strides = array<i32>} : memref<128x128xf32, #tpu.memory_space<vmem>>, vector<16xf32>,
        %parallel_loop3A_742 = arith.mulf %parallel_loop3A_734, %parallel_loop3A_741 : vector<16xf32>
        %parallel_loop3A_743 = arith.constant 0 : i32
        %parallel_loop3A_744 = arith.constant 0 : i32
        %parallel_loop3A_745 = tpu.memref_slice %arg9[%parallel_loop3A_91, %parallel_loop3A_743, %parallel_loop3A_744] : memref<3x128x128xf32, #tpu.memory_space<vmem>> -> memref<1x128x128xf32, #tpu.memory_space<vmem>>
        %parallel_loop3A_746 = tpu.memref_squeeze %parallel_loop3A_745 : memref<1x128x128xf32, #tpu.memory_space<vmem>> -> memref<128x128xf32, #tpu.memory_space<vmem>>
        %parallel_loop3A_747 = arith.index_cast %parallel_loop3A_682 : i32 to index
        %parallel_loop3A_748 = arith.constant 64 : index
        %parallel_loop3A_749 = tpu.vector_load %parallel_loop3A_746[%parallel_loop3A_747, %parallel_loop3A_748] {strides = array<i32>} : memref<128x128xf32, #tpu.memory_space<vmem>>, vector<16xf32>,
        %parallel_loop3A_750 = arith.constant 0 : i32
        %parallel_loop3A_751 = arith.constant 0 : i32
        %parallel_loop3A_752 = tpu.memref_slice %arg10[%parallel_loop3A_92, %parallel_loop3A_750, %parallel_loop3A_751] : memref<3x128x128xf32, #tpu.memory_space<vmem>> -> memref<1x128x128xf32, #tpu.memory_space<vmem>>
        %parallel_loop3A_753 = tpu.memref_squeeze %parallel_loop3A_752 : memref<1x128x128xf32, #tpu.memory_space<vmem>> -> memref<128x128xf32, #tpu.memory_space<vmem>>
        %parallel_loop3A_754 = arith.index_cast %parallel_loop3A_682 : i32 to index
        %parallel_loop3A_755 = arith.constant 64 : index
        %parallel_loop3A_756 = tpu.vector_load %parallel_loop3A_753[%parallel_loop3A_754, %parallel_loop3A_755] {strides = array<i32>} : memref<128x128xf32, #tpu.memory_space<vmem>>, vector<16xf32>,
        %parallel_loop3A_757 = arith.mulf %parallel_loop3A_749, %parallel_loop3A_756 : vector<16xf32>
        %parallel_loop3A_758 = arith.constant 0 : i32
        %parallel_loop3A_759 = arith.constant 0 : i32
        %parallel_loop3A_760 = tpu.memref_slice %arg9[%parallel_loop3A_91, %parallel_loop3A_758, %parallel_loop3A_759] : memref<3x128x128xf32, #tpu.memory_space<vmem>> -> memref<1x128x128xf32, #tpu.memory_space<vmem>>
        %parallel_loop3A_761 = tpu.memref_squeeze %parallel_loop3A_760 : memref<1x128x128xf32, #tpu.memory_space<vmem>> -> memref<128x128xf32, #tpu.memory_space<vmem>>
        %parallel_loop3A_762 = arith.index_cast %parallel_loop3A_682 : i32 to index
        %parallel_loop3A_763 = arith.constant 80 : index
        %parallel_loop3A_764 = tpu.vector_load %parallel_loop3A_761[%parallel_loop3A_762, %parallel_loop3A_763] {strides = array<i32>} : memref<128x128xf32, #tpu.memory_space<vmem>>, vector<16xf32>,
        %parallel_loop3A_765 = arith.constant 0 : i32
        %parallel_loop3A_766 = arith.constant 0 : i32
        %parallel_loop3A_767 = tpu.memref_slice %arg10[%parallel_loop3A_92, %parallel_loop3A_765, %parallel_loop3A_766] : memref<3x128x128xf32, #tpu.memory_space<vmem>> -> memref<1x128x128xf32, #tpu.memory_space<vmem>>
        %parallel_loop3A_768 = tpu.memref_squeeze %parallel_loop3A_767 : memref<1x128x128xf32, #tpu.memory_space<vmem>> -> memref<128x128xf32, #tpu.memory_space<vmem>>
        %parallel_loop3A_769 = arith.index_cast %parallel_loop3A_682 : i32 to index
        %parallel_loop3A_770 = arith.constant 80 : index
        %parallel_loop3A_771 = tpu.vector_load %parallel_loop3A_768[%parallel_loop3A_769, %parallel_loop3A_770] {strides = array<i32>} : memref<128x128xf32, #tpu.memory_space<vmem>>, vector<16xf32>,
        %parallel_loop3A_772 = arith.mulf %parallel_loop3A_764, %parallel_loop3A_771 : vector<16xf32>
        %parallel_loop3A_773 = arith.constant 0 : i32
        %parallel_loop3A_774 = arith.constant 0 : i32
        %parallel_loop3A_775 = tpu.memref_slice %arg9[%parallel_loop3A_91, %parallel_loop3A_773, %parallel_loop3A_774] : memref<3x128x128xf32, #tpu.memory_space<vmem>> -> memref<1x128x128xf32, #tpu.memory_space<vmem>>
        %parallel_loop3A_776 = tpu.memref_squeeze %parallel_loop3A_775 : memref<1x128x128xf32, #tpu.memory_space<vmem>> -> memref<128x128xf32, #tpu.memory_space<vmem>>
        %parallel_loop3A_777 = arith.index_cast %parallel_loop3A_682 : i32 to index
        %parallel_loop3A_778 = arith.constant 96 : index
        %parallel_loop3A_779 = tpu.vector_load %parallel_loop3A_776[%parallel_loop3A_777, %parallel_loop3A_778] {strides = array<i32>} : memref<128x128xf32, #tpu.memory_space<vmem>>, vector<16xf32>,
        %parallel_loop3A_780 = arith.constant 0 : i32
        %parallel_loop3A_781 = arith.constant 0 : i32
        %parallel_loop3A_782 = tpu.memref_slice %arg10[%parallel_loop3A_92, %parallel_loop3A_780, %parallel_loop3A_781] : memref<3x128x128xf32, #tpu.memory_space<vmem>> -> memref<1x128x128xf32, #tpu.memory_space<vmem>>
        %parallel_loop3A_783 = tpu.memref_squeeze %parallel_loop3A_782 : memref<1x128x128xf32, #tpu.memory_space<vmem>> -> memref<128x128xf32, #tpu.memory_space<vmem>>
        %parallel_loop3A_784 = arith.index_cast %parallel_loop3A_682 : i32 to index
        %parallel_loop3A_785 = arith.constant 96 : index
        %parallel_loop3A_786 = tpu.vector_load %parallel_loop3A_783[%parallel_loop3A_784, %parallel_loop3A_785] {strides = array<i32>} : memref<128x128xf32, #tpu.memory_space<vmem>>, vector<16xf32>,
        %parallel_loop3A_787 = arith.mulf %parallel_loop3A_779, %parallel_loop3A_786 : vector<16xf32>
        %parallel_loop3A_788 = arith.constant 0 : i32
        %parallel_loop3A_789 = arith.constant 0 : i32
        %parallel_loop3A_790 = tpu.memref_slice %arg9[%parallel_loop3A_91, %parallel_loop3A_788, %parallel_loop3A_789] : memref<3x128x128xf32, #tpu.memory_space<vmem>> -> memref<1x128x128xf32, #tpu.memory_space<vmem>>
        %parallel_loop3A_791 = tpu.memref_squeeze %parallel_loop3A_790 : memref<1x128x128xf32, #tpu.memory_space<vmem>> -> memref<128x128xf32, #tpu.memory_space<vmem>>
        %parallel_loop3A_792 = arith.index_cast %parallel_loop3A_682 : i32 to index
        %parallel_loop3A_793 = arith.constant 112 : index
        %parallel_loop3A_794 = tpu.vector_load %parallel_loop3A_791[%parallel_loop3A_792, %parallel_loop3A_793] {strides = array<i32>} : memref<128x128xf32, #tpu.memory_space<vmem>>, vector<16xf32>,
        %parallel_loop3A_795 = arith.constant 0 : i32
        %parallel_loop3A_796 = arith.constant 0 : i32
        %parallel_loop3A_797 = tpu.memref_slice %arg10[%parallel_loop3A_92, %parallel_loop3A_795, %parallel_loop3A_796] : memref<3x128x128xf32, #tpu.memory_space<vmem>> -> memref<1x128x128xf32, #tpu.memory_space<vmem>>
        %parallel_loop3A_798 = tpu.memref_squeeze %parallel_loop3A_797 : memref<1x128x128xf32, #tpu.memory_space<vmem>> -> memref<128x128xf32, #tpu.memory_space<vmem>>
        %parallel_loop3A_799 = arith.index_cast %parallel_loop3A_682 : i32 to index
        %parallel_loop3A_800 = arith.constant 112 : index
        %parallel_loop3A_801 = tpu.vector_load %parallel_loop3A_798[%parallel_loop3A_799, %parallel_loop3A_800] {strides = array<i32>} : memref<128x128xf32, #tpu.memory_space<vmem>>, vector<16xf32>,
        %parallel_loop3A_802 = arith.mulf %parallel_loop3A_794, %parallel_loop3A_801 : vector<16xf32>
        %parallel_loop3A_803 = arith.addf %parallel_loop3A_697, %parallel_loop3A_712 : vector<16xf32>
        %parallel_loop3A_804 = arith.addf %parallel_loop3A_727, %parallel_loop3A_742 : vector<16xf32>
        %parallel_loop3A_805 = arith.addf %parallel_loop3A_757, %parallel_loop3A_772 : vector<16xf32>
        %parallel_loop3A_806 = arith.addf %parallel_loop3A_787, %parallel_loop3A_802 : vector<16xf32>
        %parallel_loop3A_807 = arith.addf %parallel_loop3A_803, %parallel_loop3A_804 : vector<16xf32>
        %parallel_loop3A_808 = arith.addf %parallel_loop3A_805, %parallel_loop3A_806 : vector<16xf32>
        %parallel_loop3A_809 = arith.addf %parallel_loop3A_807, %parallel_loop3A_808 : vector<16xf32>
        %parallel_loop3A_810 = arith.constant true
        %parallel_loop3A_811 = vector.broadcast %parallel_loop3A_810 : i1 to vector<16xi1>
        %parallel_loop3A_812 = tpu.scan <sum>, %parallel_loop3A_809 masked %parallel_loop3A_811 : vector<16xf32>, vector<16xi1> -> vector<16xf32>
        %parallel_loop3A_813 = vector.extract %parallel_loop3A_812[15] : f32 from vector<16xf32>
        %parallel_loop3A_814 = vector.broadcast %parallel_loop3A_679 : i32 to vector<16xi32>
        %parallel_loop3A_815 = arith.cmpi eq, %iota3A, %parallel_loop3A_814 : vector<16xi32>
        %parallel_loop3A_816 = vector.broadcast %parallel_loop3A_813 : f32 to vector<16xf32>
        %parallel_loop3A_817 = arith.select %parallel_loop3A_815, %parallel_loop3A_816, %parallel_loop3A_677 : vector<16xi1>, vector<16xf32>
        scf.yield %parallel_loop3A_817 : vector<16xf32>
      }
      %parallel_loop3A_252 = arith.constant 16 : i32
      %parallel_loop3A_253 = arith.constant 16 : i32
      %parallel_loop3A_254 = arith.muli %parallel_loop3A_244, %parallel_loop3A_253 : i32
      %parallel_loop3A_255 = arith.constant 0 : i32
      %parallel_loop3A_256 = arith.addi %parallel_loop3A_255, %parallel_loop3A_254 : i32
      %parallel_loop3A_257 = arith.index_cast %parallel_loop3A_256 : i32 to index
      %parallel_loop3A_258 = tpu.vector_load %arg11[%parallel_loop3A_257] {strides = array<i32>} : memref<512xf32, #tpu.memory_space<vmem>>, vector<16xf32>,
      tpu.vector_store %arg11[%parallel_loop3A_257], %parallel_loop3A_251 {strides = array<i32>} : memref<512xf32, #tpu.memory_space<vmem>>, vector<16xf32>,
    } {sc.loop_unroll_factor = 1 : i64, sc.parallel_access}
    %add3A_93 = arith.constant 0 : i32
    %add3A_94 = arith.addi %mul3A_2, %add3A_93 : i32
    %dma_start3A_95 = arith.constant 0 : i32
    %dma_start3A_96 = tpu.memref_slice %arg11[%dma_start3A_95] : memref<512xf32, #tpu.memory_space<vmem>> -> memref<128xf32, #tpu.memory_space<vmem>>
    %dma_start3A_97 = tpu.memref_slice %arg6[%add3A_94] : memref<16384xf32, #tpu.memory_space<hbm>> -> memref<128xf32, #tpu.memory_space<hbm>>
    %dma_start3A_98 = tpu.memref_slice %arg6[%add3A_94] : memref<16384xf32, #tpu.memory_space<hbm>> -> memref<128xf32, #tpu.memory_space<hbm>>
    %dma_start3A_99 = arith.constant 0 : i32
    %dma_start3A_100 = tpu.memref_slice %arg11[%dma_start3A_99] : memref<512xf32, #tpu.memory_space<vmem>> -> memref<128xf32, #tpu.memory_space<vmem>>
    tpu.enqueue_dma source(%dma_start3A_100 : memref<128xf32, #tpu.memory_space<vmem>>) target(%dma_start3A_98 : memref<128xf32, #tpu.memory_space<hbm>>) target_semaphore(%arg15 : memref<!tpu.dma_semaphore, #tpu.memory_space<semaphore_mem>>)
    %dma_start3A_101 = arith.constant 0 : i32
    %dma_start3A_102 = arith.constant 0 : i32
    %dma_start3A_103 = arith.constant 0 : i32
    %dma_start3A_104 = tpu.memref_slice %arg9[%dma_start3A_101, %dma_start3A_102, %dma_start3A_103] : memref<3x128x128xf32, #tpu.memory_space<vmem>> -> memref<1x128x128xf32, #tpu.memory_space<vmem>>
    %dma_start3A_105 = tpu.memref_squeeze %dma_start3A_104 : memref<1x128x128xf32, #tpu.memory_space<vmem>> -> memref<128x128xf32, #tpu.memory_space<vmem>>
    %dma_start3A_106 = arith.constant 384 : i32
    %dma_start3A_107 = tpu.memref_slice %arg7[%dma_start3A_106] : memref<512xi32, #tpu.memory_space<vmem>> -> memref<128xi32, #tpu.memory_space<vmem>>
    %dma_start3A_108 = arith.constant 0 : i32
    %dma_start3A_109 = arith.constant 0 : i32
    %dma_start3A_110 = tpu.memref_slice %arg4[%dma_start3A_108, %dma_start3A_109] : memref<100000x128xf32, #tpu.memory_space<hbm>> -> memref<100000x128xf32, #tpu.memory_space<hbm>>
    tpu.enqueue_indirect_dma source(%dma_start3A_110 : memref<100000x128xf32, #tpu.memory_space<hbm>>) target(%dma_start3A_105 : memref<128x128xf32, #tpu.memory_space<vmem>>) offsets(%dma_start3A_107 : memref<128xi32, #tpu.memory_space<vmem>>) semaphore(%arg12 : memref<!tpu.dma_semaphore, #tpu.memory_space<semaphore_mem>>)
    %dma_start3A_111 = arith.constant 0 : i32
    %dma_start3A_112 = arith.constant 0 : i32
    %dma_start3A_113 = arith.constant 0 : i32
    %dma_start3A_114 = tpu.memref_slice %arg10[%dma_start3A_111, %dma_start3A_112, %dma_start3A_113] : memref<3x128x128xf32, #tpu.memory_space<vmem>> -> memref<1x128x128xf32, #tpu.memory_space<vmem>>
    %dma_start3A_115 = tpu.memref_squeeze %dma_start3A_114 : memref<1x128x128xf32, #tpu.memory_space<vmem>> -> memref<128x128xf32, #tpu.memory_space<vmem>>
    %dma_start3A_116 = arith.constant 384 : i32
    %dma_start3A_117 = tpu.memref_slice %arg8[%dma_start3A_116] : memref<512xi32, #tpu.memory_space<vmem>> -> memref<128xi32, #tpu.memory_space<vmem>>
    %dma_start3A_118 = arith.constant 0 : i32
    %dma_start3A_119 = arith.constant 0 : i32
    %dma_start3A_120 = tpu.memref_slice %arg5[%dma_start3A_118, %dma_start3A_119] : memref<100000x128xf32, #tpu.memory_space<hbm>> -> memref<100000x128xf32, #tpu.memory_space<hbm>>
    tpu.enqueue_indirect_dma source(%dma_start3A_120 : memref<100000x128xf32, #tpu.memory_space<hbm>>) target(%dma_start3A_115 : memref<128x128xf32, #tpu.memory_space<vmem>>) offsets(%dma_start3A_117 : memref<128xi32, #tpu.memory_space<vmem>>) semaphore(%arg12 : memref<!tpu.dma_semaphore, #tpu.memory_space<semaphore_mem>>)
    %dma_wait3A_121 = arith.constant 1 : i32
    %dma_wait3A_122 = arith.constant 0 : i32
    %dma_wait3A_123 = arith.constant 0 : i32
    %dma_wait3A_124 = tpu.memref_slice %arg9[%dma_wait3A_121, %dma_wait3A_122, %dma_wait3A_123] : memref<3x128x128xf32, #tpu.memory_space<vmem>> -> memref<1x128x128xf32, #tpu.memory_space<vmem>>
    %dma_wait3A_125 = tpu.memref_squeeze %dma_wait3A_124 : memref<1x128x128xf32, #tpu.memory_space<vmem>> -> memref<128x128xf32, #tpu.memory_space<vmem>>
    %dma_wait3A_126 = arith.constant 128 : i32
    %dma_wait3A_127 = tpu.memref_slice %arg7[%dma_wait3A_126] : memref<512xi32, #tpu.memory_space<vmem>> -> memref<128xi32, #tpu.memory_space<vmem>>
    %dma_wait3A_128 = arith.constant 0 : i32
    %dma_wait3A_129 = arith.constant 0 : i32
    %dma_wait3A_130 = tpu.memref_slice %arg4[%dma_wait3A_128, %dma_wait3A_129] : memref<100000x128xf32, #tpu.memory_space<hbm>> -> memref<100000x128xf32, #tpu.memory_space<hbm>>
    tpu.wait_indirect_dma semaphore(%arg13 : memref<!tpu.dma_semaphore, #tpu.memory_space<semaphore_mem>>) src(%dma_wait3A_130 : memref<100000x128xf32, #tpu.memory_space<hbm>>) dst(%dma_wait3A_125 : memref<128x128xf32, #tpu.memory_space<vmem>>)
    %dma_wait3A_131 = arith.constant 1 : i32
    %dma_wait3A_132 = arith.constant 0 : i32
    %dma_wait3A_133 = arith.constant 0 : i32
    %dma_wait3A_134 = tpu.memref_slice %arg10[%dma_wait3A_131, %dma_wait3A_132, %dma_wait3A_133] : memref<3x128x128xf32, #tpu.memory_space<vmem>> -> memref<1x128x128xf32, #tpu.memory_space<vmem>>
    %dma_wait3A_135 = tpu.memref_squeeze %dma_wait3A_134 : memref<1x128x128xf32, #tpu.memory_space<vmem>> -> memref<128x128xf32, #tpu.memory_space<vmem>>
    %dma_wait3A_136 = arith.constant 128 : i32
    %dma_wait3A_137 = tpu.memref_slice %arg8[%dma_wait3A_136] : memref<512xi32, #tpu.memory_space<vmem>> -> memref<128xi32, #tpu.memory_space<vmem>>
    %dma_wait3A_138 = arith.constant 0 : i32
    %dma_wait3A_139 = arith.constant 0 : i32
    %dma_wait3A_140 = tpu.memref_slice %arg5[%dma_wait3A_138, %dma_wait3A_139] : memref<100000x128xf32, #tpu.memory_space<hbm>> -> memref<100000x128xf32, #tpu.memory_space<hbm>>
    tpu.wait_indirect_dma semaphore(%arg13 : memref<!tpu.dma_semaphore, #tpu.memory_space<semaphore_mem>>) src(%dma_wait3A_140 : memref<100000x128xf32, #tpu.memory_space<hbm>>) dst(%dma_wait3A_135 : memref<128x128xf32, #tpu.memory_space<vmem>>)
    %parallel_loop3A_141 = arith.constant 0 : i32
    %parallel_loop3A_142 = arith.constant 8 : i32
    %parallel_loop3A_143 = arith.constant 1 : i32
    %parallel_loop3A_144 = arith.constant 1 : i32
    %parallel_loop3A_145 = arith.constant 1 : i32
    scf.for %parallel_loop3A_244 = %parallel_loop3A_141 to %parallel_loop3A_142 step %parallel_loop3A_143  : i32 {
      %parallel_loop3A_245 = arith.constant 0.000000e+00 : f32
      %parallel_loop3A_246 = vector.broadcast %parallel_loop3A_245 : f32 to vector<16xf32>
      %parallel_loop3A_247 = arith.constant 0 : i32
      %parallel_loop3A_248 = arith.constant 16 : i32
      %parallel_loop3A_249 = arith.addi %parallel_loop3A_247, %parallel_loop3A_248 : i32
      %parallel_loop3A_250 = arith.constant 4 : i32
      %parallel_loop3A_251 = scf.for %scan3A = %parallel_loop3A_247 to %parallel_loop3A_249 step %parallel_loop3A_250 iter_args(%scan3A_259 = %parallel_loop3A_246) -> (vector<16xf32>)  : i32 {
        %parallel_loop3A_260 = arith.constant 16 : i32
        %parallel_loop3A_261 = arith.muli %parallel_loop3A_244, %parallel_loop3A_260 : i32
        %parallel_loop3A_262 = arith.addi %parallel_loop3A_261, %scan3A : i32
        %parallel_loop3A_263 = arith.constant 0 : i32
        %parallel_loop3A_264 = arith.constant 0 : i32
        %parallel_loop3A_265 = tpu.memref_slice %arg9[%parallel_loop3A_144, %parallel_loop3A_263, %parallel_loop3A_264] : memref<3x128x128xf32, #tpu.memory_space<vmem>> -> memref<1x128x128xf32, #tpu.memory_space<vmem>>
        %parallel_loop3A_266 = tpu.memref_squeeze %parallel_loop3A_265 : memref<1x128x128xf32, #tpu.memory_space<vmem>> -> memref<128x128xf32, #tpu.memory_space<vmem>>
        %parallel_loop3A_267 = arith.index_cast %parallel_loop3A_262 : i32 to index
        %parallel_loop3A_268 = arith.constant 0 : index
        %parallel_loop3A_269 = tpu.vector_load %parallel_loop3A_266[%parallel_loop3A_267, %parallel_loop3A_268] {strides = array<i32>} : memref<128x128xf32, #tpu.memory_space<vmem>>, vector<16xf32>,
        %parallel_loop3A_270 = arith.constant 0 : i32
        %parallel_loop3A_271 = arith.constant 0 : i32
        %parallel_loop3A_272 = tpu.memref_slice %arg10[%parallel_loop3A_145, %parallel_loop3A_270, %parallel_loop3A_271] : memref<3x128x128xf32, #tpu.memory_space<vmem>> -> memref<1x128x128xf32, #tpu.memory_space<vmem>>
        %parallel_loop3A_273 = tpu.memref_squeeze %parallel_loop3A_272 : memref<1x128x128xf32, #tpu.memory_space<vmem>> -> memref<128x128xf32, #tpu.memory_space<vmem>>
        %parallel_loop3A_274 = arith.index_cast %parallel_loop3A_262 : i32 to index
        %parallel_loop3A_275 = arith.constant 0 : index
        %parallel_loop3A_276 = tpu.vector_load %parallel_loop3A_273[%parallel_loop3A_274, %parallel_loop3A_275] {strides = array<i32>} : memref<128x128xf32, #tpu.memory_space<vmem>>, vector<16xf32>,
        %parallel_loop3A_277 = arith.mulf %parallel_loop3A_269, %parallel_loop3A_276 : vector<16xf32>
        %parallel_loop3A_278 = arith.constant 0 : i32
        %parallel_loop3A_279 = arith.constant 0 : i32
        %parallel_loop3A_280 = tpu.memref_slice %arg9[%parallel_loop3A_144, %parallel_loop3A_278, %parallel_loop3A_279] : memref<3x128x128xf32, #tpu.memory_space<vmem>> -> memref<1x128x128xf32, #tpu.memory_space<vmem>>
        %parallel_loop3A_281 = tpu.memref_squeeze %parallel_loop3A_280 : memref<1x128x128xf32, #tpu.memory_space<vmem>> -> memref<128x128xf32, #tpu.memory_space<vmem>>
        %parallel_loop3A_282 = arith.index_cast %parallel_loop3A_262 : i32 to index
        %parallel_loop3A_283 = arith.constant 16 : index
        %parallel_loop3A_284 = tpu.vector_load %parallel_loop3A_281[%parallel_loop3A_282, %parallel_loop3A_283] {strides = array<i32>} : memref<128x128xf32, #tpu.memory_space<vmem>>, vector<16xf32>,
        %parallel_loop3A_285 = arith.constant 0 : i32
        %parallel_loop3A_286 = arith.constant 0 : i32
        %parallel_loop3A_287 = tpu.memref_slice %arg10[%parallel_loop3A_145, %parallel_loop3A_285, %parallel_loop3A_286] : memref<3x128x128xf32, #tpu.memory_space<vmem>> -> memref<1x128x128xf32, #tpu.memory_space<vmem>>
        %parallel_loop3A_288 = tpu.memref_squeeze %parallel_loop3A_287 : memref<1x128x128xf32, #tpu.memory_space<vmem>> -> memref<128x128xf32, #tpu.memory_space<vmem>>
        %parallel_loop3A_289 = arith.index_cast %parallel_loop3A_262 : i32 to index
        %parallel_loop3A_290 = arith.constant 16 : index
        %parallel_loop3A_291 = tpu.vector_load %parallel_loop3A_288[%parallel_loop3A_289, %parallel_loop3A_290] {strides = array<i32>} : memref<128x128xf32, #tpu.memory_space<vmem>>, vector<16xf32>,
        %parallel_loop3A_292 = arith.mulf %parallel_loop3A_284, %parallel_loop3A_291 : vector<16xf32>
        %parallel_loop3A_293 = arith.constant 0 : i32
        %parallel_loop3A_294 = arith.constant 0 : i32
        %parallel_loop3A_295 = tpu.memref_slice %arg9[%parallel_loop3A_144, %parallel_loop3A_293, %parallel_loop3A_294] : memref<3x128x128xf32, #tpu.memory_space<vmem>> -> memref<1x128x128xf32, #tpu.memory_space<vmem>>
        %parallel_loop3A_296 = tpu.memref_squeeze %parallel_loop3A_295 : memref<1x128x128xf32, #tpu.memory_space<vmem>> -> memref<128x128xf32, #tpu.memory_space<vmem>>
        %parallel_loop3A_297 = arith.index_cast %parallel_loop3A_262 : i32 to index
        %parallel_loop3A_298 = arith.constant 32 : index
        %parallel_loop3A_299 = tpu.vector_load %parallel_loop3A_296[%parallel_loop3A_297, %parallel_loop3A_298] {strides = array<i32>} : memref<128x128xf32, #tpu.memory_space<vmem>>, vector<16xf32>,
        %parallel_loop3A_300 = arith.constant 0 : i32
        %parallel_loop3A_301 = arith.constant 0 : i32
        %parallel_loop3A_302 = tpu.memref_slice %arg10[%parallel_loop3A_145, %parallel_loop3A_300, %parallel_loop3A_301] : memref<3x128x128xf32, #tpu.memory_space<vmem>> -> memref<1x128x128xf32, #tpu.memory_space<vmem>>
        %parallel_loop3A_303 = tpu.memref_squeeze %parallel_loop3A_302 : memref<1x128x128xf32, #tpu.memory_space<vmem>> -> memref<128x128xf32, #tpu.memory_space<vmem>>
        %parallel_loop3A_304 = arith.index_cast %parallel_loop3A_262 : i32 to index
        %parallel_loop3A_305 = arith.constant 32 : index
        %parallel_loop3A_306 = tpu.vector_load %parallel_loop3A_303[%parallel_loop3A_304, %parallel_loop3A_305] {strides = array<i32>} : memref<128x128xf32, #tpu.memory_space<vmem>>, vector<16xf32>,
        %parallel_loop3A_307 = arith.mulf %parallel_loop3A_299, %parallel_loop3A_306 : vector<16xf32>
        %parallel_loop3A_308 = arith.constant 0 : i32
        %parallel_loop3A_309 = arith.constant 0 : i32
        %parallel_loop3A_310 = tpu.memref_slice %arg9[%parallel_loop3A_144, %parallel_loop3A_308, %parallel_loop3A_309] : memref<3x128x128xf32, #tpu.memory_space<vmem>> -> memref<1x128x128xf32, #tpu.memory_space<vmem>>
        %parallel_loop3A_311 = tpu.memref_squeeze %parallel_loop3A_310 : memref<1x128x128xf32, #tpu.memory_space<vmem>> -> memref<128x128xf32, #tpu.memory_space<vmem>>
        %parallel_loop3A_312 = arith.index_cast %parallel_loop3A_262 : i32 to index
        %parallel_loop3A_313 = arith.constant 48 : index
        %parallel_loop3A_314 = tpu.vector_load %parallel_loop3A_311[%parallel_loop3A_312, %parallel_loop3A_313] {strides = array<i32>} : memref<128x128xf32, #tpu.memory_space<vmem>>, vector<16xf32>,
        %parallel_loop3A_315 = arith.constant 0 : i32
        %parallel_loop3A_316 = arith.constant 0 : i32
        %parallel_loop3A_317 = tpu.memref_slice %arg10[%parallel_loop3A_145, %parallel_loop3A_315, %parallel_loop3A_316] : memref<3x128x128xf32, #tpu.memory_space<vmem>> -> memref<1x128x128xf32, #tpu.memory_space<vmem>>
        %parallel_loop3A_318 = tpu.memref_squeeze %parallel_loop3A_317 : memref<1x128x128xf32, #tpu.memory_space<vmem>> -> memref<128x128xf32, #tpu.memory_space<vmem>>
        %parallel_loop3A_319 = arith.index_cast %parallel_loop3A_262 : i32 to index
        %parallel_loop3A_320 = arith.constant 48 : index
        %parallel_loop3A_321 = tpu.vector_load %parallel_loop3A_318[%parallel_loop3A_319, %parallel_loop3A_320] {strides = array<i32>} : memref<128x128xf32, #tpu.memory_space<vmem>>, vector<16xf32>,
        %parallel_loop3A_322 = arith.mulf %parallel_loop3A_314, %parallel_loop3A_321 : vector<16xf32>
        %parallel_loop3A_323 = arith.constant 0 : i32
        %parallel_loop3A_324 = arith.constant 0 : i32
        %parallel_loop3A_325 = tpu.memref_slice %arg9[%parallel_loop3A_144, %parallel_loop3A_323, %parallel_loop3A_324] : memref<3x128x128xf32, #tpu.memory_space<vmem>> -> memref<1x128x128xf32, #tpu.memory_space<vmem>>
        %parallel_loop3A_326 = tpu.memref_squeeze %parallel_loop3A_325 : memref<1x128x128xf32, #tpu.memory_space<vmem>> -> memref<128x128xf32, #tpu.memory_space<vmem>>
        %parallel_loop3A_327 = arith.index_cast %parallel_loop3A_262 : i32 to index
        %parallel_loop3A_328 = arith.constant 64 : index
        %parallel_loop3A_329 = tpu.vector_load %parallel_loop3A_326[%parallel_loop3A_327, %parallel_loop3A_328] {strides = array<i32>} : memref<128x128xf32, #tpu.memory_space<vmem>>, vector<16xf32>,
        %parallel_loop3A_330 = arith.constant 0 : i32
        %parallel_loop3A_331 = arith.constant 0 : i32
        %parallel_loop3A_332 = tpu.memref_slice %arg10[%parallel_loop3A_145, %parallel_loop3A_330, %parallel_loop3A_331] : memref<3x128x128xf32, #tpu.memory_space<vmem>> -> memref<1x128x128xf32, #tpu.memory_space<vmem>>
        %parallel_loop3A_333 = tpu.memref_squeeze %parallel_loop3A_332 : memref<1x128x128xf32, #tpu.memory_space<vmem>> -> memref<128x128xf32, #tpu.memory_space<vmem>>
        %parallel_loop3A_334 = arith.index_cast %parallel_loop3A_262 : i32 to index
        %parallel_loop3A_335 = arith.constant 64 : index
        %parallel_loop3A_336 = tpu.vector_load %parallel_loop3A_333[%parallel_loop3A_334, %parallel_loop3A_335] {strides = array<i32>} : memref<128x128xf32, #tpu.memory_space<vmem>>, vector<16xf32>,
        %parallel_loop3A_337 = arith.mulf %parallel_loop3A_329, %parallel_loop3A_336 : vector<16xf32>
        %parallel_loop3A_338 = arith.constant 0 : i32
        %parallel_loop3A_339 = arith.constant 0 : i32
        %parallel_loop3A_340 = tpu.memref_slice %arg9[%parallel_loop3A_144, %parallel_loop3A_338, %parallel_loop3A_339] : memref<3x128x128xf32, #tpu.memory_space<vmem>> -> memref<1x128x128xf32, #tpu.memory_space<vmem>>
        %parallel_loop3A_341 = tpu.memref_squeeze %parallel_loop3A_340 : memref<1x128x128xf32, #tpu.memory_space<vmem>> -> memref<128x128xf32, #tpu.memory_space<vmem>>
        %parallel_loop3A_342 = arith.index_cast %parallel_loop3A_262 : i32 to index
        %parallel_loop3A_343 = arith.constant 80 : index
        %parallel_loop3A_344 = tpu.vector_load %parallel_loop3A_341[%parallel_loop3A_342, %parallel_loop3A_343] {strides = array<i32>} : memref<128x128xf32, #tpu.memory_space<vmem>>, vector<16xf32>,
        %parallel_loop3A_345 = arith.constant 0 : i32
        %parallel_loop3A_346 = arith.constant 0 : i32
        %parallel_loop3A_347 = tpu.memref_slice %arg10[%parallel_loop3A_145, %parallel_loop3A_345, %parallel_loop3A_346] : memref<3x128x128xf32, #tpu.memory_space<vmem>> -> memref<1x128x128xf32, #tpu.memory_space<vmem>>
        %parallel_loop3A_348 = tpu.memref_squeeze %parallel_loop3A_347 : memref<1x128x128xf32, #tpu.memory_space<vmem>> -> memref<128x128xf32, #tpu.memory_space<vmem>>
        %parallel_loop3A_349 = arith.index_cast %parallel_loop3A_262 : i32 to index
        %parallel_loop3A_350 = arith.constant 80 : index
        %parallel_loop3A_351 = tpu.vector_load %parallel_loop3A_348[%parallel_loop3A_349, %parallel_loop3A_350] {strides = array<i32>} : memref<128x128xf32, #tpu.memory_space<vmem>>, vector<16xf32>,
        %parallel_loop3A_352 = arith.mulf %parallel_loop3A_344, %parallel_loop3A_351 : vector<16xf32>
        %parallel_loop3A_353 = arith.constant 0 : i32
        %parallel_loop3A_354 = arith.constant 0 : i32
        %parallel_loop3A_355 = tpu.memref_slice %arg9[%parallel_loop3A_144, %parallel_loop3A_353, %parallel_loop3A_354] : memref<3x128x128xf32, #tpu.memory_space<vmem>> -> memref<1x128x128xf32, #tpu.memory_space<vmem>>
        %parallel_loop3A_356 = tpu.memref_squeeze %parallel_loop3A_355 : memref<1x128x128xf32, #tpu.memory_space<vmem>> -> memref<128x128xf32, #tpu.memory_space<vmem>>
        %parallel_loop3A_357 = arith.index_cast %parallel_loop3A_262 : i32 to index
        %parallel_loop3A_358 = arith.constant 96 : index
        %parallel_loop3A_359 = tpu.vector_load %parallel_loop3A_356[%parallel_loop3A_357, %parallel_loop3A_358] {strides = array<i32>} : memref<128x128xf32, #tpu.memory_space<vmem>>, vector<16xf32>,
        %parallel_loop3A_360 = arith.constant 0 : i32
        %parallel_loop3A_361 = arith.constant 0 : i32
        %parallel_loop3A_362 = tpu.memref_slice %arg10[%parallel_loop3A_145, %parallel_loop3A_360, %parallel_loop3A_361] : memref<3x128x128xf32, #tpu.memory_space<vmem>> -> memref<1x128x128xf32, #tpu.memory_space<vmem>>
        %parallel_loop3A_363 = tpu.memref_squeeze %parallel_loop3A_362 : memref<1x128x128xf32, #tpu.memory_space<vmem>> -> memref<128x128xf32, #tpu.memory_space<vmem>>
        %parallel_loop3A_364 = arith.index_cast %parallel_loop3A_262 : i32 to index
        %parallel_loop3A_365 = arith.constant 96 : index
        %parallel_loop3A_366 = tpu.vector_load %parallel_loop3A_363[%parallel_loop3A_364, %parallel_loop3A_365] {strides = array<i32>} : memref<128x128xf32, #tpu.memory_space<vmem>>, vector<16xf32>,
        %parallel_loop3A_367 = arith.mulf %parallel_loop3A_359, %parallel_loop3A_366 : vector<16xf32>
        %parallel_loop3A_368 = arith.constant 0 : i32
        %parallel_loop3A_369 = arith.constant 0 : i32
        %parallel_loop3A_370 = tpu.memref_slice %arg9[%parallel_loop3A_144, %parallel_loop3A_368, %parallel_loop3A_369] : memref<3x128x128xf32, #tpu.memory_space<vmem>> -> memref<1x128x128xf32, #tpu.memory_space<vmem>>
        %parallel_loop3A_371 = tpu.memref_squeeze %parallel_loop3A_370 : memref<1x128x128xf32, #tpu.memory_space<vmem>> -> memref<128x128xf32, #tpu.memory_space<vmem>>
        %parallel_loop3A_372 = arith.index_cast %parallel_loop3A_262 : i32 to index
        %parallel_loop3A_373 = arith.constant 112 : index
        %parallel_loop3A_374 = tpu.vector_load %parallel_loop3A_371[%parallel_loop3A_372, %parallel_loop3A_373] {strides = array<i32>} : memref<128x128xf32, #tpu.memory_space<vmem>>, vector<16xf32>,
        %parallel_loop3A_375 = arith.constant 0 : i32
        %parallel_loop3A_376 = arith.constant 0 : i32
        %parallel_loop3A_377 = tpu.memref_slice %arg10[%parallel_loop3A_145, %parallel_loop3A_375, %parallel_loop3A_376] : memref<3x128x128xf32, #tpu.memory_space<vmem>> -> memref<1x128x128xf32, #tpu.memory_space<vmem>>
        %parallel_loop3A_378 = tpu.memref_squeeze %parallel_loop3A_377 : memref<1x128x128xf32, #tpu.memory_space<vmem>> -> memref<128x128xf32, #tpu.memory_space<vmem>>
        %parallel_loop3A_379 = arith.index_cast %parallel_loop3A_262 : i32 to index
        %parallel_loop3A_380 = arith.constant 112 : index
        %parallel_loop3A_381 = tpu.vector_load %parallel_loop3A_378[%parallel_loop3A_379, %parallel_loop3A_380] {strides = array<i32>} : memref<128x128xf32, #tpu.memory_space<vmem>>, vector<16xf32>,
        %parallel_loop3A_382 = arith.mulf %parallel_loop3A_374, %parallel_loop3A_381 : vector<16xf32>
        %parallel_loop3A_383 = arith.addf %parallel_loop3A_277, %parallel_loop3A_292 : vector<16xf32>
        %parallel_loop3A_384 = arith.addf %parallel_loop3A_307, %parallel_loop3A_322 : vector<16xf32>
        %parallel_loop3A_385 = arith.addf %parallel_loop3A_337, %parallel_loop3A_352 : vector<16xf32>
        %parallel_loop3A_386 = arith.addf %parallel_loop3A_367, %parallel_loop3A_382 : vector<16xf32>
        %parallel_loop3A_387 = arith.addf %parallel_loop3A_383, %parallel_loop3A_384 : vector<16xf32>
        %parallel_loop3A_388 = arith.addf %parallel_loop3A_385, %parallel_loop3A_386 : vector<16xf32>
        %parallel_loop3A_389 = arith.addf %parallel_loop3A_387, %parallel_loop3A_388 : vector<16xf32>
        %parallel_loop3A_390 = arith.constant true
        %parallel_loop3A_391 = vector.broadcast %parallel_loop3A_390 : i1 to vector<16xi1>
        %parallel_loop3A_392 = tpu.scan <sum>, %parallel_loop3A_389 masked %parallel_loop3A_391 : vector<16xf32>, vector<16xi1> -> vector<16xf32>
        %parallel_loop3A_393 = vector.extract %parallel_loop3A_392[15] : f32 from vector<16xf32>
        %parallel_loop3A_394 = vector.broadcast %scan3A : i32 to vector<16xi32>
        %parallel_loop3A_395 = arith.cmpi eq, %iota3A, %parallel_loop3A_394 : vector<16xi32>
        %parallel_loop3A_396 = vector.broadcast %parallel_loop3A_393 : f32 to vector<16xf32>
        %parallel_loop3A_397 = arith.select %parallel_loop3A_395, %parallel_loop3A_396, %scan3A_259 : vector<16xi1>, vector<16xf32>
        %parallel_loop3A_398 = arith.constant 1 : i32
        %parallel_loop3A_399 = arith.addi %scan3A, %parallel_loop3A_398 : i32
        %parallel_loop3A_400 = arith.constant 16 : i32
        %parallel_loop3A_401 = arith.muli %parallel_loop3A_244, %parallel_loop3A_400 : i32
        %parallel_loop3A_402 = arith.addi %parallel_loop3A_401, %parallel_loop3A_399 : i32
        %parallel_loop3A_403 = arith.constant 0 : i32
        %parallel_loop3A_404 = arith.constant 0 : i32
        %parallel_loop3A_405 = tpu.memref_slice %arg9[%parallel_loop3A_144, %parallel_loop3A_403, %parallel_loop3A_404] : memref<3x128x128xf32, #tpu.memory_space<vmem>> -> memref<1x128x128xf32, #tpu.memory_space<vmem>>
        %parallel_loop3A_406 = tpu.memref_squeeze %parallel_loop3A_405 : memref<1x128x128xf32, #tpu.memory_space<vmem>> -> memref<128x128xf32, #tpu.memory_space<vmem>>
        %parallel_loop3A_407 = arith.index_cast %parallel_loop3A_402 : i32 to index
        %parallel_loop3A_408 = arith.constant 0 : index
        %parallel_loop3A_409 = tpu.vector_load %parallel_loop3A_406[%parallel_loop3A_407, %parallel_loop3A_408] {strides = array<i32>} : memref<128x128xf32, #tpu.memory_space<vmem>>, vector<16xf32>,
        %parallel_loop3A_410 = arith.constant 0 : i32
        %parallel_loop3A_411 = arith.constant 0 : i32
        %parallel_loop3A_412 = tpu.memref_slice %arg10[%parallel_loop3A_145, %parallel_loop3A_410, %parallel_loop3A_411] : memref<3x128x128xf32, #tpu.memory_space<vmem>> -> memref<1x128x128xf32, #tpu.memory_space<vmem>>
        %parallel_loop3A_413 = tpu.memref_squeeze %parallel_loop3A_412 : memref<1x128x128xf32, #tpu.memory_space<vmem>> -> memref<128x128xf32, #tpu.memory_space<vmem>>
        %parallel_loop3A_414 = arith.index_cast %parallel_loop3A_402 : i32 to index
        %parallel_loop3A_415 = arith.constant 0 : index
        %parallel_loop3A_416 = tpu.vector_load %parallel_loop3A_413[%parallel_loop3A_414, %parallel_loop3A_415] {strides = array<i32>} : memref<128x128xf32, #tpu.memory_space<vmem>>, vector<16xf32>,
        %parallel_loop3A_417 = arith.mulf %parallel_loop3A_409, %parallel_loop3A_416 : vector<16xf32>
        %parallel_loop3A_418 = arith.constant 0 : i32
        %parallel_loop3A_419 = arith.constant 0 : i32
        %parallel_loop3A_420 = tpu.memref_slice %arg9[%parallel_loop3A_144, %parallel_loop3A_418, %parallel_loop3A_419] : memref<3x128x128xf32, #tpu.memory_space<vmem>> -> memref<1x128x128xf32, #tpu.memory_space<vmem>>
        %parallel_loop3A_421 = tpu.memref_squeeze %parallel_loop3A_420 : memref<1x128x128xf32, #tpu.memory_space<vmem>> -> memref<128x128xf32, #tpu.memory_space<vmem>>
        %parallel_loop3A_422 = arith.index_cast %parallel_loop3A_402 : i32 to index
        %parallel_loop3A_423 = arith.constant 16 : index
        %parallel_loop3A_424 = tpu.vector_load %parallel_loop3A_421[%parallel_loop3A_422, %parallel_loop3A_423] {strides = array<i32>} : memref<128x128xf32, #tpu.memory_space<vmem>>, vector<16xf32>,
        %parallel_loop3A_425 = arith.constant 0 : i32
        %parallel_loop3A_426 = arith.constant 0 : i32
        %parallel_loop3A_427 = tpu.memref_slice %arg10[%parallel_loop3A_145, %parallel_loop3A_425, %parallel_loop3A_426] : memref<3x128x128xf32, #tpu.memory_space<vmem>> -> memref<1x128x128xf32, #tpu.memory_space<vmem>>
        %parallel_loop3A_428 = tpu.memref_squeeze %parallel_loop3A_427 : memref<1x128x128xf32, #tpu.memory_space<vmem>> -> memref<128x128xf32, #tpu.memory_space<vmem>>
        %parallel_loop3A_429 = arith.index_cast %parallel_loop3A_402 : i32 to index
        %parallel_loop3A_430 = arith.constant 16 : index
        %parallel_loop3A_431 = tpu.vector_load %parallel_loop3A_428[%parallel_loop3A_429, %parallel_loop3A_430] {strides = array<i32>} : memref<128x128xf32, #tpu.memory_space<vmem>>, vector<16xf32>,
        %parallel_loop3A_432 = arith.mulf %parallel_loop3A_424, %parallel_loop3A_431 : vector<16xf32>
        %parallel_loop3A_433 = arith.constant 0 : i32
        %parallel_loop3A_434 = arith.constant 0 : i32
        %parallel_loop3A_435 = tpu.memref_slice %arg9[%parallel_loop3A_144, %parallel_loop3A_433, %parallel_loop3A_434] : memref<3x128x128xf32, #tpu.memory_space<vmem>> -> memref<1x128x128xf32, #tpu.memory_space<vmem>>
        %parallel_loop3A_436 = tpu.memref_squeeze %parallel_loop3A_435 : memref<1x128x128xf32, #tpu.memory_space<vmem>> -> memref<128x128xf32, #tpu.memory_space<vmem>>
        %parallel_loop3A_437 = arith.index_cast %parallel_loop3A_402 : i32 to index
        %parallel_loop3A_438 = arith.constant 32 : index
        %parallel_loop3A_439 = tpu.vector_load %parallel_loop3A_436[%parallel_loop3A_437, %parallel_loop3A_438] {strides = array<i32>} : memref<128x128xf32, #tpu.memory_space<vmem>>, vector<16xf32>,
        %parallel_loop3A_440 = arith.constant 0 : i32
        %parallel_loop3A_441 = arith.constant 0 : i32
        %parallel_loop3A_442 = tpu.memref_slice %arg10[%parallel_loop3A_145, %parallel_loop3A_440, %parallel_loop3A_441] : memref<3x128x128xf32, #tpu.memory_space<vmem>> -> memref<1x128x128xf32, #tpu.memory_space<vmem>>
        %parallel_loop3A_443 = tpu.memref_squeeze %parallel_loop3A_442 : memref<1x128x128xf32, #tpu.memory_space<vmem>> -> memref<128x128xf32, #tpu.memory_space<vmem>>
        %parallel_loop3A_444 = arith.index_cast %parallel_loop3A_402 : i32 to index
        %parallel_loop3A_445 = arith.constant 32 : index
        %parallel_loop3A_446 = tpu.vector_load %parallel_loop3A_443[%parallel_loop3A_444, %parallel_loop3A_445] {strides = array<i32>} : memref<128x128xf32, #tpu.memory_space<vmem>>, vector<16xf32>,
        %parallel_loop3A_447 = arith.mulf %parallel_loop3A_439, %parallel_loop3A_446 : vector<16xf32>
        %parallel_loop3A_448 = arith.constant 0 : i32
        %parallel_loop3A_449 = arith.constant 0 : i32
        %parallel_loop3A_450 = tpu.memref_slice %arg9[%parallel_loop3A_144, %parallel_loop3A_448, %parallel_loop3A_449] : memref<3x128x128xf32, #tpu.memory_space<vmem>> -> memref<1x128x128xf32, #tpu.memory_space<vmem>>
        %parallel_loop3A_451 = tpu.memref_squeeze %parallel_loop3A_450 : memref<1x128x128xf32, #tpu.memory_space<vmem>> -> memref<128x128xf32, #tpu.memory_space<vmem>>
        %parallel_loop3A_452 = arith.index_cast %parallel_loop3A_402 : i32 to index
        %parallel_loop3A_453 = arith.constant 48 : index
        %parallel_loop3A_454 = tpu.vector_load %parallel_loop3A_451[%parallel_loop3A_452, %parallel_loop3A_453] {strides = array<i32>} : memref<128x128xf32, #tpu.memory_space<vmem>>, vector<16xf32>,
        %parallel_loop3A_455 = arith.constant 0 : i32
        %parallel_loop3A_456 = arith.constant 0 : i32
        %parallel_loop3A_457 = tpu.memref_slice %arg10[%parallel_loop3A_145, %parallel_loop3A_455, %parallel_loop3A_456] : memref<3x128x128xf32, #tpu.memory_space<vmem>> -> memref<1x128x128xf32, #tpu.memory_space<vmem>>
        %parallel_loop3A_458 = tpu.memref_squeeze %parallel_loop3A_457 : memref<1x128x128xf32, #tpu.memory_space<vmem>> -> memref<128x128xf32, #tpu.memory_space<vmem>>
        %parallel_loop3A_459 = arith.index_cast %parallel_loop3A_402 : i32 to index
        %parallel_loop3A_460 = arith.constant 48 : index
        %parallel_loop3A_461 = tpu.vector_load %parallel_loop3A_458[%parallel_loop3A_459, %parallel_loop3A_460] {strides = array<i32>} : memref<128x128xf32, #tpu.memory_space<vmem>>, vector<16xf32>,
        %parallel_loop3A_462 = arith.mulf %parallel_loop3A_454, %parallel_loop3A_461 : vector<16xf32>
        %parallel_loop3A_463 = arith.constant 0 : i32
        %parallel_loop3A_464 = arith.constant 0 : i32
        %parallel_loop3A_465 = tpu.memref_slice %arg9[%parallel_loop3A_144, %parallel_loop3A_463, %parallel_loop3A_464] : memref<3x128x128xf32, #tpu.memory_space<vmem>> -> memref<1x128x128xf32, #tpu.memory_space<vmem>>
        %parallel_loop3A_466 = tpu.memref_squeeze %parallel_loop3A_465 : memref<1x128x128xf32, #tpu.memory_space<vmem>> -> memref<128x128xf32, #tpu.memory_space<vmem>>
        %parallel_loop3A_467 = arith.index_cast %parallel_loop3A_402 : i32 to index
        %parallel_loop3A_468 = arith.constant 64 : index
        %parallel_loop3A_469 = tpu.vector_load %parallel_loop3A_466[%parallel_loop3A_467, %parallel_loop3A_468] {strides = array<i32>} : memref<128x128xf32, #tpu.memory_space<vmem>>, vector<16xf32>,
        %parallel_loop3A_470 = arith.constant 0 : i32
        %parallel_loop3A_471 = arith.constant 0 : i32
        %parallel_loop3A_472 = tpu.memref_slice %arg10[%parallel_loop3A_145, %parallel_loop3A_470, %parallel_loop3A_471] : memref<3x128x128xf32, #tpu.memory_space<vmem>> -> memref<1x128x128xf32, #tpu.memory_space<vmem>>
        %parallel_loop3A_473 = tpu.memref_squeeze %parallel_loop3A_472 : memref<1x128x128xf32, #tpu.memory_space<vmem>> -> memref<128x128xf32, #tpu.memory_space<vmem>>
        %parallel_loop3A_474 = arith.index_cast %parallel_loop3A_402 : i32 to index
        %parallel_loop3A_475 = arith.constant 64 : index
        %parallel_loop3A_476 = tpu.vector_load %parallel_loop3A_473[%parallel_loop3A_474, %parallel_loop3A_475] {strides = array<i32>} : memref<128x128xf32, #tpu.memory_space<vmem>>, vector<16xf32>,
        %parallel_loop3A_477 = arith.mulf %parallel_loop3A_469, %parallel_loop3A_476 : vector<16xf32>
        %parallel_loop3A_478 = arith.constant 0 : i32
        %parallel_loop3A_479 = arith.constant 0 : i32
        %parallel_loop3A_480 = tpu.memref_slice %arg9[%parallel_loop3A_144, %parallel_loop3A_478, %parallel_loop3A_479] : memref<3x128x128xf32, #tpu.memory_space<vmem>> -> memref<1x128x128xf32, #tpu.memory_space<vmem>>
        %parallel_loop3A_481 = tpu.memref_squeeze %parallel_loop3A_480 : memref<1x128x128xf32, #tpu.memory_space<vmem>> -> memref<128x128xf32, #tpu.memory_space<vmem>>
        %parallel_loop3A_482 = arith.index_cast %parallel_loop3A_402 : i32 to index
        %parallel_loop3A_483 = arith.constant 80 : index
        %parallel_loop3A_484 = tpu.vector_load %parallel_loop3A_481[%parallel_loop3A_482, %parallel_loop3A_483] {strides = array<i32>} : memref<128x128xf32, #tpu.memory_space<vmem>>, vector<16xf32>,
        %parallel_loop3A_485 = arith.constant 0 : i32
        %parallel_loop3A_486 = arith.constant 0 : i32
        %parallel_loop3A_487 = tpu.memref_slice %arg10[%parallel_loop3A_145, %parallel_loop3A_485, %parallel_loop3A_486] : memref<3x128x128xf32, #tpu.memory_space<vmem>> -> memref<1x128x128xf32, #tpu.memory_space<vmem>>
        %parallel_loop3A_488 = tpu.memref_squeeze %parallel_loop3A_487 : memref<1x128x128xf32, #tpu.memory_space<vmem>> -> memref<128x128xf32, #tpu.memory_space<vmem>>
        %parallel_loop3A_489 = arith.index_cast %parallel_loop3A_402 : i32 to index
        %parallel_loop3A_490 = arith.constant 80 : index
        %parallel_loop3A_491 = tpu.vector_load %parallel_loop3A_488[%parallel_loop3A_489, %parallel_loop3A_490] {strides = array<i32>} : memref<128x128xf32, #tpu.memory_space<vmem>>, vector<16xf32>,
        %parallel_loop3A_492 = arith.mulf %parallel_loop3A_484, %parallel_loop3A_491 : vector<16xf32>
        %parallel_loop3A_493 = arith.constant 0 : i32
        %parallel_loop3A_494 = arith.constant 0 : i32
        %parallel_loop3A_495 = tpu.memref_slice %arg9[%parallel_loop3A_144, %parallel_loop3A_493, %parallel_loop3A_494] : memref<3x128x128xf32, #tpu.memory_space<vmem>> -> memref<1x128x128xf32, #tpu.memory_space<vmem>>
        %parallel_loop3A_496 = tpu.memref_squeeze %parallel_loop3A_495 : memref<1x128x128xf32, #tpu.memory_space<vmem>> -> memref<128x128xf32, #tpu.memory_space<vmem>>
        %parallel_loop3A_497 = arith.index_cast %parallel_loop3A_402 : i32 to index
        %parallel_loop3A_498 = arith.constant 96 : index
        %parallel_loop3A_499 = tpu.vector_load %parallel_loop3A_496[%parallel_loop3A_497, %parallel_loop3A_498] {strides = array<i32>} : memref<128x128xf32, #tpu.memory_space<vmem>>, vector<16xf32>,
        %parallel_loop3A_500 = arith.constant 0 : i32
        %parallel_loop3A_501 = arith.constant 0 : i32
        %parallel_loop3A_502 = tpu.memref_slice %arg10[%parallel_loop3A_145, %parallel_loop3A_500, %parallel_loop3A_501] : memref<3x128x128xf32, #tpu.memory_space<vmem>> -> memref<1x128x128xf32, #tpu.memory_space<vmem>>
        %parallel_loop3A_503 = tpu.memref_squeeze %parallel_loop3A_502 : memref<1x128x128xf32, #tpu.memory_space<vmem>> -> memref<128x128xf32, #tpu.memory_space<vmem>>
        %parallel_loop3A_504 = arith.index_cast %parallel_loop3A_402 : i32 to index
        %parallel_loop3A_505 = arith.constant 96 : index
        %parallel_loop3A_506 = tpu.vector_load %parallel_loop3A_503[%parallel_loop3A_504, %parallel_loop3A_505] {strides = array<i32>} : memref<128x128xf32, #tpu.memory_space<vmem>>, vector<16xf32>,
        %parallel_loop3A_507 = arith.mulf %parallel_loop3A_499, %parallel_loop3A_506 : vector<16xf32>
        %parallel_loop3A_508 = arith.constant 0 : i32
        %parallel_loop3A_509 = arith.constant 0 : i32
        %parallel_loop3A_510 = tpu.memref_slice %arg9[%parallel_loop3A_144, %parallel_loop3A_508, %parallel_loop3A_509] : memref<3x128x128xf32, #tpu.memory_space<vmem>> -> memref<1x128x128xf32, #tpu.memory_space<vmem>>
        %parallel_loop3A_511 = tpu.memref_squeeze %parallel_loop3A_510 : memref<1x128x128xf32, #tpu.memory_space<vmem>> -> memref<128x128xf32, #tpu.memory_space<vmem>>
        %parallel_loop3A_512 = arith.index_cast %parallel_loop3A_402 : i32 to index
        %parallel_loop3A_513 = arith.constant 112 : index
        %parallel_loop3A_514 = tpu.vector_load %parallel_loop3A_511[%parallel_loop3A_512, %parallel_loop3A_513] {strides = array<i32>} : memref<128x128xf32, #tpu.memory_space<vmem>>, vector<16xf32>,
        %parallel_loop3A_515 = arith.constant 0 : i32
        %parallel_loop3A_516 = arith.constant 0 : i32
        %parallel_loop3A_517 = tpu.memref_slice %arg10[%parallel_loop3A_145, %parallel_loop3A_515, %parallel_loop3A_516] : memref<3x128x128xf32, #tpu.memory_space<vmem>> -> memref<1x128x128xf32, #tpu.memory_space<vmem>>
        %parallel_loop3A_518 = tpu.memref_squeeze %parallel_loop3A_517 : memref<1x128x128xf32, #tpu.memory_space<vmem>> -> memref<128x128xf32, #tpu.memory_space<vmem>>
        %parallel_loop3A_519 = arith.index_cast %parallel_loop3A_402 : i32 to index
        %parallel_loop3A_520 = arith.constant 112 : index
        %parallel_loop3A_521 = tpu.vector_load %parallel_loop3A_518[%parallel_loop3A_519, %parallel_loop3A_520] {strides = array<i32>} : memref<128x128xf32, #tpu.memory_space<vmem>>, vector<16xf32>,
        %parallel_loop3A_522 = arith.mulf %parallel_loop3A_514, %parallel_loop3A_521 : vector<16xf32>
        %parallel_loop3A_523 = arith.addf %parallel_loop3A_417, %parallel_loop3A_432 : vector<16xf32>
        %parallel_loop3A_524 = arith.addf %parallel_loop3A_447, %parallel_loop3A_462 : vector<16xf32>
        %parallel_loop3A_525 = arith.addf %parallel_loop3A_477, %parallel_loop3A_492 : vector<16xf32>
        %parallel_loop3A_526 = arith.addf %parallel_loop3A_507, %parallel_loop3A_522 : vector<16xf32>
        %parallel_loop3A_527 = arith.addf %parallel_loop3A_523, %parallel_loop3A_524 : vector<16xf32>
        %parallel_loop3A_528 = arith.addf %parallel_loop3A_525, %parallel_loop3A_526 : vector<16xf32>
        %parallel_loop3A_529 = arith.addf %parallel_loop3A_527, %parallel_loop3A_528 : vector<16xf32>
        %parallel_loop3A_530 = arith.constant true
        %parallel_loop3A_531 = vector.broadcast %parallel_loop3A_530 : i1 to vector<16xi1>
        %parallel_loop3A_532 = tpu.scan <sum>, %parallel_loop3A_529 masked %parallel_loop3A_531 : vector<16xf32>, vector<16xi1> -> vector<16xf32>
        %parallel_loop3A_533 = vector.extract %parallel_loop3A_532[15] : f32 from vector<16xf32>
        %parallel_loop3A_534 = vector.broadcast %parallel_loop3A_399 : i32 to vector<16xi32>
        %parallel_loop3A_535 = arith.cmpi eq, %iota3A, %parallel_loop3A_534 : vector<16xi32>
        %parallel_loop3A_536 = vector.broadcast %parallel_loop3A_533 : f32 to vector<16xf32>
        %parallel_loop3A_537 = arith.select %parallel_loop3A_535, %parallel_loop3A_536, %parallel_loop3A_397 : vector<16xi1>, vector<16xf32>
        %parallel_loop3A_538 = arith.constant 2 : i32
        %parallel_loop3A_539 = arith.addi %scan3A, %parallel_loop3A_538 : i32
        %parallel_loop3A_540 = arith.constant 16 : i32
        %parallel_loop3A_541 = arith.muli %parallel_loop3A_244, %parallel_loop3A_540 : i32
        %parallel_loop3A_542 = arith.addi %parallel_loop3A_541, %parallel_loop3A_539 : i32
        %parallel_loop3A_543 = arith.constant 0 : i32
        %parallel_loop3A_544 = arith.constant 0 : i32
        %parallel_loop3A_545 = tpu.memref_slice %arg9[%parallel_loop3A_144, %parallel_loop3A_543, %parallel_loop3A_544] : memref<3x128x128xf32, #tpu.memory_space<vmem>> -> memref<1x128x128xf32, #tpu.memory_space<vmem>>
        %parallel_loop3A_546 = tpu.memref_squeeze %parallel_loop3A_545 : memref<1x128x128xf32, #tpu.memory_space<vmem>> -> memref<128x128xf32, #tpu.memory_space<vmem>>
        %parallel_loop3A_547 = arith.index_cast %parallel_loop3A_542 : i32 to index
        %parallel_loop3A_548 = arith.constant 0 : index
        %parallel_loop3A_549 = tpu.vector_load %parallel_loop3A_546[%parallel_loop3A_547, %parallel_loop3A_548] {strides = array<i32>} : memref<128x128xf32, #tpu.memory_space<vmem>>, vector<16xf32>,
        %parallel_loop3A_550 = arith.constant 0 : i32
        %parallel_loop3A_551 = arith.constant 0 : i32
        %parallel_loop3A_552 = tpu.memref_slice %arg10[%parallel_loop3A_145, %parallel_loop3A_550, %parallel_loop3A_551] : memref<3x128x128xf32, #tpu.memory_space<vmem>> -> memref<1x128x128xf32, #tpu.memory_space<vmem>>
        %parallel_loop3A_553 = tpu.memref_squeeze %parallel_loop3A_552 : memref<1x128x128xf32, #tpu.memory_space<vmem>> -> memref<128x128xf32, #tpu.memory_space<vmem>>
        %parallel_loop3A_554 = arith.index_cast %parallel_loop3A_542 : i32 to index
        %parallel_loop3A_555 = arith.constant 0 : index
        %parallel_loop3A_556 = tpu.vector_load %parallel_loop3A_553[%parallel_loop3A_554, %parallel_loop3A_555] {strides = array<i32>} : memref<128x128xf32, #tpu.memory_space<vmem>>, vector<16xf32>,
        %parallel_loop3A_557 = arith.mulf %parallel_loop3A_549, %parallel_loop3A_556 : vector<16xf32>
        %parallel_loop3A_558 = arith.constant 0 : i32
        %parallel_loop3A_559 = arith.constant 0 : i32
        %parallel_loop3A_560 = tpu.memref_slice %arg9[%parallel_loop3A_144, %parallel_loop3A_558, %parallel_loop3A_559] : memref<3x128x128xf32, #tpu.memory_space<vmem>> -> memref<1x128x128xf32, #tpu.memory_space<vmem>>
        %parallel_loop3A_561 = tpu.memref_squeeze %parallel_loop3A_560 : memref<1x128x128xf32, #tpu.memory_space<vmem>> -> memref<128x128xf32, #tpu.memory_space<vmem>>
        %parallel_loop3A_562 = arith.index_cast %parallel_loop3A_542 : i32 to index
        %parallel_loop3A_563 = arith.constant 16 : index
        %parallel_loop3A_564 = tpu.vector_load %parallel_loop3A_561[%parallel_loop3A_562, %parallel_loop3A_563] {strides = array<i32>} : memref<128x128xf32, #tpu.memory_space<vmem>>, vector<16xf32>,
        %parallel_loop3A_565 = arith.constant 0 : i32
        %parallel_loop3A_566 = arith.constant 0 : i32
        %parallel_loop3A_567 = tpu.memref_slice %arg10[%parallel_loop3A_145, %parallel_loop3A_565, %parallel_loop3A_566] : memref<3x128x128xf32, #tpu.memory_space<vmem>> -> memref<1x128x128xf32, #tpu.memory_space<vmem>>
        %parallel_loop3A_568 = tpu.memref_squeeze %parallel_loop3A_567 : memref<1x128x128xf32, #tpu.memory_space<vmem>> -> memref<128x128xf32, #tpu.memory_space<vmem>>
        %parallel_loop3A_569 = arith.index_cast %parallel_loop3A_542 : i32 to index
        %parallel_loop3A_570 = arith.constant 16 : index
        %parallel_loop3A_571 = tpu.vector_load %parallel_loop3A_568[%parallel_loop3A_569, %parallel_loop3A_570] {strides = array<i32>} : memref<128x128xf32, #tpu.memory_space<vmem>>, vector<16xf32>,
        %parallel_loop3A_572 = arith.mulf %parallel_loop3A_564, %parallel_loop3A_571 : vector<16xf32>
        %parallel_loop3A_573 = arith.constant 0 : i32
        %parallel_loop3A_574 = arith.constant 0 : i32
        %parallel_loop3A_575 = tpu.memref_slice %arg9[%parallel_loop3A_144, %parallel_loop3A_573, %parallel_loop3A_574] : memref<3x128x128xf32, #tpu.memory_space<vmem>> -> memref<1x128x128xf32, #tpu.memory_space<vmem>>
        %parallel_loop3A_576 = tpu.memref_squeeze %parallel_loop3A_575 : memref<1x128x128xf32, #tpu.memory_space<vmem>> -> memref<128x128xf32, #tpu.memory_space<vmem>>
        %parallel_loop3A_577 = arith.index_cast %parallel_loop3A_542 : i32 to index
        %parallel_loop3A_578 = arith.constant 32 : index
        %parallel_loop3A_579 = tpu.vector_load %parallel_loop3A_576[%parallel_loop3A_577, %parallel_loop3A_578] {strides = array<i32>} : memref<128x128xf32, #tpu.memory_space<vmem>>, vector<16xf32>,
        %parallel_loop3A_580 = arith.constant 0 : i32
        %parallel_loop3A_581 = arith.constant 0 : i32
        %parallel_loop3A_582 = tpu.memref_slice %arg10[%parallel_loop3A_145, %parallel_loop3A_580, %parallel_loop3A_581] : memref<3x128x128xf32, #tpu.memory_space<vmem>> -> memref<1x128x128xf32, #tpu.memory_space<vmem>>
        %parallel_loop3A_583 = tpu.memref_squeeze %parallel_loop3A_582 : memref<1x128x128xf32, #tpu.memory_space<vmem>> -> memref<128x128xf32, #tpu.memory_space<vmem>>
        %parallel_loop3A_584 = arith.index_cast %parallel_loop3A_542 : i32 to index
        %parallel_loop3A_585 = arith.constant 32 : index
        %parallel_loop3A_586 = tpu.vector_load %parallel_loop3A_583[%parallel_loop3A_584, %parallel_loop3A_585] {strides = array<i32>} : memref<128x128xf32, #tpu.memory_space<vmem>>, vector<16xf32>,
        %parallel_loop3A_587 = arith.mulf %parallel_loop3A_579, %parallel_loop3A_586 : vector<16xf32>
        %parallel_loop3A_588 = arith.constant 0 : i32
        %parallel_loop3A_589 = arith.constant 0 : i32
        %parallel_loop3A_590 = tpu.memref_slice %arg9[%parallel_loop3A_144, %parallel_loop3A_588, %parallel_loop3A_589] : memref<3x128x128xf32, #tpu.memory_space<vmem>> -> memref<1x128x128xf32, #tpu.memory_space<vmem>>
        %parallel_loop3A_591 = tpu.memref_squeeze %parallel_loop3A_590 : memref<1x128x128xf32, #tpu.memory_space<vmem>> -> memref<128x128xf32, #tpu.memory_space<vmem>>
        %parallel_loop3A_592 = arith.index_cast %parallel_loop3A_542 : i32 to index
        %parallel_loop3A_593 = arith.constant 48 : index
        %parallel_loop3A_594 = tpu.vector_load %parallel_loop3A_591[%parallel_loop3A_592, %parallel_loop3A_593] {strides = array<i32>} : memref<128x128xf32, #tpu.memory_space<vmem>>, vector<16xf32>,
        %parallel_loop3A_595 = arith.constant 0 : i32
        %parallel_loop3A_596 = arith.constant 0 : i32
        %parallel_loop3A_597 = tpu.memref_slice %arg10[%parallel_loop3A_145, %parallel_loop3A_595, %parallel_loop3A_596] : memref<3x128x128xf32, #tpu.memory_space<vmem>> -> memref<1x128x128xf32, #tpu.memory_space<vmem>>
        %parallel_loop3A_598 = tpu.memref_squeeze %parallel_loop3A_597 : memref<1x128x128xf32, #tpu.memory_space<vmem>> -> memref<128x128xf32, #tpu.memory_space<vmem>>
        %parallel_loop3A_599 = arith.index_cast %parallel_loop3A_542 : i32 to index
        %parallel_loop3A_600 = arith.constant 48 : index
        %parallel_loop3A_601 = tpu.vector_load %parallel_loop3A_598[%parallel_loop3A_599, %parallel_loop3A_600] {strides = array<i32>} : memref<128x128xf32, #tpu.memory_space<vmem>>, vector<16xf32>,
        %parallel_loop3A_602 = arith.mulf %parallel_loop3A_594, %parallel_loop3A_601 : vector<16xf32>
        %parallel_loop3A_603 = arith.constant 0 : i32
        %parallel_loop3A_604 = arith.constant 0 : i32
        %parallel_loop3A_605 = tpu.memref_slice %arg9[%parallel_loop3A_144, %parallel_loop3A_603, %parallel_loop3A_604] : memref<3x128x128xf32, #tpu.memory_space<vmem>> -> memref<1x128x128xf32, #tpu.memory_space<vmem>>
        %parallel_loop3A_606 = tpu.memref_squeeze %parallel_loop3A_605 : memref<1x128x128xf32, #tpu.memory_space<vmem>> -> memref<128x128xf32, #tpu.memory_space<vmem>>
        %parallel_loop3A_607 = arith.index_cast %parallel_loop3A_542 : i32 to index
        %parallel_loop3A_608 = arith.constant 64 : index
        %parallel_loop3A_609 = tpu.vector_load %parallel_loop3A_606[%parallel_loop3A_607, %parallel_loop3A_608] {strides = array<i32>} : memref<128x128xf32, #tpu.memory_space<vmem>>, vector<16xf32>,
        %parallel_loop3A_610 = arith.constant 0 : i32
        %parallel_loop3A_611 = arith.constant 0 : i32
        %parallel_loop3A_612 = tpu.memref_slice %arg10[%parallel_loop3A_145, %parallel_loop3A_610, %parallel_loop3A_611] : memref<3x128x128xf32, #tpu.memory_space<vmem>> -> memref<1x128x128xf32, #tpu.memory_space<vmem>>
        %parallel_loop3A_613 = tpu.memref_squeeze %parallel_loop3A_612 : memref<1x128x128xf32, #tpu.memory_space<vmem>> -> memref<128x128xf32, #tpu.memory_space<vmem>>
        %parallel_loop3A_614 = arith.index_cast %parallel_loop3A_542 : i32 to index
        %parallel_loop3A_615 = arith.constant 64 : index
        %parallel_loop3A_616 = tpu.vector_load %parallel_loop3A_613[%parallel_loop3A_614, %parallel_loop3A_615] {strides = array<i32>} : memref<128x128xf32, #tpu.memory_space<vmem>>, vector<16xf32>,
        %parallel_loop3A_617 = arith.mulf %parallel_loop3A_609, %parallel_loop3A_616 : vector<16xf32>
        %parallel_loop3A_618 = arith.constant 0 : i32
        %parallel_loop3A_619 = arith.constant 0 : i32
        %parallel_loop3A_620 = tpu.memref_slice %arg9[%parallel_loop3A_144, %parallel_loop3A_618, %parallel_loop3A_619] : memref<3x128x128xf32, #tpu.memory_space<vmem>> -> memref<1x128x128xf32, #tpu.memory_space<vmem>>
        %parallel_loop3A_621 = tpu.memref_squeeze %parallel_loop3A_620 : memref<1x128x128xf32, #tpu.memory_space<vmem>> -> memref<128x128xf32, #tpu.memory_space<vmem>>
        %parallel_loop3A_622 = arith.index_cast %parallel_loop3A_542 : i32 to index
        %parallel_loop3A_623 = arith.constant 80 : index
        %parallel_loop3A_624 = tpu.vector_load %parallel_loop3A_621[%parallel_loop3A_622, %parallel_loop3A_623] {strides = array<i32>} : memref<128x128xf32, #tpu.memory_space<vmem>>, vector<16xf32>,
        %parallel_loop3A_625 = arith.constant 0 : i32
        %parallel_loop3A_626 = arith.constant 0 : i32
        %parallel_loop3A_627 = tpu.memref_slice %arg10[%parallel_loop3A_145, %parallel_loop3A_625, %parallel_loop3A_626] : memref<3x128x128xf32, #tpu.memory_space<vmem>> -> memref<1x128x128xf32, #tpu.memory_space<vmem>>
        %parallel_loop3A_628 = tpu.memref_squeeze %parallel_loop3A_627 : memref<1x128x128xf32, #tpu.memory_space<vmem>> -> memref<128x128xf32, #tpu.memory_space<vmem>>
        %parallel_loop3A_629 = arith.index_cast %parallel_loop3A_542 : i32 to index
        %parallel_loop3A_630 = arith.constant 80 : index
        %parallel_loop3A_631 = tpu.vector_load %parallel_loop3A_628[%parallel_loop3A_629, %parallel_loop3A_630] {strides = array<i32>} : memref<128x128xf32, #tpu.memory_space<vmem>>, vector<16xf32>,
        %parallel_loop3A_632 = arith.mulf %parallel_loop3A_624, %parallel_loop3A_631 : vector<16xf32>
        %parallel_loop3A_633 = arith.constant 0 : i32
        %parallel_loop3A_634 = arith.constant 0 : i32
        %parallel_loop3A_635 = tpu.memref_slice %arg9[%parallel_loop3A_144, %parallel_loop3A_633, %parallel_loop3A_634] : memref<3x128x128xf32, #tpu.memory_space<vmem>> -> memref<1x128x128xf32, #tpu.memory_space<vmem>>
        %parallel_loop3A_636 = tpu.memref_squeeze %parallel_loop3A_635 : memref<1x128x128xf32, #tpu.memory_space<vmem>> -> memref<128x128xf32, #tpu.memory_space<vmem>>
        %parallel_loop3A_637 = arith.index_cast %parallel_loop3A_542 : i32 to index
        %parallel_loop3A_638 = arith.constant 96 : index
        %parallel_loop3A_639 = tpu.vector_load %parallel_loop3A_636[%parallel_loop3A_637, %parallel_loop3A_638] {strides = array<i32>} : memref<128x128xf32, #tpu.memory_space<vmem>>, vector<16xf32>,
        %parallel_loop3A_640 = arith.constant 0 : i32
        %parallel_loop3A_641 = arith.constant 0 : i32
        %parallel_loop3A_642 = tpu.memref_slice %arg10[%parallel_loop3A_145, %parallel_loop3A_640, %parallel_loop3A_641] : memref<3x128x128xf32, #tpu.memory_space<vmem>> -> memref<1x128x128xf32, #tpu.memory_space<vmem>>
        %parallel_loop3A_643 = tpu.memref_squeeze %parallel_loop3A_642 : memref<1x128x128xf32, #tpu.memory_space<vmem>> -> memref<128x128xf32, #tpu.memory_space<vmem>>
        %parallel_loop3A_644 = arith.index_cast %parallel_loop3A_542 : i32 to index
        %parallel_loop3A_645 = arith.constant 96 : index
        %parallel_loop3A_646 = tpu.vector_load %parallel_loop3A_643[%parallel_loop3A_644, %parallel_loop3A_645] {strides = array<i32>} : memref<128x128xf32, #tpu.memory_space<vmem>>, vector<16xf32>,
        %parallel_loop3A_647 = arith.mulf %parallel_loop3A_639, %parallel_loop3A_646 : vector<16xf32>
        %parallel_loop3A_648 = arith.constant 0 : i32
        %parallel_loop3A_649 = arith.constant 0 : i32
        %parallel_loop3A_650 = tpu.memref_slice %arg9[%parallel_loop3A_144, %parallel_loop3A_648, %parallel_loop3A_649] : memref<3x128x128xf32, #tpu.memory_space<vmem>> -> memref<1x128x128xf32, #tpu.memory_space<vmem>>
        %parallel_loop3A_651 = tpu.memref_squeeze %parallel_loop3A_650 : memref<1x128x128xf32, #tpu.memory_space<vmem>> -> memref<128x128xf32, #tpu.memory_space<vmem>>
        %parallel_loop3A_652 = arith.index_cast %parallel_loop3A_542 : i32 to index
        %parallel_loop3A_653 = arith.constant 112 : index
        %parallel_loop3A_654 = tpu.vector_load %parallel_loop3A_651[%parallel_loop3A_652, %parallel_loop3A_653] {strides = array<i32>} : memref<128x128xf32, #tpu.memory_space<vmem>>, vector<16xf32>,
        %parallel_loop3A_655 = arith.constant 0 : i32
        %parallel_loop3A_656 = arith.constant 0 : i32
        %parallel_loop3A_657 = tpu.memref_slice %arg10[%parallel_loop3A_145, %parallel_loop3A_655, %parallel_loop3A_656] : memref<3x128x128xf32, #tpu.memory_space<vmem>> -> memref<1x128x128xf32, #tpu.memory_space<vmem>>
        %parallel_loop3A_658 = tpu.memref_squeeze %parallel_loop3A_657 : memref<1x128x128xf32, #tpu.memory_space<vmem>> -> memref<128x128xf32, #tpu.memory_space<vmem>>
        %parallel_loop3A_659 = arith.index_cast %parallel_loop3A_542 : i32 to index
        %parallel_loop3A_660 = arith.constant 112 : index
        %parallel_loop3A_661 = tpu.vector_load %parallel_loop3A_658[%parallel_loop3A_659, %parallel_loop3A_660] {strides = array<i32>} : memref<128x128xf32, #tpu.memory_space<vmem>>, vector<16xf32>,
        %parallel_loop3A_662 = arith.mulf %parallel_loop3A_654, %parallel_loop3A_661 : vector<16xf32>
        %parallel_loop3A_663 = arith.addf %parallel_loop3A_557, %parallel_loop3A_572 : vector<16xf32>
        %parallel_loop3A_664 = arith.addf %parallel_loop3A_587, %parallel_loop3A_602 : vector<16xf32>
        %parallel_loop3A_665 = arith.addf %parallel_loop3A_617, %parallel_loop3A_632 : vector<16xf32>
        %parallel_loop3A_666 = arith.addf %parallel_loop3A_647, %parallel_loop3A_662 : vector<16xf32>
        %parallel_loop3A_667 = arith.addf %parallel_loop3A_663, %parallel_loop3A_664 : vector<16xf32>
        %parallel_loop3A_668 = arith.addf %parallel_loop3A_665, %parallel_loop3A_666 : vector<16xf32>
        %parallel_loop3A_669 = arith.addf %parallel_loop3A_667, %parallel_loop3A_668 : vector<16xf32>
        %parallel_loop3A_670 = arith.constant true
        %parallel_loop3A_671 = vector.broadcast %parallel_loop3A_670 : i1 to vector<16xi1>
        %parallel_loop3A_672 = tpu.scan <sum>, %parallel_loop3A_669 masked %parallel_loop3A_671 : vector<16xf32>, vector<16xi1> -> vector<16xf32>
        %parallel_loop3A_673 = vector.extract %parallel_loop3A_672[15] : f32 from vector<16xf32>
        %parallel_loop3A_674 = vector.broadcast %parallel_loop3A_539 : i32 to vector<16xi32>
        %parallel_loop3A_675 = arith.cmpi eq, %iota3A, %parallel_loop3A_674 : vector<16xi32>
        %parallel_loop3A_676 = vector.broadcast %parallel_loop3A_673 : f32 to vector<16xf32>
        %parallel_loop3A_677 = arith.select %parallel_loop3A_675, %parallel_loop3A_676, %parallel_loop3A_537 : vector<16xi1>, vector<16xf32>
        %parallel_loop3A_678 = arith.constant 3 : i32
        %parallel_loop3A_679 = arith.addi %scan3A, %parallel_loop3A_678 : i32
        %parallel_loop3A_680 = arith.constant 16 : i32
        %parallel_loop3A_681 = arith.muli %parallel_loop3A_244, %parallel_loop3A_680 : i32
        %parallel_loop3A_682 = arith.addi %parallel_loop3A_681, %parallel_loop3A_679 : i32
        %parallel_loop3A_683 = arith.constant 0 : i32
        %parallel_loop3A_684 = arith.constant 0 : i32
        %parallel_loop3A_685 = tpu.memref_slice %arg9[%parallel_loop3A_144, %parallel_loop3A_683, %parallel_loop3A_684] : memref<3x128x128xf32, #tpu.memory_space<vmem>> -> memref<1x128x128xf32, #tpu.memory_space<vmem>>
        %parallel_loop3A_686 = tpu.memref_squeeze %parallel_loop3A_685 : memref<1x128x128xf32, #tpu.memory_space<vmem>> -> memref<128x128xf32, #tpu.memory_space<vmem>>
        %parallel_loop3A_687 = arith.index_cast %parallel_loop3A_682 : i32 to index
        %parallel_loop3A_688 = arith.constant 0 : index
        %parallel_loop3A_689 = tpu.vector_load %parallel_loop3A_686[%parallel_loop3A_687, %parallel_loop3A_688] {strides = array<i32>} : memref<128x128xf32, #tpu.memory_space<vmem>>, vector<16xf32>,
        %parallel_loop3A_690 = arith.constant 0 : i32
        %parallel_loop3A_691 = arith.constant 0 : i32
        %parallel_loop3A_692 = tpu.memref_slice %arg10[%parallel_loop3A_145, %parallel_loop3A_690, %parallel_loop3A_691] : memref<3x128x128xf32, #tpu.memory_space<vmem>> -> memref<1x128x128xf32, #tpu.memory_space<vmem>>
        %parallel_loop3A_693 = tpu.memref_squeeze %parallel_loop3A_692 : memref<1x128x128xf32, #tpu.memory_space<vmem>> -> memref<128x128xf32, #tpu.memory_space<vmem>>
        %parallel_loop3A_694 = arith.index_cast %parallel_loop3A_682 : i32 to index
        %parallel_loop3A_695 = arith.constant 0 : index
        %parallel_loop3A_696 = tpu.vector_load %parallel_loop3A_693[%parallel_loop3A_694, %parallel_loop3A_695] {strides = array<i32>} : memref<128x128xf32, #tpu.memory_space<vmem>>, vector<16xf32>,
        %parallel_loop3A_697 = arith.mulf %parallel_loop3A_689, %parallel_loop3A_696 : vector<16xf32>
        %parallel_loop3A_698 = arith.constant 0 : i32
        %parallel_loop3A_699 = arith.constant 0 : i32
        %parallel_loop3A_700 = tpu.memref_slice %arg9[%parallel_loop3A_144, %parallel_loop3A_698, %parallel_loop3A_699] : memref<3x128x128xf32, #tpu.memory_space<vmem>> -> memref<1x128x128xf32, #tpu.memory_space<vmem>>
        %parallel_loop3A_701 = tpu.memref_squeeze %parallel_loop3A_700 : memref<1x128x128xf32, #tpu.memory_space<vmem>> -> memref<128x128xf32, #tpu.memory_space<vmem>>
        %parallel_loop3A_702 = arith.index_cast %parallel_loop3A_682 : i32 to index
        %parallel_loop3A_703 = arith.constant 16 : index
        %parallel_loop3A_704 = tpu.vector_load %parallel_loop3A_701[%parallel_loop3A_702, %parallel_loop3A_703] {strides = array<i32>} : memref<128x128xf32, #tpu.memory_space<vmem>>, vector<16xf32>,
        %parallel_loop3A_705 = arith.constant 0 : i32
        %parallel_loop3A_706 = arith.constant 0 : i32
        %parallel_loop3A_707 = tpu.memref_slice %arg10[%parallel_loop3A_145, %parallel_loop3A_705, %parallel_loop3A_706] : memref<3x128x128xf32, #tpu.memory_space<vmem>> -> memref<1x128x128xf32, #tpu.memory_space<vmem>>
        %parallel_loop3A_708 = tpu.memref_squeeze %parallel_loop3A_707 : memref<1x128x128xf32, #tpu.memory_space<vmem>> -> memref<128x128xf32, #tpu.memory_space<vmem>>
        %parallel_loop3A_709 = arith.index_cast %parallel_loop3A_682 : i32 to index
        %parallel_loop3A_710 = arith.constant 16 : index
        %parallel_loop3A_711 = tpu.vector_load %parallel_loop3A_708[%parallel_loop3A_709, %parallel_loop3A_710] {strides = array<i32>} : memref<128x128xf32, #tpu.memory_space<vmem>>, vector<16xf32>,
        %parallel_loop3A_712 = arith.mulf %parallel_loop3A_704, %parallel_loop3A_711 : vector<16xf32>
        %parallel_loop3A_713 = arith.constant 0 : i32
        %parallel_loop3A_714 = arith.constant 0 : i32
        %parallel_loop3A_715 = tpu.memref_slice %arg9[%parallel_loop3A_144, %parallel_loop3A_713, %parallel_loop3A_714] : memref<3x128x128xf32, #tpu.memory_space<vmem>> -> memref<1x128x128xf32, #tpu.memory_space<vmem>>
        %parallel_loop3A_716 = tpu.memref_squeeze %parallel_loop3A_715 : memref<1x128x128xf32, #tpu.memory_space<vmem>> -> memref<128x128xf32, #tpu.memory_space<vmem>>
        %parallel_loop3A_717 = arith.index_cast %parallel_loop3A_682 : i32 to index
        %parallel_loop3A_718 = arith.constant 32 : index
        %parallel_loop3A_719 = tpu.vector_load %parallel_loop3A_716[%parallel_loop3A_717, %parallel_loop3A_718] {strides = array<i32>} : memref<128x128xf32, #tpu.memory_space<vmem>>, vector<16xf32>,
        %parallel_loop3A_720 = arith.constant 0 : i32
        %parallel_loop3A_721 = arith.constant 0 : i32
        %parallel_loop3A_722 = tpu.memref_slice %arg10[%parallel_loop3A_145, %parallel_loop3A_720, %parallel_loop3A_721] : memref<3x128x128xf32, #tpu.memory_space<vmem>> -> memref<1x128x128xf32, #tpu.memory_space<vmem>>
        %parallel_loop3A_723 = tpu.memref_squeeze %parallel_loop3A_722 : memref<1x128x128xf32, #tpu.memory_space<vmem>> -> memref<128x128xf32, #tpu.memory_space<vmem>>
        %parallel_loop3A_724 = arith.index_cast %parallel_loop3A_682 : i32 to index
        %parallel_loop3A_725 = arith.constant 32 : index
        %parallel_loop3A_726 = tpu.vector_load %parallel_loop3A_723[%parallel_loop3A_724, %parallel_loop3A_725] {strides = array<i32>} : memref<128x128xf32, #tpu.memory_space<vmem>>, vector<16xf32>,
        %parallel_loop3A_727 = arith.mulf %parallel_loop3A_719, %parallel_loop3A_726 : vector<16xf32>
        %parallel_loop3A_728 = arith.constant 0 : i32
        %parallel_loop3A_729 = arith.constant 0 : i32
        %parallel_loop3A_730 = tpu.memref_slice %arg9[%parallel_loop3A_144, %parallel_loop3A_728, %parallel_loop3A_729] : memref<3x128x128xf32, #tpu.memory_space<vmem>> -> memref<1x128x128xf32, #tpu.memory_space<vmem>>
        %parallel_loop3A_731 = tpu.memref_squeeze %parallel_loop3A_730 : memref<1x128x128xf32, #tpu.memory_space<vmem>> -> memref<128x128xf32, #tpu.memory_space<vmem>>
        %parallel_loop3A_732 = arith.index_cast %parallel_loop3A_682 : i32 to index
        %parallel_loop3A_733 = arith.constant 48 : index
        %parallel_loop3A_734 = tpu.vector_load %parallel_loop3A_731[%parallel_loop3A_732, %parallel_loop3A_733] {strides = array<i32>} : memref<128x128xf32, #tpu.memory_space<vmem>>, vector<16xf32>,
        %parallel_loop3A_735 = arith.constant 0 : i32
        %parallel_loop3A_736 = arith.constant 0 : i32
        %parallel_loop3A_737 = tpu.memref_slice %arg10[%parallel_loop3A_145, %parallel_loop3A_735, %parallel_loop3A_736] : memref<3x128x128xf32, #tpu.memory_space<vmem>> -> memref<1x128x128xf32, #tpu.memory_space<vmem>>
        %parallel_loop3A_738 = tpu.memref_squeeze %parallel_loop3A_737 : memref<1x128x128xf32, #tpu.memory_space<vmem>> -> memref<128x128xf32, #tpu.memory_space<vmem>>
        %parallel_loop3A_739 = arith.index_cast %parallel_loop3A_682 : i32 to index
        %parallel_loop3A_740 = arith.constant 48 : index
        %parallel_loop3A_741 = tpu.vector_load %parallel_loop3A_738[%parallel_loop3A_739, %parallel_loop3A_740] {strides = array<i32>} : memref<128x128xf32, #tpu.memory_space<vmem>>, vector<16xf32>,
        %parallel_loop3A_742 = arith.mulf %parallel_loop3A_734, %parallel_loop3A_741 : vector<16xf32>
        %parallel_loop3A_743 = arith.constant 0 : i32
        %parallel_loop3A_744 = arith.constant 0 : i32
        %parallel_loop3A_745 = tpu.memref_slice %arg9[%parallel_loop3A_144, %parallel_loop3A_743, %parallel_loop3A_744] : memref<3x128x128xf32, #tpu.memory_space<vmem>> -> memref<1x128x128xf32, #tpu.memory_space<vmem>>
        %parallel_loop3A_746 = tpu.memref_squeeze %parallel_loop3A_745 : memref<1x128x128xf32, #tpu.memory_space<vmem>> -> memref<128x128xf32, #tpu.memory_space<vmem>>
        %parallel_loop3A_747 = arith.index_cast %parallel_loop3A_682 : i32 to index
        %parallel_loop3A_748 = arith.constant 64 : index
        %parallel_loop3A_749 = tpu.vector_load %parallel_loop3A_746[%parallel_loop3A_747, %parallel_loop3A_748] {strides = array<i32>} : memref<128x128xf32, #tpu.memory_space<vmem>>, vector<16xf32>,
        %parallel_loop3A_750 = arith.constant 0 : i32
        %parallel_loop3A_751 = arith.constant 0 : i32
        %parallel_loop3A_752 = tpu.memref_slice %arg10[%parallel_loop3A_145, %parallel_loop3A_750, %parallel_loop3A_751] : memref<3x128x128xf32, #tpu.memory_space<vmem>> -> memref<1x128x128xf32, #tpu.memory_space<vmem>>
        %parallel_loop3A_753 = tpu.memref_squeeze %parallel_loop3A_752 : memref<1x128x128xf32, #tpu.memory_space<vmem>> -> memref<128x128xf32, #tpu.memory_space<vmem>>
        %parallel_loop3A_754 = arith.index_cast %parallel_loop3A_682 : i32 to index
        %parallel_loop3A_755 = arith.constant 64 : index
        %parallel_loop3A_756 = tpu.vector_load %parallel_loop3A_753[%parallel_loop3A_754, %parallel_loop3A_755] {strides = array<i32>} : memref<128x128xf32, #tpu.memory_space<vmem>>, vector<16xf32>,
        %parallel_loop3A_757 = arith.mulf %parallel_loop3A_749, %parallel_loop3A_756 : vector<16xf32>
        %parallel_loop3A_758 = arith.constant 0 : i32
        %parallel_loop3A_759 = arith.constant 0 : i32
        %parallel_loop3A_760 = tpu.memref_slice %arg9[%parallel_loop3A_144, %parallel_loop3A_758, %parallel_loop3A_759] : memref<3x128x128xf32, #tpu.memory_space<vmem>> -> memref<1x128x128xf32, #tpu.memory_space<vmem>>
        %parallel_loop3A_761 = tpu.memref_squeeze %parallel_loop3A_760 : memref<1x128x128xf32, #tpu.memory_space<vmem>> -> memref<128x128xf32, #tpu.memory_space<vmem>>
        %parallel_loop3A_762 = arith.index_cast %parallel_loop3A_682 : i32 to index
        %parallel_loop3A_763 = arith.constant 80 : index
        %parallel_loop3A_764 = tpu.vector_load %parallel_loop3A_761[%parallel_loop3A_762, %parallel_loop3A_763] {strides = array<i32>} : memref<128x128xf32, #tpu.memory_space<vmem>>, vector<16xf32>,
        %parallel_loop3A_765 = arith.constant 0 : i32
        %parallel_loop3A_766 = arith.constant 0 : i32
        %parallel_loop3A_767 = tpu.memref_slice %arg10[%parallel_loop3A_145, %parallel_loop3A_765, %parallel_loop3A_766] : memref<3x128x128xf32, #tpu.memory_space<vmem>> -> memref<1x128x128xf32, #tpu.memory_space<vmem>>
        %parallel_loop3A_768 = tpu.memref_squeeze %parallel_loop3A_767 : memref<1x128x128xf32, #tpu.memory_space<vmem>> -> memref<128x128xf32, #tpu.memory_space<vmem>>
        %parallel_loop3A_769 = arith.index_cast %parallel_loop3A_682 : i32 to index
        %parallel_loop3A_770 = arith.constant 80 : index
        %parallel_loop3A_771 = tpu.vector_load %parallel_loop3A_768[%parallel_loop3A_769, %parallel_loop3A_770] {strides = array<i32>} : memref<128x128xf32, #tpu.memory_space<vmem>>, vector<16xf32>,
        %parallel_loop3A_772 = arith.mulf %parallel_loop3A_764, %parallel_loop3A_771 : vector<16xf32>
        %parallel_loop3A_773 = arith.constant 0 : i32
        %parallel_loop3A_774 = arith.constant 0 : i32
        %parallel_loop3A_775 = tpu.memref_slice %arg9[%parallel_loop3A_144, %parallel_loop3A_773, %parallel_loop3A_774] : memref<3x128x128xf32, #tpu.memory_space<vmem>> -> memref<1x128x128xf32, #tpu.memory_space<vmem>>
        %parallel_loop3A_776 = tpu.memref_squeeze %parallel_loop3A_775 : memref<1x128x128xf32, #tpu.memory_space<vmem>> -> memref<128x128xf32, #tpu.memory_space<vmem>>
        %parallel_loop3A_777 = arith.index_cast %parallel_loop3A_682 : i32 to index
        %parallel_loop3A_778 = arith.constant 96 : index
        %parallel_loop3A_779 = tpu.vector_load %parallel_loop3A_776[%parallel_loop3A_777, %parallel_loop3A_778] {strides = array<i32>} : memref<128x128xf32, #tpu.memory_space<vmem>>, vector<16xf32>,
        %parallel_loop3A_780 = arith.constant 0 : i32
        %parallel_loop3A_781 = arith.constant 0 : i32
        %parallel_loop3A_782 = tpu.memref_slice %arg10[%parallel_loop3A_145, %parallel_loop3A_780, %parallel_loop3A_781] : memref<3x128x128xf32, #tpu.memory_space<vmem>> -> memref<1x128x128xf32, #tpu.memory_space<vmem>>
        %parallel_loop3A_783 = tpu.memref_squeeze %parallel_loop3A_782 : memref<1x128x128xf32, #tpu.memory_space<vmem>> -> memref<128x128xf32, #tpu.memory_space<vmem>>
        %parallel_loop3A_784 = arith.index_cast %parallel_loop3A_682 : i32 to index
        %parallel_loop3A_785 = arith.constant 96 : index
        %parallel_loop3A_786 = tpu.vector_load %parallel_loop3A_783[%parallel_loop3A_784, %parallel_loop3A_785] {strides = array<i32>} : memref<128x128xf32, #tpu.memory_space<vmem>>, vector<16xf32>,
        %parallel_loop3A_787 = arith.mulf %parallel_loop3A_779, %parallel_loop3A_786 : vector<16xf32>
        %parallel_loop3A_788 = arith.constant 0 : i32
        %parallel_loop3A_789 = arith.constant 0 : i32
        %parallel_loop3A_790 = tpu.memref_slice %arg9[%parallel_loop3A_144, %parallel_loop3A_788, %parallel_loop3A_789] : memref<3x128x128xf32, #tpu.memory_space<vmem>> -> memref<1x128x128xf32, #tpu.memory_space<vmem>>
        %parallel_loop3A_791 = tpu.memref_squeeze %parallel_loop3A_790 : memref<1x128x128xf32, #tpu.memory_space<vmem>> -> memref<128x128xf32, #tpu.memory_space<vmem>>
        %parallel_loop3A_792 = arith.index_cast %parallel_loop3A_682 : i32 to index
        %parallel_loop3A_793 = arith.constant 112 : index
        %parallel_loop3A_794 = tpu.vector_load %parallel_loop3A_791[%parallel_loop3A_792, %parallel_loop3A_793] {strides = array<i32>} : memref<128x128xf32, #tpu.memory_space<vmem>>, vector<16xf32>,
        %parallel_loop3A_795 = arith.constant 0 : i32
        %parallel_loop3A_796 = arith.constant 0 : i32
        %parallel_loop3A_797 = tpu.memref_slice %arg10[%parallel_loop3A_145, %parallel_loop3A_795, %parallel_loop3A_796] : memref<3x128x128xf32, #tpu.memory_space<vmem>> -> memref<1x128x128xf32, #tpu.memory_space<vmem>>
        %parallel_loop3A_798 = tpu.memref_squeeze %parallel_loop3A_797 : memref<1x128x128xf32, #tpu.memory_space<vmem>> -> memref<128x128xf32, #tpu.memory_space<vmem>>
        %parallel_loop3A_799 = arith.index_cast %parallel_loop3A_682 : i32 to index
        %parallel_loop3A_800 = arith.constant 112 : index
        %parallel_loop3A_801 = tpu.vector_load %parallel_loop3A_798[%parallel_loop3A_799, %parallel_loop3A_800] {strides = array<i32>} : memref<128x128xf32, #tpu.memory_space<vmem>>, vector<16xf32>,
        %parallel_loop3A_802 = arith.mulf %parallel_loop3A_794, %parallel_loop3A_801 : vector<16xf32>
        %parallel_loop3A_803 = arith.addf %parallel_loop3A_697, %parallel_loop3A_712 : vector<16xf32>
        %parallel_loop3A_804 = arith.addf %parallel_loop3A_727, %parallel_loop3A_742 : vector<16xf32>
        %parallel_loop3A_805 = arith.addf %parallel_loop3A_757, %parallel_loop3A_772 : vector<16xf32>
        %parallel_loop3A_806 = arith.addf %parallel_loop3A_787, %parallel_loop3A_802 : vector<16xf32>
        %parallel_loop3A_807 = arith.addf %parallel_loop3A_803, %parallel_loop3A_804 : vector<16xf32>
        %parallel_loop3A_808 = arith.addf %parallel_loop3A_805, %parallel_loop3A_806 : vector<16xf32>
        %parallel_loop3A_809 = arith.addf %parallel_loop3A_807, %parallel_loop3A_808 : vector<16xf32>
        %parallel_loop3A_810 = arith.constant true
        %parallel_loop3A_811 = vector.broadcast %parallel_loop3A_810 : i1 to vector<16xi1>
        %parallel_loop3A_812 = tpu.scan <sum>, %parallel_loop3A_809 masked %parallel_loop3A_811 : vector<16xf32>, vector<16xi1> -> vector<16xf32>
        %parallel_loop3A_813 = vector.extract %parallel_loop3A_812[15] : f32 from vector<16xf32>
        %parallel_loop3A_814 = vector.broadcast %parallel_loop3A_679 : i32 to vector<16xi32>
        %parallel_loop3A_815 = arith.cmpi eq, %iota3A, %parallel_loop3A_814 : vector<16xi32>
        %parallel_loop3A_816 = vector.broadcast %parallel_loop3A_813 : f32 to vector<16xf32>
        %parallel_loop3A_817 = arith.select %parallel_loop3A_815, %parallel_loop3A_816, %parallel_loop3A_677 : vector<16xi1>, vector<16xf32>
        scf.yield %parallel_loop3A_817 : vector<16xf32>
      }
      %parallel_loop3A_252 = arith.constant 16 : i32
      %parallel_loop3A_253 = arith.constant 16 : i32
      %parallel_loop3A_254 = arith.muli %parallel_loop3A_244, %parallel_loop3A_253 : i32
      %parallel_loop3A_255 = arith.constant 128 : i32
      %parallel_loop3A_256 = arith.addi %parallel_loop3A_255, %parallel_loop3A_254 : i32
      %parallel_loop3A_257 = arith.index_cast %parallel_loop3A_256 : i32 to index
      %parallel_loop3A_258 = tpu.vector_load %arg11[%parallel_loop3A_257] {strides = array<i32>} : memref<512xf32, #tpu.memory_space<vmem>>, vector<16xf32>,
      tpu.vector_store %arg11[%parallel_loop3A_257], %parallel_loop3A_251 {strides = array<i32>} : memref<512xf32, #tpu.memory_space<vmem>>, vector<16xf32>,
    } {sc.loop_unroll_factor = 1 : i64, sc.parallel_access}
    %add3A_146 = arith.constant 128 : i32
    %add3A_147 = arith.addi %mul3A_2, %add3A_146 : i32
    %dma_start3A_148 = arith.constant 128 : i32
    %dma_start3A_149 = tpu.memref_slice %arg11[%dma_start3A_148] : memref<512xf32, #tpu.memory_space<vmem>> -> memref<128xf32, #tpu.memory_space<vmem>>
    %dma_start3A_150 = tpu.memref_slice %arg6[%add3A_147] : memref<16384xf32, #tpu.memory_space<hbm>> -> memref<128xf32, #tpu.memory_space<hbm>>
    %dma_start3A_151 = tpu.memref_slice %arg6[%add3A_147] : memref<16384xf32, #tpu.memory_space<hbm>> -> memref<128xf32, #tpu.memory_space<hbm>>
    %dma_start3A_152 = arith.constant 128 : i32
    %dma_start3A_153 = tpu.memref_slice %arg11[%dma_start3A_152] : memref<512xf32, #tpu.memory_space<vmem>> -> memref<128xf32, #tpu.memory_space<vmem>>
    tpu.enqueue_dma source(%dma_start3A_153 : memref<128xf32, #tpu.memory_space<vmem>>) target(%dma_start3A_151 : memref<128xf32, #tpu.memory_space<hbm>>) target_semaphore(%arg15 : memref<!tpu.dma_semaphore, #tpu.memory_space<semaphore_mem>>)
    %dma_wait3A_154 = arith.constant 2 : i32
    %dma_wait3A_155 = arith.constant 0 : i32
    %dma_wait3A_156 = arith.constant 0 : i32
    %dma_wait3A_157 = tpu.memref_slice %arg9[%dma_wait3A_154, %dma_wait3A_155, %dma_wait3A_156] : memref<3x128x128xf32, #tpu.memory_space<vmem>> -> memref<1x128x128xf32, #tpu.memory_space<vmem>>
    %dma_wait3A_158 = tpu.memref_squeeze %dma_wait3A_157 : memref<1x128x128xf32, #tpu.memory_space<vmem>> -> memref<128x128xf32, #tpu.memory_space<vmem>>
    %dma_wait3A_159 = arith.constant 256 : i32
    %dma_wait3A_160 = tpu.memref_slice %arg7[%dma_wait3A_159] : memref<512xi32, #tpu.memory_space<vmem>> -> memref<128xi32, #tpu.memory_space<vmem>>
    %dma_wait3A_161 = arith.constant 0 : i32
    %dma_wait3A_162 = arith.constant 0 : i32
    %dma_wait3A_163 = tpu.memref_slice %arg4[%dma_wait3A_161, %dma_wait3A_162] : memref<100000x128xf32, #tpu.memory_space<hbm>> -> memref<100000x128xf32, #tpu.memory_space<hbm>>
    tpu.wait_indirect_dma semaphore(%arg14 : memref<!tpu.dma_semaphore, #tpu.memory_space<semaphore_mem>>) src(%dma_wait3A_163 : memref<100000x128xf32, #tpu.memory_space<hbm>>) dst(%dma_wait3A_158 : memref<128x128xf32, #tpu.memory_space<vmem>>)
    %dma_wait3A_164 = arith.constant 2 : i32
    %dma_wait3A_165 = arith.constant 0 : i32
    %dma_wait3A_166 = arith.constant 0 : i32
    %dma_wait3A_167 = tpu.memref_slice %arg10[%dma_wait3A_164, %dma_wait3A_165, %dma_wait3A_166] : memref<3x128x128xf32, #tpu.memory_space<vmem>> -> memref<1x128x128xf32, #tpu.memory_space<vmem>>
    %dma_wait3A_168 = tpu.memref_squeeze %dma_wait3A_167 : memref<1x128x128xf32, #tpu.memory_space<vmem>> -> memref<128x128xf32, #tpu.memory_space<vmem>>
    %dma_wait3A_169 = arith.constant 256 : i32
    %dma_wait3A_170 = tpu.memref_slice %arg8[%dma_wait3A_169] : memref<512xi32, #tpu.memory_space<vmem>> -> memref<128xi32, #tpu.memory_space<vmem>>
    %dma_wait3A_171 = arith.constant 0 : i32
    %dma_wait3A_172 = arith.constant 0 : i32
    %dma_wait3A_173 = tpu.memref_slice %arg5[%dma_wait3A_171, %dma_wait3A_172] : memref<100000x128xf32, #tpu.memory_space<hbm>> -> memref<100000x128xf32, #tpu.memory_space<hbm>>
    tpu.wait_indirect_dma semaphore(%arg14 : memref<!tpu.dma_semaphore, #tpu.memory_space<semaphore_mem>>) src(%dma_wait3A_173 : memref<100000x128xf32, #tpu.memory_space<hbm>>) dst(%dma_wait3A_168 : memref<128x128xf32, #tpu.memory_space<vmem>>)
    %parallel_loop3A_174 = arith.constant 0 : i32
    %parallel_loop3A_175 = arith.constant 8 : i32
    %parallel_loop3A_176 = arith.constant 1 : i32
    %parallel_loop3A_177 = arith.constant 2 : i32
    %parallel_loop3A_178 = arith.constant 2 : i32
    scf.for %parallel_loop3A_244 = %parallel_loop3A_174 to %parallel_loop3A_175 step %parallel_loop3A_176  : i32 {
      %parallel_loop3A_245 = arith.constant 0.000000e+00 : f32
      %parallel_loop3A_246 = vector.broadcast %parallel_loop3A_245 : f32 to vector<16xf32>
      %parallel_loop3A_247 = arith.constant 0 : i32
      %parallel_loop3A_248 = arith.constant 16 : i32
      %parallel_loop3A_249 = arith.addi %parallel_loop3A_247, %parallel_loop3A_248 : i32
      %parallel_loop3A_250 = arith.constant 4 : i32
      %parallel_loop3A_251 = scf.for %scan3A = %parallel_loop3A_247 to %parallel_loop3A_249 step %parallel_loop3A_250 iter_args(%scan3A_259 = %parallel_loop3A_246) -> (vector<16xf32>)  : i32 {
        %parallel_loop3A_260 = arith.constant 16 : i32
        %parallel_loop3A_261 = arith.muli %parallel_loop3A_244, %parallel_loop3A_260 : i32
        %parallel_loop3A_262 = arith.addi %parallel_loop3A_261, %scan3A : i32
        %parallel_loop3A_263 = arith.constant 0 : i32
        %parallel_loop3A_264 = arith.constant 0 : i32
        %parallel_loop3A_265 = tpu.memref_slice %arg9[%parallel_loop3A_177, %parallel_loop3A_263, %parallel_loop3A_264] : memref<3x128x128xf32, #tpu.memory_space<vmem>> -> memref<1x128x128xf32, #tpu.memory_space<vmem>>
        %parallel_loop3A_266 = tpu.memref_squeeze %parallel_loop3A_265 : memref<1x128x128xf32, #tpu.memory_space<vmem>> -> memref<128x128xf32, #tpu.memory_space<vmem>>
        %parallel_loop3A_267 = arith.index_cast %parallel_loop3A_262 : i32 to index
        %parallel_loop3A_268 = arith.constant 0 : index
        %parallel_loop3A_269 = tpu.vector_load %parallel_loop3A_266[%parallel_loop3A_267, %parallel_loop3A_268] {strides = array<i32>} : memref<128x128xf32, #tpu.memory_space<vmem>>, vector<16xf32>,
        %parallel_loop3A_270 = arith.constant 0 : i32
        %parallel_loop3A_271 = arith.constant 0 : i32
        %parallel_loop3A_272 = tpu.memref_slice %arg10[%parallel_loop3A_178, %parallel_loop3A_270, %parallel_loop3A_271] : memref<3x128x128xf32, #tpu.memory_space<vmem>> -> memref<1x128x128xf32, #tpu.memory_space<vmem>>
        %parallel_loop3A_273 = tpu.memref_squeeze %parallel_loop3A_272 : memref<1x128x128xf32, #tpu.memory_space<vmem>> -> memref<128x128xf32, #tpu.memory_space<vmem>>
        %parallel_loop3A_274 = arith.index_cast %parallel_loop3A_262 : i32 to index
        %parallel_loop3A_275 = arith.constant 0 : index
        %parallel_loop3A_276 = tpu.vector_load %parallel_loop3A_273[%parallel_loop3A_274, %parallel_loop3A_275] {strides = array<i32>} : memref<128x128xf32, #tpu.memory_space<vmem>>, vector<16xf32>,
        %parallel_loop3A_277 = arith.mulf %parallel_loop3A_269, %parallel_loop3A_276 : vector<16xf32>
        %parallel_loop3A_278 = arith.constant 0 : i32
        %parallel_loop3A_279 = arith.constant 0 : i32
        %parallel_loop3A_280 = tpu.memref_slice %arg9[%parallel_loop3A_177, %parallel_loop3A_278, %parallel_loop3A_279] : memref<3x128x128xf32, #tpu.memory_space<vmem>> -> memref<1x128x128xf32, #tpu.memory_space<vmem>>
        %parallel_loop3A_281 = tpu.memref_squeeze %parallel_loop3A_280 : memref<1x128x128xf32, #tpu.memory_space<vmem>> -> memref<128x128xf32, #tpu.memory_space<vmem>>
        %parallel_loop3A_282 = arith.index_cast %parallel_loop3A_262 : i32 to index
        %parallel_loop3A_283 = arith.constant 16 : index
        %parallel_loop3A_284 = tpu.vector_load %parallel_loop3A_281[%parallel_loop3A_282, %parallel_loop3A_283] {strides = array<i32>} : memref<128x128xf32, #tpu.memory_space<vmem>>, vector<16xf32>,
        %parallel_loop3A_285 = arith.constant 0 : i32
        %parallel_loop3A_286 = arith.constant 0 : i32
        %parallel_loop3A_287 = tpu.memref_slice %arg10[%parallel_loop3A_178, %parallel_loop3A_285, %parallel_loop3A_286] : memref<3x128x128xf32, #tpu.memory_space<vmem>> -> memref<1x128x128xf32, #tpu.memory_space<vmem>>
        %parallel_loop3A_288 = tpu.memref_squeeze %parallel_loop3A_287 : memref<1x128x128xf32, #tpu.memory_space<vmem>> -> memref<128x128xf32, #tpu.memory_space<vmem>>
        %parallel_loop3A_289 = arith.index_cast %parallel_loop3A_262 : i32 to index
        %parallel_loop3A_290 = arith.constant 16 : index
        %parallel_loop3A_291 = tpu.vector_load %parallel_loop3A_288[%parallel_loop3A_289, %parallel_loop3A_290] {strides = array<i32>} : memref<128x128xf32, #tpu.memory_space<vmem>>, vector<16xf32>,
        %parallel_loop3A_292 = arith.mulf %parallel_loop3A_284, %parallel_loop3A_291 : vector<16xf32>
        %parallel_loop3A_293 = arith.constant 0 : i32
        %parallel_loop3A_294 = arith.constant 0 : i32
        %parallel_loop3A_295 = tpu.memref_slice %arg9[%parallel_loop3A_177, %parallel_loop3A_293, %parallel_loop3A_294] : memref<3x128x128xf32, #tpu.memory_space<vmem>> -> memref<1x128x128xf32, #tpu.memory_space<vmem>>
        %parallel_loop3A_296 = tpu.memref_squeeze %parallel_loop3A_295 : memref<1x128x128xf32, #tpu.memory_space<vmem>> -> memref<128x128xf32, #tpu.memory_space<vmem>>
        %parallel_loop3A_297 = arith.index_cast %parallel_loop3A_262 : i32 to index
        %parallel_loop3A_298 = arith.constant 32 : index
        %parallel_loop3A_299 = tpu.vector_load %parallel_loop3A_296[%parallel_loop3A_297, %parallel_loop3A_298] {strides = array<i32>} : memref<128x128xf32, #tpu.memory_space<vmem>>, vector<16xf32>,
        %parallel_loop3A_300 = arith.constant 0 : i32
        %parallel_loop3A_301 = arith.constant 0 : i32
        %parallel_loop3A_302 = tpu.memref_slice %arg10[%parallel_loop3A_178, %parallel_loop3A_300, %parallel_loop3A_301] : memref<3x128x128xf32, #tpu.memory_space<vmem>> -> memref<1x128x128xf32, #tpu.memory_space<vmem>>
        %parallel_loop3A_303 = tpu.memref_squeeze %parallel_loop3A_302 : memref<1x128x128xf32, #tpu.memory_space<vmem>> -> memref<128x128xf32, #tpu.memory_space<vmem>>
        %parallel_loop3A_304 = arith.index_cast %parallel_loop3A_262 : i32 to index
        %parallel_loop3A_305 = arith.constant 32 : index
        %parallel_loop3A_306 = tpu.vector_load %parallel_loop3A_303[%parallel_loop3A_304, %parallel_loop3A_305] {strides = array<i32>} : memref<128x128xf32, #tpu.memory_space<vmem>>, vector<16xf32>,
        %parallel_loop3A_307 = arith.mulf %parallel_loop3A_299, %parallel_loop3A_306 : vector<16xf32>
        %parallel_loop3A_308 = arith.constant 0 : i32
        %parallel_loop3A_309 = arith.constant 0 : i32
        %parallel_loop3A_310 = tpu.memref_slice %arg9[%parallel_loop3A_177, %parallel_loop3A_308, %parallel_loop3A_309] : memref<3x128x128xf32, #tpu.memory_space<vmem>> -> memref<1x128x128xf32, #tpu.memory_space<vmem>>
        %parallel_loop3A_311 = tpu.memref_squeeze %parallel_loop3A_310 : memref<1x128x128xf32, #tpu.memory_space<vmem>> -> memref<128x128xf32, #tpu.memory_space<vmem>>
        %parallel_loop3A_312 = arith.index_cast %parallel_loop3A_262 : i32 to index
        %parallel_loop3A_313 = arith.constant 48 : index
        %parallel_loop3A_314 = tpu.vector_load %parallel_loop3A_311[%parallel_loop3A_312, %parallel_loop3A_313] {strides = array<i32>} : memref<128x128xf32, #tpu.memory_space<vmem>>, vector<16xf32>,
        %parallel_loop3A_315 = arith.constant 0 : i32
        %parallel_loop3A_316 = arith.constant 0 : i32
        %parallel_loop3A_317 = tpu.memref_slice %arg10[%parallel_loop3A_178, %parallel_loop3A_315, %parallel_loop3A_316] : memref<3x128x128xf32, #tpu.memory_space<vmem>> -> memref<1x128x128xf32, #tpu.memory_space<vmem>>
        %parallel_loop3A_318 = tpu.memref_squeeze %parallel_loop3A_317 : memref<1x128x128xf32, #tpu.memory_space<vmem>> -> memref<128x128xf32, #tpu.memory_space<vmem>>
        %parallel_loop3A_319 = arith.index_cast %parallel_loop3A_262 : i32 to index
        %parallel_loop3A_320 = arith.constant 48 : index
        %parallel_loop3A_321 = tpu.vector_load %parallel_loop3A_318[%parallel_loop3A_319, %parallel_loop3A_320] {strides = array<i32>} : memref<128x128xf32, #tpu.memory_space<vmem>>, vector<16xf32>,
        %parallel_loop3A_322 = arith.mulf %parallel_loop3A_314, %parallel_loop3A_321 : vector<16xf32>
        %parallel_loop3A_323 = arith.constant 0 : i32
        %parallel_loop3A_324 = arith.constant 0 : i32
        %parallel_loop3A_325 = tpu.memref_slice %arg9[%parallel_loop3A_177, %parallel_loop3A_323, %parallel_loop3A_324] : memref<3x128x128xf32, #tpu.memory_space<vmem>> -> memref<1x128x128xf32, #tpu.memory_space<vmem>>
        %parallel_loop3A_326 = tpu.memref_squeeze %parallel_loop3A_325 : memref<1x128x128xf32, #tpu.memory_space<vmem>> -> memref<128x128xf32, #tpu.memory_space<vmem>>
        %parallel_loop3A_327 = arith.index_cast %parallel_loop3A_262 : i32 to index
        %parallel_loop3A_328 = arith.constant 64 : index
        %parallel_loop3A_329 = tpu.vector_load %parallel_loop3A_326[%parallel_loop3A_327, %parallel_loop3A_328] {strides = array<i32>} : memref<128x128xf32, #tpu.memory_space<vmem>>, vector<16xf32>,
        %parallel_loop3A_330 = arith.constant 0 : i32
        %parallel_loop3A_331 = arith.constant 0 : i32
        %parallel_loop3A_332 = tpu.memref_slice %arg10[%parallel_loop3A_178, %parallel_loop3A_330, %parallel_loop3A_331] : memref<3x128x128xf32, #tpu.memory_space<vmem>> -> memref<1x128x128xf32, #tpu.memory_space<vmem>>
        %parallel_loop3A_333 = tpu.memref_squeeze %parallel_loop3A_332 : memref<1x128x128xf32, #tpu.memory_space<vmem>> -> memref<128x128xf32, #tpu.memory_space<vmem>>
        %parallel_loop3A_334 = arith.index_cast %parallel_loop3A_262 : i32 to index
        %parallel_loop3A_335 = arith.constant 64 : index
        %parallel_loop3A_336 = tpu.vector_load %parallel_loop3A_333[%parallel_loop3A_334, %parallel_loop3A_335] {strides = array<i32>} : memref<128x128xf32, #tpu.memory_space<vmem>>, vector<16xf32>,
        %parallel_loop3A_337 = arith.mulf %parallel_loop3A_329, %parallel_loop3A_336 : vector<16xf32>
        %parallel_loop3A_338 = arith.constant 0 : i32
        %parallel_loop3A_339 = arith.constant 0 : i32
        %parallel_loop3A_340 = tpu.memref_slice %arg9[%parallel_loop3A_177, %parallel_loop3A_338, %parallel_loop3A_339] : memref<3x128x128xf32, #tpu.memory_space<vmem>> -> memref<1x128x128xf32, #tpu.memory_space<vmem>>
        %parallel_loop3A_341 = tpu.memref_squeeze %parallel_loop3A_340 : memref<1x128x128xf32, #tpu.memory_space<vmem>> -> memref<128x128xf32, #tpu.memory_space<vmem>>
        %parallel_loop3A_342 = arith.index_cast %parallel_loop3A_262 : i32 to index
        %parallel_loop3A_343 = arith.constant 80 : index
        %parallel_loop3A_344 = tpu.vector_load %parallel_loop3A_341[%parallel_loop3A_342, %parallel_loop3A_343] {strides = array<i32>} : memref<128x128xf32, #tpu.memory_space<vmem>>, vector<16xf32>,
        %parallel_loop3A_345 = arith.constant 0 : i32
        %parallel_loop3A_346 = arith.constant 0 : i32
        %parallel_loop3A_347 = tpu.memref_slice %arg10[%parallel_loop3A_178, %parallel_loop3A_345, %parallel_loop3A_346] : memref<3x128x128xf32, #tpu.memory_space<vmem>> -> memref<1x128x128xf32, #tpu.memory_space<vmem>>
        %parallel_loop3A_348 = tpu.memref_squeeze %parallel_loop3A_347 : memref<1x128x128xf32, #tpu.memory_space<vmem>> -> memref<128x128xf32, #tpu.memory_space<vmem>>
        %parallel_loop3A_349 = arith.index_cast %parallel_loop3A_262 : i32 to index
        %parallel_loop3A_350 = arith.constant 80 : index
        %parallel_loop3A_351 = tpu.vector_load %parallel_loop3A_348[%parallel_loop3A_349, %parallel_loop3A_350] {strides = array<i32>} : memref<128x128xf32, #tpu.memory_space<vmem>>, vector<16xf32>,
        %parallel_loop3A_352 = arith.mulf %parallel_loop3A_344, %parallel_loop3A_351 : vector<16xf32>
        %parallel_loop3A_353 = arith.constant 0 : i32
        %parallel_loop3A_354 = arith.constant 0 : i32
        %parallel_loop3A_355 = tpu.memref_slice %arg9[%parallel_loop3A_177, %parallel_loop3A_353, %parallel_loop3A_354] : memref<3x128x128xf32, #tpu.memory_space<vmem>> -> memref<1x128x128xf32, #tpu.memory_space<vmem>>
        %parallel_loop3A_356 = tpu.memref_squeeze %parallel_loop3A_355 : memref<1x128x128xf32, #tpu.memory_space<vmem>> -> memref<128x128xf32, #tpu.memory_space<vmem>>
        %parallel_loop3A_357 = arith.index_cast %parallel_loop3A_262 : i32 to index
        %parallel_loop3A_358 = arith.constant 96 : index
        %parallel_loop3A_359 = tpu.vector_load %parallel_loop3A_356[%parallel_loop3A_357, %parallel_loop3A_358] {strides = array<i32>} : memref<128x128xf32, #tpu.memory_space<vmem>>, vector<16xf32>,
        %parallel_loop3A_360 = arith.constant 0 : i32
        %parallel_loop3A_361 = arith.constant 0 : i32
        %parallel_loop3A_362 = tpu.memref_slice %arg10[%parallel_loop3A_178, %parallel_loop3A_360, %parallel_loop3A_361] : memref<3x128x128xf32, #tpu.memory_space<vmem>> -> memref<1x128x128xf32, #tpu.memory_space<vmem>>
        %parallel_loop3A_363 = tpu.memref_squeeze %parallel_loop3A_362 : memref<1x128x128xf32, #tpu.memory_space<vmem>> -> memref<128x128xf32, #tpu.memory_space<vmem>>
        %parallel_loop3A_364 = arith.index_cast %parallel_loop3A_262 : i32 to index
        %parallel_loop3A_365 = arith.constant 96 : index
        %parallel_loop3A_366 = tpu.vector_load %parallel_loop3A_363[%parallel_loop3A_364, %parallel_loop3A_365] {strides = array<i32>} : memref<128x128xf32, #tpu.memory_space<vmem>>, vector<16xf32>,
        %parallel_loop3A_367 = arith.mulf %parallel_loop3A_359, %parallel_loop3A_366 : vector<16xf32>
        %parallel_loop3A_368 = arith.constant 0 : i32
        %parallel_loop3A_369 = arith.constant 0 : i32
        %parallel_loop3A_370 = tpu.memref_slice %arg9[%parallel_loop3A_177, %parallel_loop3A_368, %parallel_loop3A_369] : memref<3x128x128xf32, #tpu.memory_space<vmem>> -> memref<1x128x128xf32, #tpu.memory_space<vmem>>
        %parallel_loop3A_371 = tpu.memref_squeeze %parallel_loop3A_370 : memref<1x128x128xf32, #tpu.memory_space<vmem>> -> memref<128x128xf32, #tpu.memory_space<vmem>>
        %parallel_loop3A_372 = arith.index_cast %parallel_loop3A_262 : i32 to index
        %parallel_loop3A_373 = arith.constant 112 : index
        %parallel_loop3A_374 = tpu.vector_load %parallel_loop3A_371[%parallel_loop3A_372, %parallel_loop3A_373] {strides = array<i32>} : memref<128x128xf32, #tpu.memory_space<vmem>>, vector<16xf32>,
        %parallel_loop3A_375 = arith.constant 0 : i32
        %parallel_loop3A_376 = arith.constant 0 : i32
        %parallel_loop3A_377 = tpu.memref_slice %arg10[%parallel_loop3A_178, %parallel_loop3A_375, %parallel_loop3A_376] : memref<3x128x128xf32, #tpu.memory_space<vmem>> -> memref<1x128x128xf32, #tpu.memory_space<vmem>>
        %parallel_loop3A_378 = tpu.memref_squeeze %parallel_loop3A_377 : memref<1x128x128xf32, #tpu.memory_space<vmem>> -> memref<128x128xf32, #tpu.memory_space<vmem>>
        %parallel_loop3A_379 = arith.index_cast %parallel_loop3A_262 : i32 to index
        %parallel_loop3A_380 = arith.constant 112 : index
        %parallel_loop3A_381 = tpu.vector_load %parallel_loop3A_378[%parallel_loop3A_379, %parallel_loop3A_380] {strides = array<i32>} : memref<128x128xf32, #tpu.memory_space<vmem>>, vector<16xf32>,
        %parallel_loop3A_382 = arith.mulf %parallel_loop3A_374, %parallel_loop3A_381 : vector<16xf32>
        %parallel_loop3A_383 = arith.addf %parallel_loop3A_277, %parallel_loop3A_292 : vector<16xf32>
        %parallel_loop3A_384 = arith.addf %parallel_loop3A_307, %parallel_loop3A_322 : vector<16xf32>
        %parallel_loop3A_385 = arith.addf %parallel_loop3A_337, %parallel_loop3A_352 : vector<16xf32>
        %parallel_loop3A_386 = arith.addf %parallel_loop3A_367, %parallel_loop3A_382 : vector<16xf32>
        %parallel_loop3A_387 = arith.addf %parallel_loop3A_383, %parallel_loop3A_384 : vector<16xf32>
        %parallel_loop3A_388 = arith.addf %parallel_loop3A_385, %parallel_loop3A_386 : vector<16xf32>
        %parallel_loop3A_389 = arith.addf %parallel_loop3A_387, %parallel_loop3A_388 : vector<16xf32>
        %parallel_loop3A_390 = arith.constant true
        %parallel_loop3A_391 = vector.broadcast %parallel_loop3A_390 : i1 to vector<16xi1>
        %parallel_loop3A_392 = tpu.scan <sum>, %parallel_loop3A_389 masked %parallel_loop3A_391 : vector<16xf32>, vector<16xi1> -> vector<16xf32>
        %parallel_loop3A_393 = vector.extract %parallel_loop3A_392[15] : f32 from vector<16xf32>
        %parallel_loop3A_394 = vector.broadcast %scan3A : i32 to vector<16xi32>
        %parallel_loop3A_395 = arith.cmpi eq, %iota3A, %parallel_loop3A_394 : vector<16xi32>
        %parallel_loop3A_396 = vector.broadcast %parallel_loop3A_393 : f32 to vector<16xf32>
        %parallel_loop3A_397 = arith.select %parallel_loop3A_395, %parallel_loop3A_396, %scan3A_259 : vector<16xi1>, vector<16xf32>
        %parallel_loop3A_398 = arith.constant 1 : i32
        %parallel_loop3A_399 = arith.addi %scan3A, %parallel_loop3A_398 : i32
        %parallel_loop3A_400 = arith.constant 16 : i32
        %parallel_loop3A_401 = arith.muli %parallel_loop3A_244, %parallel_loop3A_400 : i32
        %parallel_loop3A_402 = arith.addi %parallel_loop3A_401, %parallel_loop3A_399 : i32
        %parallel_loop3A_403 = arith.constant 0 : i32
        %parallel_loop3A_404 = arith.constant 0 : i32
        %parallel_loop3A_405 = tpu.memref_slice %arg9[%parallel_loop3A_177, %parallel_loop3A_403, %parallel_loop3A_404] : memref<3x128x128xf32, #tpu.memory_space<vmem>> -> memref<1x128x128xf32, #tpu.memory_space<vmem>>
        %parallel_loop3A_406 = tpu.memref_squeeze %parallel_loop3A_405 : memref<1x128x128xf32, #tpu.memory_space<vmem>> -> memref<128x128xf32, #tpu.memory_space<vmem>>
        %parallel_loop3A_407 = arith.index_cast %parallel_loop3A_402 : i32 to index
        %parallel_loop3A_408 = arith.constant 0 : index
        %parallel_loop3A_409 = tpu.vector_load %parallel_loop3A_406[%parallel_loop3A_407, %parallel_loop3A_408] {strides = array<i32>} : memref<128x128xf32, #tpu.memory_space<vmem>>, vector<16xf32>,
        %parallel_loop3A_410 = arith.constant 0 : i32
        %parallel_loop3A_411 = arith.constant 0 : i32
        %parallel_loop3A_412 = tpu.memref_slice %arg10[%parallel_loop3A_178, %parallel_loop3A_410, %parallel_loop3A_411] : memref<3x128x128xf32, #tpu.memory_space<vmem>> -> memref<1x128x128xf32, #tpu.memory_space<vmem>>
        %parallel_loop3A_413 = tpu.memref_squeeze %parallel_loop3A_412 : memref<1x128x128xf32, #tpu.memory_space<vmem>> -> memref<128x128xf32, #tpu.memory_space<vmem>>
        %parallel_loop3A_414 = arith.index_cast %parallel_loop3A_402 : i32 to index
        %parallel_loop3A_415 = arith.constant 0 : index
        %parallel_loop3A_416 = tpu.vector_load %parallel_loop3A_413[%parallel_loop3A_414, %parallel_loop3A_415] {strides = array<i32>} : memref<128x128xf32, #tpu.memory_space<vmem>>, vector<16xf32>,
        %parallel_loop3A_417 = arith.mulf %parallel_loop3A_409, %parallel_loop3A_416 : vector<16xf32>
        %parallel_loop3A_418 = arith.constant 0 : i32
        %parallel_loop3A_419 = arith.constant 0 : i32
        %parallel_loop3A_420 = tpu.memref_slice %arg9[%parallel_loop3A_177, %parallel_loop3A_418, %parallel_loop3A_419] : memref<3x128x128xf32, #tpu.memory_space<vmem>> -> memref<1x128x128xf32, #tpu.memory_space<vmem>>
        %parallel_loop3A_421 = tpu.memref_squeeze %parallel_loop3A_420 : memref<1x128x128xf32, #tpu.memory_space<vmem>> -> memref<128x128xf32, #tpu.memory_space<vmem>>
        %parallel_loop3A_422 = arith.index_cast %parallel_loop3A_402 : i32 to index
        %parallel_loop3A_423 = arith.constant 16 : index
        %parallel_loop3A_424 = tpu.vector_load %parallel_loop3A_421[%parallel_loop3A_422, %parallel_loop3A_423] {strides = array<i32>} : memref<128x128xf32, #tpu.memory_space<vmem>>, vector<16xf32>,
        %parallel_loop3A_425 = arith.constant 0 : i32
        %parallel_loop3A_426 = arith.constant 0 : i32
        %parallel_loop3A_427 = tpu.memref_slice %arg10[%parallel_loop3A_178, %parallel_loop3A_425, %parallel_loop3A_426] : memref<3x128x128xf32, #tpu.memory_space<vmem>> -> memref<1x128x128xf32, #tpu.memory_space<vmem>>
        %parallel_loop3A_428 = tpu.memref_squeeze %parallel_loop3A_427 : memref<1x128x128xf32, #tpu.memory_space<vmem>> -> memref<128x128xf32, #tpu.memory_space<vmem>>
        %parallel_loop3A_429 = arith.index_cast %parallel_loop3A_402 : i32 to index
        %parallel_loop3A_430 = arith.constant 16 : index
        %parallel_loop3A_431 = tpu.vector_load %parallel_loop3A_428[%parallel_loop3A_429, %parallel_loop3A_430] {strides = array<i32>} : memref<128x128xf32, #tpu.memory_space<vmem>>, vector<16xf32>,
        %parallel_loop3A_432 = arith.mulf %parallel_loop3A_424, %parallel_loop3A_431 : vector<16xf32>
        %parallel_loop3A_433 = arith.constant 0 : i32
        %parallel_loop3A_434 = arith.constant 0 : i32
        %parallel_loop3A_435 = tpu.memref_slice %arg9[%parallel_loop3A_177, %parallel_loop3A_433, %parallel_loop3A_434] : memref<3x128x128xf32, #tpu.memory_space<vmem>> -> memref<1x128x128xf32, #tpu.memory_space<vmem>>
        %parallel_loop3A_436 = tpu.memref_squeeze %parallel_loop3A_435 : memref<1x128x128xf32, #tpu.memory_space<vmem>> -> memref<128x128xf32, #tpu.memory_space<vmem>>
        %parallel_loop3A_437 = arith.index_cast %parallel_loop3A_402 : i32 to index
        %parallel_loop3A_438 = arith.constant 32 : index
        %parallel_loop3A_439 = tpu.vector_load %parallel_loop3A_436[%parallel_loop3A_437, %parallel_loop3A_438] {strides = array<i32>} : memref<128x128xf32, #tpu.memory_space<vmem>>, vector<16xf32>,
        %parallel_loop3A_440 = arith.constant 0 : i32
        %parallel_loop3A_441 = arith.constant 0 : i32
        %parallel_loop3A_442 = tpu.memref_slice %arg10[%parallel_loop3A_178, %parallel_loop3A_440, %parallel_loop3A_441] : memref<3x128x128xf32, #tpu.memory_space<vmem>> -> memref<1x128x128xf32, #tpu.memory_space<vmem>>
        %parallel_loop3A_443 = tpu.memref_squeeze %parallel_loop3A_442 : memref<1x128x128xf32, #tpu.memory_space<vmem>> -> memref<128x128xf32, #tpu.memory_space<vmem>>
        %parallel_loop3A_444 = arith.index_cast %parallel_loop3A_402 : i32 to index
        %parallel_loop3A_445 = arith.constant 32 : index
        %parallel_loop3A_446 = tpu.vector_load %parallel_loop3A_443[%parallel_loop3A_444, %parallel_loop3A_445] {strides = array<i32>} : memref<128x128xf32, #tpu.memory_space<vmem>>, vector<16xf32>,
        %parallel_loop3A_447 = arith.mulf %parallel_loop3A_439, %parallel_loop3A_446 : vector<16xf32>
        %parallel_loop3A_448 = arith.constant 0 : i32
        %parallel_loop3A_449 = arith.constant 0 : i32
        %parallel_loop3A_450 = tpu.memref_slice %arg9[%parallel_loop3A_177, %parallel_loop3A_448, %parallel_loop3A_449] : memref<3x128x128xf32, #tpu.memory_space<vmem>> -> memref<1x128x128xf32, #tpu.memory_space<vmem>>
        %parallel_loop3A_451 = tpu.memref_squeeze %parallel_loop3A_450 : memref<1x128x128xf32, #tpu.memory_space<vmem>> -> memref<128x128xf32, #tpu.memory_space<vmem>>
        %parallel_loop3A_452 = arith.index_cast %parallel_loop3A_402 : i32 to index
        %parallel_loop3A_453 = arith.constant 48 : index
        %parallel_loop3A_454 = tpu.vector_load %parallel_loop3A_451[%parallel_loop3A_452, %parallel_loop3A_453] {strides = array<i32>} : memref<128x128xf32, #tpu.memory_space<vmem>>, vector<16xf32>,
        %parallel_loop3A_455 = arith.constant 0 : i32
        %parallel_loop3A_456 = arith.constant 0 : i32
        %parallel_loop3A_457 = tpu.memref_slice %arg10[%parallel_loop3A_178, %parallel_loop3A_455, %parallel_loop3A_456] : memref<3x128x128xf32, #tpu.memory_space<vmem>> -> memref<1x128x128xf32, #tpu.memory_space<vmem>>
        %parallel_loop3A_458 = tpu.memref_squeeze %parallel_loop3A_457 : memref<1x128x128xf32, #tpu.memory_space<vmem>> -> memref<128x128xf32, #tpu.memory_space<vmem>>
        %parallel_loop3A_459 = arith.index_cast %parallel_loop3A_402 : i32 to index
        %parallel_loop3A_460 = arith.constant 48 : index
        %parallel_loop3A_461 = tpu.vector_load %parallel_loop3A_458[%parallel_loop3A_459, %parallel_loop3A_460] {strides = array<i32>} : memref<128x128xf32, #tpu.memory_space<vmem>>, vector<16xf32>,
        %parallel_loop3A_462 = arith.mulf %parallel_loop3A_454, %parallel_loop3A_461 : vector<16xf32>
        %parallel_loop3A_463 = arith.constant 0 : i32
        %parallel_loop3A_464 = arith.constant 0 : i32
        %parallel_loop3A_465 = tpu.memref_slice %arg9[%parallel_loop3A_177, %parallel_loop3A_463, %parallel_loop3A_464] : memref<3x128x128xf32, #tpu.memory_space<vmem>> -> memref<1x128x128xf32, #tpu.memory_space<vmem>>
        %parallel_loop3A_466 = tpu.memref_squeeze %parallel_loop3A_465 : memref<1x128x128xf32, #tpu.memory_space<vmem>> -> memref<128x128xf32, #tpu.memory_space<vmem>>
        %parallel_loop3A_467 = arith.index_cast %parallel_loop3A_402 : i32 to index
        %parallel_loop3A_468 = arith.constant 64 : index
        %parallel_loop3A_469 = tpu.vector_load %parallel_loop3A_466[%parallel_loop3A_467, %parallel_loop3A_468] {strides = array<i32>} : memref<128x128xf32, #tpu.memory_space<vmem>>, vector<16xf32>,
        %parallel_loop3A_470 = arith.constant 0 : i32
        %parallel_loop3A_471 = arith.constant 0 : i32
        %parallel_loop3A_472 = tpu.memref_slice %arg10[%parallel_loop3A_178, %parallel_loop3A_470, %parallel_loop3A_471] : memref<3x128x128xf32, #tpu.memory_space<vmem>> -> memref<1x128x128xf32, #tpu.memory_space<vmem>>
        %parallel_loop3A_473 = tpu.memref_squeeze %parallel_loop3A_472 : memref<1x128x128xf32, #tpu.memory_space<vmem>> -> memref<128x128xf32, #tpu.memory_space<vmem>>
        %parallel_loop3A_474 = arith.index_cast %parallel_loop3A_402 : i32 to index
        %parallel_loop3A_475 = arith.constant 64 : index
        %parallel_loop3A_476 = tpu.vector_load %parallel_loop3A_473[%parallel_loop3A_474, %parallel_loop3A_475] {strides = array<i32>} : memref<128x128xf32, #tpu.memory_space<vmem>>, vector<16xf32>,
        %parallel_loop3A_477 = arith.mulf %parallel_loop3A_469, %parallel_loop3A_476 : vector<16xf32>
        %parallel_loop3A_478 = arith.constant 0 : i32
        %parallel_loop3A_479 = arith.constant 0 : i32
        %parallel_loop3A_480 = tpu.memref_slice %arg9[%parallel_loop3A_177, %parallel_loop3A_478, %parallel_loop3A_479] : memref<3x128x128xf32, #tpu.memory_space<vmem>> -> memref<1x128x128xf32, #tpu.memory_space<vmem>>
        %parallel_loop3A_481 = tpu.memref_squeeze %parallel_loop3A_480 : memref<1x128x128xf32, #tpu.memory_space<vmem>> -> memref<128x128xf32, #tpu.memory_space<vmem>>
        %parallel_loop3A_482 = arith.index_cast %parallel_loop3A_402 : i32 to index
        %parallel_loop3A_483 = arith.constant 80 : index
        %parallel_loop3A_484 = tpu.vector_load %parallel_loop3A_481[%parallel_loop3A_482, %parallel_loop3A_483] {strides = array<i32>} : memref<128x128xf32, #tpu.memory_space<vmem>>, vector<16xf32>,
        %parallel_loop3A_485 = arith.constant 0 : i32
        %parallel_loop3A_486 = arith.constant 0 : i32
        %parallel_loop3A_487 = tpu.memref_slice %arg10[%parallel_loop3A_178, %parallel_loop3A_485, %parallel_loop3A_486] : memref<3x128x128xf32, #tpu.memory_space<vmem>> -> memref<1x128x128xf32, #tpu.memory_space<vmem>>
        %parallel_loop3A_488 = tpu.memref_squeeze %parallel_loop3A_487 : memref<1x128x128xf32, #tpu.memory_space<vmem>> -> memref<128x128xf32, #tpu.memory_space<vmem>>
        %parallel_loop3A_489 = arith.index_cast %parallel_loop3A_402 : i32 to index
        %parallel_loop3A_490 = arith.constant 80 : index
        %parallel_loop3A_491 = tpu.vector_load %parallel_loop3A_488[%parallel_loop3A_489, %parallel_loop3A_490] {strides = array<i32>} : memref<128x128xf32, #tpu.memory_space<vmem>>, vector<16xf32>,
        %parallel_loop3A_492 = arith.mulf %parallel_loop3A_484, %parallel_loop3A_491 : vector<16xf32>
        %parallel_loop3A_493 = arith.constant 0 : i32
        %parallel_loop3A_494 = arith.constant 0 : i32
        %parallel_loop3A_495 = tpu.memref_slice %arg9[%parallel_loop3A_177, %parallel_loop3A_493, %parallel_loop3A_494] : memref<3x128x128xf32, #tpu.memory_space<vmem>> -> memref<1x128x128xf32, #tpu.memory_space<vmem>>
        %parallel_loop3A_496 = tpu.memref_squeeze %parallel_loop3A_495 : memref<1x128x128xf32, #tpu.memory_space<vmem>> -> memref<128x128xf32, #tpu.memory_space<vmem>>
        %parallel_loop3A_497 = arith.index_cast %parallel_loop3A_402 : i32 to index
        %parallel_loop3A_498 = arith.constant 96 : index
        %parallel_loop3A_499 = tpu.vector_load %parallel_loop3A_496[%parallel_loop3A_497, %parallel_loop3A_498] {strides = array<i32>} : memref<128x128xf32, #tpu.memory_space<vmem>>, vector<16xf32>,
        %parallel_loop3A_500 = arith.constant 0 : i32
        %parallel_loop3A_501 = arith.constant 0 : i32
        %parallel_loop3A_502 = tpu.memref_slice %arg10[%parallel_loop3A_178, %parallel_loop3A_500, %parallel_loop3A_501] : memref<3x128x128xf32, #tpu.memory_space<vmem>> -> memref<1x128x128xf32, #tpu.memory_space<vmem>>
        %parallel_loop3A_503 = tpu.memref_squeeze %parallel_loop3A_502 : memref<1x128x128xf32, #tpu.memory_space<vmem>> -> memref<128x128xf32, #tpu.memory_space<vmem>>
        %parallel_loop3A_504 = arith.index_cast %parallel_loop3A_402 : i32 to index
        %parallel_loop3A_505 = arith.constant 96 : index
        %parallel_loop3A_506 = tpu.vector_load %parallel_loop3A_503[%parallel_loop3A_504, %parallel_loop3A_505] {strides = array<i32>} : memref<128x128xf32, #tpu.memory_space<vmem>>, vector<16xf32>,
        %parallel_loop3A_507 = arith.mulf %parallel_loop3A_499, %parallel_loop3A_506 : vector<16xf32>
        %parallel_loop3A_508 = arith.constant 0 : i32
        %parallel_loop3A_509 = arith.constant 0 : i32
        %parallel_loop3A_510 = tpu.memref_slice %arg9[%parallel_loop3A_177, %parallel_loop3A_508, %parallel_loop3A_509] : memref<3x128x128xf32, #tpu.memory_space<vmem>> -> memref<1x128x128xf32, #tpu.memory_space<vmem>>
        %parallel_loop3A_511 = tpu.memref_squeeze %parallel_loop3A_510 : memref<1x128x128xf32, #tpu.memory_space<vmem>> -> memref<128x128xf32, #tpu.memory_space<vmem>>
        %parallel_loop3A_512 = arith.index_cast %parallel_loop3A_402 : i32 to index
        %parallel_loop3A_513 = arith.constant 112 : index
        %parallel_loop3A_514 = tpu.vector_load %parallel_loop3A_511[%parallel_loop3A_512, %parallel_loop3A_513] {strides = array<i32>} : memref<128x128xf32, #tpu.memory_space<vmem>>, vector<16xf32>,
        %parallel_loop3A_515 = arith.constant 0 : i32
        %parallel_loop3A_516 = arith.constant 0 : i32
        %parallel_loop3A_517 = tpu.memref_slice %arg10[%parallel_loop3A_178, %parallel_loop3A_515, %parallel_loop3A_516] : memref<3x128x128xf32, #tpu.memory_space<vmem>> -> memref<1x128x128xf32, #tpu.memory_space<vmem>>
        %parallel_loop3A_518 = tpu.memref_squeeze %parallel_loop3A_517 : memref<1x128x128xf32, #tpu.memory_space<vmem>> -> memref<128x128xf32, #tpu.memory_space<vmem>>
        %parallel_loop3A_519 = arith.index_cast %parallel_loop3A_402 : i32 to index
        %parallel_loop3A_520 = arith.constant 112 : index
        %parallel_loop3A_521 = tpu.vector_load %parallel_loop3A_518[%parallel_loop3A_519, %parallel_loop3A_520] {strides = array<i32>} : memref<128x128xf32, #tpu.memory_space<vmem>>, vector<16xf32>,
        %parallel_loop3A_522 = arith.mulf %parallel_loop3A_514, %parallel_loop3A_521 : vector<16xf32>
        %parallel_loop3A_523 = arith.addf %parallel_loop3A_417, %parallel_loop3A_432 : vector<16xf32>
        %parallel_loop3A_524 = arith.addf %parallel_loop3A_447, %parallel_loop3A_462 : vector<16xf32>
        %parallel_loop3A_525 = arith.addf %parallel_loop3A_477, %parallel_loop3A_492 : vector<16xf32>
        %parallel_loop3A_526 = arith.addf %parallel_loop3A_507, %parallel_loop3A_522 : vector<16xf32>
        %parallel_loop3A_527 = arith.addf %parallel_loop3A_523, %parallel_loop3A_524 : vector<16xf32>
        %parallel_loop3A_528 = arith.addf %parallel_loop3A_525, %parallel_loop3A_526 : vector<16xf32>
        %parallel_loop3A_529 = arith.addf %parallel_loop3A_527, %parallel_loop3A_528 : vector<16xf32>
        %parallel_loop3A_530 = arith.constant true
        %parallel_loop3A_531 = vector.broadcast %parallel_loop3A_530 : i1 to vector<16xi1>
        %parallel_loop3A_532 = tpu.scan <sum>, %parallel_loop3A_529 masked %parallel_loop3A_531 : vector<16xf32>, vector<16xi1> -> vector<16xf32>
        %parallel_loop3A_533 = vector.extract %parallel_loop3A_532[15] : f32 from vector<16xf32>
        %parallel_loop3A_534 = vector.broadcast %parallel_loop3A_399 : i32 to vector<16xi32>
        %parallel_loop3A_535 = arith.cmpi eq, %iota3A, %parallel_loop3A_534 : vector<16xi32>
        %parallel_loop3A_536 = vector.broadcast %parallel_loop3A_533 : f32 to vector<16xf32>
        %parallel_loop3A_537 = arith.select %parallel_loop3A_535, %parallel_loop3A_536, %parallel_loop3A_397 : vector<16xi1>, vector<16xf32>
        %parallel_loop3A_538 = arith.constant 2 : i32
        %parallel_loop3A_539 = arith.addi %scan3A, %parallel_loop3A_538 : i32
        %parallel_loop3A_540 = arith.constant 16 : i32
        %parallel_loop3A_541 = arith.muli %parallel_loop3A_244, %parallel_loop3A_540 : i32
        %parallel_loop3A_542 = arith.addi %parallel_loop3A_541, %parallel_loop3A_539 : i32
        %parallel_loop3A_543 = arith.constant 0 : i32
        %parallel_loop3A_544 = arith.constant 0 : i32
        %parallel_loop3A_545 = tpu.memref_slice %arg9[%parallel_loop3A_177, %parallel_loop3A_543, %parallel_loop3A_544] : memref<3x128x128xf32, #tpu.memory_space<vmem>> -> memref<1x128x128xf32, #tpu.memory_space<vmem>>
        %parallel_loop3A_546 = tpu.memref_squeeze %parallel_loop3A_545 : memref<1x128x128xf32, #tpu.memory_space<vmem>> -> memref<128x128xf32, #tpu.memory_space<vmem>>
        %parallel_loop3A_547 = arith.index_cast %parallel_loop3A_542 : i32 to index
        %parallel_loop3A_548 = arith.constant 0 : index
        %parallel_loop3A_549 = tpu.vector_load %parallel_loop3A_546[%parallel_loop3A_547, %parallel_loop3A_548] {strides = array<i32>} : memref<128x128xf32, #tpu.memory_space<vmem>>, vector<16xf32>,
        %parallel_loop3A_550 = arith.constant 0 : i32
        %parallel_loop3A_551 = arith.constant 0 : i32
        %parallel_loop3A_552 = tpu.memref_slice %arg10[%parallel_loop3A_178, %parallel_loop3A_550, %parallel_loop3A_551] : memref<3x128x128xf32, #tpu.memory_space<vmem>> -> memref<1x128x128xf32, #tpu.memory_space<vmem>>
        %parallel_loop3A_553 = tpu.memref_squeeze %parallel_loop3A_552 : memref<1x128x128xf32, #tpu.memory_space<vmem>> -> memref<128x128xf32, #tpu.memory_space<vmem>>
        %parallel_loop3A_554 = arith.index_cast %parallel_loop3A_542 : i32 to index
        %parallel_loop3A_555 = arith.constant 0 : index
        %parallel_loop3A_556 = tpu.vector_load %parallel_loop3A_553[%parallel_loop3A_554, %parallel_loop3A_555] {strides = array<i32>} : memref<128x128xf32, #tpu.memory_space<vmem>>, vector<16xf32>,
        %parallel_loop3A_557 = arith.mulf %parallel_loop3A_549, %parallel_loop3A_556 : vector<16xf32>
        %parallel_loop3A_558 = arith.constant 0 : i32
        %parallel_loop3A_559 = arith.constant 0 : i32
        %parallel_loop3A_560 = tpu.memref_slice %arg9[%parallel_loop3A_177, %parallel_loop3A_558, %parallel_loop3A_559] : memref<3x128x128xf32, #tpu.memory_space<vmem>> -> memref<1x128x128xf32, #tpu.memory_space<vmem>>
        %parallel_loop3A_561 = tpu.memref_squeeze %parallel_loop3A_560 : memref<1x128x128xf32, #tpu.memory_space<vmem>> -> memref<128x128xf32, #tpu.memory_space<vmem>>
        %parallel_loop3A_562 = arith.index_cast %parallel_loop3A_542 : i32 to index
        %parallel_loop3A_563 = arith.constant 16 : index
        %parallel_loop3A_564 = tpu.vector_load %parallel_loop3A_561[%parallel_loop3A_562, %parallel_loop3A_563] {strides = array<i32>} : memref<128x128xf32, #tpu.memory_space<vmem>>, vector<16xf32>,
        %parallel_loop3A_565 = arith.constant 0 : i32
        %parallel_loop3A_566 = arith.constant 0 : i32
        %parallel_loop3A_567 = tpu.memref_slice %arg10[%parallel_loop3A_178, %parallel_loop3A_565, %parallel_loop3A_566] : memref<3x128x128xf32, #tpu.memory_space<vmem>> -> memref<1x128x128xf32, #tpu.memory_space<vmem>>
        %parallel_loop3A_568 = tpu.memref_squeeze %parallel_loop3A_567 : memref<1x128x128xf32, #tpu.memory_space<vmem>> -> memref<128x128xf32, #tpu.memory_space<vmem>>
        %parallel_loop3A_569 = arith.index_cast %parallel_loop3A_542 : i32 to index
        %parallel_loop3A_570 = arith.constant 16 : index
        %parallel_loop3A_571 = tpu.vector_load %parallel_loop3A_568[%parallel_loop3A_569, %parallel_loop3A_570] {strides = array<i32>} : memref<128x128xf32, #tpu.memory_space<vmem>>, vector<16xf32>,
        %parallel_loop3A_572 = arith.mulf %parallel_loop3A_564, %parallel_loop3A_571 : vector<16xf32>
        %parallel_loop3A_573 = arith.constant 0 : i32
        %parallel_loop3A_574 = arith.constant 0 : i32
        %parallel_loop3A_575 = tpu.memref_slice %arg9[%parallel_loop3A_177, %parallel_loop3A_573, %parallel_loop3A_574] : memref<3x128x128xf32, #tpu.memory_space<vmem>> -> memref<1x128x128xf32, #tpu.memory_space<vmem>>
        %parallel_loop3A_576 = tpu.memref_squeeze %parallel_loop3A_575 : memref<1x128x128xf32, #tpu.memory_space<vmem>> -> memref<128x128xf32, #tpu.memory_space<vmem>>
        %parallel_loop3A_577 = arith.index_cast %parallel_loop3A_542 : i32 to index
        %parallel_loop3A_578 = arith.constant 32 : index
        %parallel_loop3A_579 = tpu.vector_load %parallel_loop3A_576[%parallel_loop3A_577, %parallel_loop3A_578] {strides = array<i32>} : memref<128x128xf32, #tpu.memory_space<vmem>>, vector<16xf32>,
        %parallel_loop3A_580 = arith.constant 0 : i32
        %parallel_loop3A_581 = arith.constant 0 : i32
        %parallel_loop3A_582 = tpu.memref_slice %arg10[%parallel_loop3A_178, %parallel_loop3A_580, %parallel_loop3A_581] : memref<3x128x128xf32, #tpu.memory_space<vmem>> -> memref<1x128x128xf32, #tpu.memory_space<vmem>>
        %parallel_loop3A_583 = tpu.memref_squeeze %parallel_loop3A_582 : memref<1x128x128xf32, #tpu.memory_space<vmem>> -> memref<128x128xf32, #tpu.memory_space<vmem>>
        %parallel_loop3A_584 = arith.index_cast %parallel_loop3A_542 : i32 to index
        %parallel_loop3A_585 = arith.constant 32 : index
        %parallel_loop3A_586 = tpu.vector_load %parallel_loop3A_583[%parallel_loop3A_584, %parallel_loop3A_585] {strides = array<i32>} : memref<128x128xf32, #tpu.memory_space<vmem>>, vector<16xf32>,
        %parallel_loop3A_587 = arith.mulf %parallel_loop3A_579, %parallel_loop3A_586 : vector<16xf32>
        %parallel_loop3A_588 = arith.constant 0 : i32
        %parallel_loop3A_589 = arith.constant 0 : i32
        %parallel_loop3A_590 = tpu.memref_slice %arg9[%parallel_loop3A_177, %parallel_loop3A_588, %parallel_loop3A_589] : memref<3x128x128xf32, #tpu.memory_space<vmem>> -> memref<1x128x128xf32, #tpu.memory_space<vmem>>
        %parallel_loop3A_591 = tpu.memref_squeeze %parallel_loop3A_590 : memref<1x128x128xf32, #tpu.memory_space<vmem>> -> memref<128x128xf32, #tpu.memory_space<vmem>>
        %parallel_loop3A_592 = arith.index_cast %parallel_loop3A_542 : i32 to index
        %parallel_loop3A_593 = arith.constant 48 : index
        %parallel_loop3A_594 = tpu.vector_load %parallel_loop3A_591[%parallel_loop3A_592, %parallel_loop3A_593] {strides = array<i32>} : memref<128x128xf32, #tpu.memory_space<vmem>>, vector<16xf32>,
        %parallel_loop3A_595 = arith.constant 0 : i32
        %parallel_loop3A_596 = arith.constant 0 : i32
        %parallel_loop3A_597 = tpu.memref_slice %arg10[%parallel_loop3A_178, %parallel_loop3A_595, %parallel_loop3A_596] : memref<3x128x128xf32, #tpu.memory_space<vmem>> -> memref<1x128x128xf32, #tpu.memory_space<vmem>>
        %parallel_loop3A_598 = tpu.memref_squeeze %parallel_loop3A_597 : memref<1x128x128xf32, #tpu.memory_space<vmem>> -> memref<128x128xf32, #tpu.memory_space<vmem>>
        %parallel_loop3A_599 = arith.index_cast %parallel_loop3A_542 : i32 to index
        %parallel_loop3A_600 = arith.constant 48 : index
        %parallel_loop3A_601 = tpu.vector_load %parallel_loop3A_598[%parallel_loop3A_599, %parallel_loop3A_600] {strides = array<i32>} : memref<128x128xf32, #tpu.memory_space<vmem>>, vector<16xf32>,
        %parallel_loop3A_602 = arith.mulf %parallel_loop3A_594, %parallel_loop3A_601 : vector<16xf32>
        %parallel_loop3A_603 = arith.constant 0 : i32
        %parallel_loop3A_604 = arith.constant 0 : i32
        %parallel_loop3A_605 = tpu.memref_slice %arg9[%parallel_loop3A_177, %parallel_loop3A_603, %parallel_loop3A_604] : memref<3x128x128xf32, #tpu.memory_space<vmem>> -> memref<1x128x128xf32, #tpu.memory_space<vmem>>
        %parallel_loop3A_606 = tpu.memref_squeeze %parallel_loop3A_605 : memref<1x128x128xf32, #tpu.memory_space<vmem>> -> memref<128x128xf32, #tpu.memory_space<vmem>>
        %parallel_loop3A_607 = arith.index_cast %parallel_loop3A_542 : i32 to index
        %parallel_loop3A_608 = arith.constant 64 : index
        %parallel_loop3A_609 = tpu.vector_load %parallel_loop3A_606[%parallel_loop3A_607, %parallel_loop3A_608] {strides = array<i32>} : memref<128x128xf32, #tpu.memory_space<vmem>>, vector<16xf32>,
        %parallel_loop3A_610 = arith.constant 0 : i32
        %parallel_loop3A_611 = arith.constant 0 : i32
        %parallel_loop3A_612 = tpu.memref_slice %arg10[%parallel_loop3A_178, %parallel_loop3A_610, %parallel_loop3A_611] : memref<3x128x128xf32, #tpu.memory_space<vmem>> -> memref<1x128x128xf32, #tpu.memory_space<vmem>>
        %parallel_loop3A_613 = tpu.memref_squeeze %parallel_loop3A_612 : memref<1x128x128xf32, #tpu.memory_space<vmem>> -> memref<128x128xf32, #tpu.memory_space<vmem>>
        %parallel_loop3A_614 = arith.index_cast %parallel_loop3A_542 : i32 to index
        %parallel_loop3A_615 = arith.constant 64 : index
        %parallel_loop3A_616 = tpu.vector_load %parallel_loop3A_613[%parallel_loop3A_614, %parallel_loop3A_615] {strides = array<i32>} : memref<128x128xf32, #tpu.memory_space<vmem>>, vector<16xf32>,
        %parallel_loop3A_617 = arith.mulf %parallel_loop3A_609, %parallel_loop3A_616 : vector<16xf32>
        %parallel_loop3A_618 = arith.constant 0 : i32
        %parallel_loop3A_619 = arith.constant 0 : i32
        %parallel_loop3A_620 = tpu.memref_slice %arg9[%parallel_loop3A_177, %parallel_loop3A_618, %parallel_loop3A_619] : memref<3x128x128xf32, #tpu.memory_space<vmem>> -> memref<1x128x128xf32, #tpu.memory_space<vmem>>
        %parallel_loop3A_621 = tpu.memref_squeeze %parallel_loop3A_620 : memref<1x128x128xf32, #tpu.memory_space<vmem>> -> memref<128x128xf32, #tpu.memory_space<vmem>>
        %parallel_loop3A_622 = arith.index_cast %parallel_loop3A_542 : i32 to index
        %parallel_loop3A_623 = arith.constant 80 : index
        %parallel_loop3A_624 = tpu.vector_load %parallel_loop3A_621[%parallel_loop3A_622, %parallel_loop3A_623] {strides = array<i32>} : memref<128x128xf32, #tpu.memory_space<vmem>>, vector<16xf32>,
        %parallel_loop3A_625 = arith.constant 0 : i32
        %parallel_loop3A_626 = arith.constant 0 : i32
        %parallel_loop3A_627 = tpu.memref_slice %arg10[%parallel_loop3A_178, %parallel_loop3A_625, %parallel_loop3A_626] : memref<3x128x128xf32, #tpu.memory_space<vmem>> -> memref<1x128x128xf32, #tpu.memory_space<vmem>>
        %parallel_loop3A_628 = tpu.memref_squeeze %parallel_loop3A_627 : memref<1x128x128xf32, #tpu.memory_space<vmem>> -> memref<128x128xf32, #tpu.memory_space<vmem>>
        %parallel_loop3A_629 = arith.index_cast %parallel_loop3A_542 : i32 to index
        %parallel_loop3A_630 = arith.constant 80 : index
        %parallel_loop3A_631 = tpu.vector_load %parallel_loop3A_628[%parallel_loop3A_629, %parallel_loop3A_630] {strides = array<i32>} : memref<128x128xf32, #tpu.memory_space<vmem>>, vector<16xf32>,
        %parallel_loop3A_632 = arith.mulf %parallel_loop3A_624, %parallel_loop3A_631 : vector<16xf32>
        %parallel_loop3A_633 = arith.constant 0 : i32
        %parallel_loop3A_634 = arith.constant 0 : i32
        %parallel_loop3A_635 = tpu.memref_slice %arg9[%parallel_loop3A_177, %parallel_loop3A_633, %parallel_loop3A_634] : memref<3x128x128xf32, #tpu.memory_space<vmem>> -> memref<1x128x128xf32, #tpu.memory_space<vmem>>
        %parallel_loop3A_636 = tpu.memref_squeeze %parallel_loop3A_635 : memref<1x128x128xf32, #tpu.memory_space<vmem>> -> memref<128x128xf32, #tpu.memory_space<vmem>>
        %parallel_loop3A_637 = arith.index_cast %parallel_loop3A_542 : i32 to index
        %parallel_loop3A_638 = arith.constant 96 : index
        %parallel_loop3A_639 = tpu.vector_load %parallel_loop3A_636[%parallel_loop3A_637, %parallel_loop3A_638] {strides = array<i32>} : memref<128x128xf32, #tpu.memory_space<vmem>>, vector<16xf32>,
        %parallel_loop3A_640 = arith.constant 0 : i32
        %parallel_loop3A_641 = arith.constant 0 : i32
        %parallel_loop3A_642 = tpu.memref_slice %arg10[%parallel_loop3A_178, %parallel_loop3A_640, %parallel_loop3A_641] : memref<3x128x128xf32, #tpu.memory_space<vmem>> -> memref<1x128x128xf32, #tpu.memory_space<vmem>>
        %parallel_loop3A_643 = tpu.memref_squeeze %parallel_loop3A_642 : memref<1x128x128xf32, #tpu.memory_space<vmem>> -> memref<128x128xf32, #tpu.memory_space<vmem>>
        %parallel_loop3A_644 = arith.index_cast %parallel_loop3A_542 : i32 to index
        %parallel_loop3A_645 = arith.constant 96 : index
        %parallel_loop3A_646 = tpu.vector_load %parallel_loop3A_643[%parallel_loop3A_644, %parallel_loop3A_645] {strides = array<i32>} : memref<128x128xf32, #tpu.memory_space<vmem>>, vector<16xf32>,
        %parallel_loop3A_647 = arith.mulf %parallel_loop3A_639, %parallel_loop3A_646 : vector<16xf32>
        %parallel_loop3A_648 = arith.constant 0 : i32
        %parallel_loop3A_649 = arith.constant 0 : i32
        %parallel_loop3A_650 = tpu.memref_slice %arg9[%parallel_loop3A_177, %parallel_loop3A_648, %parallel_loop3A_649] : memref<3x128x128xf32, #tpu.memory_space<vmem>> -> memref<1x128x128xf32, #tpu.memory_space<vmem>>
        %parallel_loop3A_651 = tpu.memref_squeeze %parallel_loop3A_650 : memref<1x128x128xf32, #tpu.memory_space<vmem>> -> memref<128x128xf32, #tpu.memory_space<vmem>>
        %parallel_loop3A_652 = arith.index_cast %parallel_loop3A_542 : i32 to index
        %parallel_loop3A_653 = arith.constant 112 : index
        %parallel_loop3A_654 = tpu.vector_load %parallel_loop3A_651[%parallel_loop3A_652, %parallel_loop3A_653] {strides = array<i32>} : memref<128x128xf32, #tpu.memory_space<vmem>>, vector<16xf32>,
        %parallel_loop3A_655 = arith.constant 0 : i32
        %parallel_loop3A_656 = arith.constant 0 : i32
        %parallel_loop3A_657 = tpu.memref_slice %arg10[%parallel_loop3A_178, %parallel_loop3A_655, %parallel_loop3A_656] : memref<3x128x128xf32, #tpu.memory_space<vmem>> -> memref<1x128x128xf32, #tpu.memory_space<vmem>>
        %parallel_loop3A_658 = tpu.memref_squeeze %parallel_loop3A_657 : memref<1x128x128xf32, #tpu.memory_space<vmem>> -> memref<128x128xf32, #tpu.memory_space<vmem>>
        %parallel_loop3A_659 = arith.index_cast %parallel_loop3A_542 : i32 to index
        %parallel_loop3A_660 = arith.constant 112 : index
        %parallel_loop3A_661 = tpu.vector_load %parallel_loop3A_658[%parallel_loop3A_659, %parallel_loop3A_660] {strides = array<i32>} : memref<128x128xf32, #tpu.memory_space<vmem>>, vector<16xf32>,
        %parallel_loop3A_662 = arith.mulf %parallel_loop3A_654, %parallel_loop3A_661 : vector<16xf32>
        %parallel_loop3A_663 = arith.addf %parallel_loop3A_557, %parallel_loop3A_572 : vector<16xf32>
        %parallel_loop3A_664 = arith.addf %parallel_loop3A_587, %parallel_loop3A_602 : vector<16xf32>
        %parallel_loop3A_665 = arith.addf %parallel_loop3A_617, %parallel_loop3A_632 : vector<16xf32>
        %parallel_loop3A_666 = arith.addf %parallel_loop3A_647, %parallel_loop3A_662 : vector<16xf32>
        %parallel_loop3A_667 = arith.addf %parallel_loop3A_663, %parallel_loop3A_664 : vector<16xf32>
        %parallel_loop3A_668 = arith.addf %parallel_loop3A_665, %parallel_loop3A_666 : vector<16xf32>
        %parallel_loop3A_669 = arith.addf %parallel_loop3A_667, %parallel_loop3A_668 : vector<16xf32>
        %parallel_loop3A_670 = arith.constant true
        %parallel_loop3A_671 = vector.broadcast %parallel_loop3A_670 : i1 to vector<16xi1>
        %parallel_loop3A_672 = tpu.scan <sum>, %parallel_loop3A_669 masked %parallel_loop3A_671 : vector<16xf32>, vector<16xi1> -> vector<16xf32>
        %parallel_loop3A_673 = vector.extract %parallel_loop3A_672[15] : f32 from vector<16xf32>
        %parallel_loop3A_674 = vector.broadcast %parallel_loop3A_539 : i32 to vector<16xi32>
        %parallel_loop3A_675 = arith.cmpi eq, %iota3A, %parallel_loop3A_674 : vector<16xi32>
        %parallel_loop3A_676 = vector.broadcast %parallel_loop3A_673 : f32 to vector<16xf32>
        %parallel_loop3A_677 = arith.select %parallel_loop3A_675, %parallel_loop3A_676, %parallel_loop3A_537 : vector<16xi1>, vector<16xf32>
        %parallel_loop3A_678 = arith.constant 3 : i32
        %parallel_loop3A_679 = arith.addi %scan3A, %parallel_loop3A_678 : i32
        %parallel_loop3A_680 = arith.constant 16 : i32
        %parallel_loop3A_681 = arith.muli %parallel_loop3A_244, %parallel_loop3A_680 : i32
        %parallel_loop3A_682 = arith.addi %parallel_loop3A_681, %parallel_loop3A_679 : i32
        %parallel_loop3A_683 = arith.constant 0 : i32
        %parallel_loop3A_684 = arith.constant 0 : i32
        %parallel_loop3A_685 = tpu.memref_slice %arg9[%parallel_loop3A_177, %parallel_loop3A_683, %parallel_loop3A_684] : memref<3x128x128xf32, #tpu.memory_space<vmem>> -> memref<1x128x128xf32, #tpu.memory_space<vmem>>
        %parallel_loop3A_686 = tpu.memref_squeeze %parallel_loop3A_685 : memref<1x128x128xf32, #tpu.memory_space<vmem>> -> memref<128x128xf32, #tpu.memory_space<vmem>>
        %parallel_loop3A_687 = arith.index_cast %parallel_loop3A_682 : i32 to index
        %parallel_loop3A_688 = arith.constant 0 : index
        %parallel_loop3A_689 = tpu.vector_load %parallel_loop3A_686[%parallel_loop3A_687, %parallel_loop3A_688] {strides = array<i32>} : memref<128x128xf32, #tpu.memory_space<vmem>>, vector<16xf32>,
        %parallel_loop3A_690 = arith.constant 0 : i32
        %parallel_loop3A_691 = arith.constant 0 : i32
        %parallel_loop3A_692 = tpu.memref_slice %arg10[%parallel_loop3A_178, %parallel_loop3A_690, %parallel_loop3A_691] : memref<3x128x128xf32, #tpu.memory_space<vmem>> -> memref<1x128x128xf32, #tpu.memory_space<vmem>>
        %parallel_loop3A_693 = tpu.memref_squeeze %parallel_loop3A_692 : memref<1x128x128xf32, #tpu.memory_space<vmem>> -> memref<128x128xf32, #tpu.memory_space<vmem>>
        %parallel_loop3A_694 = arith.index_cast %parallel_loop3A_682 : i32 to index
        %parallel_loop3A_695 = arith.constant 0 : index
        %parallel_loop3A_696 = tpu.vector_load %parallel_loop3A_693[%parallel_loop3A_694, %parallel_loop3A_695] {strides = array<i32>} : memref<128x128xf32, #tpu.memory_space<vmem>>, vector<16xf32>,
        %parallel_loop3A_697 = arith.mulf %parallel_loop3A_689, %parallel_loop3A_696 : vector<16xf32>
        %parallel_loop3A_698 = arith.constant 0 : i32
        %parallel_loop3A_699 = arith.constant 0 : i32
        %parallel_loop3A_700 = tpu.memref_slice %arg9[%parallel_loop3A_177, %parallel_loop3A_698, %parallel_loop3A_699] : memref<3x128x128xf32, #tpu.memory_space<vmem>> -> memref<1x128x128xf32, #tpu.memory_space<vmem>>
        %parallel_loop3A_701 = tpu.memref_squeeze %parallel_loop3A_700 : memref<1x128x128xf32, #tpu.memory_space<vmem>> -> memref<128x128xf32, #tpu.memory_space<vmem>>
        %parallel_loop3A_702 = arith.index_cast %parallel_loop3A_682 : i32 to index
        %parallel_loop3A_703 = arith.constant 16 : index
        %parallel_loop3A_704 = tpu.vector_load %parallel_loop3A_701[%parallel_loop3A_702, %parallel_loop3A_703] {strides = array<i32>} : memref<128x128xf32, #tpu.memory_space<vmem>>, vector<16xf32>,
        %parallel_loop3A_705 = arith.constant 0 : i32
        %parallel_loop3A_706 = arith.constant 0 : i32
        %parallel_loop3A_707 = tpu.memref_slice %arg10[%parallel_loop3A_178, %parallel_loop3A_705, %parallel_loop3A_706] : memref<3x128x128xf32, #tpu.memory_space<vmem>> -> memref<1x128x128xf32, #tpu.memory_space<vmem>>
        %parallel_loop3A_708 = tpu.memref_squeeze %parallel_loop3A_707 : memref<1x128x128xf32, #tpu.memory_space<vmem>> -> memref<128x128xf32, #tpu.memory_space<vmem>>
        %parallel_loop3A_709 = arith.index_cast %parallel_loop3A_682 : i32 to index
        %parallel_loop3A_710 = arith.constant 16 : index
        %parallel_loop3A_711 = tpu.vector_load %parallel_loop3A_708[%parallel_loop3A_709, %parallel_loop3A_710] {strides = array<i32>} : memref<128x128xf32, #tpu.memory_space<vmem>>, vector<16xf32>,
        %parallel_loop3A_712 = arith.mulf %parallel_loop3A_704, %parallel_loop3A_711 : vector<16xf32>
        %parallel_loop3A_713 = arith.constant 0 : i32
        %parallel_loop3A_714 = arith.constant 0 : i32
        %parallel_loop3A_715 = tpu.memref_slice %arg9[%parallel_loop3A_177, %parallel_loop3A_713, %parallel_loop3A_714] : memref<3x128x128xf32, #tpu.memory_space<vmem>> -> memref<1x128x128xf32, #tpu.memory_space<vmem>>
        %parallel_loop3A_716 = tpu.memref_squeeze %parallel_loop3A_715 : memref<1x128x128xf32, #tpu.memory_space<vmem>> -> memref<128x128xf32, #tpu.memory_space<vmem>>
        %parallel_loop3A_717 = arith.index_cast %parallel_loop3A_682 : i32 to index
        %parallel_loop3A_718 = arith.constant 32 : index
        %parallel_loop3A_719 = tpu.vector_load %parallel_loop3A_716[%parallel_loop3A_717, %parallel_loop3A_718] {strides = array<i32>} : memref<128x128xf32, #tpu.memory_space<vmem>>, vector<16xf32>,
        %parallel_loop3A_720 = arith.constant 0 : i32
        %parallel_loop3A_721 = arith.constant 0 : i32
        %parallel_loop3A_722 = tpu.memref_slice %arg10[%parallel_loop3A_178, %parallel_loop3A_720, %parallel_loop3A_721] : memref<3x128x128xf32, #tpu.memory_space<vmem>> -> memref<1x128x128xf32, #tpu.memory_space<vmem>>
        %parallel_loop3A_723 = tpu.memref_squeeze %parallel_loop3A_722 : memref<1x128x128xf32, #tpu.memory_space<vmem>> -> memref<128x128xf32, #tpu.memory_space<vmem>>
        %parallel_loop3A_724 = arith.index_cast %parallel_loop3A_682 : i32 to index
        %parallel_loop3A_725 = arith.constant 32 : index
        %parallel_loop3A_726 = tpu.vector_load %parallel_loop3A_723[%parallel_loop3A_724, %parallel_loop3A_725] {strides = array<i32>} : memref<128x128xf32, #tpu.memory_space<vmem>>, vector<16xf32>,
        %parallel_loop3A_727 = arith.mulf %parallel_loop3A_719, %parallel_loop3A_726 : vector<16xf32>
        %parallel_loop3A_728 = arith.constant 0 : i32
        %parallel_loop3A_729 = arith.constant 0 : i32
        %parallel_loop3A_730 = tpu.memref_slice %arg9[%parallel_loop3A_177, %parallel_loop3A_728, %parallel_loop3A_729] : memref<3x128x128xf32, #tpu.memory_space<vmem>> -> memref<1x128x128xf32, #tpu.memory_space<vmem>>
        %parallel_loop3A_731 = tpu.memref_squeeze %parallel_loop3A_730 : memref<1x128x128xf32, #tpu.memory_space<vmem>> -> memref<128x128xf32, #tpu.memory_space<vmem>>
        %parallel_loop3A_732 = arith.index_cast %parallel_loop3A_682 : i32 to index
        %parallel_loop3A_733 = arith.constant 48 : index
        %parallel_loop3A_734 = tpu.vector_load %parallel_loop3A_731[%parallel_loop3A_732, %parallel_loop3A_733] {strides = array<i32>} : memref<128x128xf32, #tpu.memory_space<vmem>>, vector<16xf32>,
        %parallel_loop3A_735 = arith.constant 0 : i32
        %parallel_loop3A_736 = arith.constant 0 : i32
        %parallel_loop3A_737 = tpu.memref_slice %arg10[%parallel_loop3A_178, %parallel_loop3A_735, %parallel_loop3A_736] : memref<3x128x128xf32, #tpu.memory_space<vmem>> -> memref<1x128x128xf32, #tpu.memory_space<vmem>>
        %parallel_loop3A_738 = tpu.memref_squeeze %parallel_loop3A_737 : memref<1x128x128xf32, #tpu.memory_space<vmem>> -> memref<128x128xf32, #tpu.memory_space<vmem>>
        %parallel_loop3A_739 = arith.index_cast %parallel_loop3A_682 : i32 to index
        %parallel_loop3A_740 = arith.constant 48 : index
        %parallel_loop3A_741 = tpu.vector_load %parallel_loop3A_738[%parallel_loop3A_739, %parallel_loop3A_740] {strides = array<i32>} : memref<128x128xf32, #tpu.memory_space<vmem>>, vector<16xf32>,
        %parallel_loop3A_742 = arith.mulf %parallel_loop3A_734, %parallel_loop3A_741 : vector<16xf32>
        %parallel_loop3A_743 = arith.constant 0 : i32
        %parallel_loop3A_744 = arith.constant 0 : i32
        %parallel_loop3A_745 = tpu.memref_slice %arg9[%parallel_loop3A_177, %parallel_loop3A_743, %parallel_loop3A_744] : memref<3x128x128xf32, #tpu.memory_space<vmem>> -> memref<1x128x128xf32, #tpu.memory_space<vmem>>
        %parallel_loop3A_746 = tpu.memref_squeeze %parallel_loop3A_745 : memref<1x128x128xf32, #tpu.memory_space<vmem>> -> memref<128x128xf32, #tpu.memory_space<vmem>>
        %parallel_loop3A_747 = arith.index_cast %parallel_loop3A_682 : i32 to index
        %parallel_loop3A_748 = arith.constant 64 : index
        %parallel_loop3A_749 = tpu.vector_load %parallel_loop3A_746[%parallel_loop3A_747, %parallel_loop3A_748] {strides = array<i32>} : memref<128x128xf32, #tpu.memory_space<vmem>>, vector<16xf32>,
        %parallel_loop3A_750 = arith.constant 0 : i32
        %parallel_loop3A_751 = arith.constant 0 : i32
        %parallel_loop3A_752 = tpu.memref_slice %arg10[%parallel_loop3A_178, %parallel_loop3A_750, %parallel_loop3A_751] : memref<3x128x128xf32, #tpu.memory_space<vmem>> -> memref<1x128x128xf32, #tpu.memory_space<vmem>>
        %parallel_loop3A_753 = tpu.memref_squeeze %parallel_loop3A_752 : memref<1x128x128xf32, #tpu.memory_space<vmem>> -> memref<128x128xf32, #tpu.memory_space<vmem>>
        %parallel_loop3A_754 = arith.index_cast %parallel_loop3A_682 : i32 to index
        %parallel_loop3A_755 = arith.constant 64 : index
        %parallel_loop3A_756 = tpu.vector_load %parallel_loop3A_753[%parallel_loop3A_754, %parallel_loop3A_755] {strides = array<i32>} : memref<128x128xf32, #tpu.memory_space<vmem>>, vector<16xf32>,
        %parallel_loop3A_757 = arith.mulf %parallel_loop3A_749, %parallel_loop3A_756 : vector<16xf32>
        %parallel_loop3A_758 = arith.constant 0 : i32
        %parallel_loop3A_759 = arith.constant 0 : i32
        %parallel_loop3A_760 = tpu.memref_slice %arg9[%parallel_loop3A_177, %parallel_loop3A_758, %parallel_loop3A_759] : memref<3x128x128xf32, #tpu.memory_space<vmem>> -> memref<1x128x128xf32, #tpu.memory_space<vmem>>
        %parallel_loop3A_761 = tpu.memref_squeeze %parallel_loop3A_760 : memref<1x128x128xf32, #tpu.memory_space<vmem>> -> memref<128x128xf32, #tpu.memory_space<vmem>>
        %parallel_loop3A_762 = arith.index_cast %parallel_loop3A_682 : i32 to index
        %parallel_loop3A_763 = arith.constant 80 : index
        %parallel_loop3A_764 = tpu.vector_load %parallel_loop3A_761[%parallel_loop3A_762, %parallel_loop3A_763] {strides = array<i32>} : memref<128x128xf32, #tpu.memory_space<vmem>>, vector<16xf32>,
        %parallel_loop3A_765 = arith.constant 0 : i32
        %parallel_loop3A_766 = arith.constant 0 : i32
        %parallel_loop3A_767 = tpu.memref_slice %arg10[%parallel_loop3A_178, %parallel_loop3A_765, %parallel_loop3A_766] : memref<3x128x128xf32, #tpu.memory_space<vmem>> -> memref<1x128x128xf32, #tpu.memory_space<vmem>>
        %parallel_loop3A_768 = tpu.memref_squeeze %parallel_loop3A_767 : memref<1x128x128xf32, #tpu.memory_space<vmem>> -> memref<128x128xf32, #tpu.memory_space<vmem>>
        %parallel_loop3A_769 = arith.index_cast %parallel_loop3A_682 : i32 to index
        %parallel_loop3A_770 = arith.constant 80 : index
        %parallel_loop3A_771 = tpu.vector_load %parallel_loop3A_768[%parallel_loop3A_769, %parallel_loop3A_770] {strides = array<i32>} : memref<128x128xf32, #tpu.memory_space<vmem>>, vector<16xf32>,
        %parallel_loop3A_772 = arith.mulf %parallel_loop3A_764, %parallel_loop3A_771 : vector<16xf32>
        %parallel_loop3A_773 = arith.constant 0 : i32
        %parallel_loop3A_774 = arith.constant 0 : i32
        %parallel_loop3A_775 = tpu.memref_slice %arg9[%parallel_loop3A_177, %parallel_loop3A_773, %parallel_loop3A_774] : memref<3x128x128xf32, #tpu.memory_space<vmem>> -> memref<1x128x128xf32, #tpu.memory_space<vmem>>
        %parallel_loop3A_776 = tpu.memref_squeeze %parallel_loop3A_775 : memref<1x128x128xf32, #tpu.memory_space<vmem>> -> memref<128x128xf32, #tpu.memory_space<vmem>>
        %parallel_loop3A_777 = arith.index_cast %parallel_loop3A_682 : i32 to index
        %parallel_loop3A_778 = arith.constant 96 : index
        %parallel_loop3A_779 = tpu.vector_load %parallel_loop3A_776[%parallel_loop3A_777, %parallel_loop3A_778] {strides = array<i32>} : memref<128x128xf32, #tpu.memory_space<vmem>>, vector<16xf32>,
        %parallel_loop3A_780 = arith.constant 0 : i32
        %parallel_loop3A_781 = arith.constant 0 : i32
        %parallel_loop3A_782 = tpu.memref_slice %arg10[%parallel_loop3A_178, %parallel_loop3A_780, %parallel_loop3A_781] : memref<3x128x128xf32, #tpu.memory_space<vmem>> -> memref<1x128x128xf32, #tpu.memory_space<vmem>>
        %parallel_loop3A_783 = tpu.memref_squeeze %parallel_loop3A_782 : memref<1x128x128xf32, #tpu.memory_space<vmem>> -> memref<128x128xf32, #tpu.memory_space<vmem>>
        %parallel_loop3A_784 = arith.index_cast %parallel_loop3A_682 : i32 to index
        %parallel_loop3A_785 = arith.constant 96 : index
        %parallel_loop3A_786 = tpu.vector_load %parallel_loop3A_783[%parallel_loop3A_784, %parallel_loop3A_785] {strides = array<i32>} : memref<128x128xf32, #tpu.memory_space<vmem>>, vector<16xf32>,
        %parallel_loop3A_787 = arith.mulf %parallel_loop3A_779, %parallel_loop3A_786 : vector<16xf32>
        %parallel_loop3A_788 = arith.constant 0 : i32
        %parallel_loop3A_789 = arith.constant 0 : i32
        %parallel_loop3A_790 = tpu.memref_slice %arg9[%parallel_loop3A_177, %parallel_loop3A_788, %parallel_loop3A_789] : memref<3x128x128xf32, #tpu.memory_space<vmem>> -> memref<1x128x128xf32, #tpu.memory_space<vmem>>
        %parallel_loop3A_791 = tpu.memref_squeeze %parallel_loop3A_790 : memref<1x128x128xf32, #tpu.memory_space<vmem>> -> memref<128x128xf32, #tpu.memory_space<vmem>>
        %parallel_loop3A_792 = arith.index_cast %parallel_loop3A_682 : i32 to index
        %parallel_loop3A_793 = arith.constant 112 : index
        %parallel_loop3A_794 = tpu.vector_load %parallel_loop3A_791[%parallel_loop3A_792, %parallel_loop3A_793] {strides = array<i32>} : memref<128x128xf32, #tpu.memory_space<vmem>>, vector<16xf32>,
        %parallel_loop3A_795 = arith.constant 0 : i32
        %parallel_loop3A_796 = arith.constant 0 : i32
        %parallel_loop3A_797 = tpu.memref_slice %arg10[%parallel_loop3A_178, %parallel_loop3A_795, %parallel_loop3A_796] : memref<3x128x128xf32, #tpu.memory_space<vmem>> -> memref<1x128x128xf32, #tpu.memory_space<vmem>>
        %parallel_loop3A_798 = tpu.memref_squeeze %parallel_loop3A_797 : memref<1x128x128xf32, #tpu.memory_space<vmem>> -> memref<128x128xf32, #tpu.memory_space<vmem>>
        %parallel_loop3A_799 = arith.index_cast %parallel_loop3A_682 : i32 to index
        %parallel_loop3A_800 = arith.constant 112 : index
        %parallel_loop3A_801 = tpu.vector_load %parallel_loop3A_798[%parallel_loop3A_799, %parallel_loop3A_800] {strides = array<i32>} : memref<128x128xf32, #tpu.memory_space<vmem>>, vector<16xf32>,
        %parallel_loop3A_802 = arith.mulf %parallel_loop3A_794, %parallel_loop3A_801 : vector<16xf32>
        %parallel_loop3A_803 = arith.addf %parallel_loop3A_697, %parallel_loop3A_712 : vector<16xf32>
        %parallel_loop3A_804 = arith.addf %parallel_loop3A_727, %parallel_loop3A_742 : vector<16xf32>
        %parallel_loop3A_805 = arith.addf %parallel_loop3A_757, %parallel_loop3A_772 : vector<16xf32>
        %parallel_loop3A_806 = arith.addf %parallel_loop3A_787, %parallel_loop3A_802 : vector<16xf32>
        %parallel_loop3A_807 = arith.addf %parallel_loop3A_803, %parallel_loop3A_804 : vector<16xf32>
        %parallel_loop3A_808 = arith.addf %parallel_loop3A_805, %parallel_loop3A_806 : vector<16xf32>
        %parallel_loop3A_809 = arith.addf %parallel_loop3A_807, %parallel_loop3A_808 : vector<16xf32>
        %parallel_loop3A_810 = arith.constant true
        %parallel_loop3A_811 = vector.broadcast %parallel_loop3A_810 : i1 to vector<16xi1>
        %parallel_loop3A_812 = tpu.scan <sum>, %parallel_loop3A_809 masked %parallel_loop3A_811 : vector<16xf32>, vector<16xi1> -> vector<16xf32>
        %parallel_loop3A_813 = vector.extract %parallel_loop3A_812[15] : f32 from vector<16xf32>
        %parallel_loop3A_814 = vector.broadcast %parallel_loop3A_679 : i32 to vector<16xi32>
        %parallel_loop3A_815 = arith.cmpi eq, %iota3A, %parallel_loop3A_814 : vector<16xi32>
        %parallel_loop3A_816 = vector.broadcast %parallel_loop3A_813 : f32 to vector<16xf32>
        %parallel_loop3A_817 = arith.select %parallel_loop3A_815, %parallel_loop3A_816, %parallel_loop3A_677 : vector<16xi1>, vector<16xf32>
        scf.yield %parallel_loop3A_817 : vector<16xf32>
      }
      %parallel_loop3A_252 = arith.constant 16 : i32
      %parallel_loop3A_253 = arith.constant 16 : i32
      %parallel_loop3A_254 = arith.muli %parallel_loop3A_244, %parallel_loop3A_253 : i32
      %parallel_loop3A_255 = arith.constant 256 : i32
      %parallel_loop3A_256 = arith.addi %parallel_loop3A_255, %parallel_loop3A_254 : i32
      %parallel_loop3A_257 = arith.index_cast %parallel_loop3A_256 : i32 to index
      %parallel_loop3A_258 = tpu.vector_load %arg11[%parallel_loop3A_257] {strides = array<i32>} : memref<512xf32, #tpu.memory_space<vmem>>, vector<16xf32>,
      tpu.vector_store %arg11[%parallel_loop3A_257], %parallel_loop3A_251 {strides = array<i32>} : memref<512xf32, #tpu.memory_space<vmem>>, vector<16xf32>,
    } {sc.loop_unroll_factor = 1 : i64, sc.parallel_access}
    %add3A_179 = arith.constant 256 : i32
    %add3A_180 = arith.addi %mul3A_2, %add3A_179 : i32
    %dma_start3A_181 = arith.constant 256 : i32
    %dma_start3A_182 = tpu.memref_slice %arg11[%dma_start3A_181] : memref<512xf32, #tpu.memory_space<vmem>> -> memref<128xf32, #tpu.memory_space<vmem>>
    %dma_start3A_183 = tpu.memref_slice %arg6[%add3A_180] : memref<16384xf32, #tpu.memory_space<hbm>> -> memref<128xf32, #tpu.memory_space<hbm>>
    %dma_start3A_184 = tpu.memref_slice %arg6[%add3A_180] : memref<16384xf32, #tpu.memory_space<hbm>> -> memref<128xf32, #tpu.memory_space<hbm>>
    %dma_start3A_185 = arith.constant 256 : i32
    %dma_start3A_186 = tpu.memref_slice %arg11[%dma_start3A_185] : memref<512xf32, #tpu.memory_space<vmem>> -> memref<128xf32, #tpu.memory_space<vmem>>
    tpu.enqueue_dma source(%dma_start3A_186 : memref<128xf32, #tpu.memory_space<vmem>>) target(%dma_start3A_184 : memref<128xf32, #tpu.memory_space<hbm>>) target_semaphore(%arg15 : memref<!tpu.dma_semaphore, #tpu.memory_space<semaphore_mem>>)
    %dma_wait3A_187 = arith.constant 0 : i32
    %dma_wait3A_188 = arith.constant 0 : i32
    %dma_wait3A_189 = arith.constant 0 : i32
    %dma_wait3A_190 = tpu.memref_slice %arg9[%dma_wait3A_187, %dma_wait3A_188, %dma_wait3A_189] : memref<3x128x128xf32, #tpu.memory_space<vmem>> -> memref<1x128x128xf32, #tpu.memory_space<vmem>>
    %dma_wait3A_191 = tpu.memref_squeeze %dma_wait3A_190 : memref<1x128x128xf32, #tpu.memory_space<vmem>> -> memref<128x128xf32, #tpu.memory_space<vmem>>
    %dma_wait3A_192 = arith.constant 384 : i32
    %dma_wait3A_193 = tpu.memref_slice %arg7[%dma_wait3A_192] : memref<512xi32, #tpu.memory_space<vmem>> -> memref<128xi32, #tpu.memory_space<vmem>>
    %dma_wait3A_194 = arith.constant 0 : i32
    %dma_wait3A_195 = arith.constant 0 : i32
    %dma_wait3A_196 = tpu.memref_slice %arg4[%dma_wait3A_194, %dma_wait3A_195] : memref<100000x128xf32, #tpu.memory_space<hbm>> -> memref<100000x128xf32, #tpu.memory_space<hbm>>
    tpu.wait_indirect_dma semaphore(%arg12 : memref<!tpu.dma_semaphore, #tpu.memory_space<semaphore_mem>>) src(%dma_wait3A_196 : memref<100000x128xf32, #tpu.memory_space<hbm>>) dst(%dma_wait3A_191 : memref<128x128xf32, #tpu.memory_space<vmem>>)
    %dma_wait3A_197 = arith.constant 0 : i32
    %dma_wait3A_198 = arith.constant 0 : i32
    %dma_wait3A_199 = arith.constant 0 : i32
    %dma_wait3A_200 = tpu.memref_slice %arg10[%dma_wait3A_197, %dma_wait3A_198, %dma_wait3A_199] : memref<3x128x128xf32, #tpu.memory_space<vmem>> -> memref<1x128x128xf32, #tpu.memory_space<vmem>>
    %dma_wait3A_201 = tpu.memref_squeeze %dma_wait3A_200 : memref<1x128x128xf32, #tpu.memory_space<vmem>> -> memref<128x128xf32, #tpu.memory_space<vmem>>
    %dma_wait3A_202 = arith.constant 384 : i32
    %dma_wait3A_203 = tpu.memref_slice %arg8[%dma_wait3A_202] : memref<512xi32, #tpu.memory_space<vmem>> -> memref<128xi32, #tpu.memory_space<vmem>>
    %dma_wait3A_204 = arith.constant 0 : i32
    %dma_wait3A_205 = arith.constant 0 : i32
    %dma_wait3A_206 = tpu.memref_slice %arg5[%dma_wait3A_204, %dma_wait3A_205] : memref<100000x128xf32, #tpu.memory_space<hbm>> -> memref<100000x128xf32, #tpu.memory_space<hbm>>
    tpu.wait_indirect_dma semaphore(%arg12 : memref<!tpu.dma_semaphore, #tpu.memory_space<semaphore_mem>>) src(%dma_wait3A_206 : memref<100000x128xf32, #tpu.memory_space<hbm>>) dst(%dma_wait3A_201 : memref<128x128xf32, #tpu.memory_space<vmem>>)
    %parallel_loop3A_207 = arith.constant 0 : i32
    %parallel_loop3A_208 = arith.constant 8 : i32
    %parallel_loop3A_209 = arith.constant 1 : i32
    %parallel_loop3A_210 = arith.constant 0 : i32
    %parallel_loop3A_211 = arith.constant 0 : i32
    scf.for %parallel_loop3A_244 = %parallel_loop3A_207 to %parallel_loop3A_208 step %parallel_loop3A_209  : i32 {
      %parallel_loop3A_245 = arith.constant 0.000000e+00 : f32
      %parallel_loop3A_246 = vector.broadcast %parallel_loop3A_245 : f32 to vector<16xf32>
      %parallel_loop3A_247 = arith.constant 0 : i32
      %parallel_loop3A_248 = arith.constant 16 : i32
      %parallel_loop3A_249 = arith.addi %parallel_loop3A_247, %parallel_loop3A_248 : i32
      %parallel_loop3A_250 = arith.constant 4 : i32
      %parallel_loop3A_251 = scf.for %scan3A = %parallel_loop3A_247 to %parallel_loop3A_249 step %parallel_loop3A_250 iter_args(%scan3A_259 = %parallel_loop3A_246) -> (vector<16xf32>)  : i32 {
        %parallel_loop3A_260 = arith.constant 16 : i32
        %parallel_loop3A_261 = arith.muli %parallel_loop3A_244, %parallel_loop3A_260 : i32
        %parallel_loop3A_262 = arith.addi %parallel_loop3A_261, %scan3A : i32
        %parallel_loop3A_263 = arith.constant 0 : i32
        %parallel_loop3A_264 = arith.constant 0 : i32
        %parallel_loop3A_265 = tpu.memref_slice %arg9[%parallel_loop3A_210, %parallel_loop3A_263, %parallel_loop3A_264] : memref<3x128x128xf32, #tpu.memory_space<vmem>> -> memref<1x128x128xf32, #tpu.memory_space<vmem>>
        %parallel_loop3A_266 = tpu.memref_squeeze %parallel_loop3A_265 : memref<1x128x128xf32, #tpu.memory_space<vmem>> -> memref<128x128xf32, #tpu.memory_space<vmem>>
        %parallel_loop3A_267 = arith.index_cast %parallel_loop3A_262 : i32 to index
        %parallel_loop3A_268 = arith.constant 0 : index
        %parallel_loop3A_269 = tpu.vector_load %parallel_loop3A_266[%parallel_loop3A_267, %parallel_loop3A_268] {strides = array<i32>} : memref<128x128xf32, #tpu.memory_space<vmem>>, vector<16xf32>,
        %parallel_loop3A_270 = arith.constant 0 : i32
        %parallel_loop3A_271 = arith.constant 0 : i32
        %parallel_loop3A_272 = tpu.memref_slice %arg10[%parallel_loop3A_211, %parallel_loop3A_270, %parallel_loop3A_271] : memref<3x128x128xf32, #tpu.memory_space<vmem>> -> memref<1x128x128xf32, #tpu.memory_space<vmem>>
        %parallel_loop3A_273 = tpu.memref_squeeze %parallel_loop3A_272 : memref<1x128x128xf32, #tpu.memory_space<vmem>> -> memref<128x128xf32, #tpu.memory_space<vmem>>
        %parallel_loop3A_274 = arith.index_cast %parallel_loop3A_262 : i32 to index
        %parallel_loop3A_275 = arith.constant 0 : index
        %parallel_loop3A_276 = tpu.vector_load %parallel_loop3A_273[%parallel_loop3A_274, %parallel_loop3A_275] {strides = array<i32>} : memref<128x128xf32, #tpu.memory_space<vmem>>, vector<16xf32>,
        %parallel_loop3A_277 = arith.mulf %parallel_loop3A_269, %parallel_loop3A_276 : vector<16xf32>
        %parallel_loop3A_278 = arith.constant 0 : i32
        %parallel_loop3A_279 = arith.constant 0 : i32
        %parallel_loop3A_280 = tpu.memref_slice %arg9[%parallel_loop3A_210, %parallel_loop3A_278, %parallel_loop3A_279] : memref<3x128x128xf32, #tpu.memory_space<vmem>> -> memref<1x128x128xf32, #tpu.memory_space<vmem>>
        %parallel_loop3A_281 = tpu.memref_squeeze %parallel_loop3A_280 : memref<1x128x128xf32, #tpu.memory_space<vmem>> -> memref<128x128xf32, #tpu.memory_space<vmem>>
        %parallel_loop3A_282 = arith.index_cast %parallel_loop3A_262 : i32 to index
        %parallel_loop3A_283 = arith.constant 16 : index
        %parallel_loop3A_284 = tpu.vector_load %parallel_loop3A_281[%parallel_loop3A_282, %parallel_loop3A_283] {strides = array<i32>} : memref<128x128xf32, #tpu.memory_space<vmem>>, vector<16xf32>,
        %parallel_loop3A_285 = arith.constant 0 : i32
        %parallel_loop3A_286 = arith.constant 0 : i32
        %parallel_loop3A_287 = tpu.memref_slice %arg10[%parallel_loop3A_211, %parallel_loop3A_285, %parallel_loop3A_286] : memref<3x128x128xf32, #tpu.memory_space<vmem>> -> memref<1x128x128xf32, #tpu.memory_space<vmem>>
        %parallel_loop3A_288 = tpu.memref_squeeze %parallel_loop3A_287 : memref<1x128x128xf32, #tpu.memory_space<vmem>> -> memref<128x128xf32, #tpu.memory_space<vmem>>
        %parallel_loop3A_289 = arith.index_cast %parallel_loop3A_262 : i32 to index
        %parallel_loop3A_290 = arith.constant 16 : index
        %parallel_loop3A_291 = tpu.vector_load %parallel_loop3A_288[%parallel_loop3A_289, %parallel_loop3A_290] {strides = array<i32>} : memref<128x128xf32, #tpu.memory_space<vmem>>, vector<16xf32>,
        %parallel_loop3A_292 = arith.mulf %parallel_loop3A_284, %parallel_loop3A_291 : vector<16xf32>
        %parallel_loop3A_293 = arith.constant 0 : i32
        %parallel_loop3A_294 = arith.constant 0 : i32
        %parallel_loop3A_295 = tpu.memref_slice %arg9[%parallel_loop3A_210, %parallel_loop3A_293, %parallel_loop3A_294] : memref<3x128x128xf32, #tpu.memory_space<vmem>> -> memref<1x128x128xf32, #tpu.memory_space<vmem>>
        %parallel_loop3A_296 = tpu.memref_squeeze %parallel_loop3A_295 : memref<1x128x128xf32, #tpu.memory_space<vmem>> -> memref<128x128xf32, #tpu.memory_space<vmem>>
        %parallel_loop3A_297 = arith.index_cast %parallel_loop3A_262 : i32 to index
        %parallel_loop3A_298 = arith.constant 32 : index
        %parallel_loop3A_299 = tpu.vector_load %parallel_loop3A_296[%parallel_loop3A_297, %parallel_loop3A_298] {strides = array<i32>} : memref<128x128xf32, #tpu.memory_space<vmem>>, vector<16xf32>,
        %parallel_loop3A_300 = arith.constant 0 : i32
        %parallel_loop3A_301 = arith.constant 0 : i32
        %parallel_loop3A_302 = tpu.memref_slice %arg10[%parallel_loop3A_211, %parallel_loop3A_300, %parallel_loop3A_301] : memref<3x128x128xf32, #tpu.memory_space<vmem>> -> memref<1x128x128xf32, #tpu.memory_space<vmem>>
        %parallel_loop3A_303 = tpu.memref_squeeze %parallel_loop3A_302 : memref<1x128x128xf32, #tpu.memory_space<vmem>> -> memref<128x128xf32, #tpu.memory_space<vmem>>
        %parallel_loop3A_304 = arith.index_cast %parallel_loop3A_262 : i32 to index
        %parallel_loop3A_305 = arith.constant 32 : index
        %parallel_loop3A_306 = tpu.vector_load %parallel_loop3A_303[%parallel_loop3A_304, %parallel_loop3A_305] {strides = array<i32>} : memref<128x128xf32, #tpu.memory_space<vmem>>, vector<16xf32>,
        %parallel_loop3A_307 = arith.mulf %parallel_loop3A_299, %parallel_loop3A_306 : vector<16xf32>
        %parallel_loop3A_308 = arith.constant 0 : i32
        %parallel_loop3A_309 = arith.constant 0 : i32
        %parallel_loop3A_310 = tpu.memref_slice %arg9[%parallel_loop3A_210, %parallel_loop3A_308, %parallel_loop3A_309] : memref<3x128x128xf32, #tpu.memory_space<vmem>> -> memref<1x128x128xf32, #tpu.memory_space<vmem>>
        %parallel_loop3A_311 = tpu.memref_squeeze %parallel_loop3A_310 : memref<1x128x128xf32, #tpu.memory_space<vmem>> -> memref<128x128xf32, #tpu.memory_space<vmem>>
        %parallel_loop3A_312 = arith.index_cast %parallel_loop3A_262 : i32 to index
        %parallel_loop3A_313 = arith.constant 48 : index
        %parallel_loop3A_314 = tpu.vector_load %parallel_loop3A_311[%parallel_loop3A_312, %parallel_loop3A_313] {strides = array<i32>} : memref<128x128xf32, #tpu.memory_space<vmem>>, vector<16xf32>,
        %parallel_loop3A_315 = arith.constant 0 : i32
        %parallel_loop3A_316 = arith.constant 0 : i32
        %parallel_loop3A_317 = tpu.memref_slice %arg10[%parallel_loop3A_211, %parallel_loop3A_315, %parallel_loop3A_316] : memref<3x128x128xf32, #tpu.memory_space<vmem>> -> memref<1x128x128xf32, #tpu.memory_space<vmem>>
        %parallel_loop3A_318 = tpu.memref_squeeze %parallel_loop3A_317 : memref<1x128x128xf32, #tpu.memory_space<vmem>> -> memref<128x128xf32, #tpu.memory_space<vmem>>
        %parallel_loop3A_319 = arith.index_cast %parallel_loop3A_262 : i32 to index
        %parallel_loop3A_320 = arith.constant 48 : index
        %parallel_loop3A_321 = tpu.vector_load %parallel_loop3A_318[%parallel_loop3A_319, %parallel_loop3A_320] {strides = array<i32>} : memref<128x128xf32, #tpu.memory_space<vmem>>, vector<16xf32>,
        %parallel_loop3A_322 = arith.mulf %parallel_loop3A_314, %parallel_loop3A_321 : vector<16xf32>
        %parallel_loop3A_323 = arith.constant 0 : i32
        %parallel_loop3A_324 = arith.constant 0 : i32
        %parallel_loop3A_325 = tpu.memref_slice %arg9[%parallel_loop3A_210, %parallel_loop3A_323, %parallel_loop3A_324] : memref<3x128x128xf32, #tpu.memory_space<vmem>> -> memref<1x128x128xf32, #tpu.memory_space<vmem>>
        %parallel_loop3A_326 = tpu.memref_squeeze %parallel_loop3A_325 : memref<1x128x128xf32, #tpu.memory_space<vmem>> -> memref<128x128xf32, #tpu.memory_space<vmem>>
        %parallel_loop3A_327 = arith.index_cast %parallel_loop3A_262 : i32 to index
        %parallel_loop3A_328 = arith.constant 64 : index
        %parallel_loop3A_329 = tpu.vector_load %parallel_loop3A_326[%parallel_loop3A_327, %parallel_loop3A_328] {strides = array<i32>} : memref<128x128xf32, #tpu.memory_space<vmem>>, vector<16xf32>,
        %parallel_loop3A_330 = arith.constant 0 : i32
        %parallel_loop3A_331 = arith.constant 0 : i32
        %parallel_loop3A_332 = tpu.memref_slice %arg10[%parallel_loop3A_211, %parallel_loop3A_330, %parallel_loop3A_331] : memref<3x128x128xf32, #tpu.memory_space<vmem>> -> memref<1x128x128xf32, #tpu.memory_space<vmem>>
        %parallel_loop3A_333 = tpu.memref_squeeze %parallel_loop3A_332 : memref<1x128x128xf32, #tpu.memory_space<vmem>> -> memref<128x128xf32, #tpu.memory_space<vmem>>
        %parallel_loop3A_334 = arith.index_cast %parallel_loop3A_262 : i32 to index
        %parallel_loop3A_335 = arith.constant 64 : index
        %parallel_loop3A_336 = tpu.vector_load %parallel_loop3A_333[%parallel_loop3A_334, %parallel_loop3A_335] {strides = array<i32>} : memref<128x128xf32, #tpu.memory_space<vmem>>, vector<16xf32>,
        %parallel_loop3A_337 = arith.mulf %parallel_loop3A_329, %parallel_loop3A_336 : vector<16xf32>
        %parallel_loop3A_338 = arith.constant 0 : i32
        %parallel_loop3A_339 = arith.constant 0 : i32
        %parallel_loop3A_340 = tpu.memref_slice %arg9[%parallel_loop3A_210, %parallel_loop3A_338, %parallel_loop3A_339] : memref<3x128x128xf32, #tpu.memory_space<vmem>> -> memref<1x128x128xf32, #tpu.memory_space<vmem>>
        %parallel_loop3A_341 = tpu.memref_squeeze %parallel_loop3A_340 : memref<1x128x128xf32, #tpu.memory_space<vmem>> -> memref<128x128xf32, #tpu.memory_space<vmem>>
        %parallel_loop3A_342 = arith.index_cast %parallel_loop3A_262 : i32 to index
        %parallel_loop3A_343 = arith.constant 80 : index
        %parallel_loop3A_344 = tpu.vector_load %parallel_loop3A_341[%parallel_loop3A_342, %parallel_loop3A_343] {strides = array<i32>} : memref<128x128xf32, #tpu.memory_space<vmem>>, vector<16xf32>,
        %parallel_loop3A_345 = arith.constant 0 : i32
        %parallel_loop3A_346 = arith.constant 0 : i32
        %parallel_loop3A_347 = tpu.memref_slice %arg10[%parallel_loop3A_211, %parallel_loop3A_345, %parallel_loop3A_346] : memref<3x128x128xf32, #tpu.memory_space<vmem>> -> memref<1x128x128xf32, #tpu.memory_space<vmem>>
        %parallel_loop3A_348 = tpu.memref_squeeze %parallel_loop3A_347 : memref<1x128x128xf32, #tpu.memory_space<vmem>> -> memref<128x128xf32, #tpu.memory_space<vmem>>
        %parallel_loop3A_349 = arith.index_cast %parallel_loop3A_262 : i32 to index
        %parallel_loop3A_350 = arith.constant 80 : index
        %parallel_loop3A_351 = tpu.vector_load %parallel_loop3A_348[%parallel_loop3A_349, %parallel_loop3A_350] {strides = array<i32>} : memref<128x128xf32, #tpu.memory_space<vmem>>, vector<16xf32>,
        %parallel_loop3A_352 = arith.mulf %parallel_loop3A_344, %parallel_loop3A_351 : vector<16xf32>
        %parallel_loop3A_353 = arith.constant 0 : i32
        %parallel_loop3A_354 = arith.constant 0 : i32
        %parallel_loop3A_355 = tpu.memref_slice %arg9[%parallel_loop3A_210, %parallel_loop3A_353, %parallel_loop3A_354] : memref<3x128x128xf32, #tpu.memory_space<vmem>> -> memref<1x128x128xf32, #tpu.memory_space<vmem>>
        %parallel_loop3A_356 = tpu.memref_squeeze %parallel_loop3A_355 : memref<1x128x128xf32, #tpu.memory_space<vmem>> -> memref<128x128xf32, #tpu.memory_space<vmem>>
        %parallel_loop3A_357 = arith.index_cast %parallel_loop3A_262 : i32 to index
        %parallel_loop3A_358 = arith.constant 96 : index
        %parallel_loop3A_359 = tpu.vector_load %parallel_loop3A_356[%parallel_loop3A_357, %parallel_loop3A_358] {strides = array<i32>} : memref<128x128xf32, #tpu.memory_space<vmem>>, vector<16xf32>,
        %parallel_loop3A_360 = arith.constant 0 : i32
        %parallel_loop3A_361 = arith.constant 0 : i32
        %parallel_loop3A_362 = tpu.memref_slice %arg10[%parallel_loop3A_211, %parallel_loop3A_360, %parallel_loop3A_361] : memref<3x128x128xf32, #tpu.memory_space<vmem>> -> memref<1x128x128xf32, #tpu.memory_space<vmem>>
        %parallel_loop3A_363 = tpu.memref_squeeze %parallel_loop3A_362 : memref<1x128x128xf32, #tpu.memory_space<vmem>> -> memref<128x128xf32, #tpu.memory_space<vmem>>
        %parallel_loop3A_364 = arith.index_cast %parallel_loop3A_262 : i32 to index
        %parallel_loop3A_365 = arith.constant 96 : index
        %parallel_loop3A_366 = tpu.vector_load %parallel_loop3A_363[%parallel_loop3A_364, %parallel_loop3A_365] {strides = array<i32>} : memref<128x128xf32, #tpu.memory_space<vmem>>, vector<16xf32>,
        %parallel_loop3A_367 = arith.mulf %parallel_loop3A_359, %parallel_loop3A_366 : vector<16xf32>
        %parallel_loop3A_368 = arith.constant 0 : i32
        %parallel_loop3A_369 = arith.constant 0 : i32
        %parallel_loop3A_370 = tpu.memref_slice %arg9[%parallel_loop3A_210, %parallel_loop3A_368, %parallel_loop3A_369] : memref<3x128x128xf32, #tpu.memory_space<vmem>> -> memref<1x128x128xf32, #tpu.memory_space<vmem>>
        %parallel_loop3A_371 = tpu.memref_squeeze %parallel_loop3A_370 : memref<1x128x128xf32, #tpu.memory_space<vmem>> -> memref<128x128xf32, #tpu.memory_space<vmem>>
        %parallel_loop3A_372 = arith.index_cast %parallel_loop3A_262 : i32 to index
        %parallel_loop3A_373 = arith.constant 112 : index
        %parallel_loop3A_374 = tpu.vector_load %parallel_loop3A_371[%parallel_loop3A_372, %parallel_loop3A_373] {strides = array<i32>} : memref<128x128xf32, #tpu.memory_space<vmem>>, vector<16xf32>,
        %parallel_loop3A_375 = arith.constant 0 : i32
        %parallel_loop3A_376 = arith.constant 0 : i32
        %parallel_loop3A_377 = tpu.memref_slice %arg10[%parallel_loop3A_211, %parallel_loop3A_375, %parallel_loop3A_376] : memref<3x128x128xf32, #tpu.memory_space<vmem>> -> memref<1x128x128xf32, #tpu.memory_space<vmem>>
        %parallel_loop3A_378 = tpu.memref_squeeze %parallel_loop3A_377 : memref<1x128x128xf32, #tpu.memory_space<vmem>> -> memref<128x128xf32, #tpu.memory_space<vmem>>
        %parallel_loop3A_379 = arith.index_cast %parallel_loop3A_262 : i32 to index
        %parallel_loop3A_380 = arith.constant 112 : index
        %parallel_loop3A_381 = tpu.vector_load %parallel_loop3A_378[%parallel_loop3A_379, %parallel_loop3A_380] {strides = array<i32>} : memref<128x128xf32, #tpu.memory_space<vmem>>, vector<16xf32>,
        %parallel_loop3A_382 = arith.mulf %parallel_loop3A_374, %parallel_loop3A_381 : vector<16xf32>
        %parallel_loop3A_383 = arith.addf %parallel_loop3A_277, %parallel_loop3A_292 : vector<16xf32>
        %parallel_loop3A_384 = arith.addf %parallel_loop3A_307, %parallel_loop3A_322 : vector<16xf32>
        %parallel_loop3A_385 = arith.addf %parallel_loop3A_337, %parallel_loop3A_352 : vector<16xf32>
        %parallel_loop3A_386 = arith.addf %parallel_loop3A_367, %parallel_loop3A_382 : vector<16xf32>
        %parallel_loop3A_387 = arith.addf %parallel_loop3A_383, %parallel_loop3A_384 : vector<16xf32>
        %parallel_loop3A_388 = arith.addf %parallel_loop3A_385, %parallel_loop3A_386 : vector<16xf32>
        %parallel_loop3A_389 = arith.addf %parallel_loop3A_387, %parallel_loop3A_388 : vector<16xf32>
        %parallel_loop3A_390 = arith.constant true
        %parallel_loop3A_391 = vector.broadcast %parallel_loop3A_390 : i1 to vector<16xi1>
        %parallel_loop3A_392 = tpu.scan <sum>, %parallel_loop3A_389 masked %parallel_loop3A_391 : vector<16xf32>, vector<16xi1> -> vector<16xf32>
        %parallel_loop3A_393 = vector.extract %parallel_loop3A_392[15] : f32 from vector<16xf32>
        %parallel_loop3A_394 = vector.broadcast %scan3A : i32 to vector<16xi32>
        %parallel_loop3A_395 = arith.cmpi eq, %iota3A, %parallel_loop3A_394 : vector<16xi32>
        %parallel_loop3A_396 = vector.broadcast %parallel_loop3A_393 : f32 to vector<16xf32>
        %parallel_loop3A_397 = arith.select %parallel_loop3A_395, %parallel_loop3A_396, %scan3A_259 : vector<16xi1>, vector<16xf32>
        %parallel_loop3A_398 = arith.constant 1 : i32
        %parallel_loop3A_399 = arith.addi %scan3A, %parallel_loop3A_398 : i32
        %parallel_loop3A_400 = arith.constant 16 : i32
        %parallel_loop3A_401 = arith.muli %parallel_loop3A_244, %parallel_loop3A_400 : i32
        %parallel_loop3A_402 = arith.addi %parallel_loop3A_401, %parallel_loop3A_399 : i32
        %parallel_loop3A_403 = arith.constant 0 : i32
        %parallel_loop3A_404 = arith.constant 0 : i32
        %parallel_loop3A_405 = tpu.memref_slice %arg9[%parallel_loop3A_210, %parallel_loop3A_403, %parallel_loop3A_404] : memref<3x128x128xf32, #tpu.memory_space<vmem>> -> memref<1x128x128xf32, #tpu.memory_space<vmem>>
        %parallel_loop3A_406 = tpu.memref_squeeze %parallel_loop3A_405 : memref<1x128x128xf32, #tpu.memory_space<vmem>> -> memref<128x128xf32, #tpu.memory_space<vmem>>
        %parallel_loop3A_407 = arith.index_cast %parallel_loop3A_402 : i32 to index
        %parallel_loop3A_408 = arith.constant 0 : index
        %parallel_loop3A_409 = tpu.vector_load %parallel_loop3A_406[%parallel_loop3A_407, %parallel_loop3A_408] {strides = array<i32>} : memref<128x128xf32, #tpu.memory_space<vmem>>, vector<16xf32>,
        %parallel_loop3A_410 = arith.constant 0 : i32
        %parallel_loop3A_411 = arith.constant 0 : i32
        %parallel_loop3A_412 = tpu.memref_slice %arg10[%parallel_loop3A_211, %parallel_loop3A_410, %parallel_loop3A_411] : memref<3x128x128xf32, #tpu.memory_space<vmem>> -> memref<1x128x128xf32, #tpu.memory_space<vmem>>
        %parallel_loop3A_413 = tpu.memref_squeeze %parallel_loop3A_412 : memref<1x128x128xf32, #tpu.memory_space<vmem>> -> memref<128x128xf32, #tpu.memory_space<vmem>>
        %parallel_loop3A_414 = arith.index_cast %parallel_loop3A_402 : i32 to index
        %parallel_loop3A_415 = arith.constant 0 : index
        %parallel_loop3A_416 = tpu.vector_load %parallel_loop3A_413[%parallel_loop3A_414, %parallel_loop3A_415] {strides = array<i32>} : memref<128x128xf32, #tpu.memory_space<vmem>>, vector<16xf32>,
        %parallel_loop3A_417 = arith.mulf %parallel_loop3A_409, %parallel_loop3A_416 : vector<16xf32>
        %parallel_loop3A_418 = arith.constant 0 : i32
        %parallel_loop3A_419 = arith.constant 0 : i32
        %parallel_loop3A_420 = tpu.memref_slice %arg9[%parallel_loop3A_210, %parallel_loop3A_418, %parallel_loop3A_419] : memref<3x128x128xf32, #tpu.memory_space<vmem>> -> memref<1x128x128xf32, #tpu.memory_space<vmem>>
        %parallel_loop3A_421 = tpu.memref_squeeze %parallel_loop3A_420 : memref<1x128x128xf32, #tpu.memory_space<vmem>> -> memref<128x128xf32, #tpu.memory_space<vmem>>
        %parallel_loop3A_422 = arith.index_cast %parallel_loop3A_402 : i32 to index
        %parallel_loop3A_423 = arith.constant 16 : index
        %parallel_loop3A_424 = tpu.vector_load %parallel_loop3A_421[%parallel_loop3A_422, %parallel_loop3A_423] {strides = array<i32>} : memref<128x128xf32, #tpu.memory_space<vmem>>, vector<16xf32>,
        %parallel_loop3A_425 = arith.constant 0 : i32
        %parallel_loop3A_426 = arith.constant 0 : i32
        %parallel_loop3A_427 = tpu.memref_slice %arg10[%parallel_loop3A_211, %parallel_loop3A_425, %parallel_loop3A_426] : memref<3x128x128xf32, #tpu.memory_space<vmem>> -> memref<1x128x128xf32, #tpu.memory_space<vmem>>
        %parallel_loop3A_428 = tpu.memref_squeeze %parallel_loop3A_427 : memref<1x128x128xf32, #tpu.memory_space<vmem>> -> memref<128x128xf32, #tpu.memory_space<vmem>>
        %parallel_loop3A_429 = arith.index_cast %parallel_loop3A_402 : i32 to index
        %parallel_loop3A_430 = arith.constant 16 : index
        %parallel_loop3A_431 = tpu.vector_load %parallel_loop3A_428[%parallel_loop3A_429, %parallel_loop3A_430] {strides = array<i32>} : memref<128x128xf32, #tpu.memory_space<vmem>>, vector<16xf32>,
        %parallel_loop3A_432 = arith.mulf %parallel_loop3A_424, %parallel_loop3A_431 : vector<16xf32>
        %parallel_loop3A_433 = arith.constant 0 : i32
        %parallel_loop3A_434 = arith.constant 0 : i32
        %parallel_loop3A_435 = tpu.memref_slice %arg9[%parallel_loop3A_210, %parallel_loop3A_433, %parallel_loop3A_434] : memref<3x128x128xf32, #tpu.memory_space<vmem>> -> memref<1x128x128xf32, #tpu.memory_space<vmem>>
        %parallel_loop3A_436 = tpu.memref_squeeze %parallel_loop3A_435 : memref<1x128x128xf32, #tpu.memory_space<vmem>> -> memref<128x128xf32, #tpu.memory_space<vmem>>
        %parallel_loop3A_437 = arith.index_cast %parallel_loop3A_402 : i32 to index
        %parallel_loop3A_438 = arith.constant 32 : index
        %parallel_loop3A_439 = tpu.vector_load %parallel_loop3A_436[%parallel_loop3A_437, %parallel_loop3A_438] {strides = array<i32>} : memref<128x128xf32, #tpu.memory_space<vmem>>, vector<16xf32>,
        %parallel_loop3A_440 = arith.constant 0 : i32
        %parallel_loop3A_441 = arith.constant 0 : i32
        %parallel_loop3A_442 = tpu.memref_slice %arg10[%parallel_loop3A_211, %parallel_loop3A_440, %parallel_loop3A_441] : memref<3x128x128xf32, #tpu.memory_space<vmem>> -> memref<1x128x128xf32, #tpu.memory_space<vmem>>
        %parallel_loop3A_443 = tpu.memref_squeeze %parallel_loop3A_442 : memref<1x128x128xf32, #tpu.memory_space<vmem>> -> memref<128x128xf32, #tpu.memory_space<vmem>>
        %parallel_loop3A_444 = arith.index_cast %parallel_loop3A_402 : i32 to index
        %parallel_loop3A_445 = arith.constant 32 : index
        %parallel_loop3A_446 = tpu.vector_load %parallel_loop3A_443[%parallel_loop3A_444, %parallel_loop3A_445] {strides = array<i32>} : memref<128x128xf32, #tpu.memory_space<vmem>>, vector<16xf32>,
        %parallel_loop3A_447 = arith.mulf %parallel_loop3A_439, %parallel_loop3A_446 : vector<16xf32>
        %parallel_loop3A_448 = arith.constant 0 : i32
        %parallel_loop3A_449 = arith.constant 0 : i32
        %parallel_loop3A_450 = tpu.memref_slice %arg9[%parallel_loop3A_210, %parallel_loop3A_448, %parallel_loop3A_449] : memref<3x128x128xf32, #tpu.memory_space<vmem>> -> memref<1x128x128xf32, #tpu.memory_space<vmem>>
        %parallel_loop3A_451 = tpu.memref_squeeze %parallel_loop3A_450 : memref<1x128x128xf32, #tpu.memory_space<vmem>> -> memref<128x128xf32, #tpu.memory_space<vmem>>
        %parallel_loop3A_452 = arith.index_cast %parallel_loop3A_402 : i32 to index
        %parallel_loop3A_453 = arith.constant 48 : index
        %parallel_loop3A_454 = tpu.vector_load %parallel_loop3A_451[%parallel_loop3A_452, %parallel_loop3A_453] {strides = array<i32>} : memref<128x128xf32, #tpu.memory_space<vmem>>, vector<16xf32>,
        %parallel_loop3A_455 = arith.constant 0 : i32
        %parallel_loop3A_456 = arith.constant 0 : i32
        %parallel_loop3A_457 = tpu.memref_slice %arg10[%parallel_loop3A_211, %parallel_loop3A_455, %parallel_loop3A_456] : memref<3x128x128xf32, #tpu.memory_space<vmem>> -> memref<1x128x128xf32, #tpu.memory_space<vmem>>
        %parallel_loop3A_458 = tpu.memref_squeeze %parallel_loop3A_457 : memref<1x128x128xf32, #tpu.memory_space<vmem>> -> memref<128x128xf32, #tpu.memory_space<vmem>>
        %parallel_loop3A_459 = arith.index_cast %parallel_loop3A_402 : i32 to index
        %parallel_loop3A_460 = arith.constant 48 : index
        %parallel_loop3A_461 = tpu.vector_load %parallel_loop3A_458[%parallel_loop3A_459, %parallel_loop3A_460] {strides = array<i32>} : memref<128x128xf32, #tpu.memory_space<vmem>>, vector<16xf32>,
        %parallel_loop3A_462 = arith.mulf %parallel_loop3A_454, %parallel_loop3A_461 : vector<16xf32>
        %parallel_loop3A_463 = arith.constant 0 : i32
        %parallel_loop3A_464 = arith.constant 0 : i32
        %parallel_loop3A_465 = tpu.memref_slice %arg9[%parallel_loop3A_210, %parallel_loop3A_463, %parallel_loop3A_464] : memref<3x128x128xf32, #tpu.memory_space<vmem>> -> memref<1x128x128xf32, #tpu.memory_space<vmem>>
        %parallel_loop3A_466 = tpu.memref_squeeze %parallel_loop3A_465 : memref<1x128x128xf32, #tpu.memory_space<vmem>> -> memref<128x128xf32, #tpu.memory_space<vmem>>
        %parallel_loop3A_467 = arith.index_cast %parallel_loop3A_402 : i32 to index
        %parallel_loop3A_468 = arith.constant 64 : index
        %parallel_loop3A_469 = tpu.vector_load %parallel_loop3A_466[%parallel_loop3A_467, %parallel_loop3A_468] {strides = array<i32>} : memref<128x128xf32, #tpu.memory_space<vmem>>, vector<16xf32>,
        %parallel_loop3A_470 = arith.constant 0 : i32
        %parallel_loop3A_471 = arith.constant 0 : i32
        %parallel_loop3A_472 = tpu.memref_slice %arg10[%parallel_loop3A_211, %parallel_loop3A_470, %parallel_loop3A_471] : memref<3x128x128xf32, #tpu.memory_space<vmem>> -> memref<1x128x128xf32, #tpu.memory_space<vmem>>
        %parallel_loop3A_473 = tpu.memref_squeeze %parallel_loop3A_472 : memref<1x128x128xf32, #tpu.memory_space<vmem>> -> memref<128x128xf32, #tpu.memory_space<vmem>>
        %parallel_loop3A_474 = arith.index_cast %parallel_loop3A_402 : i32 to index
        %parallel_loop3A_475 = arith.constant 64 : index
        %parallel_loop3A_476 = tpu.vector_load %parallel_loop3A_473[%parallel_loop3A_474, %parallel_loop3A_475] {strides = array<i32>} : memref<128x128xf32, #tpu.memory_space<vmem>>, vector<16xf32>,
        %parallel_loop3A_477 = arith.mulf %parallel_loop3A_469, %parallel_loop3A_476 : vector<16xf32>
        %parallel_loop3A_478 = arith.constant 0 : i32
        %parallel_loop3A_479 = arith.constant 0 : i32
        %parallel_loop3A_480 = tpu.memref_slice %arg9[%parallel_loop3A_210, %parallel_loop3A_478, %parallel_loop3A_479] : memref<3x128x128xf32, #tpu.memory_space<vmem>> -> memref<1x128x128xf32, #tpu.memory_space<vmem>>
        %parallel_loop3A_481 = tpu.memref_squeeze %parallel_loop3A_480 : memref<1x128x128xf32, #tpu.memory_space<vmem>> -> memref<128x128xf32, #tpu.memory_space<vmem>>
        %parallel_loop3A_482 = arith.index_cast %parallel_loop3A_402 : i32 to index
        %parallel_loop3A_483 = arith.constant 80 : index
        %parallel_loop3A_484 = tpu.vector_load %parallel_loop3A_481[%parallel_loop3A_482, %parallel_loop3A_483] {strides = array<i32>} : memref<128x128xf32, #tpu.memory_space<vmem>>, vector<16xf32>,
        %parallel_loop3A_485 = arith.constant 0 : i32
        %parallel_loop3A_486 = arith.constant 0 : i32
        %parallel_loop3A_487 = tpu.memref_slice %arg10[%parallel_loop3A_211, %parallel_loop3A_485, %parallel_loop3A_486] : memref<3x128x128xf32, #tpu.memory_space<vmem>> -> memref<1x128x128xf32, #tpu.memory_space<vmem>>
        %parallel_loop3A_488 = tpu.memref_squeeze %parallel_loop3A_487 : memref<1x128x128xf32, #tpu.memory_space<vmem>> -> memref<128x128xf32, #tpu.memory_space<vmem>>
        %parallel_loop3A_489 = arith.index_cast %parallel_loop3A_402 : i32 to index
        %parallel_loop3A_490 = arith.constant 80 : index
        %parallel_loop3A_491 = tpu.vector_load %parallel_loop3A_488[%parallel_loop3A_489, %parallel_loop3A_490] {strides = array<i32>} : memref<128x128xf32, #tpu.memory_space<vmem>>, vector<16xf32>,
        %parallel_loop3A_492 = arith.mulf %parallel_loop3A_484, %parallel_loop3A_491 : vector<16xf32>
        %parallel_loop3A_493 = arith.constant 0 : i32
        %parallel_loop3A_494 = arith.constant 0 : i32
        %parallel_loop3A_495 = tpu.memref_slice %arg9[%parallel_loop3A_210, %parallel_loop3A_493, %parallel_loop3A_494] : memref<3x128x128xf32, #tpu.memory_space<vmem>> -> memref<1x128x128xf32, #tpu.memory_space<vmem>>
        %parallel_loop3A_496 = tpu.memref_squeeze %parallel_loop3A_495 : memref<1x128x128xf32, #tpu.memory_space<vmem>> -> memref<128x128xf32, #tpu.memory_space<vmem>>
        %parallel_loop3A_497 = arith.index_cast %parallel_loop3A_402 : i32 to index
        %parallel_loop3A_498 = arith.constant 96 : index
        %parallel_loop3A_499 = tpu.vector_load %parallel_loop3A_496[%parallel_loop3A_497, %parallel_loop3A_498] {strides = array<i32>} : memref<128x128xf32, #tpu.memory_space<vmem>>, vector<16xf32>,
        %parallel_loop3A_500 = arith.constant 0 : i32
        %parallel_loop3A_501 = arith.constant 0 : i32
        %parallel_loop3A_502 = tpu.memref_slice %arg10[%parallel_loop3A_211, %parallel_loop3A_500, %parallel_loop3A_501] : memref<3x128x128xf32, #tpu.memory_space<vmem>> -> memref<1x128x128xf32, #tpu.memory_space<vmem>>
        %parallel_loop3A_503 = tpu.memref_squeeze %parallel_loop3A_502 : memref<1x128x128xf32, #tpu.memory_space<vmem>> -> memref<128x128xf32, #tpu.memory_space<vmem>>
        %parallel_loop3A_504 = arith.index_cast %parallel_loop3A_402 : i32 to index
        %parallel_loop3A_505 = arith.constant 96 : index
        %parallel_loop3A_506 = tpu.vector_load %parallel_loop3A_503[%parallel_loop3A_504, %parallel_loop3A_505] {strides = array<i32>} : memref<128x128xf32, #tpu.memory_space<vmem>>, vector<16xf32>,
        %parallel_loop3A_507 = arith.mulf %parallel_loop3A_499, %parallel_loop3A_506 : vector<16xf32>
        %parallel_loop3A_508 = arith.constant 0 : i32
        %parallel_loop3A_509 = arith.constant 0 : i32
        %parallel_loop3A_510 = tpu.memref_slice %arg9[%parallel_loop3A_210, %parallel_loop3A_508, %parallel_loop3A_509] : memref<3x128x128xf32, #tpu.memory_space<vmem>> -> memref<1x128x128xf32, #tpu.memory_space<vmem>>
        %parallel_loop3A_511 = tpu.memref_squeeze %parallel_loop3A_510 : memref<1x128x128xf32, #tpu.memory_space<vmem>> -> memref<128x128xf32, #tpu.memory_space<vmem>>
        %parallel_loop3A_512 = arith.index_cast %parallel_loop3A_402 : i32 to index
        %parallel_loop3A_513 = arith.constant 112 : index
        %parallel_loop3A_514 = tpu.vector_load %parallel_loop3A_511[%parallel_loop3A_512, %parallel_loop3A_513] {strides = array<i32>} : memref<128x128xf32, #tpu.memory_space<vmem>>, vector<16xf32>,
        %parallel_loop3A_515 = arith.constant 0 : i32
        %parallel_loop3A_516 = arith.constant 0 : i32
        %parallel_loop3A_517 = tpu.memref_slice %arg10[%parallel_loop3A_211, %parallel_loop3A_515, %parallel_loop3A_516] : memref<3x128x128xf32, #tpu.memory_space<vmem>> -> memref<1x128x128xf32, #tpu.memory_space<vmem>>
        %parallel_loop3A_518 = tpu.memref_squeeze %parallel_loop3A_517 : memref<1x128x128xf32, #tpu.memory_space<vmem>> -> memref<128x128xf32, #tpu.memory_space<vmem>>
        %parallel_loop3A_519 = arith.index_cast %parallel_loop3A_402 : i32 to index
        %parallel_loop3A_520 = arith.constant 112 : index
        %parallel_loop3A_521 = tpu.vector_load %parallel_loop3A_518[%parallel_loop3A_519, %parallel_loop3A_520] {strides = array<i32>} : memref<128x128xf32, #tpu.memory_space<vmem>>, vector<16xf32>,
        %parallel_loop3A_522 = arith.mulf %parallel_loop3A_514, %parallel_loop3A_521 : vector<16xf32>
        %parallel_loop3A_523 = arith.addf %parallel_loop3A_417, %parallel_loop3A_432 : vector<16xf32>
        %parallel_loop3A_524 = arith.addf %parallel_loop3A_447, %parallel_loop3A_462 : vector<16xf32>
        %parallel_loop3A_525 = arith.addf %parallel_loop3A_477, %parallel_loop3A_492 : vector<16xf32>
        %parallel_loop3A_526 = arith.addf %parallel_loop3A_507, %parallel_loop3A_522 : vector<16xf32>
        %parallel_loop3A_527 = arith.addf %parallel_loop3A_523, %parallel_loop3A_524 : vector<16xf32>
        %parallel_loop3A_528 = arith.addf %parallel_loop3A_525, %parallel_loop3A_526 : vector<16xf32>
        %parallel_loop3A_529 = arith.addf %parallel_loop3A_527, %parallel_loop3A_528 : vector<16xf32>
        %parallel_loop3A_530 = arith.constant true
        %parallel_loop3A_531 = vector.broadcast %parallel_loop3A_530 : i1 to vector<16xi1>
        %parallel_loop3A_532 = tpu.scan <sum>, %parallel_loop3A_529 masked %parallel_loop3A_531 : vector<16xf32>, vector<16xi1> -> vector<16xf32>
        %parallel_loop3A_533 = vector.extract %parallel_loop3A_532[15] : f32 from vector<16xf32>
        %parallel_loop3A_534 = vector.broadcast %parallel_loop3A_399 : i32 to vector<16xi32>
        %parallel_loop3A_535 = arith.cmpi eq, %iota3A, %parallel_loop3A_534 : vector<16xi32>
        %parallel_loop3A_536 = vector.broadcast %parallel_loop3A_533 : f32 to vector<16xf32>
        %parallel_loop3A_537 = arith.select %parallel_loop3A_535, %parallel_loop3A_536, %parallel_loop3A_397 : vector<16xi1>, vector<16xf32>
        %parallel_loop3A_538 = arith.constant 2 : i32
        %parallel_loop3A_539 = arith.addi %scan3A, %parallel_loop3A_538 : i32
        %parallel_loop3A_540 = arith.constant 16 : i32
        %parallel_loop3A_541 = arith.muli %parallel_loop3A_244, %parallel_loop3A_540 : i32
        %parallel_loop3A_542 = arith.addi %parallel_loop3A_541, %parallel_loop3A_539 : i32
        %parallel_loop3A_543 = arith.constant 0 : i32
        %parallel_loop3A_544 = arith.constant 0 : i32
        %parallel_loop3A_545 = tpu.memref_slice %arg9[%parallel_loop3A_210, %parallel_loop3A_543, %parallel_loop3A_544] : memref<3x128x128xf32, #tpu.memory_space<vmem>> -> memref<1x128x128xf32, #tpu.memory_space<vmem>>
        %parallel_loop3A_546 = tpu.memref_squeeze %parallel_loop3A_545 : memref<1x128x128xf32, #tpu.memory_space<vmem>> -> memref<128x128xf32, #tpu.memory_space<vmem>>
        %parallel_loop3A_547 = arith.index_cast %parallel_loop3A_542 : i32 to index
        %parallel_loop3A_548 = arith.constant 0 : index
        %parallel_loop3A_549 = tpu.vector_load %parallel_loop3A_546[%parallel_loop3A_547, %parallel_loop3A_548] {strides = array<i32>} : memref<128x128xf32, #tpu.memory_space<vmem>>, vector<16xf32>,
        %parallel_loop3A_550 = arith.constant 0 : i32
        %parallel_loop3A_551 = arith.constant 0 : i32
        %parallel_loop3A_552 = tpu.memref_slice %arg10[%parallel_loop3A_211, %parallel_loop3A_550, %parallel_loop3A_551] : memref<3x128x128xf32, #tpu.memory_space<vmem>> -> memref<1x128x128xf32, #tpu.memory_space<vmem>>
        %parallel_loop3A_553 = tpu.memref_squeeze %parallel_loop3A_552 : memref<1x128x128xf32, #tpu.memory_space<vmem>> -> memref<128x128xf32, #tpu.memory_space<vmem>>
        %parallel_loop3A_554 = arith.index_cast %parallel_loop3A_542 : i32 to index
        %parallel_loop3A_555 = arith.constant 0 : index
        %parallel_loop3A_556 = tpu.vector_load %parallel_loop3A_553[%parallel_loop3A_554, %parallel_loop3A_555] {strides = array<i32>} : memref<128x128xf32, #tpu.memory_space<vmem>>, vector<16xf32>,
        %parallel_loop3A_557 = arith.mulf %parallel_loop3A_549, %parallel_loop3A_556 : vector<16xf32>
        %parallel_loop3A_558 = arith.constant 0 : i32
        %parallel_loop3A_559 = arith.constant 0 : i32
        %parallel_loop3A_560 = tpu.memref_slice %arg9[%parallel_loop3A_210, %parallel_loop3A_558, %parallel_loop3A_559] : memref<3x128x128xf32, #tpu.memory_space<vmem>> -> memref<1x128x128xf32, #tpu.memory_space<vmem>>
        %parallel_loop3A_561 = tpu.memref_squeeze %parallel_loop3A_560 : memref<1x128x128xf32, #tpu.memory_space<vmem>> -> memref<128x128xf32, #tpu.memory_space<vmem>>
        %parallel_loop3A_562 = arith.index_cast %parallel_loop3A_542 : i32 to index
        %parallel_loop3A_563 = arith.constant 16 : index
        %parallel_loop3A_564 = tpu.vector_load %parallel_loop3A_561[%parallel_loop3A_562, %parallel_loop3A_563] {strides = array<i32>} : memref<128x128xf32, #tpu.memory_space<vmem>>, vector<16xf32>,
        %parallel_loop3A_565 = arith.constant 0 : i32
        %parallel_loop3A_566 = arith.constant 0 : i32
        %parallel_loop3A_567 = tpu.memref_slice %arg10[%parallel_loop3A_211, %parallel_loop3A_565, %parallel_loop3A_566] : memref<3x128x128xf32, #tpu.memory_space<vmem>> -> memref<1x128x128xf32, #tpu.memory_space<vmem>>
        %parallel_loop3A_568 = tpu.memref_squeeze %parallel_loop3A_567 : memref<1x128x128xf32, #tpu.memory_space<vmem>> -> memref<128x128xf32, #tpu.memory_space<vmem>>
        %parallel_loop3A_569 = arith.index_cast %parallel_loop3A_542 : i32 to index
        %parallel_loop3A_570 = arith.constant 16 : index
        %parallel_loop3A_571 = tpu.vector_load %parallel_loop3A_568[%parallel_loop3A_569, %parallel_loop3A_570] {strides = array<i32>} : memref<128x128xf32, #tpu.memory_space<vmem>>, vector<16xf32>,
        %parallel_loop3A_572 = arith.mulf %parallel_loop3A_564, %parallel_loop3A_571 : vector<16xf32>
        %parallel_loop3A_573 = arith.constant 0 : i32
        %parallel_loop3A_574 = arith.constant 0 : i32
        %parallel_loop3A_575 = tpu.memref_slice %arg9[%parallel_loop3A_210, %parallel_loop3A_573, %parallel_loop3A_574] : memref<3x128x128xf32, #tpu.memory_space<vmem>> -> memref<1x128x128xf32, #tpu.memory_space<vmem>>
        %parallel_loop3A_576 = tpu.memref_squeeze %parallel_loop3A_575 : memref<1x128x128xf32, #tpu.memory_space<vmem>> -> memref<128x128xf32, #tpu.memory_space<vmem>>
        %parallel_loop3A_577 = arith.index_cast %parallel_loop3A_542 : i32 to index
        %parallel_loop3A_578 = arith.constant 32 : index
        %parallel_loop3A_579 = tpu.vector_load %parallel_loop3A_576[%parallel_loop3A_577, %parallel_loop3A_578] {strides = array<i32>} : memref<128x128xf32, #tpu.memory_space<vmem>>, vector<16xf32>,
        %parallel_loop3A_580 = arith.constant 0 : i32
        %parallel_loop3A_581 = arith.constant 0 : i32
        %parallel_loop3A_582 = tpu.memref_slice %arg10[%parallel_loop3A_211, %parallel_loop3A_580, %parallel_loop3A_581] : memref<3x128x128xf32, #tpu.memory_space<vmem>> -> memref<1x128x128xf32, #tpu.memory_space<vmem>>
        %parallel_loop3A_583 = tpu.memref_squeeze %parallel_loop3A_582 : memref<1x128x128xf32, #tpu.memory_space<vmem>> -> memref<128x128xf32, #tpu.memory_space<vmem>>
        %parallel_loop3A_584 = arith.index_cast %parallel_loop3A_542 : i32 to index
        %parallel_loop3A_585 = arith.constant 32 : index
        %parallel_loop3A_586 = tpu.vector_load %parallel_loop3A_583[%parallel_loop3A_584, %parallel_loop3A_585] {strides = array<i32>} : memref<128x128xf32, #tpu.memory_space<vmem>>, vector<16xf32>,
        %parallel_loop3A_587 = arith.mulf %parallel_loop3A_579, %parallel_loop3A_586 : vector<16xf32>
        %parallel_loop3A_588 = arith.constant 0 : i32
        %parallel_loop3A_589 = arith.constant 0 : i32
        %parallel_loop3A_590 = tpu.memref_slice %arg9[%parallel_loop3A_210, %parallel_loop3A_588, %parallel_loop3A_589] : memref<3x128x128xf32, #tpu.memory_space<vmem>> -> memref<1x128x128xf32, #tpu.memory_space<vmem>>
        %parallel_loop3A_591 = tpu.memref_squeeze %parallel_loop3A_590 : memref<1x128x128xf32, #tpu.memory_space<vmem>> -> memref<128x128xf32, #tpu.memory_space<vmem>>
        %parallel_loop3A_592 = arith.index_cast %parallel_loop3A_542 : i32 to index
        %parallel_loop3A_593 = arith.constant 48 : index
        %parallel_loop3A_594 = tpu.vector_load %parallel_loop3A_591[%parallel_loop3A_592, %parallel_loop3A_593] {strides = array<i32>} : memref<128x128xf32, #tpu.memory_space<vmem>>, vector<16xf32>,
        %parallel_loop3A_595 = arith.constant 0 : i32
        %parallel_loop3A_596 = arith.constant 0 : i32
        %parallel_loop3A_597 = tpu.memref_slice %arg10[%parallel_loop3A_211, %parallel_loop3A_595, %parallel_loop3A_596] : memref<3x128x128xf32, #tpu.memory_space<vmem>> -> memref<1x128x128xf32, #tpu.memory_space<vmem>>
        %parallel_loop3A_598 = tpu.memref_squeeze %parallel_loop3A_597 : memref<1x128x128xf32, #tpu.memory_space<vmem>> -> memref<128x128xf32, #tpu.memory_space<vmem>>
        %parallel_loop3A_599 = arith.index_cast %parallel_loop3A_542 : i32 to index
        %parallel_loop3A_600 = arith.constant 48 : index
        %parallel_loop3A_601 = tpu.vector_load %parallel_loop3A_598[%parallel_loop3A_599, %parallel_loop3A_600] {strides = array<i32>} : memref<128x128xf32, #tpu.memory_space<vmem>>, vector<16xf32>,
        %parallel_loop3A_602 = arith.mulf %parallel_loop3A_594, %parallel_loop3A_601 : vector<16xf32>
        %parallel_loop3A_603 = arith.constant 0 : i32
        %parallel_loop3A_604 = arith.constant 0 : i32
        %parallel_loop3A_605 = tpu.memref_slice %arg9[%parallel_loop3A_210, %parallel_loop3A_603, %parallel_loop3A_604] : memref<3x128x128xf32, #tpu.memory_space<vmem>> -> memref<1x128x128xf32, #tpu.memory_space<vmem>>
        %parallel_loop3A_606 = tpu.memref_squeeze %parallel_loop3A_605 : memref<1x128x128xf32, #tpu.memory_space<vmem>> -> memref<128x128xf32, #tpu.memory_space<vmem>>
        %parallel_loop3A_607 = arith.index_cast %parallel_loop3A_542 : i32 to index
        %parallel_loop3A_608 = arith.constant 64 : index
        %parallel_loop3A_609 = tpu.vector_load %parallel_loop3A_606[%parallel_loop3A_607, %parallel_loop3A_608] {strides = array<i32>} : memref<128x128xf32, #tpu.memory_space<vmem>>, vector<16xf32>,
        %parallel_loop3A_610 = arith.constant 0 : i32
        %parallel_loop3A_611 = arith.constant 0 : i32
        %parallel_loop3A_612 = tpu.memref_slice %arg10[%parallel_loop3A_211, %parallel_loop3A_610, %parallel_loop3A_611] : memref<3x128x128xf32, #tpu.memory_space<vmem>> -> memref<1x128x128xf32, #tpu.memory_space<vmem>>
        %parallel_loop3A_613 = tpu.memref_squeeze %parallel_loop3A_612 : memref<1x128x128xf32, #tpu.memory_space<vmem>> -> memref<128x128xf32, #tpu.memory_space<vmem>>
        %parallel_loop3A_614 = arith.index_cast %parallel_loop3A_542 : i32 to index
        %parallel_loop3A_615 = arith.constant 64 : index
        %parallel_loop3A_616 = tpu.vector_load %parallel_loop3A_613[%parallel_loop3A_614, %parallel_loop3A_615] {strides = array<i32>} : memref<128x128xf32, #tpu.memory_space<vmem>>, vector<16xf32>,
        %parallel_loop3A_617 = arith.mulf %parallel_loop3A_609, %parallel_loop3A_616 : vector<16xf32>
        %parallel_loop3A_618 = arith.constant 0 : i32
        %parallel_loop3A_619 = arith.constant 0 : i32
        %parallel_loop3A_620 = tpu.memref_slice %arg9[%parallel_loop3A_210, %parallel_loop3A_618, %parallel_loop3A_619] : memref<3x128x128xf32, #tpu.memory_space<vmem>> -> memref<1x128x128xf32, #tpu.memory_space<vmem>>
        %parallel_loop3A_621 = tpu.memref_squeeze %parallel_loop3A_620 : memref<1x128x128xf32, #tpu.memory_space<vmem>> -> memref<128x128xf32, #tpu.memory_space<vmem>>
        %parallel_loop3A_622 = arith.index_cast %parallel_loop3A_542 : i32 to index
        %parallel_loop3A_623 = arith.constant 80 : index
        %parallel_loop3A_624 = tpu.vector_load %parallel_loop3A_621[%parallel_loop3A_622, %parallel_loop3A_623] {strides = array<i32>} : memref<128x128xf32, #tpu.memory_space<vmem>>, vector<16xf32>,
        %parallel_loop3A_625 = arith.constant 0 : i32
        %parallel_loop3A_626 = arith.constant 0 : i32
        %parallel_loop3A_627 = tpu.memref_slice %arg10[%parallel_loop3A_211, %parallel_loop3A_625, %parallel_loop3A_626] : memref<3x128x128xf32, #tpu.memory_space<vmem>> -> memref<1x128x128xf32, #tpu.memory_space<vmem>>
        %parallel_loop3A_628 = tpu.memref_squeeze %parallel_loop3A_627 : memref<1x128x128xf32, #tpu.memory_space<vmem>> -> memref<128x128xf32, #tpu.memory_space<vmem>>
        %parallel_loop3A_629 = arith.index_cast %parallel_loop3A_542 : i32 to index
        %parallel_loop3A_630 = arith.constant 80 : index
        %parallel_loop3A_631 = tpu.vector_load %parallel_loop3A_628[%parallel_loop3A_629, %parallel_loop3A_630] {strides = array<i32>} : memref<128x128xf32, #tpu.memory_space<vmem>>, vector<16xf32>,
        %parallel_loop3A_632 = arith.mulf %parallel_loop3A_624, %parallel_loop3A_631 : vector<16xf32>
        %parallel_loop3A_633 = arith.constant 0 : i32
        %parallel_loop3A_634 = arith.constant 0 : i32
        %parallel_loop3A_635 = tpu.memref_slice %arg9[%parallel_loop3A_210, %parallel_loop3A_633, %parallel_loop3A_634] : memref<3x128x128xf32, #tpu.memory_space<vmem>> -> memref<1x128x128xf32, #tpu.memory_space<vmem>>
        %parallel_loop3A_636 = tpu.memref_squeeze %parallel_loop3A_635 : memref<1x128x128xf32, #tpu.memory_space<vmem>> -> memref<128x128xf32, #tpu.memory_space<vmem>>
        %parallel_loop3A_637 = arith.index_cast %parallel_loop3A_542 : i32 to index
        %parallel_loop3A_638 = arith.constant 96 : index
        %parallel_loop3A_639 = tpu.vector_load %parallel_loop3A_636[%parallel_loop3A_637, %parallel_loop3A_638] {strides = array<i32>} : memref<128x128xf32, #tpu.memory_space<vmem>>, vector<16xf32>,
        %parallel_loop3A_640 = arith.constant 0 : i32
        %parallel_loop3A_641 = arith.constant 0 : i32
        %parallel_loop3A_642 = tpu.memref_slice %arg10[%parallel_loop3A_211, %parallel_loop3A_640, %parallel_loop3A_641] : memref<3x128x128xf32, #tpu.memory_space<vmem>> -> memref<1x128x128xf32, #tpu.memory_space<vmem>>
        %parallel_loop3A_643 = tpu.memref_squeeze %parallel_loop3A_642 : memref<1x128x128xf32, #tpu.memory_space<vmem>> -> memref<128x128xf32, #tpu.memory_space<vmem>>
        %parallel_loop3A_644 = arith.index_cast %parallel_loop3A_542 : i32 to index
        %parallel_loop3A_645 = arith.constant 96 : index
        %parallel_loop3A_646 = tpu.vector_load %parallel_loop3A_643[%parallel_loop3A_644, %parallel_loop3A_645] {strides = array<i32>} : memref<128x128xf32, #tpu.memory_space<vmem>>, vector<16xf32>,
        %parallel_loop3A_647 = arith.mulf %parallel_loop3A_639, %parallel_loop3A_646 : vector<16xf32>
        %parallel_loop3A_648 = arith.constant 0 : i32
        %parallel_loop3A_649 = arith.constant 0 : i32
        %parallel_loop3A_650 = tpu.memref_slice %arg9[%parallel_loop3A_210, %parallel_loop3A_648, %parallel_loop3A_649] : memref<3x128x128xf32, #tpu.memory_space<vmem>> -> memref<1x128x128xf32, #tpu.memory_space<vmem>>
        %parallel_loop3A_651 = tpu.memref_squeeze %parallel_loop3A_650 : memref<1x128x128xf32, #tpu.memory_space<vmem>> -> memref<128x128xf32, #tpu.memory_space<vmem>>
        %parallel_loop3A_652 = arith.index_cast %parallel_loop3A_542 : i32 to index
        %parallel_loop3A_653 = arith.constant 112 : index
        %parallel_loop3A_654 = tpu.vector_load %parallel_loop3A_651[%parallel_loop3A_652, %parallel_loop3A_653] {strides = array<i32>} : memref<128x128xf32, #tpu.memory_space<vmem>>, vector<16xf32>,
        %parallel_loop3A_655 = arith.constant 0 : i32
        %parallel_loop3A_656 = arith.constant 0 : i32
        %parallel_loop3A_657 = tpu.memref_slice %arg10[%parallel_loop3A_211, %parallel_loop3A_655, %parallel_loop3A_656] : memref<3x128x128xf32, #tpu.memory_space<vmem>> -> memref<1x128x128xf32, #tpu.memory_space<vmem>>
        %parallel_loop3A_658 = tpu.memref_squeeze %parallel_loop3A_657 : memref<1x128x128xf32, #tpu.memory_space<vmem>> -> memref<128x128xf32, #tpu.memory_space<vmem>>
        %parallel_loop3A_659 = arith.index_cast %parallel_loop3A_542 : i32 to index
        %parallel_loop3A_660 = arith.constant 112 : index
        %parallel_loop3A_661 = tpu.vector_load %parallel_loop3A_658[%parallel_loop3A_659, %parallel_loop3A_660] {strides = array<i32>} : memref<128x128xf32, #tpu.memory_space<vmem>>, vector<16xf32>,
        %parallel_loop3A_662 = arith.mulf %parallel_loop3A_654, %parallel_loop3A_661 : vector<16xf32>
        %parallel_loop3A_663 = arith.addf %parallel_loop3A_557, %parallel_loop3A_572 : vector<16xf32>
        %parallel_loop3A_664 = arith.addf %parallel_loop3A_587, %parallel_loop3A_602 : vector<16xf32>
        %parallel_loop3A_665 = arith.addf %parallel_loop3A_617, %parallel_loop3A_632 : vector<16xf32>
        %parallel_loop3A_666 = arith.addf %parallel_loop3A_647, %parallel_loop3A_662 : vector<16xf32>
        %parallel_loop3A_667 = arith.addf %parallel_loop3A_663, %parallel_loop3A_664 : vector<16xf32>
        %parallel_loop3A_668 = arith.addf %parallel_loop3A_665, %parallel_loop3A_666 : vector<16xf32>
        %parallel_loop3A_669 = arith.addf %parallel_loop3A_667, %parallel_loop3A_668 : vector<16xf32>
        %parallel_loop3A_670 = arith.constant true
        %parallel_loop3A_671 = vector.broadcast %parallel_loop3A_670 : i1 to vector<16xi1>
        %parallel_loop3A_672 = tpu.scan <sum>, %parallel_loop3A_669 masked %parallel_loop3A_671 : vector<16xf32>, vector<16xi1> -> vector<16xf32>
        %parallel_loop3A_673 = vector.extract %parallel_loop3A_672[15] : f32 from vector<16xf32>
        %parallel_loop3A_674 = vector.broadcast %parallel_loop3A_539 : i32 to vector<16xi32>
        %parallel_loop3A_675 = arith.cmpi eq, %iota3A, %parallel_loop3A_674 : vector<16xi32>
        %parallel_loop3A_676 = vector.broadcast %parallel_loop3A_673 : f32 to vector<16xf32>
        %parallel_loop3A_677 = arith.select %parallel_loop3A_675, %parallel_loop3A_676, %parallel_loop3A_537 : vector<16xi1>, vector<16xf32>
        %parallel_loop3A_678 = arith.constant 3 : i32
        %parallel_loop3A_679 = arith.addi %scan3A, %parallel_loop3A_678 : i32
        %parallel_loop3A_680 = arith.constant 16 : i32
        %parallel_loop3A_681 = arith.muli %parallel_loop3A_244, %parallel_loop3A_680 : i32
        %parallel_loop3A_682 = arith.addi %parallel_loop3A_681, %parallel_loop3A_679 : i32
        %parallel_loop3A_683 = arith.constant 0 : i32
        %parallel_loop3A_684 = arith.constant 0 : i32
        %parallel_loop3A_685 = tpu.memref_slice %arg9[%parallel_loop3A_210, %parallel_loop3A_683, %parallel_loop3A_684] : memref<3x128x128xf32, #tpu.memory_space<vmem>> -> memref<1x128x128xf32, #tpu.memory_space<vmem>>
        %parallel_loop3A_686 = tpu.memref_squeeze %parallel_loop3A_685 : memref<1x128x128xf32, #tpu.memory_space<vmem>> -> memref<128x128xf32, #tpu.memory_space<vmem>>
        %parallel_loop3A_687 = arith.index_cast %parallel_loop3A_682 : i32 to index
        %parallel_loop3A_688 = arith.constant 0 : index
        %parallel_loop3A_689 = tpu.vector_load %parallel_loop3A_686[%parallel_loop3A_687, %parallel_loop3A_688] {strides = array<i32>} : memref<128x128xf32, #tpu.memory_space<vmem>>, vector<16xf32>,
        %parallel_loop3A_690 = arith.constant 0 : i32
        %parallel_loop3A_691 = arith.constant 0 : i32
        %parallel_loop3A_692 = tpu.memref_slice %arg10[%parallel_loop3A_211, %parallel_loop3A_690, %parallel_loop3A_691] : memref<3x128x128xf32, #tpu.memory_space<vmem>> -> memref<1x128x128xf32, #tpu.memory_space<vmem>>
        %parallel_loop3A_693 = tpu.memref_squeeze %parallel_loop3A_692 : memref<1x128x128xf32, #tpu.memory_space<vmem>> -> memref<128x128xf32, #tpu.memory_space<vmem>>
        %parallel_loop3A_694 = arith.index_cast %parallel_loop3A_682 : i32 to index
        %parallel_loop3A_695 = arith.constant 0 : index
        %parallel_loop3A_696 = tpu.vector_load %parallel_loop3A_693[%parallel_loop3A_694, %parallel_loop3A_695] {strides = array<i32>} : memref<128x128xf32, #tpu.memory_space<vmem>>, vector<16xf32>,
        %parallel_loop3A_697 = arith.mulf %parallel_loop3A_689, %parallel_loop3A_696 : vector<16xf32>
        %parallel_loop3A_698 = arith.constant 0 : i32
        %parallel_loop3A_699 = arith.constant 0 : i32
        %parallel_loop3A_700 = tpu.memref_slice %arg9[%parallel_loop3A_210, %parallel_loop3A_698, %parallel_loop3A_699] : memref<3x128x128xf32, #tpu.memory_space<vmem>> -> memref<1x128x128xf32, #tpu.memory_space<vmem>>
        %parallel_loop3A_701 = tpu.memref_squeeze %parallel_loop3A_700 : memref<1x128x128xf32, #tpu.memory_space<vmem>> -> memref<128x128xf32, #tpu.memory_space<vmem>>
        %parallel_loop3A_702 = arith.index_cast %parallel_loop3A_682 : i32 to index
        %parallel_loop3A_703 = arith.constant 16 : index
        %parallel_loop3A_704 = tpu.vector_load %parallel_loop3A_701[%parallel_loop3A_702, %parallel_loop3A_703] {strides = array<i32>} : memref<128x128xf32, #tpu.memory_space<vmem>>, vector<16xf32>,
        %parallel_loop3A_705 = arith.constant 0 : i32
        %parallel_loop3A_706 = arith.constant 0 : i32
        %parallel_loop3A_707 = tpu.memref_slice %arg10[%parallel_loop3A_211, %parallel_loop3A_705, %parallel_loop3A_706] : memref<3x128x128xf32, #tpu.memory_space<vmem>> -> memref<1x128x128xf32, #tpu.memory_space<vmem>>
        %parallel_loop3A_708 = tpu.memref_squeeze %parallel_loop3A_707 : memref<1x128x128xf32, #tpu.memory_space<vmem>> -> memref<128x128xf32, #tpu.memory_space<vmem>>
        %parallel_loop3A_709 = arith.index_cast %parallel_loop3A_682 : i32 to index
        %parallel_loop3A_710 = arith.constant 16 : index
        %parallel_loop3A_711 = tpu.vector_load %parallel_loop3A_708[%parallel_loop3A_709, %parallel_loop3A_710] {strides = array<i32>} : memref<128x128xf32, #tpu.memory_space<vmem>>, vector<16xf32>,
        %parallel_loop3A_712 = arith.mulf %parallel_loop3A_704, %parallel_loop3A_711 : vector<16xf32>
        %parallel_loop3A_713 = arith.constant 0 : i32
        %parallel_loop3A_714 = arith.constant 0 : i32
        %parallel_loop3A_715 = tpu.memref_slice %arg9[%parallel_loop3A_210, %parallel_loop3A_713, %parallel_loop3A_714] : memref<3x128x128xf32, #tpu.memory_space<vmem>> -> memref<1x128x128xf32, #tpu.memory_space<vmem>>
        %parallel_loop3A_716 = tpu.memref_squeeze %parallel_loop3A_715 : memref<1x128x128xf32, #tpu.memory_space<vmem>> -> memref<128x128xf32, #tpu.memory_space<vmem>>
        %parallel_loop3A_717 = arith.index_cast %parallel_loop3A_682 : i32 to index
        %parallel_loop3A_718 = arith.constant 32 : index
        %parallel_loop3A_719 = tpu.vector_load %parallel_loop3A_716[%parallel_loop3A_717, %parallel_loop3A_718] {strides = array<i32>} : memref<128x128xf32, #tpu.memory_space<vmem>>, vector<16xf32>,
        %parallel_loop3A_720 = arith.constant 0 : i32
        %parallel_loop3A_721 = arith.constant 0 : i32
        %parallel_loop3A_722 = tpu.memref_slice %arg10[%parallel_loop3A_211, %parallel_loop3A_720, %parallel_loop3A_721] : memref<3x128x128xf32, #tpu.memory_space<vmem>> -> memref<1x128x128xf32, #tpu.memory_space<vmem>>
        %parallel_loop3A_723 = tpu.memref_squeeze %parallel_loop3A_722 : memref<1x128x128xf32, #tpu.memory_space<vmem>> -> memref<128x128xf32, #tpu.memory_space<vmem>>
        %parallel_loop3A_724 = arith.index_cast %parallel_loop3A_682 : i32 to index
        %parallel_loop3A_725 = arith.constant 32 : index
        %parallel_loop3A_726 = tpu.vector_load %parallel_loop3A_723[%parallel_loop3A_724, %parallel_loop3A_725] {strides = array<i32>} : memref<128x128xf32, #tpu.memory_space<vmem>>, vector<16xf32>,
        %parallel_loop3A_727 = arith.mulf %parallel_loop3A_719, %parallel_loop3A_726 : vector<16xf32>
        %parallel_loop3A_728 = arith.constant 0 : i32
        %parallel_loop3A_729 = arith.constant 0 : i32
        %parallel_loop3A_730 = tpu.memref_slice %arg9[%parallel_loop3A_210, %parallel_loop3A_728, %parallel_loop3A_729] : memref<3x128x128xf32, #tpu.memory_space<vmem>> -> memref<1x128x128xf32, #tpu.memory_space<vmem>>
        %parallel_loop3A_731 = tpu.memref_squeeze %parallel_loop3A_730 : memref<1x128x128xf32, #tpu.memory_space<vmem>> -> memref<128x128xf32, #tpu.memory_space<vmem>>
        %parallel_loop3A_732 = arith.index_cast %parallel_loop3A_682 : i32 to index
        %parallel_loop3A_733 = arith.constant 48 : index
        %parallel_loop3A_734 = tpu.vector_load %parallel_loop3A_731[%parallel_loop3A_732, %parallel_loop3A_733] {strides = array<i32>} : memref<128x128xf32, #tpu.memory_space<vmem>>, vector<16xf32>,
        %parallel_loop3A_735 = arith.constant 0 : i32
        %parallel_loop3A_736 = arith.constant 0 : i32
        %parallel_loop3A_737 = tpu.memref_slice %arg10[%parallel_loop3A_211, %parallel_loop3A_735, %parallel_loop3A_736] : memref<3x128x128xf32, #tpu.memory_space<vmem>> -> memref<1x128x128xf32, #tpu.memory_space<vmem>>
        %parallel_loop3A_738 = tpu.memref_squeeze %parallel_loop3A_737 : memref<1x128x128xf32, #tpu.memory_space<vmem>> -> memref<128x128xf32, #tpu.memory_space<vmem>>
        %parallel_loop3A_739 = arith.index_cast %parallel_loop3A_682 : i32 to index
        %parallel_loop3A_740 = arith.constant 48 : index
        %parallel_loop3A_741 = tpu.vector_load %parallel_loop3A_738[%parallel_loop3A_739, %parallel_loop3A_740] {strides = array<i32>} : memref<128x128xf32, #tpu.memory_space<vmem>>, vector<16xf32>,
        %parallel_loop3A_742 = arith.mulf %parallel_loop3A_734, %parallel_loop3A_741 : vector<16xf32>
        %parallel_loop3A_743 = arith.constant 0 : i32
        %parallel_loop3A_744 = arith.constant 0 : i32
        %parallel_loop3A_745 = tpu.memref_slice %arg9[%parallel_loop3A_210, %parallel_loop3A_743, %parallel_loop3A_744] : memref<3x128x128xf32, #tpu.memory_space<vmem>> -> memref<1x128x128xf32, #tpu.memory_space<vmem>>
        %parallel_loop3A_746 = tpu.memref_squeeze %parallel_loop3A_745 : memref<1x128x128xf32, #tpu.memory_space<vmem>> -> memref<128x128xf32, #tpu.memory_space<vmem>>
        %parallel_loop3A_747 = arith.index_cast %parallel_loop3A_682 : i32 to index
        %parallel_loop3A_748 = arith.constant 64 : index
        %parallel_loop3A_749 = tpu.vector_load %parallel_loop3A_746[%parallel_loop3A_747, %parallel_loop3A_748] {strides = array<i32>} : memref<128x128xf32, #tpu.memory_space<vmem>>, vector<16xf32>,
        %parallel_loop3A_750 = arith.constant 0 : i32
        %parallel_loop3A_751 = arith.constant 0 : i32
        %parallel_loop3A_752 = tpu.memref_slice %arg10[%parallel_loop3A_211, %parallel_loop3A_750, %parallel_loop3A_751] : memref<3x128x128xf32, #tpu.memory_space<vmem>> -> memref<1x128x128xf32, #tpu.memory_space<vmem>>
        %parallel_loop3A_753 = tpu.memref_squeeze %parallel_loop3A_752 : memref<1x128x128xf32, #tpu.memory_space<vmem>> -> memref<128x128xf32, #tpu.memory_space<vmem>>
        %parallel_loop3A_754 = arith.index_cast %parallel_loop3A_682 : i32 to index
        %parallel_loop3A_755 = arith.constant 64 : index
        %parallel_loop3A_756 = tpu.vector_load %parallel_loop3A_753[%parallel_loop3A_754, %parallel_loop3A_755] {strides = array<i32>} : memref<128x128xf32, #tpu.memory_space<vmem>>, vector<16xf32>,
        %parallel_loop3A_757 = arith.mulf %parallel_loop3A_749, %parallel_loop3A_756 : vector<16xf32>
        %parallel_loop3A_758 = arith.constant 0 : i32
        %parallel_loop3A_759 = arith.constant 0 : i32
        %parallel_loop3A_760 = tpu.memref_slice %arg9[%parallel_loop3A_210, %parallel_loop3A_758, %parallel_loop3A_759] : memref<3x128x128xf32, #tpu.memory_space<vmem>> -> memref<1x128x128xf32, #tpu.memory_space<vmem>>
        %parallel_loop3A_761 = tpu.memref_squeeze %parallel_loop3A_760 : memref<1x128x128xf32, #tpu.memory_space<vmem>> -> memref<128x128xf32, #tpu.memory_space<vmem>>
        %parallel_loop3A_762 = arith.index_cast %parallel_loop3A_682 : i32 to index
        %parallel_loop3A_763 = arith.constant 80 : index
        %parallel_loop3A_764 = tpu.vector_load %parallel_loop3A_761[%parallel_loop3A_762, %parallel_loop3A_763] {strides = array<i32>} : memref<128x128xf32, #tpu.memory_space<vmem>>, vector<16xf32>,
        %parallel_loop3A_765 = arith.constant 0 : i32
        %parallel_loop3A_766 = arith.constant 0 : i32
        %parallel_loop3A_767 = tpu.memref_slice %arg10[%parallel_loop3A_211, %parallel_loop3A_765, %parallel_loop3A_766] : memref<3x128x128xf32, #tpu.memory_space<vmem>> -> memref<1x128x128xf32, #tpu.memory_space<vmem>>
        %parallel_loop3A_768 = tpu.memref_squeeze %parallel_loop3A_767 : memref<1x128x128xf32, #tpu.memory_space<vmem>> -> memref<128x128xf32, #tpu.memory_space<vmem>>
        %parallel_loop3A_769 = arith.index_cast %parallel_loop3A_682 : i32 to index
        %parallel_loop3A_770 = arith.constant 80 : index
        %parallel_loop3A_771 = tpu.vector_load %parallel_loop3A_768[%parallel_loop3A_769, %parallel_loop3A_770] {strides = array<i32>} : memref<128x128xf32, #tpu.memory_space<vmem>>, vector<16xf32>,
        %parallel_loop3A_772 = arith.mulf %parallel_loop3A_764, %parallel_loop3A_771 : vector<16xf32>
        %parallel_loop3A_773 = arith.constant 0 : i32
        %parallel_loop3A_774 = arith.constant 0 : i32
        %parallel_loop3A_775 = tpu.memref_slice %arg9[%parallel_loop3A_210, %parallel_loop3A_773, %parallel_loop3A_774] : memref<3x128x128xf32, #tpu.memory_space<vmem>> -> memref<1x128x128xf32, #tpu.memory_space<vmem>>
        %parallel_loop3A_776 = tpu.memref_squeeze %parallel_loop3A_775 : memref<1x128x128xf32, #tpu.memory_space<vmem>> -> memref<128x128xf32, #tpu.memory_space<vmem>>
        %parallel_loop3A_777 = arith.index_cast %parallel_loop3A_682 : i32 to index
        %parallel_loop3A_778 = arith.constant 96 : index
        %parallel_loop3A_779 = tpu.vector_load %parallel_loop3A_776[%parallel_loop3A_777, %parallel_loop3A_778] {strides = array<i32>} : memref<128x128xf32, #tpu.memory_space<vmem>>, vector<16xf32>,
        %parallel_loop3A_780 = arith.constant 0 : i32
        %parallel_loop3A_781 = arith.constant 0 : i32
        %parallel_loop3A_782 = tpu.memref_slice %arg10[%parallel_loop3A_211, %parallel_loop3A_780, %parallel_loop3A_781] : memref<3x128x128xf32, #tpu.memory_space<vmem>> -> memref<1x128x128xf32, #tpu.memory_space<vmem>>
        %parallel_loop3A_783 = tpu.memref_squeeze %parallel_loop3A_782 : memref<1x128x128xf32, #tpu.memory_space<vmem>> -> memref<128x128xf32, #tpu.memory_space<vmem>>
        %parallel_loop3A_784 = arith.index_cast %parallel_loop3A_682 : i32 to index
        %parallel_loop3A_785 = arith.constant 96 : index
        %parallel_loop3A_786 = tpu.vector_load %parallel_loop3A_783[%parallel_loop3A_784, %parallel_loop3A_785] {strides = array<i32>} : memref<128x128xf32, #tpu.memory_space<vmem>>, vector<16xf32>,
        %parallel_loop3A_787 = arith.mulf %parallel_loop3A_779, %parallel_loop3A_786 : vector<16xf32>
        %parallel_loop3A_788 = arith.constant 0 : i32
        %parallel_loop3A_789 = arith.constant 0 : i32
        %parallel_loop3A_790 = tpu.memref_slice %arg9[%parallel_loop3A_210, %parallel_loop3A_788, %parallel_loop3A_789] : memref<3x128x128xf32, #tpu.memory_space<vmem>> -> memref<1x128x128xf32, #tpu.memory_space<vmem>>
        %parallel_loop3A_791 = tpu.memref_squeeze %parallel_loop3A_790 : memref<1x128x128xf32, #tpu.memory_space<vmem>> -> memref<128x128xf32, #tpu.memory_space<vmem>>
        %parallel_loop3A_792 = arith.index_cast %parallel_loop3A_682 : i32 to index
        %parallel_loop3A_793 = arith.constant 112 : index
        %parallel_loop3A_794 = tpu.vector_load %parallel_loop3A_791[%parallel_loop3A_792, %parallel_loop3A_793] {strides = array<i32>} : memref<128x128xf32, #tpu.memory_space<vmem>>, vector<16xf32>,
        %parallel_loop3A_795 = arith.constant 0 : i32
        %parallel_loop3A_796 = arith.constant 0 : i32
        %parallel_loop3A_797 = tpu.memref_slice %arg10[%parallel_loop3A_211, %parallel_loop3A_795, %parallel_loop3A_796] : memref<3x128x128xf32, #tpu.memory_space<vmem>> -> memref<1x128x128xf32, #tpu.memory_space<vmem>>
        %parallel_loop3A_798 = tpu.memref_squeeze %parallel_loop3A_797 : memref<1x128x128xf32, #tpu.memory_space<vmem>> -> memref<128x128xf32, #tpu.memory_space<vmem>>
        %parallel_loop3A_799 = arith.index_cast %parallel_loop3A_682 : i32 to index
        %parallel_loop3A_800 = arith.constant 112 : index
        %parallel_loop3A_801 = tpu.vector_load %parallel_loop3A_798[%parallel_loop3A_799, %parallel_loop3A_800] {strides = array<i32>} : memref<128x128xf32, #tpu.memory_space<vmem>>, vector<16xf32>,
        %parallel_loop3A_802 = arith.mulf %parallel_loop3A_794, %parallel_loop3A_801 : vector<16xf32>
        %parallel_loop3A_803 = arith.addf %parallel_loop3A_697, %parallel_loop3A_712 : vector<16xf32>
        %parallel_loop3A_804 = arith.addf %parallel_loop3A_727, %parallel_loop3A_742 : vector<16xf32>
        %parallel_loop3A_805 = arith.addf %parallel_loop3A_757, %parallel_loop3A_772 : vector<16xf32>
        %parallel_loop3A_806 = arith.addf %parallel_loop3A_787, %parallel_loop3A_802 : vector<16xf32>
        %parallel_loop3A_807 = arith.addf %parallel_loop3A_803, %parallel_loop3A_804 : vector<16xf32>
        %parallel_loop3A_808 = arith.addf %parallel_loop3A_805, %parallel_loop3A_806 : vector<16xf32>
        %parallel_loop3A_809 = arith.addf %parallel_loop3A_807, %parallel_loop3A_808 : vector<16xf32>
        %parallel_loop3A_810 = arith.constant true
        %parallel_loop3A_811 = vector.broadcast %parallel_loop3A_810 : i1 to vector<16xi1>
        %parallel_loop3A_812 = tpu.scan <sum>, %parallel_loop3A_809 masked %parallel_loop3A_811 : vector<16xf32>, vector<16xi1> -> vector<16xf32>
        %parallel_loop3A_813 = vector.extract %parallel_loop3A_812[15] : f32 from vector<16xf32>
        %parallel_loop3A_814 = vector.broadcast %parallel_loop3A_679 : i32 to vector<16xi32>
        %parallel_loop3A_815 = arith.cmpi eq, %iota3A, %parallel_loop3A_814 : vector<16xi32>
        %parallel_loop3A_816 = vector.broadcast %parallel_loop3A_813 : f32 to vector<16xf32>
        %parallel_loop3A_817 = arith.select %parallel_loop3A_815, %parallel_loop3A_816, %parallel_loop3A_677 : vector<16xi1>, vector<16xf32>
        scf.yield %parallel_loop3A_817 : vector<16xf32>
      }
      %parallel_loop3A_252 = arith.constant 16 : i32
      %parallel_loop3A_253 = arith.constant 16 : i32
      %parallel_loop3A_254 = arith.muli %parallel_loop3A_244, %parallel_loop3A_253 : i32
      %parallel_loop3A_255 = arith.constant 384 : i32
      %parallel_loop3A_256 = arith.addi %parallel_loop3A_255, %parallel_loop3A_254 : i32
      %parallel_loop3A_257 = arith.index_cast %parallel_loop3A_256 : i32 to index
      %parallel_loop3A_258 = tpu.vector_load %arg11[%parallel_loop3A_257] {strides = array<i32>} : memref<512xf32, #tpu.memory_space<vmem>>, vector<16xf32>,
      tpu.vector_store %arg11[%parallel_loop3A_257], %parallel_loop3A_251 {strides = array<i32>} : memref<512xf32, #tpu.memory_space<vmem>>, vector<16xf32>,
    } {sc.loop_unroll_factor = 1 : i64, sc.parallel_access}
    %add3A_212 = arith.constant 384 : i32
    %add3A_213 = arith.addi %mul3A_2, %add3A_212 : i32
    %dma_start3A_214 = arith.constant 384 : i32
    %dma_start3A_215 = tpu.memref_slice %arg11[%dma_start3A_214] : memref<512xf32, #tpu.memory_space<vmem>> -> memref<128xf32, #tpu.memory_space<vmem>>
    %dma_start3A_216 = tpu.memref_slice %arg6[%add3A_213] : memref<16384xf32, #tpu.memory_space<hbm>> -> memref<128xf32, #tpu.memory_space<hbm>>
    %dma_start3A_217 = tpu.memref_slice %arg6[%add3A_213] : memref<16384xf32, #tpu.memory_space<hbm>> -> memref<128xf32, #tpu.memory_space<hbm>>
    %dma_start3A_218 = arith.constant 384 : i32
    %dma_start3A_219 = tpu.memref_slice %arg11[%dma_start3A_218] : memref<512xf32, #tpu.memory_space<vmem>> -> memref<128xf32, #tpu.memory_space<vmem>>
    tpu.enqueue_dma source(%dma_start3A_219 : memref<128xf32, #tpu.memory_space<vmem>>) target(%dma_start3A_217 : memref<128xf32, #tpu.memory_space<hbm>>) target_semaphore(%arg15 : memref<!tpu.dma_semaphore, #tpu.memory_space<semaphore_mem>>)
    %dma_wait3A_220 = arith.constant 0 : i32
    %dma_wait3A_221 = tpu.memref_slice %arg11[%dma_wait3A_220] : memref<512xf32, #tpu.memory_space<vmem>> -> memref<128xf32, #tpu.memory_space<vmem>>
    %dma_wait3A_222 = tpu.memref_slice %arg6[%add3A_94] : memref<16384xf32, #tpu.memory_space<hbm>> -> memref<128xf32, #tpu.memory_space<hbm>>
    %dma_wait3A_223 = tpu.memref_slice %arg6[%add3A_94] : memref<16384xf32, #tpu.memory_space<hbm>> -> memref<128xf32, #tpu.memory_space<hbm>>
    %dma_wait3A_224 = arith.constant 0 : i32
    %dma_wait3A_225 = tpu.memref_slice %arg11[%dma_wait3A_224] : memref<512xf32, #tpu.memory_space<vmem>> -> memref<128xf32, #tpu.memory_space<vmem>>
    tpu.wait_dma2 semaphore(%arg15 : memref<!tpu.dma_semaphore, #tpu.memory_space<semaphore_mem>>) src(%dma_wait3A_225 : memref<128xf32, #tpu.memory_space<vmem>>) dst(%dma_wait3A_223 : memref<128xf32, #tpu.memory_space<hbm>>)
    %dma_wait3A_226 = arith.constant 128 : i32
    %dma_wait3A_227 = tpu.memref_slice %arg11[%dma_wait3A_226] : memref<512xf32, #tpu.memory_space<vmem>> -> memref<128xf32, #tpu.memory_space<vmem>>
    %dma_wait3A_228 = tpu.memref_slice %arg6[%add3A_147] : memref<16384xf32, #tpu.memory_space<hbm>> -> memref<128xf32, #tpu.memory_space<hbm>>
    %dma_wait3A_229 = tpu.memref_slice %arg6[%add3A_147] : memref<16384xf32, #tpu.memory_space<hbm>> -> memref<128xf32, #tpu.memory_space<hbm>>
    %dma_wait3A_230 = arith.constant 128 : i32
    %dma_wait3A_231 = tpu.memref_slice %arg11[%dma_wait3A_230] : memref<512xf32, #tpu.memory_space<vmem>> -> memref<128xf32, #tpu.memory_space<vmem>>
    tpu.wait_dma2 semaphore(%arg15 : memref<!tpu.dma_semaphore, #tpu.memory_space<semaphore_mem>>) src(%dma_wait3A_231 : memref<128xf32, #tpu.memory_space<vmem>>) dst(%dma_wait3A_229 : memref<128xf32, #tpu.memory_space<hbm>>)
    %dma_wait3A_232 = arith.constant 256 : i32
    %dma_wait3A_233 = tpu.memref_slice %arg11[%dma_wait3A_232] : memref<512xf32, #tpu.memory_space<vmem>> -> memref<128xf32, #tpu.memory_space<vmem>>
    %dma_wait3A_234 = tpu.memref_slice %arg6[%add3A_180] : memref<16384xf32, #tpu.memory_space<hbm>> -> memref<128xf32, #tpu.memory_space<hbm>>
    %dma_wait3A_235 = tpu.memref_slice %arg6[%add3A_180] : memref<16384xf32, #tpu.memory_space<hbm>> -> memref<128xf32, #tpu.memory_space<hbm>>
    %dma_wait3A_236 = arith.constant 256 : i32
    %dma_wait3A_237 = tpu.memref_slice %arg11[%dma_wait3A_236] : memref<512xf32, #tpu.memory_space<vmem>> -> memref<128xf32, #tpu.memory_space<vmem>>
    tpu.wait_dma2 semaphore(%arg15 : memref<!tpu.dma_semaphore, #tpu.memory_space<semaphore_mem>>) src(%dma_wait3A_237 : memref<128xf32, #tpu.memory_space<vmem>>) dst(%dma_wait3A_235 : memref<128xf32, #tpu.memory_space<hbm>>)
    %dma_wait3A_238 = arith.constant 384 : i32
    %dma_wait3A_239 = tpu.memref_slice %arg11[%dma_wait3A_238] : memref<512xf32, #tpu.memory_space<vmem>> -> memref<128xf32, #tpu.memory_space<vmem>>
    %dma_wait3A_240 = tpu.memref_slice %arg6[%add3A_213] : memref<16384xf32, #tpu.memory_space<hbm>> -> memref<128xf32, #tpu.memory_space<hbm>>
    %dma_wait3A_241 = tpu.memref_slice %arg6[%add3A_213] : memref<16384xf32, #tpu.memory_space<hbm>> -> memref<128xf32, #tpu.memory_space<hbm>>
    %dma_wait3A_242 = arith.constant 384 : i32
    %dma_wait3A_243 = tpu.memref_slice %arg11[%dma_wait3A_242] : memref<512xf32, #tpu.memory_space<vmem>> -> memref<128xf32, #tpu.memory_space<vmem>>
    tpu.wait_dma2 semaphore(%arg15 : memref<!tpu.dma_semaphore, #tpu.memory_space<semaphore_mem>>) src(%dma_wait3A_243 : memref<128xf32, #tpu.memory_space<vmem>>) dst(%dma_wait3A_241 : memref<128xf32, #tpu.memory_space<hbm>>)
    return
  }
}

</mosaic_0001>

<sc_bundles>
// kernel: kernel.3.cloned.1.call-start
scs
__scs_entry_jumppad:
0x0: {  	(pc) =	sbr.rel $0x88, $3  }
0x1: {  	(tag) =	ssettag $0x0;
	lr =	simm.s32 $0x1  }
0x2: {  	[smem:$0x3F9D] =	sst lr;
	_ =	strace $0xD0000000  }
0x3: {  	_ = 	snop  }
0x4: {  	_ = 	snop  }
0x5: {  	_ = 	snop  }
0x6: {  	_ = 	snop  }
0x7: {  	_ = 	snop  }
__scs_overlays_trampoline_lowered:
0x8: {  	[smem:$0x3FAC] =	sst s0  }
0x9: {  	[smem:$0x3FAD] =	sst s1  }
0xa: {  	[smem:$0x3FAE] =	sst s2  }
0xb: {  	[smem:$0x3FAF] =	sst s3  }
0xc: {  	[smem:$0x3FB0] =	sst s4  }
0xd: {  	[smem:$0x3FB1] =	sst s5  }
0xe: {  	[smem:$0x3FB2] =	sst s6  }
0xf: {  	[smem:$0x3FB3] =	sst s7  }
0x10: {  	[smem:$0x3FB4] =	sst s8  }
0x11: {  	[smem:$0x3FB5] =	sst s9;
	s0 =	simm.s32 @!p0 $0x0  }
0x12: {  	s1 =	sld [smem:$0x3F9B];
	s0 =	simm.s32 @p0 $0x1  }
0x13: {  	[smem:$0x3FB6] =	sst s0;
	s0 =	simm.s32 @!p1 $0x0  }
0x14: {  	s2 =	sld [smem:$0x3F9A];
	s0 =	simm.s32 @p1 $0x1  }
0x15: {  	[smem:$0x3FB7] =	sst s0;
	s0 =	simm.s32 @!p2 $0x0  }
0x16: {  	s3 =	sld [smem:$0x3FDB];
	s0 =	simm.s32 @p2 $0x1  }
0x17: {  	s4 =	simm.s32 $0x1BF5;
	[smem:$0x3FB9] =	sst s0  }
0x18: {  	s0 =	sld [smem:$0x3F9C];
	_ =	swait.ge [sflag:s4], $0x0  }
0x19: {  	s7 =	sld [smem:$0x3F9D]  }
0x1a: {  	s8 =	sadd.s32 $0xFFFFE003, lr  }
0x1b: {  	s9 =	sadd.s32 $0xFFFFFEF7, lr;
	s5 =	simm.s32 $0xFFFFFFFF;
	p2 =	slt.u32 s8, $0xFFFFF086  }
0x1c: {  	p1 =	slt.u32 s9, $0xF7A;
	s5 =	simm.s32 @!p2 $0x0  }
0x1d: {  	s5 =	simm.s32 @p1 $0x1;
	p0 =	seq.s32 s7, s2  }
0x1e: {  	s7 =	smul.u32 @!p0 $0xF7A, s2;
	p2 =	seq.s32 @!p0 s5, $0x0  }
0x1f: {  	s9 =	smul.u32 $0xF7A, s1;
	s8 =	simm.s32 @!p0 $0x1BF5;
	p2 =	por !p2, p0  }
0x20: {  	[sflag:s8] =	ssyncset.s32 @!p0 $0xFFFFF086;
	s6 =	sadd.s32 @!p0 s3, s7;
	s7 =	simm.s32 @!p0 $0x108  }
0x21: {  	s3 =	sadd.s32 s3, s9;
	s6 =	sadd.s32 @!p0 $0x88, s6;
	s7 =	simm.s32 @p2 $0x1082  }
0x22: {  	[simem:s7], [sflag:s8] =	dma.local @!p0 [hbm:s6], $0xF7A  }
0x23: {  	s9 =	sor.u32 $0xD0000000, s2;
	s6 =	simm.s32 $0x108;
	_ =	swait.ge @!p0 [sflag:s8], $0x0  }
0x24: {  	s3 =	sadd.s32 $0x88, s3;
	s6 =	simm.s32 @!p1 $0x1082;
	[sflag:s4] =	ssyncset.s32 $0xFFFFF086  }
0x25: {  	[simem:s6], [sflag:s4] =	dma.local [hbm:s3], $0xF7A  }
0x26: {  	[smem:$0x3F9D] =	sst s1;
	(tag) =	ssettag s2;
	_ =	strace s9  }
0x27: {  	s1 =	sld [smem:$0x3FAD]  }
0x28: {  	s2 =	sld [smem:$0x3FAE]  }
0x29: {  	s4 =	sld [smem:$0x3FB0]  }
0x2a: {  	p0 =	seq.s32 s5, $0x0;
	s5 =	sld [smem:$0x3FB1]  }
0x2b: {  	s6 =	sld [smem:$0x3FB2]  }
0x2c: {  	s7 =	sld [smem:$0x3FB3]  }
0x2d: {  	s3 =	simm.s32 $0x108;
	s8 =	sld [smem:$0x3FB4]  }
0x2e: {  	s3 =	simm.s32 @!p0 $0x1082;
	s9 =	sld [smem:$0x3FB5]  }
0x2f: {  	lr =	sadd.s32 s0, s3;
	s0 =	sld [smem:$0x3FAC]  }
0x30: {  	s3 =	sld [smem:$0x3FAF]  }
0x31: {  	[smem:$0x3FB8] =	sst s10  }
0x32: {  	s10 =	sld [smem:$0x3FB6];
	_ =	sdelay $0x3  }
0x33: {  	p0 =	seq.s32 s10, $0x1;
	s10 =	sld [smem:$0x3FB8];
	_ =	sdelay $0x3  }
0x34: {  	[smem:$0x3FB8] =	sst s10  }
0x35: {  	s10 =	sld [smem:$0x3FB7];
	_ =	sdelay $0x3  }
0x36: {  	p1 =	seq.s32 s10, $0x1;
	s10 =	sld [smem:$0x3FB8];
	_ =	sdelay $0x3  }
0x37: {  	[smem:$0x3FB8] =	sst s10  }
0x38: {  	s10 =	sld [smem:$0x3FB9]  }
0x39: {  	_ = 	snop;
	(pc) =	sbr.ind lr, $3  }
0x3a: {  	_ = 	snop  }
0x3b: {  	_ = 	snop  }
0x3c: {  	p2 =	seq.s32 s10, $0x1;
	s10 =	sld [smem:$0x3FB8]  }
0x3d: {  	_ =	shalt  }
0x3e: {  	_ =	shalt  }
0x3f: {  	_ =	shalt  }
0x40: {  	_ =	shalt  }
0x41: {  	_ =	shalt  }
0x42: {  	_ =	shalt  }
0x43: {  	_ =	shalt  }
0x44: {  	_ =	shalt  }
0x45: {  	_ =	shalt  }
0x46: {  	_ =	shalt  }
0x47: {  	_ =	shalt  }
0x48: {  	_ =	shalt  }
0x49: {  	_ =	shalt  }
0x4a: {  	_ =	shalt  }
0x4b: {  	_ =	shalt  }
0x4c: {  	_ =	shalt  }
0x4d: {  	_ =	shalt  }
0x4e: {  	_ =	shalt  }
0x4f: {  	_ =	shalt  }
0x50: {  	_ =	shalt  }
0x51: {  	_ =	shalt  }
0x52: {  	_ =	shalt  }
0x53: {  	_ =	shalt  }
0x54: {  	_ =	shalt  }
0x55: {  	_ =	shalt  }
0x56: {  	_ =	shalt  }
0x57: {  	_ =	shalt  }
0x58: {  	_ =	shalt  }
0x59: {  	_ =	shalt  }
0x5a: {  	_ =	shalt  }
0x5b: {  	_ =	shalt  }
0x5c: {  	_ =	shalt  }
0x5d: {  	_ =	shalt  }
0x5e: {  	_ =	shalt  }
0x5f: {  	_ =	shalt  }
0x60: {  	_ =	shalt  }
0x61: {  	_ =	shalt  }
0x62: {  	_ =	shalt  }
0x63: {  	_ =	shalt  }
0x64: {  	_ =	shalt  }
0x65: {  	_ =	shalt  }
0x66: {  	_ =	shalt  }
0x67: {  	_ =	shalt  }
0x68: {  	_ =	shalt  }
0x69: {  	_ =	shalt  }
0x6a: {  	_ =	shalt  }
0x6b: {  	_ =	shalt  }
0x6c: {  	_ =	shalt  }
0x6d: {  	_ =	shalt  }
0x6e: {  	_ =	shalt  }
0x6f: {  	_ =	shalt  }
0x70: {  	_ =	shalt  }
0x71: {  	_ =	shalt  }
0x72: {  	_ =	shalt  }
0x73: {  	_ =	shalt  }
0x74: {  	_ =	shalt  }
0x75: {  	_ =	shalt  }
0x76: {  	_ =	shalt  }
0x77: {  	_ =	shalt  }
0x78: {  	_ =	shalt  }
0x79: {  	_ =	shalt  }
0x7a: {  	_ =	shalt  }
0x7b: {  	_ =	shalt  }
0x7c: {  	_ =	shalt  }
0x7d: {  	_ =	shalt  }
0x7e: {  	_ =	shalt  }
0x7f: {  	_ =	shalt  }
0x80: {  	_ =	shalt  }
0x81: {  	_ =	shalt  }
0x82: {  	_ =	shalt  }
0x83: {  	_ =	shalt  }
0x84: {  	_ =	shalt  }
0x85: {  	_ =	shalt  }
0x86: {  	_ =	shalt  }
0x87: {  	_ =	shalt  }
.Lfunc_end0:
.L_simem_size_0:
called_computation_lowered:
.L_overlay_start_0:
0x88: {  	s2 =	sld [smem:$0x3FD9]  }
0x89: {  	s3 =	sld [smem:$0x3FFE];
	_ =	sdelay $0x1  }
0x8a: {  	s1 =	srdreg.scid  }
0x8b: {  	s0 =	sand.u32 $0x1, s1  }
0x8c: {  	s18 =	sshll.u32 s0, $0xA;
	s2 =	sadd.s32 s3, s2  }
0x8d: {  	s2 =	sadd.s32 s2, s18  }
0x8e: {  	[smem:$0x3FC4] =	sst s2  }
0x8f: {  	_ = 	snop  }
0x90: {  	s2 =	sld [smem:$0x3FC9]  }
0x91: {  	s19 =	sld [smem:$0x3FC8]  }
0x92: {  	s4 =	sld [smem:$0x3FC7]  }
0x93: {  	s5 =	sld [smem:$0x3FC6]  }
0x94: {  	s6 =	sld [smem:$0x3FD0];
	(tm) =	ssettm $0x1  }
0x95: {  	s7 =	sld [smem:$0x3FFB];
	_ =	sdelay $0x3  }
0x96: {  	_ =	strace s7  }
0x97: {  	s7 =	sld [smem:$0x3FFC];
	_ =	sdelay $0x3  }
0x98: {  	_ =	strace s7  }
0x99: {  	s7 =	sld [smem:$0x3FFD];
	_ =	sdelay $0x3  }
0x9a: {  	_ =	strace s7  }
0x9b: {  	_ =	strace $0x8FFFFFFF  }
0x9c: {  	s20 =	sld [smem:$0x3FDB];
	_ =	sdelay $0x1  }
0x9d: {  	s8 =	simm.s32 $_scs_section_size  }
0x9e: {  	s9 =	simm.s32 $_size__tile_overlayer_lowered;
	s10 =	simm.s32 $_tile_overlayer_lowered  }
0x9f: {  	s23 =	simm.s32 $0x1BFF;
	s22 =	sshll.u32 s10, $0x1;
	s7 =	sadd.s32 s8, s20  }
0xa0: {  	s11 =	simm.s32 $0x0;
	s21 =	sshll.u32 s9, $0x1;
	s9 =	sadd.s32 s22, s7  }
0xa1: {  	[timem:s11], [sflag:s23] =	dma.local [hbm:s9], s21  }
0xa2: {  	_ =	swait.ge [sflag:s23], s21  }
0xa3: {  	s8 =	ssub.s32 $0x0, s21;
	[sflag:s23] =	ssyncset.done $0x0  }
0xa4: {  	[sflag:s23] =	ssyncadd.s32 s8;
	_ =	sdelay $0x1  }
0xa5: {  	s24 =	simm.s32 $0x1B8B  }
0xa6: {  	_ =	swait.ge [sflag:s24], $0x1  }
0xa7: {  	[sflag:s24] =	ssyncset.done $0x0  }
0xa8: {  	s25 =	simm.s32 $0x1B8E;
	[sflag:s24] =	ssyncadd.s32 $0xFFFFFFFF  }
0xa9: {  	s26 =	simm.s32 $execute0_lowered;
	[smem:$0x3FD2] =	sst s25  }
0xaa: {  	s8 =	sshll.u32 s26, $0x1;
	_ =	strace $0x80000046;
	[dreg:$0x1] =	wrdreg $0xFFFFFFFF  }
0xab: {  	s28 =	simm.s32 $_size_execute0_lowered;
	s7 =	sadd.s32 s7, s8;
	[dreg:$0x0] =	wrdreg $0x0  }
0xac: {  	s8 =	sshll.u32 s28, $0x1;
	[dreg:$0x2] =	wrdreg s7  }
0xad: {  	[dreg:$0x3] =	wrdreg s8  }
0xae: {  	[dreg:$0x4] =	wrdreg $0xC0  }
0xaf: {  	_ =	task [dreg:s11], $0x5FFFF  }
0xb0: {  	[dreg:$0x1] =	wrdreg $0xFFFFFFFF  }
0xb1: {  	[dreg:$0x0] =	wrdreg $0x60  }
0xb2: {  	[dreg:$0x2] =	wrdreg s2  }
0xb3: {  	[dreg:$0x3] =	wrdreg s19  }
0xb4: {  	[dreg:$0x4] =	wrdreg s4  }
0xb5: {  	[dreg:$0x5] =	wrdreg s5  }
0xb6: {  	[dreg:$0x6] =	wrdreg s6  }
0xb7: {  	[dreg:$0x7] =	wrdreg $0x9  }
0xb8: {  	_ =	task.clear_ibuf [dreg:s11], $0x8FFFF;
	_ =	strace $0x90000046  }
0xb9: {  	s29 =	simm.s32 $0x9;
	_ =	strace $0x80000048  }
0xba: {  	_ =	swait.ge [sflag:s29], $0x1  }
0xbb: {  	[sflag:s29] =	ssyncadd.s32 $0xFFFFFFFF  }
0xbc: {  	_ =	strace $0x90000048  }
0xbd: {  	_ =	sfence  }
0xbe: {  	s30 =	sld [smem:$0x0];
	_ =	sdelay $0x2  }
0xbf: {  	s31 =	sshll.u32 s1, $0xD;
	s1 =	sshrl.u32 s1, $0x2  }
0xc0: {  	s3 =	sand.u32 $0x4000, s31;
	s1 =	sadd.s32 s1, s30  }
0xc1: {  	s0 =	sor.u32 s3, s0;
	s1 =	sshll.u32 s1, $0x11  }
0xc2: {  	s0 =	sor.u32 s1, s0  }
0xc3: {  	s0 =	sadd.s32 $0x8F2B, s0  }
0xc4: {  	[sflag:s0] =	ssyncadd.remote.s32 $0x1  }
0xc5: {  	_ =	sfence.sel $0xFFFF  }
0xc6: {  	[dreg:$0x0] =	wrdreg $0xFFFFFFFF;
	(pc) =	sbr.abs _section_cstart, $3  }
0xc7: {  	[dreg:$0x1] =	wrdreg $0xFFFFFFFF  }
0xc8: {  	_ =	task.clear_ibuf [dreg:s11], $0x2FFFF;
	_ =	strace $0x9FFFFFFF  }
0xc9: {  	(tm) =	ssettm $0x7FFFFFFF  }
tec
execute0_lowered:
.L_overlay_start_1:
0x0: {  	(tag) =	ssettag $0x1  }
0x1: {  	s0 =	rddreg [dreg:$0x0]  }
0x2: {  	s3 =	rddreg [dreg:$0x1]  }
0x3: {  	s1 =	rddreg [dreg:$0x2]  }
0x4: {  	s2 =	rddreg [dreg:$0x3]  }
0x5: {  	s6 =	rddreg [dreg:$0x4]  }
0x6: {  	s4 =	simm.s32 $0x0;
	s5 =	srdreg.scid;
	s8 =	stileid.u32  }
0x7: {  	s12 =	simm.s32 $0x200;
	s13 =	simm.s32 $0x4;
	s14 =	simm.s32 $0x80  }
0x8: {  	s15 =	simm.s32 $0x400;
	s16 =	simm.s32 $0xC400;
	s24 =	simm.s32 $0x1  }
0x9: {  	s29 =	simm.s32 $0x2;
	s31 =	simm.s32 $0x3;
	s5 =	sand.u32 $0x1, s5  }
0xa: {  	s17 =	simm.s32 $0x0;
	[smem:$0x7FF] =	sst s4;
	s7 =	ssub.s32 $0x2, s5  }
0xb: {  	s8 =	sshll.u32 s8, $0x7;
	s5 =	sshll.u32 s5, $0x6;
	s9 =	sshrl.u32 s7, $0x1  }
0xc: {  	_ =	strace $0x80000047;
	s8 =	sor.u32 s5, s8;
	s11 =	ssub.s32 s7, s9  }
0xd: {  	s5 =	sadd.s32 s0, s8;
	s6 =	sadd.s32 s6, s8;
	s7 =	sadd.s32 s3, s8  }
0xe: {  	s0 =	simm.s32 $0x18500;
	s3 =	simm.s32 $0x18580;
	s8 =	sadd.s32 $0x10, s6  }
0xf: {  	v0 =	vlaneseq.u32;
	s9 =	sadd.s32 $0x20, s6;
	s10 =	sadd.s32 $0x30, s6;
	s11 =	smax.u32 s11, $0x1  }
.LBB2_1:
0x10: {  	[tilespmem:s4], [sflag:$0x4] =	stream.linear.gather [hbm4b:s5+s4], $0x200, $0x38;
	[tilespmem:$0x18600] =	vst v63  }
0x11: {  	_ = 	snop  }
0x12: {  	[tilespmem:s12], [sflag:$0x4] =	stream.linear.gather [hbm4b:s7+s4], $0x200, $0x38;
	[tilespmem:$0x18600] =	vst v63  }
0x13: {  	_ =	swait.ge [sflag:s13], $0x200  }
0x14: {  	[sflag:s13] =	ssyncset.done $0x0  }
0x15: {  	[sflag:s13] =	ssyncadd.s32 $0xFFFFFE00  }
0x16: {  	_ =	swait.ge [sflag:s13], $0x200  }
0x17: {  	[sflag:s13] =	ssyncset.done $0x0  }
0x18: {  	[sflag:s13] =	ssyncadd.s32 $0xFFFFFE00  }
0x19: {  	[tilespmem:s15], [sflag:$0x1] =	stream.indirect.gather [hbm4b:s1+s14], $0x80, s4, s14, $0xb8;
	[tilespmem:$0x18600] =	vst v63  }
0x1a: {  	_ = 	snop  }
0x1b: {  	[tilespmem:s16], [sflag:$0x1] =	stream.indirect.gather [hbm4b:s2+s14], $0x80, s12, s14, $0xb8;
	[tilespmem:$0x18600] =	vst v63  }
0x1c: {  	s18 =	simm.s32 $0x4400  }
0x1d: {  	[tilespmem:s18], [sflag:$0x2] =	stream.indirect.gather [hbm4b:s1+s14], $0x80, s14, s14, $0xb8;
	[tilespmem:$0x18600] =	vst v63  }
0x1e: {  	s23 =	simm.s32 $0x280;
	s19 =	simm.s32 $0x10400  }
0x1f: {  	[tilespmem:s19], [sflag:$0x2] =	stream.indirect.gather [hbm4b:s2+s14], $0x80, s23, s14, $0xb8;
	[tilespmem:$0x18600] =	vst v63  }
0x20: {  	s25 =	simm.s32 $0x100;
	s26 =	simm.s32 $0x8400  }
0x21: {  	[tilespmem:s26], [sflag:$0x3] =	stream.indirect.gather [hbm4b:s1+s14], $0x80, s25, s14, $0xb8;
	[tilespmem:$0x18600] =	vst v63  }
0x22: {  	s28 =	simm.s32 $0x300;
	s30 =	simm.s32 $0x14400  }
0x23: {  	[tilespmem:s30], [sflag:$0x3] =	stream.indirect.gather [hbm4b:s2+s14], $0x80, s28, s14, $0xb8;
	[tilespmem:$0x18600] =	vst v63  }
0x24: {  	_ =	swait.ge [sflag:s24], $0x4000  }
0x25: {  	[sflag:s24] =	ssyncset.done $0x0  }
0x26: {  	[sflag:s24] =	ssyncadd.s32 $0xFFFFC000  }
0x27: {  	_ =	swait.ge [sflag:s24], $0x4000  }
0x28: {  	s20 =	simm.s32 $0x0;
	[sflag:s24] =	ssyncset.done $0x0  }
0x29: {  	s18 =	simm.s32 $0xC500;
	s19 =	simm.s32 $0x500;
	[sflag:s24] =	ssyncadd.s32 $0xFFFFC000  }
.LBB2_2:
0x2a: {  	v4 =	vld [tilespmem:s19+$0x80]  }
0x2b: {  	v5 =	vld [tilespmem:s18+$0x80]  }
0x2c: {  	v6 =	vld [tilespmem:s19+$0x90]  }
0x2d: {  	v7 =	vld [tilespmem:s18+$0x90]  }
0x2e: {  	v8 =	vld [tilespmem:s19+$0xA0]  }
0x2f: {  	v9 =	vld [tilespmem:s18+$0xA0]  }
0x30: {  	v10 =	vld [tilespmem:s19+$0xB0]  }
0x31: {  	v11 =	vld [tilespmem:s18+$0xB0]  }
0x32: {  	v12 =	vld [tilespmem:s19+$0xC0]  }
0x33: {  	v13 =	vld [tilespmem:s18+$0xC0]  }
0x34: {  	v2 =	vld [tilespmem:s19+$0xD0]  }
0x35: {  	v3 =	vld [tilespmem:s18+$0xD0]  }
0x36: {  	v1 =	vld [tilespmem:s19+$0xE0]  }
0x37: {  	v14 =	vld [tilespmem:s19+$0x0]  }
0x38: {  	v15 =	vld [tilespmem:s18+$0x0]  }
0x39: {  	v16 =	vld [tilespmem:s19+$0x10]  }
0x3a: {  	v17 =	vld [tilespmem:s18+$0x10]  }
0x3b: {  	v18 =	vld [tilespmem:s19+$0x20]  }
0x3c: {  	v19 =	vld [tilespmem:s18+$0x20]  }
0x3d: {  	v20 =	vld [tilespmem:s19+$0x30]  }
0x3e: {  	v21 =	vld [tilespmem:s18+$0x30]  }
0x3f: {  	v22 =	vld [tilespmem:s19+$0x40]  }
0x40: {  	v23 =	vld [tilespmem:s18+$0x40]  }
0x41: {  	v24 =	vld [tilespmem:s19+$0x50]  }
0x42: {  	v25 =	vld [tilespmem:s18+$0x50]  }
0x43: {  	v26 =	vld [tilespmem:s19+$0x60]  }
0x44: {  	v27 =	vld [tilespmem:s18+$0x60]  }
0x45: {  	v28 =	vld [tilespmem:s19+$0x70]  }
0x46: {  	v29 =	vld [tilespmem:s18+$0x70]  }
0x47: {  	v30 =	vld [tilespmem:s19+$0xFFFFFF80]  }
0x48: {  	v31 =	vld [tilespmem:s18+$0xFFFFFF80]  }
0x49: {  	v32 =	vld [tilespmem:s19+$0xFFFFFF90]  }
0x4a: {  	v33 =	vld [tilespmem:s18+$0xFFFFFF90]  }
0x4b: {  	v34 =	vld [tilespmem:s19+$0xFFFFFFA0]  }
0x4c: {  	v35 =	vld [tilespmem:s18+$0xFFFFFFA0]  }
0x4d: {  	v36 =	vld [tilespmem:s19+$0xFFFFFFB0]  }
0x4e: {  	v37 =	vld [tilespmem:s18+$0xFFFFFFB0]  }
0x4f: {  	v38 =	vld [tilespmem:s19+$0xFFFFFFC0]  }
0x50: {  	v39 =	vld [tilespmem:s18+$0xFFFFFFC0]  }
0x51: {  	v40 =	vld [tilespmem:s19+$0xFFFFFFD0]  }
0x52: {  	v41 =	vld [tilespmem:s18+$0xFFFFFFD0]  }
0x53: {  	v42 =	vld [tilespmem:s19+$0xFFFFFFE0]  }
0x54: {  	v43 =	vld [tilespmem:s18+$0xFFFFFFE0]  }
0x55: {  	v44 =	vld [tilespmem:s19+$0xFFFFFFF0]  }
0x56: {  	v45 =	vld [tilespmem:s18+$0xFFFFFFF0]  }
0x57: {  	v46 =	vld [tilespmem:s19+$0xFFFFFF00]  }
0x58: {  	v47 =	vld [tilespmem:s18+$0xFFFFFF00]  }
0x59: {  	v48 =	vld [tilespmem:s19+$0xFFFFFF10]  }
0x5a: {  	v49 =	vld [tilespmem:s18+$0xFFFFFF10];
	v50 =	vmul.f32 v5, v4;
	v51 =	vmul.f32 v7, v6  }
0x5b: {  	v52 =	vld [tilespmem:s19+$0xFFFFFF20];
	v6 =	vmul.f32 v9, v8;
	v7 =	vmul.f32 v11, v10  }
0x5c: {  	v53 =	vld [tilespmem:s18+$0xFFFFFF20];
	v54 =	vmul.f32 v15, v14;
	v5 =	vmul.f32 v13, v12  }
0x5d: {  	v8 =	vld [tilespmem:s19+$0xFFFFFF30];
	v13 =	vmul.f32 v17, v16;
	v55 =	vmul.f32 v19, v18  }
0x5e: {  	v10 =	vld [tilespmem:s18+$0xFFFFFF30];
	v56 =	vmul.f32 v21, v20;
	v57 =	vmul.f32 v23, v22  }
0x5f: {  	v9 =	vld [tilespmem:s19+$0xFFFFFF40];
	v58 =	vmul.f32 v25, v24;
	v16 =	vmul.f32 v27, v26  }
0x60: {  	v12 =	vld [tilespmem:s18+$0xFFFFFF40];
	v19 =	vmul.f32 v31, v30;
	v20 =	vmul.f32 v29, v28  }
0x61: {  	v11 =	vld [tilespmem:s19+$0xFFFFFF50];
	v29 =	vmul.f32 v33, v32;
	v21 =	vmul.f32 v35, v34  }
0x62: {  	v17 =	vld [tilespmem:s18+$0xFFFFFF50];
	v25 =	vmul.f32 v37, v36;
	v26 =	vmul.f32 v39, v38  }
0x63: {  	v14 =	vld [tilespmem:s19+$0xFFFFFF60];
	v30 =	vmul.f32 v41, v40;
	v15 =	vmul.f32 v43, v42  }
0x64: {  	v4 =	vimm.f32 $0.0e+00;
	v18 =	vmul.f32 v47, v46;
	v24 =	vld [tilespmem:s18+$0xFFFFFF60];
	v22 =	vmul.f32 v45, v44  }
0x65: {  	s21 =	simm.s32 $0x0;
	v27 =	vmul.f32 v49, v48;
	v23 =	vld [tilespmem:s19+$0xFFFFFF70];
	v32 =	vadd.f32 v13, v54;
	v13 =	vadd.f32 v51, v50  }
0x66: {  	s25 =	simm.s32 $0x4;
	s22 =	smov.u32 s18;
	s23 =	smov.u32 s19;
	v28 =	vmul.f32 v53, v52;
	v31 =	vld [tilespmem:s18+$0xFFFFFF70];
	v33 =	vadd.f32 v56, v55;
	v34 =	vadd.f32 v58, v57  }
.LBB2_3:
0x67: {  	p0 =	slt.u32 s25, $0xC;
	v10 =	vmul.f32 v10, v8;
	v19 =	vadd.f32 v29, v19;
	v8 =	vadd.f32 v20, v16;
	v16 =	vld [tilespmem:s22+$0xE0]  }
0x68: {  	v12 =	vmul.f32 v12, v9;
	v20 =	vadd.f32 v25, v21;
	v21 =	vadd.f32 v30, v26;
	v25 =	vld [tilespmem:s23+$0xF0]  }
0x69: {  	v17 =	vmul.f32 v17, v11;
	v11 =	vadd.f32 v33, v32;
	s23 =	sadd.s32 $0x200, s23;
	v26 =	vadd.f32 v8, v34;
	v29 =	vld [tilespmem:s22+$0xF0]  }
0x6a: {  	v18 =	vadd.f32 v27, v18;
	v15 =	vadd.f32 v22, v15;
	v14 =	vmul.f32 v24, v14;
	s22 =	sadd.s32 $0x200, s22;
	v8 =	vld [tilespmem:s23+$0x80]  }
0x6b: {  	v9 =	vld [tilespmem:s22+$0x80];
	v22 =	vmul.f32 v31, v23;
	v23 =	vadd.f32 v10, v28;
	v24 =	vadd.f32 v26, v11  }
0x6c: {  	v2 =	vmul.f32 v3, v2;
	v19 =	vadd.f32 v20, v19;
	v15 =	vadd.f32 v15, v21;
	v10 =	vld [tilespmem:s23+$0x90]  }
0x6d: {  	v3 =	vadd.f32 v17, v12;
	v1 =	vmul.f32 v16, v1;
	v11 =	vld [tilespmem:s22+$0x90];
	v14 =	vadd.f32 v22, v14;
	(xrf2) =	vadd.scan.msk.f32 $0xffff, v24  }
0x6e: {  	v6 =	vadd.f32 v7, v6;
	v15 =	vadd.f32 v15, v19;
	v12 =	vld [tilespmem:s23+$0xA0];
	v16 =	vmul.f32 v29, v25  }
0x6f: {  	v17 =	vadd.f32 v23, v18;
	v7 =	vld [tilespmem:s22+$0xA0];
	v3 =	vadd.f32 v14, v3  }
0x70: {  	v2 =	vadd.f32 v2, v5;
	v14 =	vld [tilespmem:s23+$0xB0];
	v1 =	vadd.f32 v16, v1;
	(xrf2) =	vadd.scan.msk.f32 $0xffff, v15  }
0x71: {  	v5 =	vld [tilespmem:s22+$0xB0];
	v3 =	vadd.f32 v3, v17  }
0x72: {  	v6 =	vadd.f32 v6, v13;
	v15 =	vld [tilespmem:s23+$0xC0];
	v1 =	vadd.f32 v1, v2  }
0x73: {  	v13 =	vld [tilespmem:s22+$0xC0];
	(xrf2) =	vadd.scan.msk.f32 $0xffff, v3  }
0x74: {  	v2 =	vld [tilespmem:s23+$0xD0];
	v17 =	vadd.f32 v1, v6  }
0x75: {  	v3 =	vld [tilespmem:s22+$0xD0]  }
0x76: {  	v1 =	vld [tilespmem:s23+$0xE0];
	(xrf2) =	vadd.scan.msk.f32 $0xffff, v17  }
0x77: {  	v16 =	vld [tilespmem:s23+$0x0];
	v6, _, _ =	vpop (xrf2)  }
0x78: {  	v17 =	vld [tilespmem:s22+$0x0]  }
0x79: {  	v18 =	vld [tilespmem:s23+$0x10]  }
0x7a: {  	v19 =	vld [tilespmem:s22+$0x10];
	v20, _, _ =	vpop (xrf2)  }
0x7b: {  	v21 =	vld [tilespmem:s23+$0x20]  }
0x7c: {  	v22 =	vld [tilespmem:s22+$0x20]  }
0x7d: {  	s26 =	sadd.s32 $0x2, s21;
	s28 =	sadd.s32 $0x3, s21;
	v24 =	vmov s21;
	v23 =	vld [tilespmem:s23+$0x30];
	v25, _, _ =	vpop (xrf2)  }
0x7e: {  	s30 =	sadd.s32 $0x1, s21;
	v27 =	vmov s26;
	v28 =	vmov s28;
	s21 =	smov.u32 s25;
	v26 =	vld [tilespmem:s22+$0x30];
	v25 =	vbroadcast v25, $0xF  }
0x7f: {  	v31 =	vmov s30;
	vm0 =	veq.s32 v24, v0;
	v20 =	vbroadcast v20, $0xF;
	v29 =	vld [tilespmem:s23+$0x40]  }
0x80: {  	v6 =	vbroadcast v6, $0xF;
	v30 =	vld [tilespmem:s22+$0x40];
	v4 =	vsel vm0, v25, v4;
	vm0 =	veq.s32 v31, v0;
	v24, _, _ =	vpop (xrf2)  }
0x81: {  	v25 =	vld [tilespmem:s23+$0x50];
	v4 =	vsel vm0, v20, v4;
	vm0 =	veq.s32 v27, v0;
	v20 =	vbroadcast v24, $0xF  }
0x82: {  	v24 =	vld [tilespmem:s22+$0x50];
	v4 =	vsel vm0, v6, v4;
	vm0 =	veq.s32 v28, v0  }
0x83: {  	v27 =	vld [tilespmem:s23+$0x60];
	v4 =	vsel vm0, v20, v4  }
0x84: {  	v20 =	vld [tilespmem:s22+$0x60]  }
0x85: {  	v28 =	vld [tilespmem:s23+$0x70]  }
0x86: {  	v31 =	vld [tilespmem:s22+$0x70]  }
0x87: {  	v32 =	vld [tilespmem:s23+$0xFFFFFF80]  }
0x88: {  	v33 =	vld [tilespmem:s22+$0xFFFFFF80]  }
0x89: {  	v34 =	vld [tilespmem:s23+$0xFFFFFF90]  }
0x8a: {  	v35 =	vld [tilespmem:s22+$0xFFFFFF90]  }
0x8b: {  	v36 =	vld [tilespmem:s23+$0xFFFFFFA0]  }
0x8c: {  	v37 =	vld [tilespmem:s22+$0xFFFFFFA0]  }
0x8d: {  	v38 =	vld [tilespmem:s23+$0xFFFFFFB0]  }
0x8e: {  	v39 =	vld [tilespmem:s22+$0xFFFFFFB0]  }
0x8f: {  	v40 =	vld [tilespmem:s23+$0xFFFFFFC0]  }
0x90: {  	v41 =	vld [tilespmem:s22+$0xFFFFFFC0]  }
0x91: {  	v42 =	vld [tilespmem:s23+$0xFFFFFFD0]  }
0x92: {  	v43 =	vld [tilespmem:s22+$0xFFFFFFD0]  }
0x93: {  	v44 =	vld [tilespmem:s23+$0xFFFFFFE0]  }
0x94: {  	v45 =	vld [tilespmem:s22+$0xFFFFFFE0]  }
0x95: {  	v46 =	vld [tilespmem:s23+$0xFFFFFFF0]  }
0x96: {  	v47 =	vld [tilespmem:s22+$0xFFFFFFF0]  }
0x97: {  	v48 =	vld [tilespmem:s23+$0xFFFFFF00]  }
0x98: {  	v49 =	vld [tilespmem:s22+$0xFFFFFF00]  }
0x99: {  	v50 =	vld [tilespmem:s23+$0xFFFFFF10]  }
0x9a: {  	v52 =	vmul.f32 v9, v8;
	v53 =	vmul.f32 v11, v10;
	v51 =	vld [tilespmem:s22+$0xFFFFFF10]  }
0x9b: {  	v6 =	vmul.f32 v7, v12;
	v7 =	vmul.f32 v5, v14;
	v54 =	vld [tilespmem:s23+$0xFFFFFF20]  }
0x9c: {  	v56 =	vmul.f32 v17, v16;
	v5 =	vmul.f32 v13, v15;
	v55 =	vld [tilespmem:s22+$0xFFFFFF20]  }
0x9d: {  	v57 =	vmul.f32 v22, v21;
	v13 =	vmul.f32 v19, v18;
	v8 =	vld [tilespmem:s23+$0xFFFFFF30]  }
0x9e: {  	v58 =	vmul.f32 v26, v23;
	v59 =	vmul.f32 v30, v29;
	v10 =	vld [tilespmem:s22+$0xFFFFFF30]  }
0x9f: {  	v60 =	vmul.f32 v24, v25;
	v16 =	vmul.f32 v20, v27;
	v9 =	vld [tilespmem:s23+$0xFFFFFF40]  }
0xa0: {  	v20 =	vmul.f32 v31, v28;
	v19 =	vmul.f32 v33, v32;
	v12 =	vld [tilespmem:s22+$0xFFFFFF40]  }
0xa1: {  	v29 =	vmul.f32 v35, v34;
	v21 =	vmul.f32 v37, v36;
	v11 =	vld [tilespmem:s23+$0xFFFFFF50]  }
.Ltmp0:
0xa2: {  	v25 =	vmul.f32 v39, v38;
	v26 =	vmul.f32 v41, v40;
	v17 =	vld [tilespmem:s22+$0xFFFFFF50];
	(pc) =	sbr.rel @p0 .LBB2_3-.Ltmp0, $4  }
0xa3: {  	v30 =	vmul.f32 v43, v42;
	v15 =	vmul.f32 v45, v44;
	v14 =	vld [tilespmem:s23+$0xFFFFFF60]  }
0xa4: {  	v22 =	vmul.f32 v47, v46;
	v18 =	vmul.f32 v49, v48;
	v24 =	vld [tilespmem:s22+$0xFFFFFF60]  }
0xa5: {  	v32 =	vadd.f32 v13, v56;
	v13 =	vadd.f32 v53, v52;
	v27 =	vmul.f32 v51, v50;
	v23 =	vld [tilespmem:s23+$0xFFFFFF70]  }
0xa6: {  	s25 =	sadd.s32 $0x4, s25;
	v33 =	vadd.f32 v58, v57;
	v34 =	vadd.f32 v60, v59;
	v28 =	vmul.f32 v55, v54;
	v31 =	vld [tilespmem:s22+$0xFFFFFF70]  }
0xa7: {  	v8 =	vmul.f32 v10, v8;
	v48 =	vadd.f32 v29, v19  }
0xa8: {  	v16 =	vadd.f32 v20, v16;
	v49 =	vld [tilespmem:s22+$0xE0];
	v9 =	vmul.f32 v12, v9;
	v50 =	vadd.f32 v25, v21  }
0xa9: {  	v51 =	vadd.f32 v30, v26;
	v52 =	vld [tilespmem:s23+$0xF0];
	v11 =	vmul.f32 v17, v11;
	v18 =	vadd.f32 v27, v18  }
0xaa: {  	v54 =	vld [tilespmem:s22+$0xF0];
	v15 =	vadd.f32 v22, v15;
	v2 =	vmul.f32 v3, v2;
	v6 =	vadd.f32 v7, v6  }
0xab: {  	v53 =	vadd.f32 v33, v32;
	v16 =	vadd.f32 v16, v34;
	v14 =	vmul.f32 v24, v14  }
0xac: {  	v8 =	vadd.f32 v8, v28;
	v10 =	vadd.f32 v50, v48;
	v55 =	vmul.f32 v31, v23  }
0xad: {  	v56 =	vadd.f32 v15, v51;
	v3 =	vadd.f32 v11, v9  }
0xae: {  	v2 =	vadd.f32 v2, v5;
	v57 =	vadd.f32 v55, v14  }
0xaf: {  	v16 =	vadd.f32 v16, v53;
	v1 =	vmul.f32 v49, v1;
	v58 =	vmul.f32 v54, v52  }
0xb0: {  	v59 =	vadd.f32 v8, v18;
	v3 =	vadd.f32 v57, v3  }
0xb1: {  	v10 =	vadd.f32 v56, v10;
	v1 =	vadd.f32 v58, v1  }
0xb2: {  	(xrf2) =	vadd.scan.msk.f32 $0xffff, v16;
	v3 =	vadd.f32 v3, v59  }
0xb3: {  	v60 =	vadd.f32 v6, v13;
	(xrf2) =	vadd.scan.msk.f32 $0xffff, v10;
	v1 =	vadd.f32 v1, v2  }
0xb4: {  	(xrf2) =	vadd.scan.msk.f32 $0xffff, v3  }
0xb5: {  	v1 =	vadd.f32 v1, v60;
	_ =	sdelay $0x1  }
0xb6: {  	(xrf2) =	vadd.scan.msk.f32 $0xffff, v1;
	_ =	sdelay $0x4  }
0xb7: {  	v1, _, _ =	vpop (xrf2)  }
0xb8: {  	s28 =	sadd.s32 $0x1, s21;
	v3 =	vmov s21;
	v2, _, _ =	vpop (xrf2)  }
0xb9: {  	s25 =	sadd.s32 $0x2, s21;
	vm0 =	veq.s32 v3, v0;
	v3 =	vmov s28;
	v61, _, _ =	vpop (xrf2)  }
0xba: {  	s26 =	sadd.s32 $0x3, s21;
	s30 =	sshll.u32 s20, $0x4;
	s20 =	sadd.s32 $0x1, s20;
	v5 =	vbroadcast v61, $0xF  }
0xbb: {  	v62 =	vmov s25;
	v63 =	vmov s26;
	p0 =	sne.s32 s20, $0x8;
	v2 =	vbroadcast v2, $0xF  }
.Ltmp1:
0xbc: {  	vm13 =	veq.s32 v3, v0;
	v1 =	vbroadcast v1, $0xF;
	v3, _, _ =	vpop (xrf2);
	v4 =	vsel vm0, v5, v4;
	(pc) =	sbr.rel @p0 .LBB2_2-.Ltmp1, $4  }
0xbd: {  	vm14 =	veq.s32 v62, v0;
	v3 =	vbroadcast v3, $0xF;
	v2 =	vsel vm13, v2, v4  }
0xbe: {  	vm15 =	veq.s32 v63, v0;
	v1 =	vsel vm14, v1, v2  }
0xbf: {  	s21 =	sand.u32 $0x3FFFFFF0, s30;
	v1 =	vsel vm15, v3, v1  }
0xc0: {  	s18 =	sadd.s32 $0x800, s18;
	s19 =	sadd.s32 $0x800, s19;
	[tilespmem:s21+$0x18400] =	vst v1  }
0xc1: {  	s18 =	simm.s32 $0x0;
	s19 =	simm.s32 $0x18400  }
0xc2: {  	[hbm4b:s6+s18] =	stream.linear.scatter [tilespmem:s19], [sflag:$0x4], $0x80, $0x38;
	[tilespmem:$0x18600] =	vst v63  }
0xc3: {  	s28 =	simm.s32 $0x180  }
0xc4: {  	[tilespmem:s15], [sflag:$0x1] =	stream.indirect.gather [hbm4b:s1+s14], $0x80, s28, s14, $0xb8;
	[tilespmem:$0x18600] =	vst v63  }
0xc5: {  	s30 =	simm.s32 $0x380  }
0xc6: {  	[tilespmem:s16], [sflag:$0x1] =	stream.indirect.gather [hbm4b:s2+s14], $0x80, s30, s14, $0xb8;
	[tilespmem:$0x18600] =	vst v63  }
0xc7: {  	_ =	swait.ge [sflag:s29], $0x4000  }
0xc8: {  	[sflag:s29] =	ssyncset.done $0x0  }
0xc9: {  	[sflag:s29] =	ssyncadd.s32 $0xFFFFC000  }
0xca: {  	_ =	swait.ge [sflag:s29], $0x4000  }
0xcb: {  	[sflag:s29] =	ssyncset.done $0x0  }
0xcc: {  	s19 =	simm.s32 $0x0;
	[sflag:s29] =	ssyncadd.s32 $0xFFFFC000  }
.LBB2_6:
0xcd: {  	s20 =	sshra.s32 s18, $0x2  }
0xce: {  	v4 =	vld [tilespmem:s20+$0x4580]  }
0xcf: {  	v5 =	vld [tilespmem:s20+$0x10580]  }
0xd0: {  	v6 =	vld [tilespmem:s20+$0x4590]  }
0xd1: {  	v7 =	vld [tilespmem:s20+$0x10590]  }
0xd2: {  	v9 =	vld [tilespmem:s20+$0x45A0]  }
0xd3: {  	v10 =	vld [tilespmem:s20+$0x105A0]  }
0xd4: {  	v11 =	vld [tilespmem:s20+$0x45B0]  }
0xd5: {  	v12 =	vld [tilespmem:s20+$0x105B0]  }
0xd6: {  	v13 =	vld [tilespmem:s20+$0x45C0]  }
0xd7: {  	v14 =	vld [tilespmem:s20+$0x105C0]  }
0xd8: {  	v2 =	vld [tilespmem:s20+$0x45D0]  }
0xd9: {  	v3 =	vld [tilespmem:s20+$0x105D0]  }
0xda: {  	v1 =	vld [tilespmem:s20+$0x45E0]  }
0xdb: {  	v15 =	vld [tilespmem:s20+$0x4500]  }
0xdc: {  	v16 =	vld [tilespmem:s20+$0x10500]  }
0xdd: {  	v17 =	vld [tilespmem:s20+$0x4510]  }
0xde: {  	v18 =	vld [tilespmem:s20+$0x10510]  }
0xdf: {  	v19 =	vld [tilespmem:s20+$0x4520]  }
0xe0: {  	v20 =	vld [tilespmem:s20+$0x10520]  }
0xe1: {  	v21 =	vld [tilespmem:s20+$0x4530]  }
0xe2: {  	v22 =	vld [tilespmem:s20+$0x10530]  }
0xe3: {  	v23 =	vld [tilespmem:s20+$0x4540]  }
0xe4: {  	v24 =	vld [tilespmem:s20+$0x10540]  }
0xe5: {  	v25 =	vld [tilespmem:s20+$0x4550]  }
0xe6: {  	v26 =	vld [tilespmem:s20+$0x10550]  }
0xe7: {  	v27 =	vld [tilespmem:s20+$0x4560]  }
0xe8: {  	v28 =	vld [tilespmem:s20+$0x10560]  }
0xe9: {  	v29 =	vld [tilespmem:s20+$0x4570]  }
0xea: {  	v30 =	vld [tilespmem:s20+$0x10570]  }
0xeb: {  	v31 =	vld [tilespmem:s20+$0x4480]  }
0xec: {  	v32 =	vld [tilespmem:s20+$0x10480]  }
0xed: {  	v33 =	vld [tilespmem:s20+$0x4490]  }
0xee: {  	v34 =	vld [tilespmem:s20+$0x10490]  }
0xef: {  	v35 =	vld [tilespmem:s20+$0x44A0]  }
0xf0: {  	v36 =	vld [tilespmem:s20+$0x104A0]  }
0xf1: {  	v37 =	vld [tilespmem:s20+$0x44B0]  }
0xf2: {  	v38 =	vld [tilespmem:s20+$0x104B0]  }
0xf3: {  	v39 =	vld [tilespmem:s20+$0x44C0]  }
0xf4: {  	v40 =	vld [tilespmem:s20+$0x104C0]  }
0xf5: {  	v41 =	vld [tilespmem:s20+$0x44D0]  }
0xf6: {  	v42 =	vld [tilespmem:s20+$0x104D0]  }
0xf7: {  	v43 =	vld [tilespmem:s20+$0x44E0]  }
0xf8: {  	v44 =	vld [tilespmem:s20+$0x104E0]  }
0xf9: {  	v45 =	vld [tilespmem:s20+$0x44F0]  }
0xfa: {  	v46 =	vld [tilespmem:s20+$0x104F0]  }
0xfb: {  	v47 =	vld [tilespmem:s20+$0x4400]  }
0xfc: {  	v48 =	vld [tilespmem:s20+$0x10400]  }
0xfd: {  	v49 =	vld [tilespmem:s20+$0x4410]  }
0xfe: {  	v50 =	vld [tilespmem:s20+$0x10410];
	v51 =	vmul.f32 v5, v4;
	v52 =	vmul.f32 v7, v6  }
0xff: {  	v8 =	vld [tilespmem:s20+$0x4420];
	v6 =	vmul.f32 v10, v9;
	v7 =	vmul.f32 v12, v11  }
0x100: {  	v10 =	vld [tilespmem:s20+$0x10420];
	v53 =	vmul.f32 v16, v15;
	v5 =	vmul.f32 v14, v13  }
0x101: {  	v9 =	vld [tilespmem:s20+$0x4430];
	v13 =	vmul.f32 v18, v17;
	v14 =	vmul.f32 v20, v19  }
0x102: {  	v12 =	vld [tilespmem:s20+$0x10430];
	v19 =	vmul.f32 v22, v21;
	v20 =	vmul.f32 v24, v23  }
0x103: {  	v11 =	vld [tilespmem:s20+$0x4440];
	v24 =	vmul.f32 v26, v25;
	v21 =	vmul.f32 v28, v27  }
0x104: {  	v16 =	vld [tilespmem:s20+$0x10440];
	v26 =	vmul.f32 v32, v31;
	v27 =	vmul.f32 v30, v29  }
0x105: {  	v15 =	vld [tilespmem:s20+$0x4450];
	v34 =	vmul.f32 v34, v33;
	v28 =	vmul.f32 v36, v35  }
0x106: {  	v22 =	vld [tilespmem:s20+$0x10450];
	v32 =	vmul.f32 v38, v37;
	v33 =	vmul.f32 v40, v39  }
0x107: {  	v17 =	vld [tilespmem:s20+$0x4460];
	v35 =	vmul.f32 v42, v41;
	v18 =	vmul.f32 v44, v43  }
0x108: {  	v4 =	vimm.f32 $0.0e+00;
	v23 =	vmul.f32 v48, v47;
	v30 =	vld [tilespmem:s20+$0x10460];
	v25 =	vmul.f32 v46, v45  }
0x109: {  	s22 =	simm.s32 $0x4;
	s23 =	smov.u32 s18;
	s21 =	simm.s32 $0x0;
	v31 =	vmul.f32 v50, v49;
	v29 =	vld [tilespmem:s20+$0x4470];
	v36 =	vadd.f32 v13, v53;
	v13 =	vadd.f32 v52, v51  }
.LBB2_7:
0x10a: {  	p0 =	slt.u32 s22, $0xC;
	v10 =	vmul.f32 v10, v8;
	v37 =	vld [tilespmem:s20+$0x10470];
	v8 =	vadd.f32 v19, v14;
	v14 =	vadd.f32 v24, v20  }
0x10b: {  	v12 =	vmul.f32 v12, v9;
	v19 =	vadd.f32 v34, v26;
	v9 =	vadd.f32 v27, v21;
	v20 =	vld [tilespmem:s20+$0x105E0]  }
0x10c: {  	v16 =	vmul.f32 v16, v11;
	v11 =	vadd.f32 v32, v28;
	v21 =	vadd.f32 v35, v33;
	s23 =	sadd.s32 $0x800, s23;
	v24 =	vld [tilespmem:s20+$0x45F0]  }
0x10d: {  	v15 =	vmul.f32 v22, v15;
	v22 =	vadd.f32 v8, v36;
	v14 =	vadd.f32 v9, v14;
	v26 =	vld [tilespmem:s20+$0x105F0];
	s20 =	sshra.s32 s23, $0x2  }
0x10e: {  	v18 =	vadd.f32 v25, v18;
	v23 =	vadd.f32 v31, v23;
	v17 =	vmul.f32 v30, v17;
	v8 =	vld [tilespmem:s20+$0x4580]  }
0x10f: {  	v27 =	vadd.f32 v12, v10;
	v12 =	vadd.f32 v14, v22;
	v9 =	vld [tilespmem:s20+$0x10580];
	v25 =	vmul.f32 v37, v29  }
0x110: {  	v2 =	vmul.f32 v3, v2;
	v18 =	vadd.f32 v18, v21;
	v14 =	vadd.f32 v11, v19;
	v10 =	vld [tilespmem:s20+$0x4590]  }
0x111: {  	v3 =	vadd.f32 v15, v16;
	v1 =	vmul.f32 v20, v1;
	v11 =	vld [tilespmem:s20+$0x10590];
	v15 =	vadd.f32 v25, v17;
	(xrf2) =	vadd.scan.msk.f32 $0xffff, v12  }
0x112: {  	v6 =	vadd.f32 v7, v6;
	v14 =	vadd.f32 v18, v14;
	v12 =	vld [tilespmem:s20+$0x45A0];
	v16 =	vmul.f32 v26, v24  }
0x113: {  	v17 =	vadd.f32 v27, v23;
	v7 =	vld [tilespmem:s20+$0x105A0];
	v3 =	vadd.f32 v15, v3  }
0x114: {  	v2 =	vadd.f32 v2, v5;
	v15 =	vld [tilespmem:s20+$0x45B0];
	v1 =	vadd.f32 v16, v1;
	(xrf2) =	vadd.scan.msk.f32 $0xffff, v14  }
0x115: {  	v5 =	vld [tilespmem:s20+$0x105B0];
	v3 =	vadd.f32 v3, v17  }
0x116: {  	v6 =	vadd.f32 v6, v13;
	v14 =	vld [tilespmem:s20+$0x45C0];
	v1 =	vadd.f32 v1, v2  }
0x117: {  	v13 =	vld [tilespmem:s20+$0x105C0];
	(xrf2) =	vadd.scan.msk.f32 $0xffff, v3  }
0x118: {  	v2 =	vld [tilespmem:s20+$0x45D0];
	v17 =	vadd.f32 v1, v6  }
0x119: {  	v3 =	vld [tilespmem:s20+$0x105D0]  }
0x11a: {  	v1 =	vld [tilespmem:s20+$0x45E0];
	(xrf2) =	vadd.scan.msk.f32 $0xffff, v17  }
0x11b: {  	v16 =	vld [tilespmem:s20+$0x4500];
	v6, _, _ =	vpop (xrf2)  }
0x11c: {  	v17 =	vld [tilespmem:s20+$0x10500]  }
0x11d: {  	v18 =	vld [tilespmem:s20+$0x4510]  }
0x11e: {  	v19 =	vld [tilespmem:s20+$0x10510];
	v20, _, _ =	vpop (xrf2)  }
0x11f: {  	v21 =	vld [tilespmem:s20+$0x4520]  }
0x120: {  	v22 =	vld [tilespmem:s20+$0x10520]  }
0x121: {  	s25 =	sadd.s32 $0x2, s21;
	s26 =	sadd.s32 $0x3, s21;
	v24 =	vmov s21;
	v23 =	vld [tilespmem:s20+$0x4530];
	v25, _, _ =	vpop (xrf2)  }
0x122: {  	s28 =	sadd.s32 $0x1, s21;
	v28 =	vmov s26;
	v27 =	vmov s25;
	s21 =	smov.u32 s22;
	v26 =	vld [tilespmem:s20+$0x10530];
	v25 =	vbroadcast v25, $0xF  }
0x123: {  	v31 =	vmov s28;
	vm0 =	veq.s32 v24, v0;
	v20 =	vbroadcast v20, $0xF;
	v29 =	vld [tilespmem:s20+$0x4540]  }
0x124: {  	v6 =	vbroadcast v6, $0xF;
	v30 =	vld [tilespmem:s20+$0x10540];
	v4 =	vsel vm0, v25, v4;
	vm0 =	veq.s32 v31, v0;
	v24, _, _ =	vpop (xrf2)  }
0x125: {  	v25 =	vld [tilespmem:s20+$0x4550];
	v4 =	vsel vm0, v20, v4;
	vm0 =	veq.s32 v27, v0;
	v20 =	vbroadcast v24, $0xF  }
0x126: {  	v24 =	vld [tilespmem:s20+$0x10550];
	v4 =	vsel vm0, v6, v4;
	vm0 =	veq.s32 v28, v0  }
0x127: {  	v27 =	vld [tilespmem:s20+$0x4560];
	v4 =	vsel vm0, v20, v4  }
0x128: {  	v28 =	vld [tilespmem:s20+$0x10560]  }
0x129: {  	v31 =	vld [tilespmem:s20+$0x4570]  }
0x12a: {  	v32 =	vld [tilespmem:s20+$0x10570]  }
0x12b: {  	v33 =	vld [tilespmem:s20+$0x4480]  }
0x12c: {  	v34 =	vld [tilespmem:s20+$0x10480]  }
0x12d: {  	v35 =	vld [tilespmem:s20+$0x4490]  }
0x12e: {  	v36 =	vld [tilespmem:s20+$0x10490]  }
0x12f: {  	v37 =	vld [tilespmem:s20+$0x44A0]  }
0x130: {  	v38 =	vld [tilespmem:s20+$0x104A0]  }
0x131: {  	v39 =	vld [tilespmem:s20+$0x44B0]  }
0x132: {  	v40 =	vld [tilespmem:s20+$0x104B0]  }
0x133: {  	v41 =	vld [tilespmem:s20+$0x44C0]  }
0x134: {  	v42 =	vld [tilespmem:s20+$0x104C0]  }
0x135: {  	v43 =	vld [tilespmem:s20+$0x44D0]  }
0x136: {  	v44 =	vld [tilespmem:s20+$0x104D0]  }
0x137: {  	v45 =	vld [tilespmem:s20+$0x44E0]  }
0x138: {  	v46 =	vld [tilespmem:s20+$0x104E0]  }
0x139: {  	v47 =	vld [tilespmem:s20+$0x44F0]  }
0x13a: {  	v48 =	vld [tilespmem:s20+$0x104F0]  }
0x13b: {  	v49 =	vld [tilespmem:s20+$0x4400]  }
0x13c: {  	v50 =	vld [tilespmem:s20+$0x10400]  }
0x13d: {  	v51 =	vld [tilespmem:s20+$0x4410]  }
0x13e: {  	v53 =	vmul.f32 v9, v8;
	v54 =	vmul.f32 v11, v10;
	v52 =	vld [tilespmem:s20+$0x10410]  }
0x13f: {  	v6 =	vmul.f32 v7, v12;
	v7 =	vmul.f32 v5, v15;
	v8 =	vld [tilespmem:s20+$0x4420]  }
0x140: {  	v55 =	vmul.f32 v17, v16;
	v5 =	vmul.f32 v13, v14;
	v10 =	vld [tilespmem:s20+$0x10420]  }
0x141: {  	v13 =	vmul.f32 v19, v18;
	v14 =	vmul.f32 v22, v21;
	v9 =	vld [tilespmem:s20+$0x4430]  }
0x142: {  	v19 =	vmul.f32 v26, v23;
	v20 =	vmul.f32 v30, v29;
	v12 =	vld [tilespmem:s20+$0x10430]  }
0x143: {  	v24 =	vmul.f32 v24, v25;
	v21 =	vmul.f32 v28, v27;
	v11 =	vld [tilespmem:s20+$0x4440]  }
0x144: {  	v27 =	vmul.f32 v32, v31;
	v26 =	vmul.f32 v34, v33;
	v16 =	vld [tilespmem:s20+$0x10440]  }
.Ltmp2:
0x145: {  	v34 =	vmul.f32 v36, v35;
	v28 =	vmul.f32 v38, v37;
	v15 =	vld [tilespmem:s20+$0x4450];
	(pc) =	sbr.rel @p0 .LBB2_7-.Ltmp2, $4  }
0x146: {  	v32 =	vmul.f32 v40, v39;
	v33 =	vmul.f32 v42, v41;
	v22 =	vld [tilespmem:s20+$0x10450]  }
0x147: {  	v35 =	vmul.f32 v44, v43;
	v18 =	vmul.f32 v46, v45;
	v17 =	vld [tilespmem:s20+$0x4460]  }
0x148: {  	v25 =	vmul.f32 v48, v47;
	v23 =	vmul.f32 v50, v49;
	v30 =	vld [tilespmem:s20+$0x10460]  }
0x149: {  	s22 =	sadd.s32 $0x4, s22;
	v36 =	vadd.f32 v13, v55;
	v13 =	vadd.f32 v54, v53;
	v31 =	vmul.f32 v52, v51;
	v29 =	vld [tilespmem:s20+$0x4470]  }
0x14a: {  	v14 =	vadd.f32 v19, v14;
	v46 =	vadd.f32 v24, v20  }
0x14b: {  	v8 =	vmul.f32 v10, v8;
	v45 =	vld [tilespmem:s20+$0x10470];
	v47 =	vadd.f32 v34, v26;
	v48 =	vadd.f32 v27, v21  }
0x14c: {  	v9 =	vmul.f32 v12, v9;
	v49 =	vld [tilespmem:s20+$0x105E0];
	v50 =	vadd.f32 v32, v28;
	v51 =	vadd.f32 v35, v33  }
0x14d: {  	v11 =	vmul.f32 v16, v11;
	v52 =	vld [tilespmem:s20+$0x45F0];
	v18 =	vadd.f32 v25, v18;
	v6 =	vadd.f32 v7, v6  }
0x14e: {  	v53 =	vld [tilespmem:s20+$0x105F0];
	v2 =	vmul.f32 v3, v2;
	v54 =	vadd.f32 v31, v23;
	v14 =	vadd.f32 v14, v36  }
0x14f: {  	v15 =	vmul.f32 v22, v15;
	v19 =	vadd.f32 v48, v46;
	v8 =	vadd.f32 v9, v8  }
0x150: {  	v12 =	vadd.f32 v50, v47;
	v17 =	vmul.f32 v30, v17;
	v10 =	vmul.f32 v45, v29  }
0x151: {  	v56 =	vadd.f32 v18, v51;
	v2 =	vadd.f32 v2, v5  }
0x152: {  	v3 =	vadd.f32 v15, v11;
	v10 =	vadd.f32 v10, v17  }
0x153: {  	v55 =	vadd.f32 v19, v14;
	v1 =	vmul.f32 v49, v1;
	v58 =	vmul.f32 v53, v52  }
0x154: {  	v59 =	vadd.f32 v8, v54;
	v3 =	vadd.f32 v10, v3  }
0x155: {  	v57 =	vadd.f32 v56, v12;
	v1 =	vadd.f32 v58, v1  }
0x156: {  	(xrf2) =	vadd.scan.msk.f32 $0xffff, v55;
	v3 =	vadd.f32 v3, v59  }
0x157: {  	v60 =	vadd.f32 v6, v13;
	(xrf2) =	vadd.scan.msk.f32 $0xffff, v57;
	v1 =	vadd.f32 v1, v2  }
0x158: {  	(xrf2) =	vadd.scan.msk.f32 $0xffff, v3  }
0x159: {  	v1 =	vadd.f32 v1, v60;
	_ =	sdelay $0x1  }
0x15a: {  	(xrf2) =	vadd.scan.msk.f32 $0xffff, v1;
	_ =	sdelay $0x4  }
0x15b: {  	v1, _, _ =	vpop (xrf2)  }
0x15c: {  	s28 =	sadd.s32 $0x1, s21;
	v3 =	vmov s21;
	v2, _, _ =	vpop (xrf2)  }
0x15d: {  	s26 =	sadd.s32 $0x2, s21;
	vm0 =	veq.s32 v3, v0;
	v3 =	vmov s28;
	v61, _, _ =	vpop (xrf2)  }
0x15e: {  	s22 =	sadd.s32 $0x3, s21;
	s30 =	sshll.u32 s19, $0x4;
	s19 =	sadd.s32 $0x1, s19;
	v5 =	vbroadcast v61, $0xF  }
0x15f: {  	v62 =	vmov s26;
	v63 =	vmov s22;
	p0 =	sne.s32 s19, $0x8;
	v2 =	vbroadcast v2, $0xF  }
.Ltmp3:
0x160: {  	vm13 =	veq.s32 v3, v0;
	v1 =	vbroadcast v1, $0xF;
	v3, _, _ =	vpop (xrf2);
	v4 =	vsel vm0, v5, v4;
	(pc) =	sbr.rel @p0 .LBB2_6-.Ltmp3, $4  }
0x161: {  	vm14 =	veq.s32 v62, v0;
	v3 =	vbroadcast v3, $0xF;
	v2 =	vsel vm13, v2, v4  }
0x162: {  	vm15 =	veq.s32 v63, v0;
	v1 =	vsel vm14, v1, v2  }
0x163: {  	s20 =	sand.u32 $0x3FFFFFF0, s30;
	v1 =	vsel vm15, v3, v1  }
0x164: {  	s18 =	sadd.s32 $0x2000, s18;
	[tilespmem:s20+$0x18480] =	vst v1  }
0x165: {  	s18 =	simm.s32 $0x0;
	s19 =	simm.s32 $0x18480  }
0x166: {  	[hbm4b:s8+s18] =	stream.linear.scatter [tilespmem:s19], [sflag:$0x4], $0x80, $0x38;
	[tilespmem:$0x18600] =	vst v63  }
0x167: {  	_ =	swait.ge [sflag:s31], $0x4000  }
0x168: {  	[sflag:s31] =	ssyncset.done $0x0  }
0x169: {  	[sflag:s31] =	ssyncadd.s32 $0xFFFFC000  }
0x16a: {  	_ =	swait.ge [sflag:s31], $0x4000  }
0x16b: {  	[sflag:s31] =	ssyncset.done $0x0  }
0x16c: {  	s19 =	simm.s32 $0x0;
	[sflag:s31] =	ssyncadd.s32 $0xFFFFC000  }
.LBB2_10:
0x16d: {  	s20 =	sshra.s32 s18, $0x2  }
0x16e: {  	v4 =	vld [tilespmem:s20+$0x8580]  }
0x16f: {  	v5 =	vld [tilespmem:s20+$0x14580]  }
0x170: {  	v6 =	vld [tilespmem:s20+$0x8590]  }
0x171: {  	v7 =	vld [tilespmem:s20+$0x14590]  }
0x172: {  	v9 =	vld [tilespmem:s20+$0x85A0]  }
0x173: {  	v10 =	vld [tilespmem:s20+$0x145A0]  }
0x174: {  	v11 =	vld [tilespmem:s20+$0x85B0]  }
0x175: {  	v12 =	vld [tilespmem:s20+$0x145B0]  }
0x176: {  	v13 =	vld [tilespmem:s20+$0x85C0]  }
0x177: {  	v14 =	vld [tilespmem:s20+$0x145C0]  }
0x178: {  	v2 =	vld [tilespmem:s20+$0x85D0]  }
0x179: {  	v3 =	vld [tilespmem:s20+$0x145D0]  }
0x17a: {  	v1 =	vld [tilespmem:s20+$0x85E0]  }
0x17b: {  	v15 =	vld [tilespmem:s20+$0x8500]  }
0x17c: {  	v16 =	vld [tilespmem:s20+$0x14500]  }
0x17d: {  	v17 =	vld [tilespmem:s20+$0x8510]  }
0x17e: {  	v18 =	vld [tilespmem:s20+$0x14510]  }
0x17f: {  	v19 =	vld [tilespmem:s20+$0x8520]  }
0x180: {  	v20 =	vld [tilespmem:s20+$0x14520]  }
0x181: {  	v21 =	vld [tilespmem:s20+$0x8530]  }
0x182: {  	v22 =	vld [tilespmem:s20+$0x14530]  }
0x183: {  	v23 =	vld [tilespmem:s20+$0x8540]  }
0x184: {  	v24 =	vld [tilespmem:s20+$0x14540]  }
0x185: {  	v25 =	vld [tilespmem:s20+$0x8550]  }
0x186: {  	v26 =	vld [tilespmem:s20+$0x14550]  }
0x187: {  	v27 =	vld [tilespmem:s20+$0x8560]  }
0x188: {  	v28 =	vld [tilespmem:s20+$0x14560]  }
0x189: {  	v29 =	vld [tilespmem:s20+$0x8570]  }
0x18a: {  	v30 =	vld [tilespmem:s20+$0x14570]  }
0x18b: {  	v31 =	vld [tilespmem:s20+$0x8480]  }
0x18c: {  	v32 =	vld [tilespmem:s20+$0x14480]  }
0x18d: {  	v33 =	vld [tilespmem:s20+$0x8490]  }
0x18e: {  	v34 =	vld [tilespmem:s20+$0x14490]  }
0x18f: {  	v35 =	vld [tilespmem:s20+$0x84A0]  }
0x190: {  	v36 =	vld [tilespmem:s20+$0x144A0]  }
0x191: {  	v37 =	vld [tilespmem:s20+$0x84B0]  }
0x192: {  	v38 =	vld [tilespmem:s20+$0x144B0]  }
0x193: {  	v39 =	vld [tilespmem:s20+$0x84C0]  }
0x194: {  	v40 =	vld [tilespmem:s20+$0x144C0]  }
0x195: {  	v41 =	vld [tilespmem:s20+$0x84D0]  }
0x196: {  	v42 =	vld [tilespmem:s20+$0x144D0]  }
0x197: {  	v43 =	vld [tilespmem:s20+$0x84E0]  }
0x198: {  	v44 =	vld [tilespmem:s20+$0x144E0]  }
0x199: {  	v45 =	vld [tilespmem:s20+$0x84F0]  }
0x19a: {  	v46 =	vld [tilespmem:s20+$0x144F0]  }
0x19b: {  	v47 =	vld [tilespmem:s20+$0x8400]  }
0x19c: {  	v48 =	vld [tilespmem:s20+$0x14400]  }
0x19d: {  	v49 =	vld [tilespmem:s20+$0x8410]  }
0x19e: {  	v50 =	vld [tilespmem:s20+$0x14410];
	v51 =	vmul.f32 v5, v4;
	v52 =	vmul.f32 v7, v6  }
0x19f: {  	v8 =	vld [tilespmem:s20+$0x8420];
	v6 =	vmul.f32 v10, v9;
	v7 =	vmul.f32 v12, v11  }
0x1a0: {  	v10 =	vld [tilespmem:s20+$0x14420];
	v53 =	vmul.f32 v16, v15;
	v5 =	vmul.f32 v14, v13  }
0x1a1: {  	v9 =	vld [tilespmem:s20+$0x8430];
	v13 =	vmul.f32 v18, v17;
	v14 =	vmul.f32 v20, v19  }
0x1a2: {  	v12 =	vld [tilespmem:s20+$0x14430];
	v19 =	vmul.f32 v22, v21;
	v20 =	vmul.f32 v24, v23  }
0x1a3: {  	v11 =	vld [tilespmem:s20+$0x8440];
	v24 =	vmul.f32 v26, v25;
	v21 =	vmul.f32 v28, v27  }
0x1a4: {  	v16 =	vld [tilespmem:s20+$0x14440];
	v26 =	vmul.f32 v32, v31;
	v27 =	vmul.f32 v30, v29  }
0x1a5: {  	v15 =	vld [tilespmem:s20+$0x8450];
	v34 =	vmul.f32 v34, v33;
	v28 =	vmul.f32 v36, v35  }
0x1a6: {  	v22 =	vld [tilespmem:s20+$0x14450];
	v32 =	vmul.f32 v38, v37;
	v33 =	vmul.f32 v40, v39  }
0x1a7: {  	v17 =	vld [tilespmem:s20+$0x8460];
	v35 =	vmul.f32 v42, v41;
	v18 =	vmul.f32 v44, v43  }
0x1a8: {  	v4 =	vimm.f32 $0.0e+00;
	v23 =	vmul.f32 v48, v47;
	v30 =	vld [tilespmem:s20+$0x14460];
	v25 =	vmul.f32 v46, v45  }
0x1a9: {  	s22 =	simm.s32 $0x4;
	s23 =	smov.u32 s18;
	s21 =	simm.s32 $0x0;
	v31 =	vmul.f32 v50, v49;
	v29 =	vld [tilespmem:s20+$0x8470];
	v36 =	vadd.f32 v13, v53;
	v13 =	vadd.f32 v52, v51  }
.LBB2_11:
0x1aa: {  	p0 =	slt.u32 s22, $0xC;
	v10 =	vmul.f32 v10, v8;
	v37 =	vld [tilespmem:s20+$0x14470];
	v8 =	vadd.f32 v19, v14;
	v14 =	vadd.f32 v24, v20  }
0x1ab: {  	v12 =	vmul.f32 v12, v9;
	v19 =	vadd.f32 v34, v26;
	v9 =	vadd.f32 v27, v21;
	v20 =	vld [tilespmem:s20+$0x145E0]  }
0x1ac: {  	v16 =	vmul.f32 v16, v11;
	v11 =	vadd.f32 v32, v28;
	v21 =	vadd.f32 v35, v33;
	s23 =	sadd.s32 $0x800, s23;
	v24 =	vld [tilespmem:s20+$0x85F0]  }
0x1ad: {  	v15 =	vmul.f32 v22, v15;
	v22 =	vadd.f32 v8, v36;
	v14 =	vadd.f32 v9, v14;
	v26 =	vld [tilespmem:s20+$0x145F0];
	s20 =	sshra.s32 s23, $0x2  }
0x1ae: {  	v18 =	vadd.f32 v25, v18;
	v23 =	vadd.f32 v31, v23;
	v17 =	vmul.f32 v30, v17;
	v8 =	vld [tilespmem:s20+$0x8580]  }
0x1af: {  	v27 =	vadd.f32 v12, v10;
	v12 =	vadd.f32 v14, v22;
	v9 =	vld [tilespmem:s20+$0x14580];
	v25 =	vmul.f32 v37, v29  }
0x1b0: {  	v2 =	vmul.f32 v3, v2;
	v18 =	vadd.f32 v18, v21;
	v14 =	vadd.f32 v11, v19;
	v10 =	vld [tilespmem:s20+$0x8590]  }
0x1b1: {  	v3 =	vadd.f32 v15, v16;
	v1 =	vmul.f32 v20, v1;
	v11 =	vld [tilespmem:s20+$0x14590];
	v15 =	vadd.f32 v25, v17;
	(xrf2) =	vadd.scan.msk.f32 $0xffff, v12  }
0x1b2: {  	v6 =	vadd.f32 v7, v6;
	v14 =	vadd.f32 v18, v14;
	v12 =	vld [tilespmem:s20+$0x85A0];
	v16 =	vmul.f32 v26, v24  }
0x1b3: {  	v17 =	vadd.f32 v27, v23;
	v7 =	vld [tilespmem:s20+$0x145A0];
	v3 =	vadd.f32 v15, v3  }
0x1b4: {  	v2 =	vadd.f32 v2, v5;
	v15 =	vld [tilespmem:s20+$0x85B0];
	v1 =	vadd.f32 v16, v1;
	(xrf2) =	vadd.scan.msk.f32 $0xffff, v14  }
0x1b5: {  	v5 =	vld [tilespmem:s20+$0x145B0];
	v3 =	vadd.f32 v3, v17  }
0x1b6: {  	v6 =	vadd.f32 v6, v13;
	v14 =	vld [tilespmem:s20+$0x85C0];
	v1 =	vadd.f32 v1, v2  }
0x1b7: {  	v13 =	vld [tilespmem:s20+$0x145C0];
	(xrf2) =	vadd.scan.msk.f32 $0xffff, v3  }
0x1b8: {  	v2 =	vld [tilespmem:s20+$0x85D0];
	v17 =	vadd.f32 v1, v6  }
0x1b9: {  	v3 =	vld [tilespmem:s20+$0x145D0]  }
0x1ba: {  	v1 =	vld [tilespmem:s20+$0x85E0];
	(xrf2) =	vadd.scan.msk.f32 $0xffff, v17  }
0x1bb: {  	v16 =	vld [tilespmem:s20+$0x8500];
	v6, _, _ =	vpop (xrf2)  }
0x1bc: {  	v17 =	vld [tilespmem:s20+$0x14500]  }
0x1bd: {  	v18 =	vld [tilespmem:s20+$0x8510]  }
0x1be: {  	v19 =	vld [tilespmem:s20+$0x14510];
	v20, _, _ =	vpop (xrf2)  }
0x1bf: {  	v21 =	vld [tilespmem:s20+$0x8520]  }
0x1c0: {  	v22 =	vld [tilespmem:s20+$0x14520]  }
0x1c1: {  	s25 =	sadd.s32 $0x2, s21;
	s26 =	sadd.s32 $0x3, s21;
	v24 =	vmov s21;
	v23 =	vld [tilespmem:s20+$0x8530];
	v25, _, _ =	vpop (xrf2)  }
0x1c2: {  	s28 =	sadd.s32 $0x1, s21;
	v28 =	vmov s26;
	v27 =	vmov s25;
	s21 =	smov.u32 s22;
	v26 =	vld [tilespmem:s20+$0x14530];
	v25 =	vbroadcast v25, $0xF  }
0x1c3: {  	v31 =	vmov s28;
	vm0 =	veq.s32 v24, v0;
	v20 =	vbroadcast v20, $0xF;
	v29 =	vld [tilespmem:s20+$0x8540]  }
0x1c4: {  	v6 =	vbroadcast v6, $0xF;
	v30 =	vld [tilespmem:s20+$0x14540];
	v4 =	vsel vm0, v25, v4;
	vm0 =	veq.s32 v31, v0;
	v24, _, _ =	vpop (xrf2)  }
0x1c5: {  	v25 =	vld [tilespmem:s20+$0x8550];
	v4 =	vsel vm0, v20, v4;
	vm0 =	veq.s32 v27, v0;
	v20 =	vbroadcast v24, $0xF  }
0x1c6: {  	v24 =	vld [tilespmem:s20+$0x14550];
	v4 =	vsel vm0, v6, v4;
	vm0 =	veq.s32 v28, v0  }
0x1c7: {  	v27 =	vld [tilespmem:s20+$0x8560];
	v4 =	vsel vm0, v20, v4  }
0x1c8: {  	v28 =	vld [tilespmem:s20+$0x14560]  }
0x1c9: {  	v31 =	vld [tilespmem:s20+$0x8570]  }
0x1ca: {  	v32 =	vld [tilespmem:s20+$0x14570]  }
0x1cb: {  	v33 =	vld [tilespmem:s20+$0x8480]  }
0x1cc: {  	v34 =	vld [tilespmem:s20+$0x14480]  }
0x1cd: {  	v35 =	vld [tilespmem:s20+$0x8490]  }
0x1ce: {  	v36 =	vld [tilespmem:s20+$0x14490]  }
0x1cf: {  	v37 =	vld [tilespmem:s20+$0x84A0]  }
0x1d0: {  	v38 =	vld [tilespmem:s20+$0x144A0]  }
0x1d1: {  	v39 =	vld [tilespmem:s20+$0x84B0]  }
0x1d2: {  	v40 =	vld [tilespmem:s20+$0x144B0]  }
0x1d3: {  	v41 =	vld [tilespmem:s20+$0x84C0]  }
0x1d4: {  	v42 =	vld [tilespmem:s20+$0x144C0]  }
0x1d5: {  	v43 =	vld [tilespmem:s20+$0x84D0]  }
0x1d6: {  	v44 =	vld [tilespmem:s20+$0x144D0]  }
0x1d7: {  	v45 =	vld [tilespmem:s20+$0x84E0]  }
0x1d8: {  	v46 =	vld [tilespmem:s20+$0x144E0]  }
0x1d9: {  	v47 =	vld [tilespmem:s20+$0x84F0]  }
0x1da: {  	v48 =	vld [tilespmem:s20+$0x144F0]  }
0x1db: {  	v49 =	vld [tilespmem:s20+$0x8400]  }
0x1dc: {  	v50 =	vld [tilespmem:s20+$0x14400]  }
0x1dd: {  	v51 =	vld [tilespmem:s20+$0x8410]  }
0x1de: {  	v53 =	vmul.f32 v9, v8;
	v54 =	vmul.f32 v11, v10;
	v52 =	vld [tilespmem:s20+$0x14410]  }
0x1df: {  	v6 =	vmul.f32 v7, v12;
	v7 =	vmul.f32 v5, v15;
	v8 =	vld [tilespmem:s20+$0x8420]  }
0x1e0: {  	v55 =	vmul.f32 v17, v16;
	v5 =	vmul.f32 v13, v14;
	v10 =	vld [tilespmem:s20+$0x14420]  }
0x1e1: {  	v13 =	vmul.f32 v19, v18;
	v14 =	vmul.f32 v22, v21;
	v9 =	vld [tilespmem:s20+$0x8430]  }
0x1e2: {  	v19 =	vmul.f32 v26, v23;
	v20 =	vmul.f32 v30, v29;
	v12 =	vld [tilespmem:s20+$0x14430]  }
0x1e3: {  	v24 =	vmul.f32 v24, v25;
	v21 =	vmul.f32 v28, v27;
	v11 =	vld [tilespmem:s20+$0x8440]  }
0x1e4: {  	v27 =	vmul.f32 v32, v31;
	v26 =	vmul.f32 v34, v33;
	v16 =	vld [tilespmem:s20+$0x14440]  }
.Ltmp4:
0x1e5: {  	v34 =	vmul.f32 v36, v35;
	v28 =	vmul.f32 v38, v37;
	v15 =	vld [tilespmem:s20+$0x8450];
	(pc) =	sbr.rel @p0 .LBB2_11-.Ltmp4, $4  }
0x1e6: {  	v32 =	vmul.f32 v40, v39;
	v33 =	vmul.f32 v42, v41;
	v22 =	vld [tilespmem:s20+$0x14450]  }
0x1e7: {  	v35 =	vmul.f32 v44, v43;
	v18 =	vmul.f32 v46, v45;
	v17 =	vld [tilespmem:s20+$0x8460]  }
0x1e8: {  	v25 =	vmul.f32 v48, v47;
	v23 =	vmul.f32 v50, v49;
	v30 =	vld [tilespmem:s20+$0x14460]  }
0x1e9: {  	s22 =	sadd.s32 $0x4, s22;
	v36 =	vadd.f32 v13, v55;
	v13 =	vadd.f32 v54, v53;
	v31 =	vmul.f32 v52, v51;
	v29 =	vld [tilespmem:s20+$0x8470]  }
0x1ea: {  	v14 =	vadd.f32 v19, v14;
	v46 =	vadd.f32 v24, v20  }
0x1eb: {  	v8 =	vmul.f32 v10, v8;
	v45 =	vld [tilespmem:s20+$0x14470];
	v47 =	vadd.f32 v34, v26;
	v48 =	vadd.f32 v27, v21  }
0x1ec: {  	v9 =	vmul.f32 v12, v9;
	v49 =	vld [tilespmem:s20+$0x145E0];
	v50 =	vadd.f32 v32, v28;
	v51 =	vadd.f32 v35, v33  }
0x1ed: {  	v11 =	vmul.f32 v16, v11;
	v52 =	vld [tilespmem:s20+$0x85F0];
	v18 =	vadd.f32 v25, v18;
	v6 =	vadd.f32 v7, v6  }
0x1ee: {  	v53 =	vld [tilespmem:s20+$0x145F0];
	v2 =	vmul.f32 v3, v2;
	v54 =	vadd.f32 v31, v23;
	v14 =	vadd.f32 v14, v36  }
0x1ef: {  	v15 =	vmul.f32 v22, v15;
	v19 =	vadd.f32 v48, v46;
	v8 =	vadd.f32 v9, v8  }
0x1f0: {  	v12 =	vadd.f32 v50, v47;
	v17 =	vmul.f32 v30, v17;
	v10 =	vmul.f32 v45, v29  }
0x1f1: {  	v56 =	vadd.f32 v18, v51;
	v2 =	vadd.f32 v2, v5  }
0x1f2: {  	v3 =	vadd.f32 v15, v11;
	v10 =	vadd.f32 v10, v17  }
0x1f3: {  	v55 =	vadd.f32 v19, v14;
	v1 =	vmul.f32 v49, v1;
	v58 =	vmul.f32 v53, v52  }
0x1f4: {  	v59 =	vadd.f32 v8, v54;
	v3 =	vadd.f32 v10, v3  }
0x1f5: {  	v57 =	vadd.f32 v56, v12;
	v1 =	vadd.f32 v58, v1  }
0x1f6: {  	(xrf2) =	vadd.scan.msk.f32 $0xffff, v55;
	v3 =	vadd.f32 v3, v59  }
0x1f7: {  	v60 =	vadd.f32 v6, v13;
	(xrf2) =	vadd.scan.msk.f32 $0xffff, v57;
	v1 =	vadd.f32 v1, v2  }
0x1f8: {  	(xrf2) =	vadd.scan.msk.f32 $0xffff, v3  }
0x1f9: {  	v1 =	vadd.f32 v1, v60;
	_ =	sdelay $0x1  }
0x1fa: {  	(xrf2) =	vadd.scan.msk.f32 $0xffff, v1;
	_ =	sdelay $0x4  }
0x1fb: {  	v1, _, _ =	vpop (xrf2)  }
0x1fc: {  	s28 =	sadd.s32 $0x1, s21;
	v3 =	vmov s21;
	v2, _, _ =	vpop (xrf2)  }
0x1fd: {  	s26 =	sadd.s32 $0x2, s21;
	vm0 =	veq.s32 v3, v0;
	v3 =	vmov s28;
	v61, _, _ =	vpop (xrf2)  }
0x1fe: {  	s22 =	sadd.s32 $0x3, s21;
	s30 =	sshll.u32 s19, $0x4;
	s19 =	sadd.s32 $0x1, s19;
	v5 =	vbroadcast v61, $0xF  }
0x1ff: {  	v62 =	vmov s26;
	v63 =	vmov s22;
	p0 =	sne.s32 s19, $0x8;
	v2 =	vbroadcast v2, $0xF  }
.Ltmp5:
0x200: {  	vm13 =	veq.s32 v3, v0;
	v1 =	vbroadcast v1, $0xF;
	v3, _, _ =	vpop (xrf2);
	v4 =	vsel vm0, v5, v4;
	(pc) =	sbr.rel @p0 .LBB2_10-.Ltmp5, $4  }
0x201: {  	vm14 =	veq.s32 v62, v0;
	v3 =	vbroadcast v3, $0xF;
	v2 =	vsel vm13, v2, v4  }
0x202: {  	vm15 =	veq.s32 v63, v0;
	v1 =	vsel vm14, v1, v2  }
0x203: {  	s20 =	sand.u32 $0x3FFFFFF0, s30;
	v1 =	vsel vm15, v3, v1  }
0x204: {  	s18 =	sadd.s32 $0x2000, s18;
	[tilespmem:s20+$0x18500] =	vst v1  }
0x205: {  	s18 =	simm.s32 $0x0  }
0x206: {  	[hbm4b:s9+s18] =	stream.linear.scatter [tilespmem:s0], [sflag:$0x4], $0x80, $0x38;
	[tilespmem:$0x18600] =	vst v63  }
0x207: {  	_ =	swait.ge [sflag:s24], $0x4000  }
0x208: {  	[sflag:s24] =	ssyncset.done $0x0  }
0x209: {  	[sflag:s24] =	ssyncadd.s32 $0xFFFFC000  }
0x20a: {  	_ =	swait.ge [sflag:s24], $0x4000  }
0x20b: {  	[sflag:s24] =	ssyncset.done $0x0  }
0x20c: {  	s22 =	simm.s32 $0xC500;
	s23 =	simm.s32 $0x500;
	[sflag:s24] =	ssyncadd.s32 $0xFFFFC000  }
.LBB2_14:
0x20d: {  	v4 =	vld [tilespmem:s23+$0x80]  }
0x20e: {  	v5 =	vld [tilespmem:s22+$0x80]  }
0x20f: {  	v6 =	vld [tilespmem:s23+$0x90]  }
0x210: {  	v7 =	vld [tilespmem:s22+$0x90]  }
0x211: {  	v8 =	vld [tilespmem:s23+$0xA0]  }
0x212: {  	v9 =	vld [tilespmem:s22+$0xA0]  }
0x213: {  	v10 =	vld [tilespmem:s23+$0xB0]  }
0x214: {  	v11 =	vld [tilespmem:s22+$0xB0]  }
0x215: {  	v12 =	vld [tilespmem:s23+$0xC0]  }
0x216: {  	v13 =	vld [tilespmem:s22+$0xC0]  }
0x217: {  	v2 =	vld [tilespmem:s23+$0xD0]  }
0x218: {  	v3 =	vld [tilespmem:s22+$0xD0]  }
0x219: {  	v1 =	vld [tilespmem:s23+$0xE0]  }
0x21a: {  	v14 =	vld [tilespmem:s23+$0x0]  }
0x21b: {  	v15 =	vld [tilespmem:s22+$0x0]  }
0x21c: {  	v16 =	vld [tilespmem:s23+$0x10]  }
0x21d: {  	v17 =	vld [tilespmem:s22+$0x10]  }
0x21e: {  	v18 =	vld [tilespmem:s23+$0x20]  }
0x21f: {  	v19 =	vld [tilespmem:s22+$0x20]  }
0x220: {  	v20 =	vld [tilespmem:s23+$0x30]  }
0x221: {  	v21 =	vld [tilespmem:s22+$0x30]  }
0x222: {  	v22 =	vld [tilespmem:s23+$0x40]  }
0x223: {  	v23 =	vld [tilespmem:s22+$0x40]  }
0x224: {  	v24 =	vld [tilespmem:s23+$0x50]  }
0x225: {  	v25 =	vld [tilespmem:s22+$0x50]  }
0x226: {  	v26 =	vld [tilespmem:s23+$0x60]  }
0x227: {  	v27 =	vld [tilespmem:s22+$0x60]  }
0x228: {  	v28 =	vld [tilespmem:s23+$0x70]  }
0x229: {  	v29 =	vld [tilespmem:s22+$0x70]  }
0x22a: {  	v30 =	vld [tilespmem:s23+$0xFFFFFF80]  }
0x22b: {  	v31 =	vld [tilespmem:s22+$0xFFFFFF80]  }
0x22c: {  	v32 =	vld [tilespmem:s23+$0xFFFFFF90]  }
0x22d: {  	v33 =	vld [tilespmem:s22+$0xFFFFFF90]  }
0x22e: {  	v34 =	vld [tilespmem:s23+$0xFFFFFFA0]  }
0x22f: {  	v35 =	vld [tilespmem:s22+$0xFFFFFFA0]  }
0x230: {  	v36 =	vld [tilespmem:s23+$0xFFFFFFB0]  }
0x231: {  	v37 =	vld [tilespmem:s22+$0xFFFFFFB0]  }
0x232: {  	v38 =	vld [tilespmem:s23+$0xFFFFFFC0]  }
0x233: {  	v39 =	vld [tilespmem:s22+$0xFFFFFFC0]  }
0x234: {  	v40 =	vld [tilespmem:s23+$0xFFFFFFD0]  }
0x235: {  	v41 =	vld [tilespmem:s22+$0xFFFFFFD0]  }
0x236: {  	v42 =	vld [tilespmem:s23+$0xFFFFFFE0]  }
0x237: {  	v43 =	vld [tilespmem:s22+$0xFFFFFFE0]  }
0x238: {  	v44 =	vld [tilespmem:s23+$0xFFFFFFF0]  }
0x239: {  	v45 =	vld [tilespmem:s22+$0xFFFFFFF0]  }
0x23a: {  	v46 =	vld [tilespmem:s23+$0xFFFFFF00]  }
0x23b: {  	v47 =	vld [tilespmem:s22+$0xFFFFFF00]  }
0x23c: {  	v48 =	vld [tilespmem:s23+$0xFFFFFF10]  }
0x23d: {  	v49 =	vld [tilespmem:s22+$0xFFFFFF10];
	v50 =	vmul.f32 v5, v4;
	v51 =	vmul.f32 v7, v6  }
0x23e: {  	v52 =	vld [tilespmem:s23+$0xFFFFFF20];
	v6 =	vmul.f32 v9, v8;
	v7 =	vmul.f32 v11, v10  }
0x23f: {  	v53 =	vld [tilespmem:s22+$0xFFFFFF20];
	v54 =	vmul.f32 v15, v14;
	v5 =	vmul.f32 v13, v12  }
0x240: {  	v8 =	vld [tilespmem:s23+$0xFFFFFF30];
	v13 =	vmul.f32 v17, v16;
	v55 =	vmul.f32 v19, v18  }
0x241: {  	v10 =	vld [tilespmem:s22+$0xFFFFFF30];
	v56 =	vmul.f32 v21, v20;
	v57 =	vmul.f32 v23, v22  }
0x242: {  	v9 =	vld [tilespmem:s23+$0xFFFFFF40];
	v58 =	vmul.f32 v25, v24;
	v16 =	vmul.f32 v27, v26  }
0x243: {  	v12 =	vld [tilespmem:s22+$0xFFFFFF40];
	v19 =	vmul.f32 v31, v30;
	v20 =	vmul.f32 v29, v28  }
0x244: {  	v11 =	vld [tilespmem:s23+$0xFFFFFF50];
	v29 =	vmul.f32 v33, v32;
	v21 =	vmul.f32 v35, v34  }
0x245: {  	v17 =	vld [tilespmem:s22+$0xFFFFFF50];
	v25 =	vmul.f32 v37, v36;
	v26 =	vmul.f32 v39, v38  }
0x246: {  	v14 =	vld [tilespmem:s23+$0xFFFFFF60];
	v31 =	vmul.f32 v41, v40;
	v15 =	vmul.f32 v43, v42  }
0x247: {  	v4 =	vimm.f32 $0.0e+00;
	v18 =	vmul.f32 v47, v46;
	v24 =	vld [tilespmem:s22+$0xFFFFFF60];
	v22 =	vmul.f32 v45, v44  }
0x248: {  	s25 =	simm.s32 $0x4;
	v27 =	vmul.f32 v49, v48;
	v23 =	vld [tilespmem:s23+$0xFFFFFF70];
	v32 =	vadd.f32 v13, v54;
	v13 =	vadd.f32 v51, v50  }
0x249: {  	s19 =	smov.u32 s22;
	s20 =	smov.u32 s23;
	s21 =	simm.s32 $0x0;
	v28 =	vmul.f32 v53, v52;
	v30 =	vld [tilespmem:s22+$0xFFFFFF70];
	v33 =	vadd.f32 v56, v55;
	v34 =	vadd.f32 v58, v57  }
.LBB2_15:
0x24a: {  	p0 =	slt.u32 s25, $0xC;
	v10 =	vmul.f32 v10, v8;
	v19 =	vadd.f32 v29, v19;
	v8 =	vadd.f32 v20, v16;
	v16 =	vld [tilespmem:s19+$0xE0]  }
0x24b: {  	v12 =	vmul.f32 v12, v9;
	v20 =	vadd.f32 v25, v21;
	v21 =	vadd.f32 v31, v26;
	v25 =	vld [tilespmem:s20+$0xF0]  }
0x24c: {  	v17 =	vmul.f32 v17, v11;
	v11 =	vadd.f32 v33, v32;
	s20 =	sadd.s32 $0x200, s20;
	v26 =	vadd.f32 v8, v34;
	v29 =	vld [tilespmem:s19+$0xF0]  }
0x24d: {  	v18 =	vadd.f32 v27, v18;
	v15 =	vadd.f32 v22, v15;
	v14 =	vmul.f32 v24, v14;
	s19 =	sadd.s32 $0x200, s19;
	v8 =	vld [tilespmem:s20+$0x80]  }
0x24e: {  	v9 =	vld [tilespmem:s19+$0x80];
	v22 =	vmul.f32 v30, v23;
	v23 =	vadd.f32 v10, v28;
	v24 =	vadd.f32 v26, v11  }
0x24f: {  	v2 =	vmul.f32 v3, v2;
	v19 =	vadd.f32 v20, v19;
	v15 =	vadd.f32 v15, v21;
	v10 =	vld [tilespmem:s20+$0x90]  }
0x250: {  	v3 =	vadd.f32 v17, v12;
	v1 =	vmul.f32 v16, v1;
	v11 =	vld [tilespmem:s19+$0x90];
	v14 =	vadd.f32 v22, v14;
	(xrf2) =	vadd.scan.msk.f32 $0xffff, v24  }
0x251: {  	v6 =	vadd.f32 v7, v6;
	v15 =	vadd.f32 v15, v19;
	v12 =	vld [tilespmem:s20+$0xA0];
	v16 =	vmul.f32 v29, v25  }
0x252: {  	v17 =	vadd.f32 v23, v18;
	v7 =	vld [tilespmem:s19+$0xA0];
	v3 =	vadd.f32 v14, v3  }
0x253: {  	v2 =	vadd.f32 v2, v5;
	v14 =	vld [tilespmem:s20+$0xB0];
	v1 =	vadd.f32 v16, v1;
	(xrf2) =	vadd.scan.msk.f32 $0xffff, v15  }
0x254: {  	v5 =	vld [tilespmem:s19+$0xB0];
	v3 =	vadd.f32 v3, v17  }
0x255: {  	v6 =	vadd.f32 v6, v13;
	v15 =	vld [tilespmem:s20+$0xC0];
	v1 =	vadd.f32 v1, v2  }
0x256: {  	v13 =	vld [tilespmem:s19+$0xC0];
	(xrf2) =	vadd.scan.msk.f32 $0xffff, v3  }
0x257: {  	v2 =	vld [tilespmem:s20+$0xD0];
	v17 =	vadd.f32 v1, v6  }
0x258: {  	v3 =	vld [tilespmem:s19+$0xD0]  }
0x259: {  	v1 =	vld [tilespmem:s20+$0xE0];
	(xrf2) =	vadd.scan.msk.f32 $0xffff, v17  }
0x25a: {  	v16 =	vld [tilespmem:s20+$0x0];
	v6, _, _ =	vpop (xrf2)  }
0x25b: {  	v17 =	vld [tilespmem:s19+$0x0]  }
0x25c: {  	v18 =	vld [tilespmem:s20+$0x10]  }
0x25d: {  	v19 =	vld [tilespmem:s19+$0x10];
	v20, _, _ =	vpop (xrf2)  }
0x25e: {  	v21 =	vld [tilespmem:s20+$0x20]  }
0x25f: {  	v22 =	vld [tilespmem:s19+$0x20]  }
0x260: {  	s26 =	sadd.s32 $0x2, s21;
	s28 =	sadd.s32 $0x3, s21;
	v24 =	vmov s21;
	v23 =	vld [tilespmem:s20+$0x30];
	v25, _, _ =	vpop (xrf2)  }
0x261: {  	s30 =	sadd.s32 $0x1, s21;
	v27 =	vmov s26;
	v28 =	vmov s28;
	s21 =	smov.u32 s25;
	v26 =	vld [tilespmem:s19+$0x30];
	v25 =	vbroadcast v25, $0xF  }
0x262: {  	v31 =	vmov s30;
	vm0 =	veq.s32 v24, v0;
	v20 =	vbroadcast v20, $0xF;
	v29 =	vld [tilespmem:s20+$0x40]  }
0x263: {  	v6 =	vbroadcast v6, $0xF;
	v30 =	vld [tilespmem:s19+$0x40];
	v4 =	vsel vm0, v25, v4;
	vm0 =	veq.s32 v31, v0;
	v24, _, _ =	vpop (xrf2)  }
0x264: {  	v25 =	vld [tilespmem:s20+$0x50];
	v4 =	vsel vm0, v20, v4;
	vm0 =	veq.s32 v27, v0;
	v20 =	vbroadcast v24, $0xF  }
0x265: {  	v24 =	vld [tilespmem:s19+$0x50];
	v4 =	vsel vm0, v6, v4;
	vm0 =	veq.s32 v28, v0  }
0x266: {  	v27 =	vld [tilespmem:s20+$0x60];
	v4 =	vsel vm0, v20, v4  }
0x267: {  	v20 =	vld [tilespmem:s19+$0x60]  }
0x268: {  	v28 =	vld [tilespmem:s20+$0x70]  }
0x269: {  	v31 =	vld [tilespmem:s19+$0x70]  }
0x26a: {  	v32 =	vld [tilespmem:s20+$0xFFFFFF80]  }
0x26b: {  	v33 =	vld [tilespmem:s19+$0xFFFFFF80]  }
0x26c: {  	v34 =	vld [tilespmem:s20+$0xFFFFFF90]  }
0x26d: {  	v35 =	vld [tilespmem:s19+$0xFFFFFF90]  }
0x26e: {  	v36 =	vld [tilespmem:s20+$0xFFFFFFA0]  }
0x26f: {  	v37 =	vld [tilespmem:s19+$0xFFFFFFA0]  }
0x270: {  	v38 =	vld [tilespmem:s20+$0xFFFFFFB0]  }
0x271: {  	v39 =	vld [tilespmem:s19+$0xFFFFFFB0]  }
0x272: {  	v40 =	vld [tilespmem:s20+$0xFFFFFFC0]  }
0x273: {  	v41 =	vld [tilespmem:s19+$0xFFFFFFC0]  }
0x274: {  	v42 =	vld [tilespmem:s20+$0xFFFFFFD0]  }
0x275: {  	v43 =	vld [tilespmem:s19+$0xFFFFFFD0]  }
0x276: {  	v44 =	vld [tilespmem:s20+$0xFFFFFFE0]  }
0x277: {  	v45 =	vld [tilespmem:s19+$0xFFFFFFE0]  }
0x278: {  	v46 =	vld [tilespmem:s20+$0xFFFFFFF0]  }
0x279: {  	v47 =	vld [tilespmem:s19+$0xFFFFFFF0]  }
0x27a: {  	v48 =	vld [tilespmem:s20+$0xFFFFFF00]  }
0x27b: {  	v49 =	vld [tilespmem:s19+$0xFFFFFF00]  }
0x27c: {  	v50 =	vld [tilespmem:s20+$0xFFFFFF10]  }
0x27d: {  	v52 =	vmul.f32 v9, v8;
	v53 =	vmul.f32 v11, v10;
	v51 =	vld [tilespmem:s19+$0xFFFFFF10]  }
0x27e: {  	v6 =	vmul.f32 v7, v12;
	v7 =	vmul.f32 v5, v14;
	v54 =	vld [tilespmem:s20+$0xFFFFFF20]  }
0x27f: {  	v56 =	vmul.f32 v17, v16;
	v5 =	vmul.f32 v13, v15;
	v55 =	vld [tilespmem:s19+$0xFFFFFF20]  }
0x280: {  	v57 =	vmul.f32 v22, v21;
	v13 =	vmul.f32 v19, v18;
	v8 =	vld [tilespmem:s20+$0xFFFFFF30]  }
0x281: {  	v58 =	vmul.f32 v26, v23;
	v59 =	vmul.f32 v30, v29;
	v10 =	vld [tilespmem:s19+$0xFFFFFF30]  }
0x282: {  	v60 =	vmul.f32 v24, v25;
	v16 =	vmul.f32 v20, v27;
	v9 =	vld [tilespmem:s20+$0xFFFFFF40]  }
0x283: {  	v20 =	vmul.f32 v31, v28;
	v19 =	vmul.f32 v33, v32;
	v12 =	vld [tilespmem:s19+$0xFFFFFF40]  }
0x284: {  	v29 =	vmul.f32 v35, v34;
	v21 =	vmul.f32 v37, v36;
	v11 =	vld [tilespmem:s20+$0xFFFFFF50]  }
.Ltmp6:
0x285: {  	v25 =	vmul.f32 v39, v38;
	v26 =	vmul.f32 v41, v40;
	v17 =	vld [tilespmem:s19+$0xFFFFFF50];
	(pc) =	sbr.rel @p0 .LBB2_15-.Ltmp6, $4  }
0x286: {  	v31 =	vmul.f32 v43, v42;
	v15 =	vmul.f32 v45, v44;
	v14 =	vld [tilespmem:s20+$0xFFFFFF60]  }
0x287: {  	v22 =	vmul.f32 v47, v46;
	v18 =	vmul.f32 v49, v48;
	v24 =	vld [tilespmem:s19+$0xFFFFFF60]  }
0x288: {  	v32 =	vadd.f32 v13, v56;
	v13 =	vadd.f32 v53, v52;
	v27 =	vmul.f32 v51, v50;
	v23 =	vld [tilespmem:s20+$0xFFFFFF70]  }
0x289: {  	s25 =	sadd.s32 $0x4, s25;
	v33 =	vadd.f32 v58, v57;
	v34 =	vadd.f32 v60, v59;
	v28 =	vmul.f32 v55, v54;
	v30 =	vld [tilespmem:s19+$0xFFFFFF70]  }
0x28a: {  	v8 =	vmul.f32 v10, v8;
	v48 =	vadd.f32 v29, v19  }
0x28b: {  	v16 =	vadd.f32 v20, v16;
	v49 =	vld [tilespmem:s19+$0xE0];
	v9 =	vmul.f32 v12, v9;
	v50 =	vadd.f32 v25, v21  }
0x28c: {  	v51 =	vadd.f32 v31, v26;
	v52 =	vld [tilespmem:s20+$0xF0];
	v11 =	vmul.f32 v17, v11;
	v18 =	vadd.f32 v27, v18  }
0x28d: {  	v54 =	vld [tilespmem:s19+$0xF0];
	v15 =	vadd.f32 v22, v15;
	v2 =	vmul.f32 v3, v2;
	v6 =	vadd.f32 v7, v6  }
0x28e: {  	v53 =	vadd.f32 v33, v32;
	v16 =	vadd.f32 v16, v34;
	v14 =	vmul.f32 v24, v14  }
0x28f: {  	v8 =	vadd.f32 v8, v28;
	v10 =	vadd.f32 v50, v48;
	v55 =	vmul.f32 v30, v23  }
0x290: {  	v56 =	vadd.f32 v15, v51;
	v3 =	vadd.f32 v11, v9  }
0x291: {  	v2 =	vadd.f32 v2, v5;
	v57 =	vadd.f32 v55, v14  }
0x292: {  	v16 =	vadd.f32 v16, v53;
	v1 =	vmul.f32 v49, v1;
	v58 =	vmul.f32 v54, v52  }
0x293: {  	v59 =	vadd.f32 v8, v18;
	v3 =	vadd.f32 v57, v3  }
0x294: {  	v10 =	vadd.f32 v56, v10;
	v1 =	vadd.f32 v58, v1  }
0x295: {  	(xrf2) =	vadd.scan.msk.f32 $0xffff, v16;
	v3 =	vadd.f32 v3, v59  }
0x296: {  	v60 =	vadd.f32 v6, v13;
	(xrf2) =	vadd.scan.msk.f32 $0xffff, v10;
	v1 =	vadd.f32 v1, v2  }
0x297: {  	(xrf2) =	vadd.scan.msk.f32 $0xffff, v3  }
0x298: {  	v1 =	vadd.f32 v1, v60;
	_ =	sdelay $0x1  }
0x299: {  	(xrf2) =	vadd.scan.msk.f32 $0xffff, v1;
	_ =	sdelay $0x4  }
0x29a: {  	v1, _, _ =	vpop (xrf2)  }
0x29b: {  	s28 =	sadd.s32 $0x1, s21;
	v3 =	vmov s21;
	v2, _, _ =	vpop (xrf2)  }
0x29c: {  	s25 =	sadd.s32 $0x2, s21;
	vm0 =	veq.s32 v3, v0;
	v3 =	vmov s28;
	v61, _, _ =	vpop (xrf2)  }
0x29d: {  	s26 =	sadd.s32 $0x3, s21;
	s30 =	sshll.u32 s18, $0x4;
	s18 =	sadd.s32 $0x1, s18;
	v5 =	vbroadcast v61, $0xF  }
0x29e: {  	v62 =	vmov s25;
	v63 =	vmov s26;
	p0 =	sne.s32 s18, $0x8;
	v2 =	vbroadcast v2, $0xF  }
.Ltmp7:
0x29f: {  	vm13 =	veq.s32 v3, v0;
	v1 =	vbroadcast v1, $0xF;
	v3, _, _ =	vpop (xrf2);
	v4 =	vsel vm0, v5, v4;
	(pc) =	sbr.rel @p0 .LBB2_14-.Ltmp7, $4  }
0x2a0: {  	vm14 =	veq.s32 v62, v0;
	v3 =	vbroadcast v3, $0xF;
	v2 =	vsel vm13, v2, v4  }
0x2a1: {  	vm15 =	veq.s32 v63, v0;
	v1 =	vsel vm14, v1, v2  }
0x2a2: {  	s19 =	sand.u32 $0x3FFFFFF0, s30;
	v1 =	vsel vm15, v3, v1  }
0x2a3: {  	s22 =	sadd.s32 $0x800, s22;
	s23 =	sadd.s32 $0x800, s23;
	[tilespmem:s19+$0x18580] =	vst v1  }
0x2a4: {  	[hbm4b:s10+s4] =	stream.linear.scatter [tilespmem:s3], [sflag:$0x4], $0x80, $0x38;
	[tilespmem:$0x18600] =	vst v63  }
0x2a5: {  	_ =	swait.ge [sflag:s13], $0x80  }
0x2a6: {  	[sflag:s13] =	ssyncset.done $0x0  }
0x2a7: {  	[sflag:s13] =	ssyncadd.s32 $0xFFFFFF80  }
0x2a8: {  	_ =	swait.ge [sflag:s13], $0x80  }
0x2a9: {  	[sflag:s13] =	ssyncset.done $0x0  }
0x2aa: {  	s17 =	sadd.s32 $0x1, s17;
	[sflag:s13] =	ssyncadd.s32 $0xFFFFFF80  }
0x2ab: {  	p0 =	sne.s32 s17, s11;
	_ =	swait.ge [sflag:s13], $0x80  }
.Ltmp8:
0x2ac: {  	[sflag:s13] =	ssyncset.done $0x0;
	(pc) =	sbr.rel @p0 .LBB2_1-.Ltmp8, $4  }
0x2ad: {  	[sflag:s13] =	ssyncadd.s32 $0xFFFFFF80  }
0x2ae: {  	_ =	swait.ge [sflag:s13], $0x80  }
0x2af: {  	[sflag:s13] =	ssyncset.done $0x0  }
0x2b0: {  	[sflag:s13] =	ssyncadd.s32 $0xFFFFFF80  }
0x2b1: {  	_ =	sfence.sel $0x180000  }
0x2b2: {  	[bflag:$0x0] =	sbarrier.arrive $0xFFFF  }
0x2b3: {  	_ =	strace $0x90000047  }
0x2b4: {  	s0 =	stileid.u32;
	[bflag:$0x2] =	sbarrier.arrive $0xFFFF  }
0x2b5: {  	p0 =	sne.s32 s0, $0x0;
	s0 =	rddreg [dreg:$0x5]  }
0x2b6: {  	s0 =	sadd.s32 @!p0 $0x100000, s0  }
0x2b7: {  	[sflag:s0] =	ssyncadd.tile.s32 @!p0 $0x1;
	_ =	shalt  }
.Lfunc_end2:
_tile_overlayer_lowered:
.L_overlay_start_2:
0x2b8: {  	(tag) =	ssettag $0x2  }
0x2b9: {  	s0 =	rddreg [dreg:$0x0];
	s2 =	stileid.u32  }
0x2ba: {  	s1 =	rddreg [dreg:$0x1];
	p0 =	sne.s32 s2, $0x0  }
0x2bb: {  	s3 =	rddreg [dreg:$0x2];
	[bflag:$0x3] =	sbarrier.arrive $0xFFFF;
	s2 =	simm.s32 @!p0 $0x1C05  }
0x2bc: {  	[timem:s3], [sflag:s2] =	dma.local @!p0 [hbm:s0], s1  }
0x2bd: {  	s0 =	simm.s32 @!p0 $0x5  }
0x2be: {  	_ =	swait.ge @!p0 [sflag:s0], s1  }
0x2bf: {  	s1 =	ssub.s32 @!p0 $0x0, s1;
	[sflag:s0] =	ssyncset.done @!p0 $0x0  }
0x2c0: {  	[sflag:s0] =	ssyncadd.s32 @!p0 s1  }
0x2c1: {  	[bflag:$0x3] =	sbarrier.arrive $0xFFFF  }
0x2c2: {  	_ =	shalt  }

</sc_bundles>
